<compile_context>
chip_gen: v7x
topology: tpu7x:2x2x1
jax: 0.10.2.dev20260603
libtpu: 0.0.44.dev20260713+nightly
codegen_flags: <defaults>
</compile_context>

<pallas_src>
import functools

import jax
import jax.numpy as jnp
from jax import lax
from jax.experimental import pallas as pl
from jax.experimental.pallas import tpu as pltpu
from jax.experimental.pallas import tpu_sc as plsc

V = 10000
C = 4
F = 128
K = 32
EPS = 1e-4
NLANE = 16
NW = 32
NBASE = V // NW
NBIG = NBASE + 1
NREM = V % NW
NSTAGE = 320
TRIL = [(0, 0), (1, 0), (1, 1), (2, 0), (2, 1), (2, 2),
        (3, 0), (3, 1), (3, 2), (3, 3)]
NY = 15
COVW = F * len(TRIL)
OUTW = COVW + F * C
PASSES = [(0, 3), (3, 3), (6, 2)]


def _body(coords_hbm, feats_hbm, nidx_hbm, out_hbm,
          coords_v, idx_v, w_v, y_v, orow_v, gsems, osems):
    wid = lax.axis_index("s") * 2 + lax.axis_index("c")
    big = wid < NREM
    base = jnp.where(big, wid * NBIG, NREM * NBIG + (wid - NREM) * NBASE)
    count = jnp.where(big, NBIG, NBASE)
    copy_base = jnp.minimum((base // 8) * 8, V - NSTAGE)
    off = base - copy_base

    pltpu.sync_copy(coords_hbm, coords_v)
    pltpu.sync_copy(nidx_hbm.at[pl.ds(copy_base * K, NSTAGE * K)], idx_v)

    iota = lax.iota(jnp.int32, NLANE)

    def node_ids(n):
        row = off + n
        return [idx_v[pl.ds(row * K + h * NLANE, NLANE)] for h in (0, 1)]

    def fire_gather(n, buf):
        ids_ref = idx_v.at[pl.ds((off + n) * K, K)]
        pltpu.make_async_copy(
            feats_hbm.at[ids_ref], w_v.at[buf], gsems[buf]).start()

    def wait_gather(buf):
        pltpu.make_async_copy(
            feats_hbm.at[pl.ds(0, K)], w_v.at[buf], gsems[buf]).wait()

    def drain_out(buf):
        pltpu.make_async_copy(orow_v.at[pl.ds(buf * OUTW, OUTW)],
                              out_hbm.at[pl.ds(0, OUTW)],
                              osems[buf]).wait()

    def do_node(n, buf):
        ids = node_ids(n)
        for h in (0, 1):
            flat = ids[h] * C
            xs = [plsc.load_gather(coords_v, [flat + c]) for c in range(C)]
            rowstart = (iota + h * NLANE) * NLANE
            for c in range(C):
                plsc.store_scatter(y_v, [rowstart + c], xs[c])

        wait_gather(buf)
        @pl.when(n >= 2)
        def _():
            drain_out(buf)

        accs = []
        for cs, nch in PASSES:
            def k_body(k, acc):
                xk = y_v[pl.ds(k * NLANE, NLANE)]
                xb = [xk[c] for c in range(C)]
                new = list(acc)
                for ci in range(nch):
                    col = (cs + ci) * NLANE
                    wv = w_v[buf, k, pl.ds(col, NLANE)]
                    a = list(new[ci * NY:(ci + 1) * NY])
                    p = [wv * xb[c] for c in range(C)]
                    a[0] = a[0] + wv
                    for c in range(C):
                        a[1 + c] = a[1 + c] + p[c]
                    for t, (r, c) in enumerate(TRIL):
                        a[5 + t] = a[5 + t] + p[c] * xb[r]
                    new[ci * NY:(ci + 1) * NY] = a
                return tuple(new)

            zeros = tuple(jnp.zeros((NLANE,), jnp.float32)
                          for _ in range(nch * NY))
            accs.append((cs, nch,
                         lax.fori_loop(0, K, k_body, zeros)))

        @pl.when(n + 2 < count)
        def _():
            fire_gather(n + 2, buf)

        for cs, nch, acc in accs:
            for ci in range(nch):
                f0 = (cs + ci) * NLANE
                a = acc[ci * NY:(ci + 1) * NY]
                recip = 1.0 / (a[0] + EPS)
                m = [a[1 + c] * recip for c in range(C)]
                cov_base = buf * OUTW + (iota + f0) * len(TRIL)
                for t, (r, c) in enumerate(TRIL):
                    cov = a[5 + t] * recip - m[r] * m[c]
                    plsc.store_scatter(orow_v, [cov_base + t], cov)
                mean_base = buf * OUTW + COVW + (iota + f0) * C
                for c in range(C):
                    plsc.store_scatter(orow_v, [mean_base + c], m[c])

        pltpu.make_async_copy(orow_v.at[pl.ds(buf * OUTW, OUTW)],
                              out_hbm.at[pl.ds((base + n) * OUTW, OUTW)],
                              osems[buf]).start()

    fire_gather(0, 0)
    fire_gather(1, 1)

    def pair_body(i, carry):
        n0 = 2 * i

        @pl.when(n0 < count)
        def _():
            do_node(n0, 0)

        @pl.when(n0 + 1 < count)
        def _():
            do_node(n0 + 1, 1)

        return carry

    lax.fori_loop(0, (NBIG + 1) // 2, pair_body, 0)

    drain_out(0)
    drain_out(1)


@jax.jit
def kernel(coordinates, features, n_idxs):
    mesh = plsc.VectorSubcoreMesh(core_axis_name="c", subcore_axis_name="s")
    k = functools.partial(
        pl.kernel,
        out_type=jax.ShapeDtypeStruct((V * OUTW,), jnp.float32),
        mesh=mesh,
        compiler_params=pltpu.CompilerParams(needs_layout_passes=False),
        scratch_types=[
            pltpu.VMEM((V * C,), jnp.float32),
            pltpu.VMEM((NSTAGE * K,), jnp.int32),
            pltpu.VMEM((2, K, F), jnp.float32),
            pltpu.VMEM((K * NLANE,), jnp.float32),
            pltpu.VMEM((2 * OUTW,), jnp.float32),
            (pltpu.SemaphoreType.DMA, pltpu.SemaphoreType.DMA),
            (pltpu.SemaphoreType.DMA, pltpu.SemaphoreType.DMA),
        ],
    )(_body)
    return k(coordinates.reshape(-1), features,
             n_idxs.reshape(-1)).reshape(V, OUTW)

# --- scband reference (transcript-rebuilt; emitter-appended) ---
"""Pipeline reference for scband-neighbour-covariance-38285338476773 (READ-ONLY COPY).

The authoritative reference and input builder live on the scoring server;
editing this copy changes nothing except your own understanding.
"""

import jax, jax.numpy as jnp
import numpy as np

V = 10000
C = 4
F = 128
K = 32
EPS = 1e-4


def setup_inputs(seed: int = 0) -> dict:
    key = jax.random.key(seed)
    k1, k2, k3 = jax.random.split(key, 3)
    coordinates = jax.random.normal(k1, (V, C), dtype=jnp.float32)
    # features act as per-channel weights -> keep them positive (uniform)
    features = jax.random.uniform(k2, (V, F), dtype=jnp.float32)
    n_idxs = jax.random.randint(k3, (V, K), 0, V, dtype=jnp.int32)
    return {"coordinates": coordinates, "features": features, "n_idxs": n_idxs}


def reference(coordinates, features, n_idxs):
    nF = features.shape[1]
    nC = coordinates.shape[1]
    nVout = n_idxs.shape[0]

    # gather neighbour coordinates and per-channel weights
    n_coords = jnp.take(coordinates, n_idxs, axis=0)   # [V, K, C]
    w = jnp.take(features, n_idxs, axis=0)             # [V, K, F]

    wsum = jnp.sum(w, axis=1) + EPS                    # [V, F]

    # feature-weighted means of neighbour coordinates, per feature channel
    means = jnp.einsum('vkf,vkc->vfc', w, n_coords) / wsum[:, :, None]   # [V, F, C]

    # feature-weighted second moment E_w[x x^T]
    outer = n_coords[:, :, :, None] * n_coords[:, :, None, :]            # [V, K, C, C]
    exx = jnp.einsum('vkf,vkcd->vfcd', w, outer) / wsum[:, :, None, None]  # [V, F, C, C]

    # weighted covariance: E_w[x x^T] - mu mu^T
    cov = exx - means[:, :, :, None] * means[:, :, None, :]              # [V, F, C, C]

    # lower triangle only: F * C*(C+1)/2 entries per node
    tr, tc = np.tril_indices(nC)
    cov_lt = cov[:, :, tr, tc]                                           # [V, F, C*(C+1)//2]

    covshape = int(nF * (nC * (nC + 1) // 2))
    cov_flat = jnp.reshape(cov_lt, (nVout, covshape))
    means_flat = jnp.reshape(means, (nVout, nF * nC))

    return jnp.concatenate([cov_flat, means_flat], axis=-1)              # [V, F*(C*(C+1)/2 + C)]

if __name__ == "__main__":
    import jax
    _d = setup_inputs()
    print(jax.jit(kernel)(*tuple(_d.values())))

</pallas_src>

<mosaic_0001>
#map = affine_map<(d0, d1) -> (0)>
#map1 = affine_map<(d0, d1) -> (0, 0)>
module attributes {stable_mosaic.version = 14 : i64} {
  func.func @_body(%arg0: i32, %arg1: i32, %arg2: memref<40000xf32, #tpu.memory_space<hbm>>, %arg3: memref<10000x128xf32, #tpu.memory_space<hbm>>, %arg4: memref<320000xi32, #tpu.memory_space<hbm>>, %arg5: memref<17920000xf32, #tpu.memory_space<hbm>>, %arg6: memref<40000xf32, #tpu.memory_space<vmem>>, %arg7: memref<10240xi32, #tpu.memory_space<vmem>>, %arg8: memref<2x32x128xf32, #tpu.memory_space<vmem>>, %arg9: memref<512xf32, #tpu.memory_space<vmem>>, %arg10: memref<3584xf32, #tpu.memory_space<vmem>>, %arg11: memref<!tpu.dma_semaphore, #tpu.memory_space<semaphore_mem>>, %arg12: memref<!tpu.dma_semaphore, #tpu.memory_space<semaphore_mem>>, %arg13: memref<!tpu.dma_semaphore, #tpu.memory_space<semaphore_mem>>, %arg14: memref<!tpu.dma_semaphore, #tpu.memory_space<semaphore_mem>>) attributes {dimension_semantics = [#tpu.dimension_semantics<core_parallel>, #tpu.dimension_semantics<subcore_parallel>], iteration_bounds = array<i64: 2, 16>, scalar_prefetch = 0 : i64, scratch_operands = 9 : i64, tpu.core_type = #tpu.core_type<sc_vector_subcore>, window_params = [{transform_indices = #map}, {transform_indices = #map1}, {transform_indices = #map}, {transform_indices = #map}]} {
    %mul3A = arith.constant 2 : i32
    %mul3A_0 = arith.muli %arg1, %mul3A : i32
    %add3A = arith.addi %mul3A_0, %arg0 : i32
    %lt3A = arith.constant 16 : i32
    %lt3A_1 = arith.cmpi slt, %add3A, %lt3A : i32
    %mul3A_2 = arith.constant 313 : i32
    %mul3A_3 = arith.muli %add3A, %mul3A_2 : i32
    %sub3A = arith.constant 16 : i32
    %sub3A_4 = arith.subi %add3A, %sub3A : i32
    %mul3A_5 = arith.constant 312 : i32
    %mul3A_6 = arith.muli %sub3A_4, %mul3A_5 : i32
    %add3A_7 = arith.constant 5008 : i32
    %add3A_8 = arith.addi %add3A_7, %mul3A_6 : i32
    %select_n3A = arith.select %lt3A_1, %mul3A_3, %add3A_8 : i32
    %jit3A = arith.constant 313 : i32
    %jit3A_9 = arith.constant 312 : i32
    %select_n3A_10 = arith.select %lt3A_1, %jit3A, %jit3A_9 : i32
    %jit3A_11 = arith.constant 8 : i32
    %div3A = arith.divsi %select_n3A, %jit3A_11 : i32
    %sign3A = arith.constant 0 : i32
    %sign3A_12 = arith.cmpi sgt, %select_n3A, %sign3A : i32
    %sign3A_13 = arith.extui %sign3A_12 : i1 to i32
    %sign3A_14 = arith.constant 0 : i32
    %sign3A_15 = arith.cmpi slt, %select_n3A, %sign3A_14 : i32
    %sign3A_16 = arith.extui %sign3A_15 : i1 to i32
    %sign3A_17 = arith.subi %sign3A_13, %sign3A_16 : i32
    %sign3A_18 = arith.constant 0 : i32
    %sign3A_19 = arith.cmpi sgt, %jit3A_11, %sign3A_18 : i32
    %sign3A_20 = arith.extui %sign3A_19 : i1 to i32
    %sign3A_21 = arith.constant 0 : i32
    %sign3A_22 = arith.cmpi slt, %jit3A_11, %sign3A_21 : i32
    %sign3A_23 = arith.extui %sign3A_22 : i1 to i32
    %sign3A_24 = arith.subi %sign3A_20, %sign3A_23 : i32
    %ne3A = arith.cmpi ne, %sign3A_17, %sign3A_24 : i32
    %rem3A = arith.remsi %select_n3A, %jit3A_11 : i32
    %ne3A_25 = arith.constant 0 : i32
    %ne3A_26 = arith.cmpi ne, %rem3A, %ne3A_25 : i32
    %and3A = arith.andi %ne3A, %ne3A_26 : i1
    %sub3A_27 = arith.constant 1 : i32
    %sub3A_28 = arith.subi %div3A, %sub3A_27 : i32
    %select_n3A_29 = arith.select %and3A, %sub3A_28, %div3A : i32
    %mul3A_30 = arith.constant 8 : i32
    %mul3A_31 = arith.muli %select_n3A_29, %mul3A_30 : i32
    %min3A = arith.constant 9680 : i32
    %min3A_32 = arith.minsi %mul3A_31, %min3A : i32
    %sub3A_33 = arith.subi %select_n3A, %min3A_32 : i32
    "tpu.region"() ({
      %run_scoped3A = tpu.sem_alloc : memref<!tpu.dma_semaphore, #tpu.memory_space<semaphore_mem>>
      tpu.enqueue_dma source(%arg2 : memref<40000xf32, #tpu.memory_space<hbm>>) target(%arg6 : memref<40000xf32, #tpu.memory_space<vmem>>) target_semaphore(%run_scoped3A : memref<!tpu.dma_semaphore, #tpu.memory_space<semaphore_mem>>)
      tpu.wait_dma2 semaphore(%run_scoped3A : memref<!tpu.dma_semaphore, #tpu.memory_space<semaphore_mem>>) src(%arg2 : memref<40000xf32, #tpu.memory_space<hbm>>) dst(%arg6 : memref<40000xf32, #tpu.memory_space<vmem>>)
      tpu.yield
    }) : () -> ()
    %mul3A_34 = arith.constant 32 : i32
    %mul3A_35 = arith.muli %min3A_32, %mul3A_34 : i32
    "tpu.region"() ({
      %run_scoped3A = tpu.sem_alloc : memref<!tpu.dma_semaphore, #tpu.memory_space<semaphore_mem>>
      %dma_start3A_81 = tpu.memref_slice %arg4[%mul3A_35] : memref<320000xi32, #tpu.memory_space<hbm>> -> memref<10240xi32, #tpu.memory_space<hbm>>
      %dma_start3A_82 = tpu.memref_slice %arg4[%mul3A_35] : memref<320000xi32, #tpu.memory_space<hbm>> -> memref<10240xi32, #tpu.memory_space<hbm>>
      tpu.enqueue_dma source(%dma_start3A_82 : memref<10240xi32, #tpu.memory_space<hbm>>) target(%arg7 : memref<10240xi32, #tpu.memory_space<vmem>>) target_semaphore(%run_scoped3A : memref<!tpu.dma_semaphore, #tpu.memory_space<semaphore_mem>>)
      %dma_wait3A_83 = tpu.memref_slice %arg4[%mul3A_35] : memref<320000xi32, #tpu.memory_space<hbm>> -> memref<10240xi32, #tpu.memory_space<hbm>>
      %dma_wait3A_84 = tpu.memref_slice %arg4[%mul3A_35] : memref<320000xi32, #tpu.memory_space<hbm>> -> memref<10240xi32, #tpu.memory_space<hbm>>
      tpu.wait_dma2 semaphore(%run_scoped3A : memref<!tpu.dma_semaphore, #tpu.memory_space<semaphore_mem>>) src(%dma_wait3A_84 : memref<10240xi32, #tpu.memory_space<hbm>>) dst(%arg7 : memref<10240xi32, #tpu.memory_space<vmem>>)
      tpu.yield
    }) : () -> ()
    %iota3A = tpu.iota {dimensions = array<i32: 0>} : vector<16xi32>
    %add3A_36 = arith.constant 0 : i32
    %add3A_37 = arith.addi %sub3A_33, %add3A_36 : i32
    %mul3A_38 = arith.constant 32 : i32
    %mul3A_39 = arith.muli %add3A_37, %mul3A_38 : i32
    %dma_start3A = arith.constant 0 : i32
    %dma_start3A_40 = arith.constant 0 : i32
    %dma_start3A_41 = arith.constant 0 : i32
    %dma_start3A_42 = tpu.memref_slice %arg8[%dma_start3A, %dma_start3A_40, %dma_start3A_41] : memref<2x32x128xf32, #tpu.memory_space<vmem>> -> memref<1x32x128xf32, #tpu.memory_space<vmem>>
    %dma_start3A_43 = tpu.memref_squeeze %dma_start3A_42 : memref<1x32x128xf32, #tpu.memory_space<vmem>> -> memref<32x128xf32, #tpu.memory_space<vmem>>
    %dma_start3A_44 = tpu.memref_slice %arg7[%mul3A_39] : memref<10240xi32, #tpu.memory_space<vmem>> -> memref<32xi32, #tpu.memory_space<vmem>>
    %dma_start3A_45 = arith.constant 0 : i32
    %dma_start3A_46 = arith.constant 0 : i32
    %dma_start3A_47 = tpu.memref_slice %arg3[%dma_start3A_45, %dma_start3A_46] : memref<10000x128xf32, #tpu.memory_space<hbm>> -> memref<10000x128xf32, #tpu.memory_space<hbm>>
    tpu.enqueue_indirect_dma source(%dma_start3A_47 : memref<10000x128xf32, #tpu.memory_space<hbm>>) target(%dma_start3A_43 : memref<32x128xf32, #tpu.memory_space<vmem>>) offsets(%dma_start3A_44 : memref<32xi32, #tpu.memory_space<vmem>>) semaphore(%arg11 : memref<!tpu.dma_semaphore, #tpu.memory_space<semaphore_mem>>)
    %add3A_48 = arith.constant 1 : i32
    %add3A_49 = arith.addi %sub3A_33, %add3A_48 : i32
    %mul3A_50 = arith.constant 32 : i32
    %mul3A_51 = arith.muli %add3A_49, %mul3A_50 : i32
    %dma_start3A_52 = arith.constant 1 : i32
    %dma_start3A_53 = arith.constant 0 : i32
    %dma_start3A_54 = arith.constant 0 : i32
    %dma_start3A_55 = tpu.memref_slice %arg8[%dma_start3A_52, %dma_start3A_53, %dma_start3A_54] : memref<2x32x128xf32, #tpu.memory_space<vmem>> -> memref<1x32x128xf32, #tpu.memory_space<vmem>>
    %dma_start3A_56 = tpu.memref_squeeze %dma_start3A_55 : memref<1x32x128xf32, #tpu.memory_space<vmem>> -> memref<32x128xf32, #tpu.memory_space<vmem>>
    %dma_start3A_57 = tpu.memref_slice %arg7[%mul3A_51] : memref<10240xi32, #tpu.memory_space<vmem>> -> memref<32xi32, #tpu.memory_space<vmem>>
    %dma_start3A_58 = arith.constant 0 : i32
    %dma_start3A_59 = arith.constant 0 : i32
    %dma_start3A_60 = tpu.memref_slice %arg3[%dma_start3A_58, %dma_start3A_59] : memref<10000x128xf32, #tpu.memory_space<hbm>> -> memref<10000x128xf32, #tpu.memory_space<hbm>>
    tpu.enqueue_indirect_dma source(%dma_start3A_60 : memref<10000x128xf32, #tpu.memory_space<hbm>>) target(%dma_start3A_56 : memref<32x128xf32, #tpu.memory_space<vmem>>) offsets(%dma_start3A_57 : memref<32xi32, #tpu.memory_space<vmem>>) semaphore(%arg12 : memref<!tpu.dma_semaphore, #tpu.memory_space<semaphore_mem>>)
    %scan3A = arith.constant 0 : i32
    %scan3A_61 = arith.constant 0 : i32
    %scan3A_62 = arith.constant 157 : i32
    %scan3A_63 = arith.addi %scan3A_61, %scan3A_62 : i32
    %scan3A_64 = arith.constant 1 : i32
    scf.for %scan3A_81 = %scan3A_61 to %scan3A_63 step %scan3A_64  : i32 {
      %mul3A_82 = arith.constant 2 : i32
      %mul3A_83 = arith.muli %mul3A_82, %scan3A_81 : i32
      %lt3A_84 = arith.cmpi slt, %mul3A_83, %select_n3A_10 : i32
      %convert_element_type3A = arith.extui %lt3A_84 : i1 to i32
      %cond3A = arith.constant 0 : i32
      %cond3A_85 = arith.cmpi ne, %convert_element_type3A, %cond3A : i32
      scf.if %cond3A_85 {
        %add3A_92 = arith.addi %sub3A_33, %mul3A_83 : i32
        %mul3A_93 = arith.constant 32 : i32
        %mul3A_94 = arith.muli %add3A_92, %mul3A_93 : i32
        %add3A_95 = arith.constant 0 : i32
        %add3A_96 = arith.addi %mul3A_94, %add3A_95 : i32
        %get3A = arith.index_cast %add3A_96 : i32 to index
        %get3A_97 = tpu.vector_load %arg7[%get3A] {strides = array<i32>} : memref<10240xi32, #tpu.memory_space<vmem>>, vector<16xi32>,
        %mul3A_98 = arith.constant 32 : i32
        %mul3A_99 = arith.muli %add3A_92, %mul3A_98 : i32
        %add3A_100 = arith.constant 16 : i32
        %add3A_101 = arith.addi %mul3A_99, %add3A_100 : i32
        %get3A_102 = arith.index_cast %add3A_101 : i32 to index
        %get3A_103 = tpu.vector_load %arg7[%get3A_102] {strides = array<i32>} : memref<10240xi32, #tpu.memory_space<vmem>>, vector<16xi32>,
        %mul3A_104 = arith.constant 4 : i32
        %mul3A_105 = vector.broadcast %mul3A_104 : i32 to vector<16xi32>
        %mul3A_106 = arith.muli %get3A_97, %mul3A_105 : vector<16xi32>
        %add3A_107 = arith.constant 0 : i32
        %add3A_108 = vector.broadcast %add3A_107 : i32 to vector<16xi32>
        %add3A_109 = arith.addi %mul3A_106, %add3A_108 : vector<16xi32>
        %gather3A = tpu.vector_load_idx %arg6[%add3A_109] : memref<40000xf32, #tpu.memory_space<vmem>>[vector<16xi32>], vector<16xf32>,
        %add3A_110 = arith.constant 1 : i32
        %add3A_111 = vector.broadcast %add3A_110 : i32 to vector<16xi32>
        %add3A_112 = arith.addi %mul3A_106, %add3A_111 : vector<16xi32>
        %gather3A_113 = tpu.vector_load_idx %arg6[%add3A_112] : memref<40000xf32, #tpu.memory_space<vmem>>[vector<16xi32>], vector<16xf32>,
        %add3A_114 = arith.constant 2 : i32
        %add3A_115 = vector.broadcast %add3A_114 : i32 to vector<16xi32>
        %add3A_116 = arith.addi %mul3A_106, %add3A_115 : vector<16xi32>
        %gather3A_117 = tpu.vector_load_idx %arg6[%add3A_116] : memref<40000xf32, #tpu.memory_space<vmem>>[vector<16xi32>], vector<16xf32>,
        %add3A_118 = arith.constant 3 : i32
        %add3A_119 = vector.broadcast %add3A_118 : i32 to vector<16xi32>
        %add3A_120 = arith.addi %mul3A_106, %add3A_119 : vector<16xi32>
        %gather3A_121 = tpu.vector_load_idx %arg6[%add3A_120] : memref<40000xf32, #tpu.memory_space<vmem>>[vector<16xi32>], vector<16xf32>,
        %add3A_122 = arith.constant 0 : i32
        %add3A_123 = vector.broadcast %add3A_122 : i32 to vector<16xi32>
        %add3A_124 = arith.addi %iota3A, %add3A_123 : vector<16xi32>
        %mul3A_125 = arith.constant 16 : i32
        %mul3A_126 = vector.broadcast %mul3A_125 : i32 to vector<16xi32>
        %mul3A_127 = arith.muli %add3A_124, %mul3A_126 : vector<16xi32>
        %add3A_128 = arith.constant 0 : i32
        %add3A_129 = vector.broadcast %add3A_128 : i32 to vector<16xi32>
        %add3A_130 = arith.addi %mul3A_127, %add3A_129 : vector<16xi32>
        tpu.vector_store_idx %arg9[%add3A_130], %gather3A : memref<512xf32, #tpu.memory_space<vmem>>[vector<16xi32>], vector<16xf32>,
        %add3A_131 = arith.constant 1 : i32
        %add3A_132 = vector.broadcast %add3A_131 : i32 to vector<16xi32>
        %add3A_133 = arith.addi %mul3A_127, %add3A_132 : vector<16xi32>
        tpu.vector_store_idx %arg9[%add3A_133], %gather3A_113 : memref<512xf32, #tpu.memory_space<vmem>>[vector<16xi32>], vector<16xf32>,
        %add3A_134 = arith.constant 2 : i32
        %add3A_135 = vector.broadcast %add3A_134 : i32 to vector<16xi32>
        %add3A_136 = arith.addi %mul3A_127, %add3A_135 : vector<16xi32>
        tpu.vector_store_idx %arg9[%add3A_136], %gather3A_117 : memref<512xf32, #tpu.memory_space<vmem>>[vector<16xi32>], vector<16xf32>,
        %add3A_137 = arith.constant 3 : i32
        %add3A_138 = vector.broadcast %add3A_137 : i32 to vector<16xi32>
        %add3A_139 = arith.addi %mul3A_127, %add3A_138 : vector<16xi32>
        tpu.vector_store_idx %arg9[%add3A_139], %gather3A_121 : memref<512xf32, #tpu.memory_space<vmem>>[vector<16xi32>], vector<16xf32>,
        %mul3A_140 = arith.constant 4 : i32
        %mul3A_141 = vector.broadcast %mul3A_140 : i32 to vector<16xi32>
        %mul3A_142 = arith.muli %get3A_103, %mul3A_141 : vector<16xi32>
        %add3A_143 = arith.constant 0 : i32
        %add3A_144 = vector.broadcast %add3A_143 : i32 to vector<16xi32>
        %add3A_145 = arith.addi %mul3A_142, %add3A_144 : vector<16xi32>
        %gather3A_146 = tpu.vector_load_idx %arg6[%add3A_145] : memref<40000xf32, #tpu.memory_space<vmem>>[vector<16xi32>], vector<16xf32>,
        %add3A_147 = arith.constant 1 : i32
        %add3A_148 = vector.broadcast %add3A_147 : i32 to vector<16xi32>
        %add3A_149 = arith.addi %mul3A_142, %add3A_148 : vector<16xi32>
        %gather3A_150 = tpu.vector_load_idx %arg6[%add3A_149] : memref<40000xf32, #tpu.memory_space<vmem>>[vector<16xi32>], vector<16xf32>,
        %add3A_151 = arith.constant 2 : i32
        %add3A_152 = vector.broadcast %add3A_151 : i32 to vector<16xi32>
        %add3A_153 = arith.addi %mul3A_142, %add3A_152 : vector<16xi32>
        %gather3A_154 = tpu.vector_load_idx %arg6[%add3A_153] : memref<40000xf32, #tpu.memory_space<vmem>>[vector<16xi32>], vector<16xf32>,
        %add3A_155 = arith.constant 3 : i32
        %add3A_156 = vector.broadcast %add3A_155 : i32 to vector<16xi32>
        %add3A_157 = arith.addi %mul3A_142, %add3A_156 : vector<16xi32>
        %gather3A_158 = tpu.vector_load_idx %arg6[%add3A_157] : memref<40000xf32, #tpu.memory_space<vmem>>[vector<16xi32>], vector<16xf32>,
        %add3A_159 = arith.constant 16 : i32
        %add3A_160 = vector.broadcast %add3A_159 : i32 to vector<16xi32>
        %add3A_161 = arith.addi %iota3A, %add3A_160 : vector<16xi32>
        %mul3A_162 = arith.constant 16 : i32
        %mul3A_163 = vector.broadcast %mul3A_162 : i32 to vector<16xi32>
        %mul3A_164 = arith.muli %add3A_161, %mul3A_163 : vector<16xi32>
        %add3A_165 = arith.constant 0 : i32
        %add3A_166 = vector.broadcast %add3A_165 : i32 to vector<16xi32>
        %add3A_167 = arith.addi %mul3A_164, %add3A_166 : vector<16xi32>
        tpu.vector_store_idx %arg9[%add3A_167], %gather3A_146 : memref<512xf32, #tpu.memory_space<vmem>>[vector<16xi32>], vector<16xf32>,
        %add3A_168 = arith.constant 1 : i32
        %add3A_169 = vector.broadcast %add3A_168 : i32 to vector<16xi32>
        %add3A_170 = arith.addi %mul3A_164, %add3A_169 : vector<16xi32>
        tpu.vector_store_idx %arg9[%add3A_170], %gather3A_150 : memref<512xf32, #tpu.memory_space<vmem>>[vector<16xi32>], vector<16xf32>,
        %add3A_171 = arith.constant 2 : i32
        %add3A_172 = vector.broadcast %add3A_171 : i32 to vector<16xi32>
        %add3A_173 = arith.addi %mul3A_164, %add3A_172 : vector<16xi32>
        tpu.vector_store_idx %arg9[%add3A_173], %gather3A_154 : memref<512xf32, #tpu.memory_space<vmem>>[vector<16xi32>], vector<16xf32>,
        %add3A_174 = arith.constant 3 : i32
        %add3A_175 = vector.broadcast %add3A_174 : i32 to vector<16xi32>
        %add3A_176 = arith.addi %mul3A_164, %add3A_175 : vector<16xi32>
        tpu.vector_store_idx %arg9[%add3A_176], %gather3A_158 : memref<512xf32, #tpu.memory_space<vmem>>[vector<16xi32>], vector<16xf32>,
        %dma_wait3A_177 = arith.constant 0 : i32
        %dma_wait3A_178 = arith.constant 0 : i32
        %dma_wait3A_179 = arith.constant 0 : i32
        %dma_wait3A_180 = tpu.memref_slice %arg8[%dma_wait3A_177, %dma_wait3A_178, %dma_wait3A_179] : memref<2x32x128xf32, #tpu.memory_space<vmem>> -> memref<1x32x128xf32, #tpu.memory_space<vmem>>
        %dma_wait3A_181 = tpu.memref_squeeze %dma_wait3A_180 : memref<1x32x128xf32, #tpu.memory_space<vmem>> -> memref<32x128xf32, #tpu.memory_space<vmem>>
        %dma_wait3A_182 = arith.constant 0 : i32
        %dma_wait3A_183 = arith.constant 0 : i32
        %dma_wait3A_184 = tpu.memref_slice %arg3[%dma_wait3A_182, %dma_wait3A_183] : memref<10000x128xf32, #tpu.memory_space<hbm>> -> memref<32x128xf32, #tpu.memory_space<hbm>>
        %dma_wait3A_185 = arith.constant 0 : i32
        %dma_wait3A_186 = arith.constant 0 : i32
        %dma_wait3A_187 = tpu.memref_slice %arg8[%dma_wait3A_177, %dma_wait3A_185, %dma_wait3A_186] : memref<2x32x128xf32, #tpu.memory_space<vmem>> -> memref<1x32x128xf32, #tpu.memory_space<vmem>>
        %dma_wait3A_188 = tpu.memref_squeeze %dma_wait3A_187 : memref<1x32x128xf32, #tpu.memory_space<vmem>> -> memref<32x128xf32, #tpu.memory_space<vmem>>
        %dma_wait3A_189 = arith.constant 0 : i32
        %dma_wait3A_190 = arith.constant 0 : i32
        %dma_wait3A_191 = tpu.memref_slice %arg3[%dma_wait3A_189, %dma_wait3A_190] : memref<10000x128xf32, #tpu.memory_space<hbm>> -> memref<32x128xf32, #tpu.memory_space<hbm>>
        tpu.wait_dma2 semaphore(%arg11 : memref<!tpu.dma_semaphore, #tpu.memory_space<semaphore_mem>>) src(%dma_wait3A_191 : memref<32x128xf32, #tpu.memory_space<hbm>>) dst(%dma_wait3A_188 : memref<32x128xf32, #tpu.memory_space<vmem>>)
        %ge3A = arith.constant 2 : i32
        %ge3A_192 = arith.cmpi sge, %mul3A_83, %ge3A : i32
        %convert_element_type3A_193 = arith.extui %ge3A_192 : i1 to i32
        %cond3A_194 = arith.constant 0 : i32
        %cond3A_195 = arith.cmpi ne, %convert_element_type3A_193, %cond3A_194 : i32
        scf.if %cond3A_195 {
          %dma_wait3A_1268 = arith.constant 0 : i32
          %dma_wait3A_1269 = tpu.memref_slice %arg10[%dma_wait3A_1268] : memref<3584xf32, #tpu.memory_space<vmem>> -> memref<1792xf32, #tpu.memory_space<vmem>>
          %dma_wait3A_1270 = arith.constant 0 : i32
          %dma_wait3A_1271 = tpu.memref_slice %arg5[%dma_wait3A_1270] : memref<17920000xf32, #tpu.memory_space<hbm>> -> memref<1792xf32, #tpu.memory_space<hbm>>
          %dma_wait3A_1272 = arith.constant 0 : i32
          %dma_wait3A_1273 = tpu.memref_slice %arg5[%dma_wait3A_1272] : memref<17920000xf32, #tpu.memory_space<hbm>> -> memref<1792xf32, #tpu.memory_space<hbm>>
          %dma_wait3A_1274 = arith.constant 0 : i32
          %dma_wait3A_1275 = tpu.memref_slice %arg10[%dma_wait3A_1274] : memref<3584xf32, #tpu.memory_space<vmem>> -> memref<1792xf32, #tpu.memory_space<vmem>>
          tpu.wait_dma2 semaphore(%arg13 : memref<!tpu.dma_semaphore, #tpu.memory_space<semaphore_mem>>) src(%dma_wait3A_1275 : memref<1792xf32, #tpu.memory_space<vmem>>) dst(%dma_wait3A_1273 : memref<1792xf32, #tpu.memory_space<hbm>>)
        } else {
        }
        %broadcast_in_dim3A = arith.constant 0.000000e+00 : f32
        %broadcast_in_dim3A_196 = vector.broadcast %broadcast_in_dim3A : f32 to vector<16xf32>
        %broadcast_in_dim3A_197 = arith.constant 0.000000e+00 : f32
        %broadcast_in_dim3A_198 = vector.broadcast %broadcast_in_dim3A_197 : f32 to vector<16xf32>
        %broadcast_in_dim3A_199 = arith.constant 0.000000e+00 : f32
        %broadcast_in_dim3A_200 = vector.broadcast %broadcast_in_dim3A_199 : f32 to vector<16xf32>
        %broadcast_in_dim3A_201 = arith.constant 0.000000e+00 : f32
        %broadcast_in_dim3A_202 = vector.broadcast %broadcast_in_dim3A_201 : f32 to vector<16xf32>
        %broadcast_in_dim3A_203 = arith.constant 0.000000e+00 : f32
        %broadcast_in_dim3A_204 = vector.broadcast %broadcast_in_dim3A_203 : f32 to vector<16xf32>
        %broadcast_in_dim3A_205 = arith.constant 0.000000e+00 : f32
        %broadcast_in_dim3A_206 = vector.broadcast %broadcast_in_dim3A_205 : f32 to vector<16xf32>
        %broadcast_in_dim3A_207 = arith.constant 0.000000e+00 : f32
        %broadcast_in_dim3A_208 = vector.broadcast %broadcast_in_dim3A_207 : f32 to vector<16xf32>
        %broadcast_in_dim3A_209 = arith.constant 0.000000e+00 : f32
        %broadcast_in_dim3A_210 = vector.broadcast %broadcast_in_dim3A_209 : f32 to vector<16xf32>
        %broadcast_in_dim3A_211 = arith.constant 0.000000e+00 : f32
        %broadcast_in_dim3A_212 = vector.broadcast %broadcast_in_dim3A_211 : f32 to vector<16xf32>
        %broadcast_in_dim3A_213 = arith.constant 0.000000e+00 : f32
        %broadcast_in_dim3A_214 = vector.broadcast %broadcast_in_dim3A_213 : f32 to vector<16xf32>
        %broadcast_in_dim3A_215 = arith.constant 0.000000e+00 : f32
        %broadcast_in_dim3A_216 = vector.broadcast %broadcast_in_dim3A_215 : f32 to vector<16xf32>
        %broadcast_in_dim3A_217 = arith.constant 0.000000e+00 : f32
        %broadcast_in_dim3A_218 = vector.broadcast %broadcast_in_dim3A_217 : f32 to vector<16xf32>
        %broadcast_in_dim3A_219 = arith.constant 0.000000e+00 : f32
        %broadcast_in_dim3A_220 = vector.broadcast %broadcast_in_dim3A_219 : f32 to vector<16xf32>
        %broadcast_in_dim3A_221 = arith.constant 0.000000e+00 : f32
        %broadcast_in_dim3A_222 = vector.broadcast %broadcast_in_dim3A_221 : f32 to vector<16xf32>
        %broadcast_in_dim3A_223 = arith.constant 0.000000e+00 : f32
        %broadcast_in_dim3A_224 = vector.broadcast %broadcast_in_dim3A_223 : f32 to vector<16xf32>
        %broadcast_in_dim3A_225 = arith.constant 0.000000e+00 : f32
        %broadcast_in_dim3A_226 = vector.broadcast %broadcast_in_dim3A_225 : f32 to vector<16xf32>
        %broadcast_in_dim3A_227 = arith.constant 0.000000e+00 : f32
        %broadcast_in_dim3A_228 = vector.broadcast %broadcast_in_dim3A_227 : f32 to vector<16xf32>
        %broadcast_in_dim3A_229 = arith.constant 0.000000e+00 : f32
        %broadcast_in_dim3A_230 = vector.broadcast %broadcast_in_dim3A_229 : f32 to vector<16xf32>
        %broadcast_in_dim3A_231 = arith.constant 0.000000e+00 : f32
        %broadcast_in_dim3A_232 = vector.broadcast %broadcast_in_dim3A_231 : f32 to vector<16xf32>
        %broadcast_in_dim3A_233 = arith.constant 0.000000e+00 : f32
        %broadcast_in_dim3A_234 = vector.broadcast %broadcast_in_dim3A_233 : f32 to vector<16xf32>
        %broadcast_in_dim3A_235 = arith.constant 0.000000e+00 : f32
        %broadcast_in_dim3A_236 = vector.broadcast %broadcast_in_dim3A_235 : f32 to vector<16xf32>
        %broadcast_in_dim3A_237 = arith.constant 0.000000e+00 : f32
        %broadcast_in_dim3A_238 = vector.broadcast %broadcast_in_dim3A_237 : f32 to vector<16xf32>
        %broadcast_in_dim3A_239 = arith.constant 0.000000e+00 : f32
        %broadcast_in_dim3A_240 = vector.broadcast %broadcast_in_dim3A_239 : f32 to vector<16xf32>
        %broadcast_in_dim3A_241 = arith.constant 0.000000e+00 : f32
        %broadcast_in_dim3A_242 = vector.broadcast %broadcast_in_dim3A_241 : f32 to vector<16xf32>
        %broadcast_in_dim3A_243 = arith.constant 0.000000e+00 : f32
        %broadcast_in_dim3A_244 = vector.broadcast %broadcast_in_dim3A_243 : f32 to vector<16xf32>
        %broadcast_in_dim3A_245 = arith.constant 0.000000e+00 : f32
        %broadcast_in_dim3A_246 = vector.broadcast %broadcast_in_dim3A_245 : f32 to vector<16xf32>
        %broadcast_in_dim3A_247 = arith.constant 0.000000e+00 : f32
        %broadcast_in_dim3A_248 = vector.broadcast %broadcast_in_dim3A_247 : f32 to vector<16xf32>
        %broadcast_in_dim3A_249 = arith.constant 0.000000e+00 : f32
        %broadcast_in_dim3A_250 = vector.broadcast %broadcast_in_dim3A_249 : f32 to vector<16xf32>
        %broadcast_in_dim3A_251 = arith.constant 0.000000e+00 : f32
        %broadcast_in_dim3A_252 = vector.broadcast %broadcast_in_dim3A_251 : f32 to vector<16xf32>
        %broadcast_in_dim3A_253 = arith.constant 0.000000e+00 : f32
        %broadcast_in_dim3A_254 = vector.broadcast %broadcast_in_dim3A_253 : f32 to vector<16xf32>
        %broadcast_in_dim3A_255 = arith.constant 0.000000e+00 : f32
        %broadcast_in_dim3A_256 = vector.broadcast %broadcast_in_dim3A_255 : f32 to vector<16xf32>
        %broadcast_in_dim3A_257 = arith.constant 0.000000e+00 : f32
        %broadcast_in_dim3A_258 = vector.broadcast %broadcast_in_dim3A_257 : f32 to vector<16xf32>
        %broadcast_in_dim3A_259 = arith.constant 0.000000e+00 : f32
        %broadcast_in_dim3A_260 = vector.broadcast %broadcast_in_dim3A_259 : f32 to vector<16xf32>
        %broadcast_in_dim3A_261 = arith.constant 0.000000e+00 : f32
        %broadcast_in_dim3A_262 = vector.broadcast %broadcast_in_dim3A_261 : f32 to vector<16xf32>
        %broadcast_in_dim3A_263 = arith.constant 0.000000e+00 : f32
        %broadcast_in_dim3A_264 = vector.broadcast %broadcast_in_dim3A_263 : f32 to vector<16xf32>
        %broadcast_in_dim3A_265 = arith.constant 0.000000e+00 : f32
        %broadcast_in_dim3A_266 = vector.broadcast %broadcast_in_dim3A_265 : f32 to vector<16xf32>
        %broadcast_in_dim3A_267 = arith.constant 0.000000e+00 : f32
        %broadcast_in_dim3A_268 = vector.broadcast %broadcast_in_dim3A_267 : f32 to vector<16xf32>
        %broadcast_in_dim3A_269 = arith.constant 0.000000e+00 : f32
        %broadcast_in_dim3A_270 = vector.broadcast %broadcast_in_dim3A_269 : f32 to vector<16xf32>
        %broadcast_in_dim3A_271 = arith.constant 0.000000e+00 : f32
        %broadcast_in_dim3A_272 = vector.broadcast %broadcast_in_dim3A_271 : f32 to vector<16xf32>
        %broadcast_in_dim3A_273 = arith.constant 0.000000e+00 : f32
        %broadcast_in_dim3A_274 = vector.broadcast %broadcast_in_dim3A_273 : f32 to vector<16xf32>
        %broadcast_in_dim3A_275 = arith.constant 0.000000e+00 : f32
        %broadcast_in_dim3A_276 = vector.broadcast %broadcast_in_dim3A_275 : f32 to vector<16xf32>
        %broadcast_in_dim3A_277 = arith.constant 0.000000e+00 : f32
        %broadcast_in_dim3A_278 = vector.broadcast %broadcast_in_dim3A_277 : f32 to vector<16xf32>
        %broadcast_in_dim3A_279 = arith.constant 0.000000e+00 : f32
        %broadcast_in_dim3A_280 = vector.broadcast %broadcast_in_dim3A_279 : f32 to vector<16xf32>
        %broadcast_in_dim3A_281 = arith.constant 0.000000e+00 : f32
        %broadcast_in_dim3A_282 = vector.broadcast %broadcast_in_dim3A_281 : f32 to vector<16xf32>
        %broadcast_in_dim3A_283 = arith.constant 0.000000e+00 : f32
        %broadcast_in_dim3A_284 = vector.broadcast %broadcast_in_dim3A_283 : f32 to vector<16xf32>
        %scan3A_285 = arith.constant 0 : i32
        %scan3A_286 = arith.constant 32 : i32
        %scan3A_287 = arith.addi %scan3A_285, %scan3A_286 : i32
        %scan3A_288 = arith.constant 1 : i32
        %scan3A_289:45 = scf.for %scan3A_1268 = %scan3A_285 to %scan3A_287 step %scan3A_288 iter_args(%scan3A_1269 = %broadcast_in_dim3A_196, %scan3A_1270 = %broadcast_in_dim3A_198, %scan3A_1271 = %broadcast_in_dim3A_200, %scan3A_1272 = %broadcast_in_dim3A_202, %scan3A_1273 = %broadcast_in_dim3A_204, %scan3A_1274 = %broadcast_in_dim3A_206, %scan3A_1275 = %broadcast_in_dim3A_208, %scan3A_1276 = %broadcast_in_dim3A_210, %scan3A_1277 = %broadcast_in_dim3A_212, %scan3A_1278 = %broadcast_in_dim3A_214, %scan3A_1279 = %broadcast_in_dim3A_216, %scan3A_1280 = %broadcast_in_dim3A_218, %scan3A_1281 = %broadcast_in_dim3A_220, %scan3A_1282 = %broadcast_in_dim3A_222, %scan3A_1283 = %broadcast_in_dim3A_224, %scan3A_1284 = %broadcast_in_dim3A_226, %scan3A_1285 = %broadcast_in_dim3A_228, %scan3A_1286 = %broadcast_in_dim3A_230, %scan3A_1287 = %broadcast_in_dim3A_232, %scan3A_1288 = %broadcast_in_dim3A_234, %scan3A_1289 = %broadcast_in_dim3A_236, %scan3A_1290 = %broadcast_in_dim3A_238, %scan3A_1291 = %broadcast_in_dim3A_240, %scan3A_1292 = %broadcast_in_dim3A_242, %scan3A_1293 = %broadcast_in_dim3A_244, %scan3A_1294 = %broadcast_in_dim3A_246, %scan3A_1295 = %broadcast_in_dim3A_248, %scan3A_1296 = %broadcast_in_dim3A_250, %scan3A_1297 = %broadcast_in_dim3A_252, %scan3A_1298 = %broadcast_in_dim3A_254, %scan3A_1299 = %broadcast_in_dim3A_256, %scan3A_1300 = %broadcast_in_dim3A_258, %scan3A_1301 = %broadcast_in_dim3A_260, %scan3A_1302 = %broadcast_in_dim3A_262, %scan3A_1303 = %broadcast_in_dim3A_264, %scan3A_1304 = %broadcast_in_dim3A_266, %scan3A_1305 = %broadcast_in_dim3A_268, %scan3A_1306 = %broadcast_in_dim3A_270, %scan3A_1307 = %broadcast_in_dim3A_272, %scan3A_1308 = %broadcast_in_dim3A_274, %scan3A_1309 = %broadcast_in_dim3A_276, %scan3A_1310 = %broadcast_in_dim3A_278, %scan3A_1311 = %broadcast_in_dim3A_280, %scan3A_1312 = %broadcast_in_dim3A_282, %scan3A_1313 = %broadcast_in_dim3A_284) -> (vector<16xf32>, vector<16xf32>, vector<16xf32>, vector<16xf32>, vector<16xf32>, vector<16xf32>, vector<16xf32>, vector<16xf32>, vector<16xf32>, vector<16xf32>, vector<16xf32>, vector<16xf32>, vector<16xf32>, vector<16xf32>, vector<16xf32>, vector<16xf32>, vector<16xf32>, vector<16xf32>, vector<16xf32>, vector<16xf32>, vector<16xf32>, vector<16xf32>, vector<16xf32>, vector<16xf32>, vector<16xf32>, vector<16xf32>, vector<16xf32>, vector<16xf32>, vector<16xf32>, vector<16xf32>, vector<16xf32>, vector<16xf32>, vector<16xf32>, vector<16xf32>, vector<16xf32>, vector<16xf32>, vector<16xf32>, vector<16xf32>, vector<16xf32>, vector<16xf32>, vector<16xf32>, vector<16xf32>, vector<16xf32>, vector<16xf32>, vector<16xf32>)  : i32 {
          %mul3A_1314 = arith.constant 16 : i32
          %mul3A_1315 = arith.muli %scan3A_1268, %mul3A_1314 : i32
          %get3A_1316 = arith.index_cast %mul3A_1315 : i32 to index
          %get3A_1317 = tpu.vector_load %arg9[%get3A_1316] {strides = array<i32>} : memref<512xf32, #tpu.memory_space<vmem>>, vector<16xf32>,
          %slice3A = vector.extract_strided_slice %get3A_1317 {offsets = [0], sizes = [1], strides = [1]} : vector<16xf32> to vector<1xf32>
          %squeeze3A = vector.extract %slice3A[0] : f32 from vector<1xf32>
          %slice3A_1318 = vector.extract_strided_slice %get3A_1317 {offsets = [1], sizes = [1], strides = [1]} : vector<16xf32> to vector<1xf32>
          %squeeze3A_1319 = vector.extract %slice3A_1318[0] : f32 from vector<1xf32>
          %slice3A_1320 = vector.extract_strided_slice %get3A_1317 {offsets = [2], sizes = [1], strides = [1]} : vector<16xf32> to vector<1xf32>
          %squeeze3A_1321 = vector.extract %slice3A_1320[0] : f32 from vector<1xf32>
          %slice3A_1322 = vector.extract_strided_slice %get3A_1317 {offsets = [3], sizes = [1], strides = [1]} : vector<16xf32> to vector<1xf32>
          %squeeze3A_1323 = vector.extract %slice3A_1322[0] : f32 from vector<1xf32>
          %get3A_1324 = arith.constant 0 : i32
          %get3A_1325 = arith.index_cast %get3A_1324 : i32 to index
          %get3A_1326 = arith.index_cast %scan3A_1268 : i32 to index
          %get3A_1327 = arith.constant 0 : index
          %get3A_1328 = tpu.vector_load %arg8[%get3A_1325, %get3A_1326, %get3A_1327] {strides = array<i32>} : memref<2x32x128xf32, #tpu.memory_space<vmem>>, vector<16xf32>,
          %mul3A_1329 = vector.broadcast %squeeze3A : f32 to vector<16xf32>
          %mul3A_1330 = arith.mulf %get3A_1328, %mul3A_1329 : vector<16xf32>
          %mul3A_1331 = vector.broadcast %squeeze3A_1319 : f32 to vector<16xf32>
          %mul3A_1332 = arith.mulf %get3A_1328, %mul3A_1331 : vector<16xf32>
          %mul3A_1333 = vector.broadcast %squeeze3A_1321 : f32 to vector<16xf32>
          %mul3A_1334 = arith.mulf %get3A_1328, %mul3A_1333 : vector<16xf32>
          %mul3A_1335 = vector.broadcast %squeeze3A_1323 : f32 to vector<16xf32>
          %mul3A_1336 = arith.mulf %get3A_1328, %mul3A_1335 : vector<16xf32>
          %add3A_1337 = arith.addf %scan3A_1269, %get3A_1328 : vector<16xf32>
          %add3A_1338 = arith.addf %scan3A_1270, %mul3A_1330 : vector<16xf32>
          %add3A_1339 = arith.addf %scan3A_1271, %mul3A_1332 : vector<16xf32>
          %add3A_1340 = arith.addf %scan3A_1272, %mul3A_1334 : vector<16xf32>
          %add3A_1341 = arith.addf %scan3A_1273, %mul3A_1336 : vector<16xf32>
          %mul3A_1342 = vector.broadcast %squeeze3A : f32 to vector<16xf32>
          %mul3A_1343 = arith.mulf %mul3A_1330, %mul3A_1342 : vector<16xf32>
          %add3A_1344 = arith.addf %scan3A_1274, %mul3A_1343 : vector<16xf32>
          %mul3A_1345 = vector.broadcast %squeeze3A_1319 : f32 to vector<16xf32>
          %mul3A_1346 = arith.mulf %mul3A_1330, %mul3A_1345 : vector<16xf32>
          %add3A_1347 = arith.addf %scan3A_1275, %mul3A_1346 : vector<16xf32>
          %mul3A_1348 = vector.broadcast %squeeze3A_1319 : f32 to vector<16xf32>
          %mul3A_1349 = arith.mulf %mul3A_1332, %mul3A_1348 : vector<16xf32>
          %add3A_1350 = arith.addf %scan3A_1276, %mul3A_1349 : vector<16xf32>
          %mul3A_1351 = vector.broadcast %squeeze3A_1321 : f32 to vector<16xf32>
          %mul3A_1352 = arith.mulf %mul3A_1330, %mul3A_1351 : vector<16xf32>
          %add3A_1353 = arith.addf %scan3A_1277, %mul3A_1352 : vector<16xf32>
          %mul3A_1354 = vector.broadcast %squeeze3A_1321 : f32 to vector<16xf32>
          %mul3A_1355 = arith.mulf %mul3A_1332, %mul3A_1354 : vector<16xf32>
          %add3A_1356 = arith.addf %scan3A_1278, %mul3A_1355 : vector<16xf32>
          %mul3A_1357 = vector.broadcast %squeeze3A_1321 : f32 to vector<16xf32>
          %mul3A_1358 = arith.mulf %mul3A_1334, %mul3A_1357 : vector<16xf32>
          %add3A_1359 = arith.addf %scan3A_1279, %mul3A_1358 : vector<16xf32>
          %mul3A_1360 = vector.broadcast %squeeze3A_1323 : f32 to vector<16xf32>
          %mul3A_1361 = arith.mulf %mul3A_1330, %mul3A_1360 : vector<16xf32>
          %add3A_1362 = arith.addf %scan3A_1280, %mul3A_1361 : vector<16xf32>
          %mul3A_1363 = vector.broadcast %squeeze3A_1323 : f32 to vector<16xf32>
          %mul3A_1364 = arith.mulf %mul3A_1332, %mul3A_1363 : vector<16xf32>
          %add3A_1365 = arith.addf %scan3A_1281, %mul3A_1364 : vector<16xf32>
          %mul3A_1366 = vector.broadcast %squeeze3A_1323 : f32 to vector<16xf32>
          %mul3A_1367 = arith.mulf %mul3A_1334, %mul3A_1366 : vector<16xf32>
          %add3A_1368 = arith.addf %scan3A_1282, %mul3A_1367 : vector<16xf32>
          %mul3A_1369 = vector.broadcast %squeeze3A_1323 : f32 to vector<16xf32>
          %mul3A_1370 = arith.mulf %mul3A_1336, %mul3A_1369 : vector<16xf32>
          %add3A_1371 = arith.addf %scan3A_1283, %mul3A_1370 : vector<16xf32>
          %get3A_1372 = arith.constant 0 : i32
          %get3A_1373 = arith.index_cast %get3A_1372 : i32 to index
          %get3A_1374 = arith.index_cast %scan3A_1268 : i32 to index
          %get3A_1375 = arith.constant 16 : index
          %get3A_1376 = tpu.vector_load %arg8[%get3A_1373, %get3A_1374, %get3A_1375] {strides = array<i32>} : memref<2x32x128xf32, #tpu.memory_space<vmem>>, vector<16xf32>,
          %mul3A_1377 = vector.broadcast %squeeze3A : f32 to vector<16xf32>
          %mul3A_1378 = arith.mulf %get3A_1376, %mul3A_1377 : vector<16xf32>
          %mul3A_1379 = vector.broadcast %squeeze3A_1319 : f32 to vector<16xf32>
          %mul3A_1380 = arith.mulf %get3A_1376, %mul3A_1379 : vector<16xf32>
          %mul3A_1381 = vector.broadcast %squeeze3A_1321 : f32 to vector<16xf32>
          %mul3A_1382 = arith.mulf %get3A_1376, %mul3A_1381 : vector<16xf32>
          %mul3A_1383 = vector.broadcast %squeeze3A_1323 : f32 to vector<16xf32>
          %mul3A_1384 = arith.mulf %get3A_1376, %mul3A_1383 : vector<16xf32>
          %add3A_1385 = arith.addf %scan3A_1284, %get3A_1376 : vector<16xf32>
          %add3A_1386 = arith.addf %scan3A_1285, %mul3A_1378 : vector<16xf32>
          %add3A_1387 = arith.addf %scan3A_1286, %mul3A_1380 : vector<16xf32>
          %add3A_1388 = arith.addf %scan3A_1287, %mul3A_1382 : vector<16xf32>
          %add3A_1389 = arith.addf %scan3A_1288, %mul3A_1384 : vector<16xf32>
          %mul3A_1390 = vector.broadcast %squeeze3A : f32 to vector<16xf32>
          %mul3A_1391 = arith.mulf %mul3A_1378, %mul3A_1390 : vector<16xf32>
          %add3A_1392 = arith.addf %scan3A_1289, %mul3A_1391 : vector<16xf32>
          %mul3A_1393 = vector.broadcast %squeeze3A_1319 : f32 to vector<16xf32>
          %mul3A_1394 = arith.mulf %mul3A_1378, %mul3A_1393 : vector<16xf32>
          %add3A_1395 = arith.addf %scan3A_1290, %mul3A_1394 : vector<16xf32>
          %mul3A_1396 = vector.broadcast %squeeze3A_1319 : f32 to vector<16xf32>
          %mul3A_1397 = arith.mulf %mul3A_1380, %mul3A_1396 : vector<16xf32>
          %add3A_1398 = arith.addf %scan3A_1291, %mul3A_1397 : vector<16xf32>
          %mul3A_1399 = vector.broadcast %squeeze3A_1321 : f32 to vector<16xf32>
          %mul3A_1400 = arith.mulf %mul3A_1378, %mul3A_1399 : vector<16xf32>
          %add3A_1401 = arith.addf %scan3A_1292, %mul3A_1400 : vector<16xf32>
          %mul3A_1402 = vector.broadcast %squeeze3A_1321 : f32 to vector<16xf32>
          %mul3A_1403 = arith.mulf %mul3A_1380, %mul3A_1402 : vector<16xf32>
          %add3A_1404 = arith.addf %scan3A_1293, %mul3A_1403 : vector<16xf32>
          %mul3A_1405 = vector.broadcast %squeeze3A_1321 : f32 to vector<16xf32>
          %mul3A_1406 = arith.mulf %mul3A_1382, %mul3A_1405 : vector<16xf32>
          %add3A_1407 = arith.addf %scan3A_1294, %mul3A_1406 : vector<16xf32>
          %mul3A_1408 = vector.broadcast %squeeze3A_1323 : f32 to vector<16xf32>
          %mul3A_1409 = arith.mulf %mul3A_1378, %mul3A_1408 : vector<16xf32>
          %add3A_1410 = arith.addf %scan3A_1295, %mul3A_1409 : vector<16xf32>
          %mul3A_1411 = vector.broadcast %squeeze3A_1323 : f32 to vector<16xf32>
          %mul3A_1412 = arith.mulf %mul3A_1380, %mul3A_1411 : vector<16xf32>
          %add3A_1413 = arith.addf %scan3A_1296, %mul3A_1412 : vector<16xf32>
          %mul3A_1414 = vector.broadcast %squeeze3A_1323 : f32 to vector<16xf32>
          %mul3A_1415 = arith.mulf %mul3A_1382, %mul3A_1414 : vector<16xf32>
          %add3A_1416 = arith.addf %scan3A_1297, %mul3A_1415 : vector<16xf32>
          %mul3A_1417 = vector.broadcast %squeeze3A_1323 : f32 to vector<16xf32>
          %mul3A_1418 = arith.mulf %mul3A_1384, %mul3A_1417 : vector<16xf32>
          %add3A_1419 = arith.addf %scan3A_1298, %mul3A_1418 : vector<16xf32>
          %get3A_1420 = arith.constant 0 : i32
          %get3A_1421 = arith.index_cast %get3A_1420 : i32 to index
          %get3A_1422 = arith.index_cast %scan3A_1268 : i32 to index
          %get3A_1423 = arith.constant 32 : index
          %get3A_1424 = tpu.vector_load %arg8[%get3A_1421, %get3A_1422, %get3A_1423] {strides = array<i32>} : memref<2x32x128xf32, #tpu.memory_space<vmem>>, vector<16xf32>,
          %mul3A_1425 = vector.broadcast %squeeze3A : f32 to vector<16xf32>
          %mul3A_1426 = arith.mulf %get3A_1424, %mul3A_1425 : vector<16xf32>
          %mul3A_1427 = vector.broadcast %squeeze3A_1319 : f32 to vector<16xf32>
          %mul3A_1428 = arith.mulf %get3A_1424, %mul3A_1427 : vector<16xf32>
          %mul3A_1429 = vector.broadcast %squeeze3A_1321 : f32 to vector<16xf32>
          %mul3A_1430 = arith.mulf %get3A_1424, %mul3A_1429 : vector<16xf32>
          %mul3A_1431 = vector.broadcast %squeeze3A_1323 : f32 to vector<16xf32>
          %mul3A_1432 = arith.mulf %get3A_1424, %mul3A_1431 : vector<16xf32>
          %add3A_1433 = arith.addf %scan3A_1299, %get3A_1424 : vector<16xf32>
          %add3A_1434 = arith.addf %scan3A_1300, %mul3A_1426 : vector<16xf32>
          %add3A_1435 = arith.addf %scan3A_1301, %mul3A_1428 : vector<16xf32>
          %add3A_1436 = arith.addf %scan3A_1302, %mul3A_1430 : vector<16xf32>
          %add3A_1437 = arith.addf %scan3A_1303, %mul3A_1432 : vector<16xf32>
          %mul3A_1438 = vector.broadcast %squeeze3A : f32 to vector<16xf32>
          %mul3A_1439 = arith.mulf %mul3A_1426, %mul3A_1438 : vector<16xf32>
          %add3A_1440 = arith.addf %scan3A_1304, %mul3A_1439 : vector<16xf32>
          %mul3A_1441 = vector.broadcast %squeeze3A_1319 : f32 to vector<16xf32>
          %mul3A_1442 = arith.mulf %mul3A_1426, %mul3A_1441 : vector<16xf32>
          %add3A_1443 = arith.addf %scan3A_1305, %mul3A_1442 : vector<16xf32>
          %mul3A_1444 = vector.broadcast %squeeze3A_1319 : f32 to vector<16xf32>
          %mul3A_1445 = arith.mulf %mul3A_1428, %mul3A_1444 : vector<16xf32>
          %add3A_1446 = arith.addf %scan3A_1306, %mul3A_1445 : vector<16xf32>
          %mul3A_1447 = vector.broadcast %squeeze3A_1321 : f32 to vector<16xf32>
          %mul3A_1448 = arith.mulf %mul3A_1426, %mul3A_1447 : vector<16xf32>
          %add3A_1449 = arith.addf %scan3A_1307, %mul3A_1448 : vector<16xf32>
          %mul3A_1450 = vector.broadcast %squeeze3A_1321 : f32 to vector<16xf32>
          %mul3A_1451 = arith.mulf %mul3A_1428, %mul3A_1450 : vector<16xf32>
          %add3A_1452 = arith.addf %scan3A_1308, %mul3A_1451 : vector<16xf32>
          %mul3A_1453 = vector.broadcast %squeeze3A_1321 : f32 to vector<16xf32>
          %mul3A_1454 = arith.mulf %mul3A_1430, %mul3A_1453 : vector<16xf32>
          %add3A_1455 = arith.addf %scan3A_1309, %mul3A_1454 : vector<16xf32>
          %mul3A_1456 = vector.broadcast %squeeze3A_1323 : f32 to vector<16xf32>
          %mul3A_1457 = arith.mulf %mul3A_1426, %mul3A_1456 : vector<16xf32>
          %add3A_1458 = arith.addf %scan3A_1310, %mul3A_1457 : vector<16xf32>
          %mul3A_1459 = vector.broadcast %squeeze3A_1323 : f32 to vector<16xf32>
          %mul3A_1460 = arith.mulf %mul3A_1428, %mul3A_1459 : vector<16xf32>
          %add3A_1461 = arith.addf %scan3A_1311, %mul3A_1460 : vector<16xf32>
          %mul3A_1462 = vector.broadcast %squeeze3A_1323 : f32 to vector<16xf32>
          %mul3A_1463 = arith.mulf %mul3A_1430, %mul3A_1462 : vector<16xf32>
          %add3A_1464 = arith.addf %scan3A_1312, %mul3A_1463 : vector<16xf32>
          %mul3A_1465 = vector.broadcast %squeeze3A_1323 : f32 to vector<16xf32>
          %mul3A_1466 = arith.mulf %mul3A_1432, %mul3A_1465 : vector<16xf32>
          %add3A_1467 = arith.addf %scan3A_1313, %mul3A_1466 : vector<16xf32>
          scf.yield %add3A_1337, %add3A_1338, %add3A_1339, %add3A_1340, %add3A_1341, %add3A_1344, %add3A_1347, %add3A_1350, %add3A_1353, %add3A_1356, %add3A_1359, %add3A_1362, %add3A_1365, %add3A_1368, %add3A_1371, %add3A_1385, %add3A_1386, %add3A_1387, %add3A_1388, %add3A_1389, %add3A_1392, %add3A_1395, %add3A_1398, %add3A_1401, %add3A_1404, %add3A_1407, %add3A_1410, %add3A_1413, %add3A_1416, %add3A_1419, %add3A_1433, %add3A_1434, %add3A_1435, %add3A_1436, %add3A_1437, %add3A_1440, %add3A_1443, %add3A_1446, %add3A_1449, %add3A_1452, %add3A_1455, %add3A_1458, %add3A_1461, %add3A_1464, %add3A_1467 : vector<16xf32>, vector<16xf32>, vector<16xf32>, vector<16xf32>, vector<16xf32>, vector<16xf32>, vector<16xf32>, vector<16xf32>, vector<16xf32>, vector<16xf32>, vector<16xf32>, vector<16xf32>, vector<16xf32>, vector<16xf32>, vector<16xf32>, vector<16xf32>, vector<16xf32>, vector<16xf32>, vector<16xf32>, vector<16xf32>, vector<16xf32>, vector<16xf32>, vector<16xf32>, vector<16xf32>, vector<16xf32>, vector<16xf32>, vector<16xf32>, vector<16xf32>, vector<16xf32>, vector<16xf32>, vector<16xf32>, vector<16xf32>, vector<16xf32>, vector<16xf32>, vector<16xf32>, vector<16xf32>, vector<16xf32>, vector<16xf32>, vector<16xf32>, vector<16xf32>, vector<16xf32>, vector<16xf32>, vector<16xf32>, vector<16xf32>, vector<16xf32>
        }
        %scan3A_290 = arith.constant 32 : i32
        %broadcast_in_dim3A_291 = arith.constant 0.000000e+00 : f32
        %broadcast_in_dim3A_292 = vector.broadcast %broadcast_in_dim3A_291 : f32 to vector<16xf32>
        %broadcast_in_dim3A_293 = arith.constant 0.000000e+00 : f32
        %broadcast_in_dim3A_294 = vector.broadcast %broadcast_in_dim3A_293 : f32 to vector<16xf32>
        %broadcast_in_dim3A_295 = arith.constant 0.000000e+00 : f32
        %broadcast_in_dim3A_296 = vector.broadcast %broadcast_in_dim3A_295 : f32 to vector<16xf32>
        %broadcast_in_dim3A_297 = arith.constant 0.000000e+00 : f32
        %broadcast_in_dim3A_298 = vector.broadcast %broadcast_in_dim3A_297 : f32 to vector<16xf32>
        %broadcast_in_dim3A_299 = arith.constant 0.000000e+00 : f32
        %broadcast_in_dim3A_300 = vector.broadcast %broadcast_in_dim3A_299 : f32 to vector<16xf32>
        %broadcast_in_dim3A_301 = arith.constant 0.000000e+00 : f32
        %broadcast_in_dim3A_302 = vector.broadcast %broadcast_in_dim3A_301 : f32 to vector<16xf32>
        %broadcast_in_dim3A_303 = arith.constant 0.000000e+00 : f32
        %broadcast_in_dim3A_304 = vector.broadcast %broadcast_in_dim3A_303 : f32 to vector<16xf32>
        %broadcast_in_dim3A_305 = arith.constant 0.000000e+00 : f32
        %broadcast_in_dim3A_306 = vector.broadcast %broadcast_in_dim3A_305 : f32 to vector<16xf32>
        %broadcast_in_dim3A_307 = arith.constant 0.000000e+00 : f32
        %broadcast_in_dim3A_308 = vector.broadcast %broadcast_in_dim3A_307 : f32 to vector<16xf32>
        %broadcast_in_dim3A_309 = arith.constant 0.000000e+00 : f32
        %broadcast_in_dim3A_310 = vector.broadcast %broadcast_in_dim3A_309 : f32 to vector<16xf32>
        %broadcast_in_dim3A_311 = arith.constant 0.000000e+00 : f32
        %broadcast_in_dim3A_312 = vector.broadcast %broadcast_in_dim3A_311 : f32 to vector<16xf32>
        %broadcast_in_dim3A_313 = arith.constant 0.000000e+00 : f32
        %broadcast_in_dim3A_314 = vector.broadcast %broadcast_in_dim3A_313 : f32 to vector<16xf32>
        %broadcast_in_dim3A_315 = arith.constant 0.000000e+00 : f32
        %broadcast_in_dim3A_316 = vector.broadcast %broadcast_in_dim3A_315 : f32 to vector<16xf32>
        %broadcast_in_dim3A_317 = arith.constant 0.000000e+00 : f32
        %broadcast_in_dim3A_318 = vector.broadcast %broadcast_in_dim3A_317 : f32 to vector<16xf32>
        %broadcast_in_dim3A_319 = arith.constant 0.000000e+00 : f32
        %broadcast_in_dim3A_320 = vector.broadcast %broadcast_in_dim3A_319 : f32 to vector<16xf32>
        %broadcast_in_dim3A_321 = arith.constant 0.000000e+00 : f32
        %broadcast_in_dim3A_322 = vector.broadcast %broadcast_in_dim3A_321 : f32 to vector<16xf32>
        %broadcast_in_dim3A_323 = arith.constant 0.000000e+00 : f32
        %broadcast_in_dim3A_324 = vector.broadcast %broadcast_in_dim3A_323 : f32 to vector<16xf32>
        %broadcast_in_dim3A_325 = arith.constant 0.000000e+00 : f32
        %broadcast_in_dim3A_326 = vector.broadcast %broadcast_in_dim3A_325 : f32 to vector<16xf32>
        %broadcast_in_dim3A_327 = arith.constant 0.000000e+00 : f32
        %broadcast_in_dim3A_328 = vector.broadcast %broadcast_in_dim3A_327 : f32 to vector<16xf32>
        %broadcast_in_dim3A_329 = arith.constant 0.000000e+00 : f32
        %broadcast_in_dim3A_330 = vector.broadcast %broadcast_in_dim3A_329 : f32 to vector<16xf32>
        %broadcast_in_dim3A_331 = arith.constant 0.000000e+00 : f32
        %broadcast_in_dim3A_332 = vector.broadcast %broadcast_in_dim3A_331 : f32 to vector<16xf32>
        %broadcast_in_dim3A_333 = arith.constant 0.000000e+00 : f32
        %broadcast_in_dim3A_334 = vector.broadcast %broadcast_in_dim3A_333 : f32 to vector<16xf32>
        %broadcast_in_dim3A_335 = arith.constant 0.000000e+00 : f32
        %broadcast_in_dim3A_336 = vector.broadcast %broadcast_in_dim3A_335 : f32 to vector<16xf32>
        %broadcast_in_dim3A_337 = arith.constant 0.000000e+00 : f32
        %broadcast_in_dim3A_338 = vector.broadcast %broadcast_in_dim3A_337 : f32 to vector<16xf32>
        %broadcast_in_dim3A_339 = arith.constant 0.000000e+00 : f32
        %broadcast_in_dim3A_340 = vector.broadcast %broadcast_in_dim3A_339 : f32 to vector<16xf32>
        %broadcast_in_dim3A_341 = arith.constant 0.000000e+00 : f32
        %broadcast_in_dim3A_342 = vector.broadcast %broadcast_in_dim3A_341 : f32 to vector<16xf32>
        %broadcast_in_dim3A_343 = arith.constant 0.000000e+00 : f32
        %broadcast_in_dim3A_344 = vector.broadcast %broadcast_in_dim3A_343 : f32 to vector<16xf32>
        %broadcast_in_dim3A_345 = arith.constant 0.000000e+00 : f32
        %broadcast_in_dim3A_346 = vector.broadcast %broadcast_in_dim3A_345 : f32 to vector<16xf32>
        %broadcast_in_dim3A_347 = arith.constant 0.000000e+00 : f32
        %broadcast_in_dim3A_348 = vector.broadcast %broadcast_in_dim3A_347 : f32 to vector<16xf32>
        %broadcast_in_dim3A_349 = arith.constant 0.000000e+00 : f32
        %broadcast_in_dim3A_350 = vector.broadcast %broadcast_in_dim3A_349 : f32 to vector<16xf32>
        %broadcast_in_dim3A_351 = arith.constant 0.000000e+00 : f32
        %broadcast_in_dim3A_352 = vector.broadcast %broadcast_in_dim3A_351 : f32 to vector<16xf32>
        %broadcast_in_dim3A_353 = arith.constant 0.000000e+00 : f32
        %broadcast_in_dim3A_354 = vector.broadcast %broadcast_in_dim3A_353 : f32 to vector<16xf32>
        %broadcast_in_dim3A_355 = arith.constant 0.000000e+00 : f32
        %broadcast_in_dim3A_356 = vector.broadcast %broadcast_in_dim3A_355 : f32 to vector<16xf32>
        %broadcast_in_dim3A_357 = arith.constant 0.000000e+00 : f32
        %broadcast_in_dim3A_358 = vector.broadcast %broadcast_in_dim3A_357 : f32 to vector<16xf32>
        %broadcast_in_dim3A_359 = arith.constant 0.000000e+00 : f32
        %broadcast_in_dim3A_360 = vector.broadcast %broadcast_in_dim3A_359 : f32 to vector<16xf32>
        %broadcast_in_dim3A_361 = arith.constant 0.000000e+00 : f32
        %broadcast_in_dim3A_362 = vector.broadcast %broadcast_in_dim3A_361 : f32 to vector<16xf32>
        %broadcast_in_dim3A_363 = arith.constant 0.000000e+00 : f32
        %broadcast_in_dim3A_364 = vector.broadcast %broadcast_in_dim3A_363 : f32 to vector<16xf32>
        %broadcast_in_dim3A_365 = arith.constant 0.000000e+00 : f32
        %broadcast_in_dim3A_366 = vector.broadcast %broadcast_in_dim3A_365 : f32 to vector<16xf32>
        %broadcast_in_dim3A_367 = arith.constant 0.000000e+00 : f32
        %broadcast_in_dim3A_368 = vector.broadcast %broadcast_in_dim3A_367 : f32 to vector<16xf32>
        %broadcast_in_dim3A_369 = arith.constant 0.000000e+00 : f32
        %broadcast_in_dim3A_370 = vector.broadcast %broadcast_in_dim3A_369 : f32 to vector<16xf32>
        %broadcast_in_dim3A_371 = arith.constant 0.000000e+00 : f32
        %broadcast_in_dim3A_372 = vector.broadcast %broadcast_in_dim3A_371 : f32 to vector<16xf32>
        %broadcast_in_dim3A_373 = arith.constant 0.000000e+00 : f32
        %broadcast_in_dim3A_374 = vector.broadcast %broadcast_in_dim3A_373 : f32 to vector<16xf32>
        %broadcast_in_dim3A_375 = arith.constant 0.000000e+00 : f32
        %broadcast_in_dim3A_376 = vector.broadcast %broadcast_in_dim3A_375 : f32 to vector<16xf32>
        %broadcast_in_dim3A_377 = arith.constant 0.000000e+00 : f32
        %broadcast_in_dim3A_378 = vector.broadcast %broadcast_in_dim3A_377 : f32 to vector<16xf32>
        %broadcast_in_dim3A_379 = arith.constant 0.000000e+00 : f32
        %broadcast_in_dim3A_380 = vector.broadcast %broadcast_in_dim3A_379 : f32 to vector<16xf32>
        %scan3A_381 = arith.constant 0 : i32
        %scan3A_382 = arith.constant 32 : i32
        %scan3A_383 = arith.addi %scan3A_381, %scan3A_382 : i32
        %scan3A_384 = arith.constant 1 : i32
        %scan3A_385:45 = scf.for %scan3A_1268 = %scan3A_381 to %scan3A_383 step %scan3A_384 iter_args(%scan3A_1269 = %broadcast_in_dim3A_292, %scan3A_1270 = %broadcast_in_dim3A_294, %scan3A_1271 = %broadcast_in_dim3A_296, %scan3A_1272 = %broadcast_in_dim3A_298, %scan3A_1273 = %broadcast_in_dim3A_300, %scan3A_1274 = %broadcast_in_dim3A_302, %scan3A_1275 = %broadcast_in_dim3A_304, %scan3A_1276 = %broadcast_in_dim3A_306, %scan3A_1277 = %broadcast_in_dim3A_308, %scan3A_1278 = %broadcast_in_dim3A_310, %scan3A_1279 = %broadcast_in_dim3A_312, %scan3A_1280 = %broadcast_in_dim3A_314, %scan3A_1281 = %broadcast_in_dim3A_316, %scan3A_1282 = %broadcast_in_dim3A_318, %scan3A_1283 = %broadcast_in_dim3A_320, %scan3A_1284 = %broadcast_in_dim3A_322, %scan3A_1285 = %broadcast_in_dim3A_324, %scan3A_1286 = %broadcast_in_dim3A_326, %scan3A_1287 = %broadcast_in_dim3A_328, %scan3A_1288 = %broadcast_in_dim3A_330, %scan3A_1289 = %broadcast_in_dim3A_332, %scan3A_1290 = %broadcast_in_dim3A_334, %scan3A_1291 = %broadcast_in_dim3A_336, %scan3A_1292 = %broadcast_in_dim3A_338, %scan3A_1293 = %broadcast_in_dim3A_340, %scan3A_1294 = %broadcast_in_dim3A_342, %scan3A_1295 = %broadcast_in_dim3A_344, %scan3A_1296 = %broadcast_in_dim3A_346, %scan3A_1297 = %broadcast_in_dim3A_348, %scan3A_1298 = %broadcast_in_dim3A_350, %scan3A_1299 = %broadcast_in_dim3A_352, %scan3A_1300 = %broadcast_in_dim3A_354, %scan3A_1301 = %broadcast_in_dim3A_356, %scan3A_1302 = %broadcast_in_dim3A_358, %scan3A_1303 = %broadcast_in_dim3A_360, %scan3A_1304 = %broadcast_in_dim3A_362, %scan3A_1305 = %broadcast_in_dim3A_364, %scan3A_1306 = %broadcast_in_dim3A_366, %scan3A_1307 = %broadcast_in_dim3A_368, %scan3A_1308 = %broadcast_in_dim3A_370, %scan3A_1309 = %broadcast_in_dim3A_372, %scan3A_1310 = %broadcast_in_dim3A_374, %scan3A_1311 = %broadcast_in_dim3A_376, %scan3A_1312 = %broadcast_in_dim3A_378, %scan3A_1313 = %broadcast_in_dim3A_380) -> (vector<16xf32>, vector<16xf32>, vector<16xf32>, vector<16xf32>, vector<16xf32>, vector<16xf32>, vector<16xf32>, vector<16xf32>, vector<16xf32>, vector<16xf32>, vector<16xf32>, vector<16xf32>, vector<16xf32>, vector<16xf32>, vector<16xf32>, vector<16xf32>, vector<16xf32>, vector<16xf32>, vector<16xf32>, vector<16xf32>, vector<16xf32>, vector<16xf32>, vector<16xf32>, vector<16xf32>, vector<16xf32>, vector<16xf32>, vector<16xf32>, vector<16xf32>, vector<16xf32>, vector<16xf32>, vector<16xf32>, vector<16xf32>, vector<16xf32>, vector<16xf32>, vector<16xf32>, vector<16xf32>, vector<16xf32>, vector<16xf32>, vector<16xf32>, vector<16xf32>, vector<16xf32>, vector<16xf32>, vector<16xf32>, vector<16xf32>, vector<16xf32>)  : i32 {
          %mul3A_1314 = arith.constant 16 : i32
          %mul3A_1315 = arith.muli %scan3A_1268, %mul3A_1314 : i32
          %get3A_1316 = arith.index_cast %mul3A_1315 : i32 to index
          %get3A_1317 = tpu.vector_load %arg9[%get3A_1316] {strides = array<i32>} : memref<512xf32, #tpu.memory_space<vmem>>, vector<16xf32>,
          %slice3A = vector.extract_strided_slice %get3A_1317 {offsets = [0], sizes = [1], strides = [1]} : vector<16xf32> to vector<1xf32>
          %squeeze3A = vector.extract %slice3A[0] : f32 from vector<1xf32>
          %slice3A_1318 = vector.extract_strided_slice %get3A_1317 {offsets = [1], sizes = [1], strides = [1]} : vector<16xf32> to vector<1xf32>
          %squeeze3A_1319 = vector.extract %slice3A_1318[0] : f32 from vector<1xf32>
          %slice3A_1320 = vector.extract_strided_slice %get3A_1317 {offsets = [2], sizes = [1], strides = [1]} : vector<16xf32> to vector<1xf32>
          %squeeze3A_1321 = vector.extract %slice3A_1320[0] : f32 from vector<1xf32>
          %slice3A_1322 = vector.extract_strided_slice %get3A_1317 {offsets = [3], sizes = [1], strides = [1]} : vector<16xf32> to vector<1xf32>
          %squeeze3A_1323 = vector.extract %slice3A_1322[0] : f32 from vector<1xf32>
          %get3A_1324 = arith.constant 0 : i32
          %get3A_1325 = arith.index_cast %get3A_1324 : i32 to index
          %get3A_1326 = arith.index_cast %scan3A_1268 : i32 to index
          %get3A_1327 = arith.constant 48 : index
          %get3A_1328 = tpu.vector_load %arg8[%get3A_1325, %get3A_1326, %get3A_1327] {strides = array<i32>} : memref<2x32x128xf32, #tpu.memory_space<vmem>>, vector<16xf32>,
          %mul3A_1329 = vector.broadcast %squeeze3A : f32 to vector<16xf32>
          %mul3A_1330 = arith.mulf %get3A_1328, %mul3A_1329 : vector<16xf32>
          %mul3A_1331 = vector.broadcast %squeeze3A_1319 : f32 to vector<16xf32>
          %mul3A_1332 = arith.mulf %get3A_1328, %mul3A_1331 : vector<16xf32>
          %mul3A_1333 = vector.broadcast %squeeze3A_1321 : f32 to vector<16xf32>
          %mul3A_1334 = arith.mulf %get3A_1328, %mul3A_1333 : vector<16xf32>
          %mul3A_1335 = vector.broadcast %squeeze3A_1323 : f32 to vector<16xf32>
          %mul3A_1336 = arith.mulf %get3A_1328, %mul3A_1335 : vector<16xf32>
          %add3A_1337 = arith.addf %scan3A_1269, %get3A_1328 : vector<16xf32>
          %add3A_1338 = arith.addf %scan3A_1270, %mul3A_1330 : vector<16xf32>
          %add3A_1339 = arith.addf %scan3A_1271, %mul3A_1332 : vector<16xf32>
          %add3A_1340 = arith.addf %scan3A_1272, %mul3A_1334 : vector<16xf32>
          %add3A_1341 = arith.addf %scan3A_1273, %mul3A_1336 : vector<16xf32>
          %mul3A_1342 = vector.broadcast %squeeze3A : f32 to vector<16xf32>
          %mul3A_1343 = arith.mulf %mul3A_1330, %mul3A_1342 : vector<16xf32>
          %add3A_1344 = arith.addf %scan3A_1274, %mul3A_1343 : vector<16xf32>
          %mul3A_1345 = vector.broadcast %squeeze3A_1319 : f32 to vector<16xf32>
          %mul3A_1346 = arith.mulf %mul3A_1330, %mul3A_1345 : vector<16xf32>
          %add3A_1347 = arith.addf %scan3A_1275, %mul3A_1346 : vector<16xf32>
          %mul3A_1348 = vector.broadcast %squeeze3A_1319 : f32 to vector<16xf32>
          %mul3A_1349 = arith.mulf %mul3A_1332, %mul3A_1348 : vector<16xf32>
          %add3A_1350 = arith.addf %scan3A_1276, %mul3A_1349 : vector<16xf32>
          %mul3A_1351 = vector.broadcast %squeeze3A_1321 : f32 to vector<16xf32>
          %mul3A_1352 = arith.mulf %mul3A_1330, %mul3A_1351 : vector<16xf32>
          %add3A_1353 = arith.addf %scan3A_1277, %mul3A_1352 : vector<16xf32>
          %mul3A_1354 = vector.broadcast %squeeze3A_1321 : f32 to vector<16xf32>
          %mul3A_1355 = arith.mulf %mul3A_1332, %mul3A_1354 : vector<16xf32>
          %add3A_1356 = arith.addf %scan3A_1278, %mul3A_1355 : vector<16xf32>
          %mul3A_1357 = vector.broadcast %squeeze3A_1321 : f32 to vector<16xf32>
          %mul3A_1358 = arith.mulf %mul3A_1334, %mul3A_1357 : vector<16xf32>
          %add3A_1359 = arith.addf %scan3A_1279, %mul3A_1358 : vector<16xf32>
          %mul3A_1360 = vector.broadcast %squeeze3A_1323 : f32 to vector<16xf32>
          %mul3A_1361 = arith.mulf %mul3A_1330, %mul3A_1360 : vector<16xf32>
          %add3A_1362 = arith.addf %scan3A_1280, %mul3A_1361 : vector<16xf32>
          %mul3A_1363 = vector.broadcast %squeeze3A_1323 : f32 to vector<16xf32>
          %mul3A_1364 = arith.mulf %mul3A_1332, %mul3A_1363 : vector<16xf32>
          %add3A_1365 = arith.addf %scan3A_1281, %mul3A_1364 : vector<16xf32>
          %mul3A_1366 = vector.broadcast %squeeze3A_1323 : f32 to vector<16xf32>
          %mul3A_1367 = arith.mulf %mul3A_1334, %mul3A_1366 : vector<16xf32>
          %add3A_1368 = arith.addf %scan3A_1282, %mul3A_1367 : vector<16xf32>
          %mul3A_1369 = vector.broadcast %squeeze3A_1323 : f32 to vector<16xf32>
          %mul3A_1370 = arith.mulf %mul3A_1336, %mul3A_1369 : vector<16xf32>
          %add3A_1371 = arith.addf %scan3A_1283, %mul3A_1370 : vector<16xf32>
          %get3A_1372 = arith.constant 0 : i32
          %get3A_1373 = arith.index_cast %get3A_1372 : i32 to index
          %get3A_1374 = arith.index_cast %scan3A_1268 : i32 to index
          %get3A_1375 = arith.constant 64 : index
          %get3A_1376 = tpu.vector_load %arg8[%get3A_1373, %get3A_1374, %get3A_1375] {strides = array<i32>} : memref<2x32x128xf32, #tpu.memory_space<vmem>>, vector<16xf32>,
          %mul3A_1377 = vector.broadcast %squeeze3A : f32 to vector<16xf32>
          %mul3A_1378 = arith.mulf %get3A_1376, %mul3A_1377 : vector<16xf32>
          %mul3A_1379 = vector.broadcast %squeeze3A_1319 : f32 to vector<16xf32>
          %mul3A_1380 = arith.mulf %get3A_1376, %mul3A_1379 : vector<16xf32>
          %mul3A_1381 = vector.broadcast %squeeze3A_1321 : f32 to vector<16xf32>
          %mul3A_1382 = arith.mulf %get3A_1376, %mul3A_1381 : vector<16xf32>
          %mul3A_1383 = vector.broadcast %squeeze3A_1323 : f32 to vector<16xf32>
          %mul3A_1384 = arith.mulf %get3A_1376, %mul3A_1383 : vector<16xf32>
          %add3A_1385 = arith.addf %scan3A_1284, %get3A_1376 : vector<16xf32>
          %add3A_1386 = arith.addf %scan3A_1285, %mul3A_1378 : vector<16xf32>
          %add3A_1387 = arith.addf %scan3A_1286, %mul3A_1380 : vector<16xf32>
          %add3A_1388 = arith.addf %scan3A_1287, %mul3A_1382 : vector<16xf32>
          %add3A_1389 = arith.addf %scan3A_1288, %mul3A_1384 : vector<16xf32>
          %mul3A_1390 = vector.broadcast %squeeze3A : f32 to vector<16xf32>
          %mul3A_1391 = arith.mulf %mul3A_1378, %mul3A_1390 : vector<16xf32>
          %add3A_1392 = arith.addf %scan3A_1289, %mul3A_1391 : vector<16xf32>
          %mul3A_1393 = vector.broadcast %squeeze3A_1319 : f32 to vector<16xf32>
          %mul3A_1394 = arith.mulf %mul3A_1378, %mul3A_1393 : vector<16xf32>
          %add3A_1395 = arith.addf %scan3A_1290, %mul3A_1394 : vector<16xf32>
          %mul3A_1396 = vector.broadcast %squeeze3A_1319 : f32 to vector<16xf32>
          %mul3A_1397 = arith.mulf %mul3A_1380, %mul3A_1396 : vector<16xf32>
          %add3A_1398 = arith.addf %scan3A_1291, %mul3A_1397 : vector<16xf32>
          %mul3A_1399 = vector.broadcast %squeeze3A_1321 : f32 to vector<16xf32>
          %mul3A_1400 = arith.mulf %mul3A_1378, %mul3A_1399 : vector<16xf32>
          %add3A_1401 = arith.addf %scan3A_1292, %mul3A_1400 : vector<16xf32>
          %mul3A_1402 = vector.broadcast %squeeze3A_1321 : f32 to vector<16xf32>
          %mul3A_1403 = arith.mulf %mul3A_1380, %mul3A_1402 : vector<16xf32>
          %add3A_1404 = arith.addf %scan3A_1293, %mul3A_1403 : vector<16xf32>
          %mul3A_1405 = vector.broadcast %squeeze3A_1321 : f32 to vector<16xf32>
          %mul3A_1406 = arith.mulf %mul3A_1382, %mul3A_1405 : vector<16xf32>
          %add3A_1407 = arith.addf %scan3A_1294, %mul3A_1406 : vector<16xf32>
          %mul3A_1408 = vector.broadcast %squeeze3A_1323 : f32 to vector<16xf32>
          %mul3A_1409 = arith.mulf %mul3A_1378, %mul3A_1408 : vector<16xf32>
          %add3A_1410 = arith.addf %scan3A_1295, %mul3A_1409 : vector<16xf32>
          %mul3A_1411 = vector.broadcast %squeeze3A_1323 : f32 to vector<16xf32>
          %mul3A_1412 = arith.mulf %mul3A_1380, %mul3A_1411 : vector<16xf32>
          %add3A_1413 = arith.addf %scan3A_1296, %mul3A_1412 : vector<16xf32>
          %mul3A_1414 = vector.broadcast %squeeze3A_1323 : f32 to vector<16xf32>
          %mul3A_1415 = arith.mulf %mul3A_1382, %mul3A_1414 : vector<16xf32>
          %add3A_1416 = arith.addf %scan3A_1297, %mul3A_1415 : vector<16xf32>
          %mul3A_1417 = vector.broadcast %squeeze3A_1323 : f32 to vector<16xf32>
          %mul3A_1418 = arith.mulf %mul3A_1384, %mul3A_1417 : vector<16xf32>
          %add3A_1419 = arith.addf %scan3A_1298, %mul3A_1418 : vector<16xf32>
          %get3A_1420 = arith.constant 0 : i32
          %get3A_1421 = arith.index_cast %get3A_1420 : i32 to index
          %get3A_1422 = arith.index_cast %scan3A_1268 : i32 to index
          %get3A_1423 = arith.constant 80 : index
          %get3A_1424 = tpu.vector_load %arg8[%get3A_1421, %get3A_1422, %get3A_1423] {strides = array<i32>} : memref<2x32x128xf32, #tpu.memory_space<vmem>>, vector<16xf32>,
          %mul3A_1425 = vector.broadcast %squeeze3A : f32 to vector<16xf32>
          %mul3A_1426 = arith.mulf %get3A_1424, %mul3A_1425 : vector<16xf32>
          %mul3A_1427 = vector.broadcast %squeeze3A_1319 : f32 to vector<16xf32>
          %mul3A_1428 = arith.mulf %get3A_1424, %mul3A_1427 : vector<16xf32>
          %mul3A_1429 = vector.broadcast %squeeze3A_1321 : f32 to vector<16xf32>
          %mul3A_1430 = arith.mulf %get3A_1424, %mul3A_1429 : vector<16xf32>
          %mul3A_1431 = vector.broadcast %squeeze3A_1323 : f32 to vector<16xf32>
          %mul3A_1432 = arith.mulf %get3A_1424, %mul3A_1431 : vector<16xf32>
          %add3A_1433 = arith.addf %scan3A_1299, %get3A_1424 : vector<16xf32>
          %add3A_1434 = arith.addf %scan3A_1300, %mul3A_1426 : vector<16xf32>
          %add3A_1435 = arith.addf %scan3A_1301, %mul3A_1428 : vector<16xf32>
          %add3A_1436 = arith.addf %scan3A_1302, %mul3A_1430 : vector<16xf32>
          %add3A_1437 = arith.addf %scan3A_1303, %mul3A_1432 : vector<16xf32>
          %mul3A_1438 = vector.broadcast %squeeze3A : f32 to vector<16xf32>
          %mul3A_1439 = arith.mulf %mul3A_1426, %mul3A_1438 : vector<16xf32>
          %add3A_1440 = arith.addf %scan3A_1304, %mul3A_1439 : vector<16xf32>
          %mul3A_1441 = vector.broadcast %squeeze3A_1319 : f32 to vector<16xf32>
          %mul3A_1442 = arith.mulf %mul3A_1426, %mul3A_1441 : vector<16xf32>
          %add3A_1443 = arith.addf %scan3A_1305, %mul3A_1442 : vector<16xf32>
          %mul3A_1444 = vector.broadcast %squeeze3A_1319 : f32 to vector<16xf32>
          %mul3A_1445 = arith.mulf %mul3A_1428, %mul3A_1444 : vector<16xf32>
          %add3A_1446 = arith.addf %scan3A_1306, %mul3A_1445 : vector<16xf32>
          %mul3A_1447 = vector.broadcast %squeeze3A_1321 : f32 to vector<16xf32>
          %mul3A_1448 = arith.mulf %mul3A_1426, %mul3A_1447 : vector<16xf32>
          %add3A_1449 = arith.addf %scan3A_1307, %mul3A_1448 : vector<16xf32>
          %mul3A_1450 = vector.broadcast %squeeze3A_1321 : f32 to vector<16xf32>
          %mul3A_1451 = arith.mulf %mul3A_1428, %mul3A_1450 : vector<16xf32>
          %add3A_1452 = arith.addf %scan3A_1308, %mul3A_1451 : vector<16xf32>
          %mul3A_1453 = vector.broadcast %squeeze3A_1321 : f32 to vector<16xf32>
          %mul3A_1454 = arith.mulf %mul3A_1430, %mul3A_1453 : vector<16xf32>
          %add3A_1455 = arith.addf %scan3A_1309, %mul3A_1454 : vector<16xf32>
          %mul3A_1456 = vector.broadcast %squeeze3A_1323 : f32 to vector<16xf32>
          %mul3A_1457 = arith.mulf %mul3A_1426, %mul3A_1456 : vector<16xf32>
          %add3A_1458 = arith.addf %scan3A_1310, %mul3A_1457 : vector<16xf32>
          %mul3A_1459 = vector.broadcast %squeeze3A_1323 : f32 to vector<16xf32>
          %mul3A_1460 = arith.mulf %mul3A_1428, %mul3A_1459 : vector<16xf32>
          %add3A_1461 = arith.addf %scan3A_1311, %mul3A_1460 : vector<16xf32>
          %mul3A_1462 = vector.broadcast %squeeze3A_1323 : f32 to vector<16xf32>
          %mul3A_1463 = arith.mulf %mul3A_1430, %mul3A_1462 : vector<16xf32>
          %add3A_1464 = arith.addf %scan3A_1312, %mul3A_1463 : vector<16xf32>
          %mul3A_1465 = vector.broadcast %squeeze3A_1323 : f32 to vector<16xf32>
          %mul3A_1466 = arith.mulf %mul3A_1432, %mul3A_1465 : vector<16xf32>
          %add3A_1467 = arith.addf %scan3A_1313, %mul3A_1466 : vector<16xf32>
          scf.yield %add3A_1337, %add3A_1338, %add3A_1339, %add3A_1340, %add3A_1341, %add3A_1344, %add3A_1347, %add3A_1350, %add3A_1353, %add3A_1356, %add3A_1359, %add3A_1362, %add3A_1365, %add3A_1368, %add3A_1371, %add3A_1385, %add3A_1386, %add3A_1387, %add3A_1388, %add3A_1389, %add3A_1392, %add3A_1395, %add3A_1398, %add3A_1401, %add3A_1404, %add3A_1407, %add3A_1410, %add3A_1413, %add3A_1416, %add3A_1419, %add3A_1433, %add3A_1434, %add3A_1435, %add3A_1436, %add3A_1437, %add3A_1440, %add3A_1443, %add3A_1446, %add3A_1449, %add3A_1452, %add3A_1455, %add3A_1458, %add3A_1461, %add3A_1464, %add3A_1467 : vector<16xf32>, vector<16xf32>, vector<16xf32>, vector<16xf32>, vector<16xf32>, vector<16xf32>, vector<16xf32>, vector<16xf32>, vector<16xf32>, vector<16xf32>, vector<16xf32>, vector<16xf32>, vector<16xf32>, vector<16xf32>, vector<16xf32>, vector<16xf32>, vector<16xf32>, vector<16xf32>, vector<16xf32>, vector<16xf32>, vector<16xf32>, vector<16xf32>, vector<16xf32>, vector<16xf32>, vector<16xf32>, vector<16xf32>, vector<16xf32>, vector<16xf32>, vector<16xf32>, vector<16xf32>, vector<16xf32>, vector<16xf32>, vector<16xf32>, vector<16xf32>, vector<16xf32>, vector<16xf32>, vector<16xf32>, vector<16xf32>, vector<16xf32>, vector<16xf32>, vector<16xf32>, vector<16xf32>, vector<16xf32>, vector<16xf32>, vector<16xf32>
        }
        %scan3A_386 = arith.constant 32 : i32
        %broadcast_in_dim3A_387 = arith.constant 0.000000e+00 : f32
        %broadcast_in_dim3A_388 = vector.broadcast %broadcast_in_dim3A_387 : f32 to vector<16xf32>
        %broadcast_in_dim3A_389 = arith.constant 0.000000e+00 : f32
        %broadcast_in_dim3A_390 = vector.broadcast %broadcast_in_dim3A_389 : f32 to vector<16xf32>
        %broadcast_in_dim3A_391 = arith.constant 0.000000e+00 : f32
        %broadcast_in_dim3A_392 = vector.broadcast %broadcast_in_dim3A_391 : f32 to vector<16xf32>
        %broadcast_in_dim3A_393 = arith.constant 0.000000e+00 : f32
        %broadcast_in_dim3A_394 = vector.broadcast %broadcast_in_dim3A_393 : f32 to vector<16xf32>
        %broadcast_in_dim3A_395 = arith.constant 0.000000e+00 : f32
        %broadcast_in_dim3A_396 = vector.broadcast %broadcast_in_dim3A_395 : f32 to vector<16xf32>
        %broadcast_in_dim3A_397 = arith.constant 0.000000e+00 : f32
        %broadcast_in_dim3A_398 = vector.broadcast %broadcast_in_dim3A_397 : f32 to vector<16xf32>
        %broadcast_in_dim3A_399 = arith.constant 0.000000e+00 : f32
        %broadcast_in_dim3A_400 = vector.broadcast %broadcast_in_dim3A_399 : f32 to vector<16xf32>
        %broadcast_in_dim3A_401 = arith.constant 0.000000e+00 : f32
        %broadcast_in_dim3A_402 = vector.broadcast %broadcast_in_dim3A_401 : f32 to vector<16xf32>
        %broadcast_in_dim3A_403 = arith.constant 0.000000e+00 : f32
        %broadcast_in_dim3A_404 = vector.broadcast %broadcast_in_dim3A_403 : f32 to vector<16xf32>
        %broadcast_in_dim3A_405 = arith.constant 0.000000e+00 : f32
        %broadcast_in_dim3A_406 = vector.broadcast %broadcast_in_dim3A_405 : f32 to vector<16xf32>
        %broadcast_in_dim3A_407 = arith.constant 0.000000e+00 : f32
        %broadcast_in_dim3A_408 = vector.broadcast %broadcast_in_dim3A_407 : f32 to vector<16xf32>
        %broadcast_in_dim3A_409 = arith.constant 0.000000e+00 : f32
        %broadcast_in_dim3A_410 = vector.broadcast %broadcast_in_dim3A_409 : f32 to vector<16xf32>
        %broadcast_in_dim3A_411 = arith.constant 0.000000e+00 : f32
        %broadcast_in_dim3A_412 = vector.broadcast %broadcast_in_dim3A_411 : f32 to vector<16xf32>
        %broadcast_in_dim3A_413 = arith.constant 0.000000e+00 : f32
        %broadcast_in_dim3A_414 = vector.broadcast %broadcast_in_dim3A_413 : f32 to vector<16xf32>
        %broadcast_in_dim3A_415 = arith.constant 0.000000e+00 : f32
        %broadcast_in_dim3A_416 = vector.broadcast %broadcast_in_dim3A_415 : f32 to vector<16xf32>
        %broadcast_in_dim3A_417 = arith.constant 0.000000e+00 : f32
        %broadcast_in_dim3A_418 = vector.broadcast %broadcast_in_dim3A_417 : f32 to vector<16xf32>
        %broadcast_in_dim3A_419 = arith.constant 0.000000e+00 : f32
        %broadcast_in_dim3A_420 = vector.broadcast %broadcast_in_dim3A_419 : f32 to vector<16xf32>
        %broadcast_in_dim3A_421 = arith.constant 0.000000e+00 : f32
        %broadcast_in_dim3A_422 = vector.broadcast %broadcast_in_dim3A_421 : f32 to vector<16xf32>
        %broadcast_in_dim3A_423 = arith.constant 0.000000e+00 : f32
        %broadcast_in_dim3A_424 = vector.broadcast %broadcast_in_dim3A_423 : f32 to vector<16xf32>
        %broadcast_in_dim3A_425 = arith.constant 0.000000e+00 : f32
        %broadcast_in_dim3A_426 = vector.broadcast %broadcast_in_dim3A_425 : f32 to vector<16xf32>
        %broadcast_in_dim3A_427 = arith.constant 0.000000e+00 : f32
        %broadcast_in_dim3A_428 = vector.broadcast %broadcast_in_dim3A_427 : f32 to vector<16xf32>
        %broadcast_in_dim3A_429 = arith.constant 0.000000e+00 : f32
        %broadcast_in_dim3A_430 = vector.broadcast %broadcast_in_dim3A_429 : f32 to vector<16xf32>
        %broadcast_in_dim3A_431 = arith.constant 0.000000e+00 : f32
        %broadcast_in_dim3A_432 = vector.broadcast %broadcast_in_dim3A_431 : f32 to vector<16xf32>
        %broadcast_in_dim3A_433 = arith.constant 0.000000e+00 : f32
        %broadcast_in_dim3A_434 = vector.broadcast %broadcast_in_dim3A_433 : f32 to vector<16xf32>
        %broadcast_in_dim3A_435 = arith.constant 0.000000e+00 : f32
        %broadcast_in_dim3A_436 = vector.broadcast %broadcast_in_dim3A_435 : f32 to vector<16xf32>
        %broadcast_in_dim3A_437 = arith.constant 0.000000e+00 : f32
        %broadcast_in_dim3A_438 = vector.broadcast %broadcast_in_dim3A_437 : f32 to vector<16xf32>
        %broadcast_in_dim3A_439 = arith.constant 0.000000e+00 : f32
        %broadcast_in_dim3A_440 = vector.broadcast %broadcast_in_dim3A_439 : f32 to vector<16xf32>
        %broadcast_in_dim3A_441 = arith.constant 0.000000e+00 : f32
        %broadcast_in_dim3A_442 = vector.broadcast %broadcast_in_dim3A_441 : f32 to vector<16xf32>
        %broadcast_in_dim3A_443 = arith.constant 0.000000e+00 : f32
        %broadcast_in_dim3A_444 = vector.broadcast %broadcast_in_dim3A_443 : f32 to vector<16xf32>
        %broadcast_in_dim3A_445 = arith.constant 0.000000e+00 : f32
        %broadcast_in_dim3A_446 = vector.broadcast %broadcast_in_dim3A_445 : f32 to vector<16xf32>
        %scan3A_447 = arith.constant 0 : i32
        %scan3A_448 = arith.constant 32 : i32
        %scan3A_449 = arith.addi %scan3A_447, %scan3A_448 : i32
        %scan3A_450 = arith.constant 1 : i32
        %scan3A_451:30 = scf.for %scan3A_1268 = %scan3A_447 to %scan3A_449 step %scan3A_450 iter_args(%scan3A_1269 = %broadcast_in_dim3A_388, %scan3A_1270 = %broadcast_in_dim3A_390, %scan3A_1271 = %broadcast_in_dim3A_392, %scan3A_1272 = %broadcast_in_dim3A_394, %scan3A_1273 = %broadcast_in_dim3A_396, %scan3A_1274 = %broadcast_in_dim3A_398, %scan3A_1275 = %broadcast_in_dim3A_400, %scan3A_1276 = %broadcast_in_dim3A_402, %scan3A_1277 = %broadcast_in_dim3A_404, %scan3A_1278 = %broadcast_in_dim3A_406, %scan3A_1279 = %broadcast_in_dim3A_408, %scan3A_1280 = %broadcast_in_dim3A_410, %scan3A_1281 = %broadcast_in_dim3A_412, %scan3A_1282 = %broadcast_in_dim3A_414, %scan3A_1283 = %broadcast_in_dim3A_416, %scan3A_1284 = %broadcast_in_dim3A_418, %scan3A_1285 = %broadcast_in_dim3A_420, %scan3A_1286 = %broadcast_in_dim3A_422, %scan3A_1287 = %broadcast_in_dim3A_424, %scan3A_1288 = %broadcast_in_dim3A_426, %scan3A_1289 = %broadcast_in_dim3A_428, %scan3A_1290 = %broadcast_in_dim3A_430, %scan3A_1291 = %broadcast_in_dim3A_432, %scan3A_1292 = %broadcast_in_dim3A_434, %scan3A_1293 = %broadcast_in_dim3A_436, %scan3A_1294 = %broadcast_in_dim3A_438, %scan3A_1295 = %broadcast_in_dim3A_440, %scan3A_1296 = %broadcast_in_dim3A_442, %scan3A_1297 = %broadcast_in_dim3A_444, %scan3A_1298 = %broadcast_in_dim3A_446) -> (vector<16xf32>, vector<16xf32>, vector<16xf32>, vector<16xf32>, vector<16xf32>, vector<16xf32>, vector<16xf32>, vector<16xf32>, vector<16xf32>, vector<16xf32>, vector<16xf32>, vector<16xf32>, vector<16xf32>, vector<16xf32>, vector<16xf32>, vector<16xf32>, vector<16xf32>, vector<16xf32>, vector<16xf32>, vector<16xf32>, vector<16xf32>, vector<16xf32>, vector<16xf32>, vector<16xf32>, vector<16xf32>, vector<16xf32>, vector<16xf32>, vector<16xf32>, vector<16xf32>, vector<16xf32>)  : i32 {
          %mul3A_1299 = arith.constant 16 : i32
          %mul3A_1300 = arith.muli %scan3A_1268, %mul3A_1299 : i32
          %get3A_1301 = arith.index_cast %mul3A_1300 : i32 to index
          %get3A_1302 = tpu.vector_load %arg9[%get3A_1301] {strides = array<i32>} : memref<512xf32, #tpu.memory_space<vmem>>, vector<16xf32>,
          %slice3A = vector.extract_strided_slice %get3A_1302 {offsets = [0], sizes = [1], strides = [1]} : vector<16xf32> to vector<1xf32>
          %squeeze3A = vector.extract %slice3A[0] : f32 from vector<1xf32>
          %slice3A_1303 = vector.extract_strided_slice %get3A_1302 {offsets = [1], sizes = [1], strides = [1]} : vector<16xf32> to vector<1xf32>
          %squeeze3A_1304 = vector.extract %slice3A_1303[0] : f32 from vector<1xf32>
          %slice3A_1305 = vector.extract_strided_slice %get3A_1302 {offsets = [2], sizes = [1], strides = [1]} : vector<16xf32> to vector<1xf32>
          %squeeze3A_1306 = vector.extract %slice3A_1305[0] : f32 from vector<1xf32>
          %slice3A_1307 = vector.extract_strided_slice %get3A_1302 {offsets = [3], sizes = [1], strides = [1]} : vector<16xf32> to vector<1xf32>
          %squeeze3A_1308 = vector.extract %slice3A_1307[0] : f32 from vector<1xf32>
          %get3A_1309 = arith.constant 0 : i32
          %get3A_1310 = arith.index_cast %get3A_1309 : i32 to index
          %get3A_1311 = arith.index_cast %scan3A_1268 : i32 to index
          %get3A_1312 = arith.constant 96 : index
          %get3A_1313 = tpu.vector_load %arg8[%get3A_1310, %get3A_1311, %get3A_1312] {strides = array<i32>} : memref<2x32x128xf32, #tpu.memory_space<vmem>>, vector<16xf32>,
          %mul3A_1314 = vector.broadcast %squeeze3A : f32 to vector<16xf32>
          %mul3A_1315 = arith.mulf %get3A_1313, %mul3A_1314 : vector<16xf32>
          %mul3A_1316 = vector.broadcast %squeeze3A_1304 : f32 to vector<16xf32>
          %mul3A_1317 = arith.mulf %get3A_1313, %mul3A_1316 : vector<16xf32>
          %mul3A_1318 = vector.broadcast %squeeze3A_1306 : f32 to vector<16xf32>
          %mul3A_1319 = arith.mulf %get3A_1313, %mul3A_1318 : vector<16xf32>
          %mul3A_1320 = vector.broadcast %squeeze3A_1308 : f32 to vector<16xf32>
          %mul3A_1321 = arith.mulf %get3A_1313, %mul3A_1320 : vector<16xf32>
          %add3A_1322 = arith.addf %scan3A_1269, %get3A_1313 : vector<16xf32>
          %add3A_1323 = arith.addf %scan3A_1270, %mul3A_1315 : vector<16xf32>
          %add3A_1324 = arith.addf %scan3A_1271, %mul3A_1317 : vector<16xf32>
          %add3A_1325 = arith.addf %scan3A_1272, %mul3A_1319 : vector<16xf32>
          %add3A_1326 = arith.addf %scan3A_1273, %mul3A_1321 : vector<16xf32>
          %mul3A_1327 = vector.broadcast %squeeze3A : f32 to vector<16xf32>
          %mul3A_1328 = arith.mulf %mul3A_1315, %mul3A_1327 : vector<16xf32>
          %add3A_1329 = arith.addf %scan3A_1274, %mul3A_1328 : vector<16xf32>
          %mul3A_1330 = vector.broadcast %squeeze3A_1304 : f32 to vector<16xf32>
          %mul3A_1331 = arith.mulf %mul3A_1315, %mul3A_1330 : vector<16xf32>
          %add3A_1332 = arith.addf %scan3A_1275, %mul3A_1331 : vector<16xf32>
          %mul3A_1333 = vector.broadcast %squeeze3A_1304 : f32 to vector<16xf32>
          %mul3A_1334 = arith.mulf %mul3A_1317, %mul3A_1333 : vector<16xf32>
          %add3A_1335 = arith.addf %scan3A_1276, %mul3A_1334 : vector<16xf32>
          %mul3A_1336 = vector.broadcast %squeeze3A_1306 : f32 to vector<16xf32>
          %mul3A_1337 = arith.mulf %mul3A_1315, %mul3A_1336 : vector<16xf32>
          %add3A_1338 = arith.addf %scan3A_1277, %mul3A_1337 : vector<16xf32>
          %mul3A_1339 = vector.broadcast %squeeze3A_1306 : f32 to vector<16xf32>
          %mul3A_1340 = arith.mulf %mul3A_1317, %mul3A_1339 : vector<16xf32>
          %add3A_1341 = arith.addf %scan3A_1278, %mul3A_1340 : vector<16xf32>
          %mul3A_1342 = vector.broadcast %squeeze3A_1306 : f32 to vector<16xf32>
          %mul3A_1343 = arith.mulf %mul3A_1319, %mul3A_1342 : vector<16xf32>
          %add3A_1344 = arith.addf %scan3A_1279, %mul3A_1343 : vector<16xf32>
          %mul3A_1345 = vector.broadcast %squeeze3A_1308 : f32 to vector<16xf32>
          %mul3A_1346 = arith.mulf %mul3A_1315, %mul3A_1345 : vector<16xf32>
          %add3A_1347 = arith.addf %scan3A_1280, %mul3A_1346 : vector<16xf32>
          %mul3A_1348 = vector.broadcast %squeeze3A_1308 : f32 to vector<16xf32>
          %mul3A_1349 = arith.mulf %mul3A_1317, %mul3A_1348 : vector<16xf32>
          %add3A_1350 = arith.addf %scan3A_1281, %mul3A_1349 : vector<16xf32>
          %mul3A_1351 = vector.broadcast %squeeze3A_1308 : f32 to vector<16xf32>
          %mul3A_1352 = arith.mulf %mul3A_1319, %mul3A_1351 : vector<16xf32>
          %add3A_1353 = arith.addf %scan3A_1282, %mul3A_1352 : vector<16xf32>
          %mul3A_1354 = vector.broadcast %squeeze3A_1308 : f32 to vector<16xf32>
          %mul3A_1355 = arith.mulf %mul3A_1321, %mul3A_1354 : vector<16xf32>
          %add3A_1356 = arith.addf %scan3A_1283, %mul3A_1355 : vector<16xf32>
          %get3A_1357 = arith.constant 0 : i32
          %get3A_1358 = arith.index_cast %get3A_1357 : i32 to index
          %get3A_1359 = arith.index_cast %scan3A_1268 : i32 to index
          %get3A_1360 = arith.constant 112 : index
          %get3A_1361 = tpu.vector_load %arg8[%get3A_1358, %get3A_1359, %get3A_1360] {strides = array<i32>} : memref<2x32x128xf32, #tpu.memory_space<vmem>>, vector<16xf32>,
          %mul3A_1362 = vector.broadcast %squeeze3A : f32 to vector<16xf32>
          %mul3A_1363 = arith.mulf %get3A_1361, %mul3A_1362 : vector<16xf32>
          %mul3A_1364 = vector.broadcast %squeeze3A_1304 : f32 to vector<16xf32>
          %mul3A_1365 = arith.mulf %get3A_1361, %mul3A_1364 : vector<16xf32>
          %mul3A_1366 = vector.broadcast %squeeze3A_1306 : f32 to vector<16xf32>
          %mul3A_1367 = arith.mulf %get3A_1361, %mul3A_1366 : vector<16xf32>
          %mul3A_1368 = vector.broadcast %squeeze3A_1308 : f32 to vector<16xf32>
          %mul3A_1369 = arith.mulf %get3A_1361, %mul3A_1368 : vector<16xf32>
          %add3A_1370 = arith.addf %scan3A_1284, %get3A_1361 : vector<16xf32>
          %add3A_1371 = arith.addf %scan3A_1285, %mul3A_1363 : vector<16xf32>
          %add3A_1372 = arith.addf %scan3A_1286, %mul3A_1365 : vector<16xf32>
          %add3A_1373 = arith.addf %scan3A_1287, %mul3A_1367 : vector<16xf32>
          %add3A_1374 = arith.addf %scan3A_1288, %mul3A_1369 : vector<16xf32>
          %mul3A_1375 = vector.broadcast %squeeze3A : f32 to vector<16xf32>
          %mul3A_1376 = arith.mulf %mul3A_1363, %mul3A_1375 : vector<16xf32>
          %add3A_1377 = arith.addf %scan3A_1289, %mul3A_1376 : vector<16xf32>
          %mul3A_1378 = vector.broadcast %squeeze3A_1304 : f32 to vector<16xf32>
          %mul3A_1379 = arith.mulf %mul3A_1363, %mul3A_1378 : vector<16xf32>
          %add3A_1380 = arith.addf %scan3A_1290, %mul3A_1379 : vector<16xf32>
          %mul3A_1381 = vector.broadcast %squeeze3A_1304 : f32 to vector<16xf32>
          %mul3A_1382 = arith.mulf %mul3A_1365, %mul3A_1381 : vector<16xf32>
          %add3A_1383 = arith.addf %scan3A_1291, %mul3A_1382 : vector<16xf32>
          %mul3A_1384 = vector.broadcast %squeeze3A_1306 : f32 to vector<16xf32>
          %mul3A_1385 = arith.mulf %mul3A_1363, %mul3A_1384 : vector<16xf32>
          %add3A_1386 = arith.addf %scan3A_1292, %mul3A_1385 : vector<16xf32>
          %mul3A_1387 = vector.broadcast %squeeze3A_1306 : f32 to vector<16xf32>
          %mul3A_1388 = arith.mulf %mul3A_1365, %mul3A_1387 : vector<16xf32>
          %add3A_1389 = arith.addf %scan3A_1293, %mul3A_1388 : vector<16xf32>
          %mul3A_1390 = vector.broadcast %squeeze3A_1306 : f32 to vector<16xf32>
          %mul3A_1391 = arith.mulf %mul3A_1367, %mul3A_1390 : vector<16xf32>
          %add3A_1392 = arith.addf %scan3A_1294, %mul3A_1391 : vector<16xf32>
          %mul3A_1393 = vector.broadcast %squeeze3A_1308 : f32 to vector<16xf32>
          %mul3A_1394 = arith.mulf %mul3A_1363, %mul3A_1393 : vector<16xf32>
          %add3A_1395 = arith.addf %scan3A_1295, %mul3A_1394 : vector<16xf32>
          %mul3A_1396 = vector.broadcast %squeeze3A_1308 : f32 to vector<16xf32>
          %mul3A_1397 = arith.mulf %mul3A_1365, %mul3A_1396 : vector<16xf32>
          %add3A_1398 = arith.addf %scan3A_1296, %mul3A_1397 : vector<16xf32>
          %mul3A_1399 = vector.broadcast %squeeze3A_1308 : f32 to vector<16xf32>
          %mul3A_1400 = arith.mulf %mul3A_1367, %mul3A_1399 : vector<16xf32>
          %add3A_1401 = arith.addf %scan3A_1297, %mul3A_1400 : vector<16xf32>
          %mul3A_1402 = vector.broadcast %squeeze3A_1308 : f32 to vector<16xf32>
          %mul3A_1403 = arith.mulf %mul3A_1369, %mul3A_1402 : vector<16xf32>
          %add3A_1404 = arith.addf %scan3A_1298, %mul3A_1403 : vector<16xf32>
          scf.yield %add3A_1322, %add3A_1323, %add3A_1324, %add3A_1325, %add3A_1326, %add3A_1329, %add3A_1332, %add3A_1335, %add3A_1338, %add3A_1341, %add3A_1344, %add3A_1347, %add3A_1350, %add3A_1353, %add3A_1356, %add3A_1370, %add3A_1371, %add3A_1372, %add3A_1373, %add3A_1374, %add3A_1377, %add3A_1380, %add3A_1383, %add3A_1386, %add3A_1389, %add3A_1392, %add3A_1395, %add3A_1398, %add3A_1401, %add3A_1404 : vector<16xf32>, vector<16xf32>, vector<16xf32>, vector<16xf32>, vector<16xf32>, vector<16xf32>, vector<16xf32>, vector<16xf32>, vector<16xf32>, vector<16xf32>, vector<16xf32>, vector<16xf32>, vector<16xf32>, vector<16xf32>, vector<16xf32>, vector<16xf32>, vector<16xf32>, vector<16xf32>, vector<16xf32>, vector<16xf32>, vector<16xf32>, vector<16xf32>, vector<16xf32>, vector<16xf32>, vector<16xf32>, vector<16xf32>, vector<16xf32>, vector<16xf32>, vector<16xf32>, vector<16xf32>
        }
        %scan3A_452 = arith.constant 32 : i32
        %add3A_453 = arith.constant 2 : i32
        %add3A_454 = arith.addi %mul3A_83, %add3A_453 : i32
        %lt3A_455 = arith.cmpi slt, %add3A_454, %select_n3A_10 : i32
        %convert_element_type3A_456 = arith.extui %lt3A_455 : i1 to i32
        %cond3A_457 = arith.constant 0 : i32
        %cond3A_458 = arith.cmpi ne, %convert_element_type3A_456, %cond3A_457 : i32
        scf.if %cond3A_458 {
          %add3A_1268 = arith.constant 2 : i32
          %add3A_1269 = arith.addi %mul3A_83, %add3A_1268 : i32
          %add3A_1270 = arith.addi %sub3A_33, %add3A_1269 : i32
          %mul3A_1271 = arith.constant 32 : i32
          %mul3A_1272 = arith.muli %add3A_1270, %mul3A_1271 : i32
          %dma_start3A_1273 = arith.constant 0 : i32
          %dma_start3A_1274 = arith.constant 0 : i32
          %dma_start3A_1275 = arith.constant 0 : i32
          %dma_start3A_1276 = tpu.memref_slice %arg8[%dma_start3A_1273, %dma_start3A_1274, %dma_start3A_1275] : memref<2x32x128xf32, #tpu.memory_space<vmem>> -> memref<1x32x128xf32, #tpu.memory_space<vmem>>
          %dma_start3A_1277 = tpu.memref_squeeze %dma_start3A_1276 : memref<1x32x128xf32, #tpu.memory_space<vmem>> -> memref<32x128xf32, #tpu.memory_space<vmem>>
          %dma_start3A_1278 = tpu.memref_slice %arg7[%mul3A_1272] : memref<10240xi32, #tpu.memory_space<vmem>> -> memref<32xi32, #tpu.memory_space<vmem>>
          %dma_start3A_1279 = arith.constant 0 : i32
          %dma_start3A_1280 = arith.constant 0 : i32
          %dma_start3A_1281 = tpu.memref_slice %arg3[%dma_start3A_1279, %dma_start3A_1280] : memref<10000x128xf32, #tpu.memory_space<hbm>> -> memref<10000x128xf32, #tpu.memory_space<hbm>>
          tpu.enqueue_indirect_dma source(%dma_start3A_1281 : memref<10000x128xf32, #tpu.memory_space<hbm>>) target(%dma_start3A_1277 : memref<32x128xf32, #tpu.memory_space<vmem>>) offsets(%dma_start3A_1278 : memref<32xi32, #tpu.memory_space<vmem>>) semaphore(%arg11 : memref<!tpu.dma_semaphore, #tpu.memory_space<semaphore_mem>>)
        } else {
        }
        %add3A_459 = arith.constant 9.99999974E-5 : f32
        %add3A_460 = vector.broadcast %add3A_459 : f32 to vector<16xf32>
        %add3A_461 = arith.addf %scan3A_289#0, %add3A_460 : vector<16xf32>
        %div3A_462 = arith.constant 1.000000e+00 : f32
        %div3A_463 = vector.broadcast %div3A_462 : f32 to vector<16xf32>
        %div3A_464 = arith.divf %div3A_463, %add3A_461 : vector<16xf32>
        %mul3A_465 = arith.mulf %scan3A_289#1, %div3A_464 : vector<16xf32>
        %mul3A_466 = arith.mulf %scan3A_289#2, %div3A_464 : vector<16xf32>
        %mul3A_467 = arith.mulf %scan3A_289#3, %div3A_464 : vector<16xf32>
        %mul3A_468 = arith.mulf %scan3A_289#4, %div3A_464 : vector<16xf32>
        %add3A_469 = arith.constant 0 : i32
        %add3A_470 = vector.broadcast %add3A_469 : i32 to vector<16xi32>
        %add3A_471 = arith.addi %iota3A, %add3A_470 : vector<16xi32>
        %mul3A_472 = arith.constant 10 : i32
        %mul3A_473 = vector.broadcast %mul3A_472 : i32 to vector<16xi32>
        %mul3A_474 = arith.muli %add3A_471, %mul3A_473 : vector<16xi32>
        %add3A_475 = arith.constant 0 : i32
        %add3A_476 = vector.broadcast %add3A_475 : i32 to vector<16xi32>
        %add3A_477 = arith.addi %add3A_476, %mul3A_474 : vector<16xi32>
        %mul3A_478 = arith.mulf %scan3A_289#5, %div3A_464 : vector<16xf32>
        %mul3A_479 = arith.mulf %mul3A_465, %mul3A_465 : vector<16xf32>
        %sub3A_480 = arith.subf %mul3A_478, %mul3A_479 : vector<16xf32>
        %add3A_481 = arith.constant 0 : i32
        %add3A_482 = vector.broadcast %add3A_481 : i32 to vector<16xi32>
        %add3A_483 = arith.addi %add3A_477, %add3A_482 : vector<16xi32>
        tpu.vector_store_idx %arg10[%add3A_483], %sub3A_480 : memref<3584xf32, #tpu.memory_space<vmem>>[vector<16xi32>], vector<16xf32>,
        %mul3A_484 = arith.mulf %scan3A_289#6, %div3A_464 : vector<16xf32>
        %mul3A_485 = arith.mulf %mul3A_466, %mul3A_465 : vector<16xf32>
        %sub3A_486 = arith.subf %mul3A_484, %mul3A_485 : vector<16xf32>
        %add3A_487 = arith.constant 1 : i32
        %add3A_488 = vector.broadcast %add3A_487 : i32 to vector<16xi32>
        %add3A_489 = arith.addi %add3A_477, %add3A_488 : vector<16xi32>
        tpu.vector_store_idx %arg10[%add3A_489], %sub3A_486 : memref<3584xf32, #tpu.memory_space<vmem>>[vector<16xi32>], vector<16xf32>,
        %mul3A_490 = arith.mulf %scan3A_289#7, %div3A_464 : vector<16xf32>
        %mul3A_491 = arith.mulf %mul3A_466, %mul3A_466 : vector<16xf32>
        %sub3A_492 = arith.subf %mul3A_490, %mul3A_491 : vector<16xf32>
        %add3A_493 = arith.constant 2 : i32
        %add3A_494 = vector.broadcast %add3A_493 : i32 to vector<16xi32>
        %add3A_495 = arith.addi %add3A_477, %add3A_494 : vector<16xi32>
        tpu.vector_store_idx %arg10[%add3A_495], %sub3A_492 : memref<3584xf32, #tpu.memory_space<vmem>>[vector<16xi32>], vector<16xf32>,
        %mul3A_496 = arith.mulf %scan3A_289#8, %div3A_464 : vector<16xf32>
        %mul3A_497 = arith.mulf %mul3A_467, %mul3A_465 : vector<16xf32>
        %sub3A_498 = arith.subf %mul3A_496, %mul3A_497 : vector<16xf32>
        %add3A_499 = arith.constant 3 : i32
        %add3A_500 = vector.broadcast %add3A_499 : i32 to vector<16xi32>
        %add3A_501 = arith.addi %add3A_477, %add3A_500 : vector<16xi32>
        tpu.vector_store_idx %arg10[%add3A_501], %sub3A_498 : memref<3584xf32, #tpu.memory_space<vmem>>[vector<16xi32>], vector<16xf32>,
        %mul3A_502 = arith.mulf %scan3A_289#9, %div3A_464 : vector<16xf32>
        %mul3A_503 = arith.mulf %mul3A_467, %mul3A_466 : vector<16xf32>
        %sub3A_504 = arith.subf %mul3A_502, %mul3A_503 : vector<16xf32>
        %add3A_505 = arith.constant 4 : i32
        %add3A_506 = vector.broadcast %add3A_505 : i32 to vector<16xi32>
        %add3A_507 = arith.addi %add3A_477, %add3A_506 : vector<16xi32>
        tpu.vector_store_idx %arg10[%add3A_507], %sub3A_504 : memref<3584xf32, #tpu.memory_space<vmem>>[vector<16xi32>], vector<16xf32>,
        %mul3A_508 = arith.mulf %scan3A_289#10, %div3A_464 : vector<16xf32>
        %mul3A_509 = arith.mulf %mul3A_467, %mul3A_467 : vector<16xf32>
        %sub3A_510 = arith.subf %mul3A_508, %mul3A_509 : vector<16xf32>
        %add3A_511 = arith.constant 5 : i32
        %add3A_512 = vector.broadcast %add3A_511 : i32 to vector<16xi32>
        %add3A_513 = arith.addi %add3A_477, %add3A_512 : vector<16xi32>
        tpu.vector_store_idx %arg10[%add3A_513], %sub3A_510 : memref<3584xf32, #tpu.memory_space<vmem>>[vector<16xi32>], vector<16xf32>,
        %mul3A_514 = arith.mulf %scan3A_289#11, %div3A_464 : vector<16xf32>
        %mul3A_515 = arith.mulf %mul3A_468, %mul3A_465 : vector<16xf32>
        %sub3A_516 = arith.subf %mul3A_514, %mul3A_515 : vector<16xf32>
        %add3A_517 = arith.constant 6 : i32
        %add3A_518 = vector.broadcast %add3A_517 : i32 to vector<16xi32>
        %add3A_519 = arith.addi %add3A_477, %add3A_518 : vector<16xi32>
        tpu.vector_store_idx %arg10[%add3A_519], %sub3A_516 : memref<3584xf32, #tpu.memory_space<vmem>>[vector<16xi32>], vector<16xf32>,
        %mul3A_520 = arith.mulf %scan3A_289#12, %div3A_464 : vector<16xf32>
        %mul3A_521 = arith.mulf %mul3A_468, %mul3A_466 : vector<16xf32>
        %sub3A_522 = arith.subf %mul3A_520, %mul3A_521 : vector<16xf32>
        %add3A_523 = arith.constant 7 : i32
        %add3A_524 = vector.broadcast %add3A_523 : i32 to vector<16xi32>
        %add3A_525 = arith.addi %add3A_477, %add3A_524 : vector<16xi32>
        tpu.vector_store_idx %arg10[%add3A_525], %sub3A_522 : memref<3584xf32, #tpu.memory_space<vmem>>[vector<16xi32>], vector<16xf32>,
        %mul3A_526 = arith.mulf %scan3A_289#13, %div3A_464 : vector<16xf32>
        %mul3A_527 = arith.mulf %mul3A_468, %mul3A_467 : vector<16xf32>
        %sub3A_528 = arith.subf %mul3A_526, %mul3A_527 : vector<16xf32>
        %add3A_529 = arith.constant 8 : i32
        %add3A_530 = vector.broadcast %add3A_529 : i32 to vector<16xi32>
        %add3A_531 = arith.addi %add3A_477, %add3A_530 : vector<16xi32>
        tpu.vector_store_idx %arg10[%add3A_531], %sub3A_528 : memref<3584xf32, #tpu.memory_space<vmem>>[vector<16xi32>], vector<16xf32>,
        %mul3A_532 = arith.mulf %scan3A_289#14, %div3A_464 : vector<16xf32>
        %mul3A_533 = arith.mulf %mul3A_468, %mul3A_468 : vector<16xf32>
        %sub3A_534 = arith.subf %mul3A_532, %mul3A_533 : vector<16xf32>
        %add3A_535 = arith.constant 9 : i32
        %add3A_536 = vector.broadcast %add3A_535 : i32 to vector<16xi32>
        %add3A_537 = arith.addi %add3A_477, %add3A_536 : vector<16xi32>
        tpu.vector_store_idx %arg10[%add3A_537], %sub3A_534 : memref<3584xf32, #tpu.memory_space<vmem>>[vector<16xi32>], vector<16xf32>,
        %add3A_538 = arith.constant 0 : i32
        %add3A_539 = vector.broadcast %add3A_538 : i32 to vector<16xi32>
        %add3A_540 = arith.addi %iota3A, %add3A_539 : vector<16xi32>
        %mul3A_541 = arith.constant 4 : i32
        %mul3A_542 = vector.broadcast %mul3A_541 : i32 to vector<16xi32>
        %mul3A_543 = arith.muli %add3A_540, %mul3A_542 : vector<16xi32>
        %add3A_544 = arith.constant 1280 : i32
        %add3A_545 = vector.broadcast %add3A_544 : i32 to vector<16xi32>
        %add3A_546 = arith.addi %add3A_545, %mul3A_543 : vector<16xi32>
        %add3A_547 = arith.constant 0 : i32
        %add3A_548 = vector.broadcast %add3A_547 : i32 to vector<16xi32>
        %add3A_549 = arith.addi %add3A_546, %add3A_548 : vector<16xi32>
        tpu.vector_store_idx %arg10[%add3A_549], %mul3A_465 : memref<3584xf32, #tpu.memory_space<vmem>>[vector<16xi32>], vector<16xf32>,
        %add3A_550 = arith.constant 1 : i32
        %add3A_551 = vector.broadcast %add3A_550 : i32 to vector<16xi32>
        %add3A_552 = arith.addi %add3A_546, %add3A_551 : vector<16xi32>
        tpu.vector_store_idx %arg10[%add3A_552], %mul3A_466 : memref<3584xf32, #tpu.memory_space<vmem>>[vector<16xi32>], vector<16xf32>,
        %add3A_553 = arith.constant 2 : i32
        %add3A_554 = vector.broadcast %add3A_553 : i32 to vector<16xi32>
        %add3A_555 = arith.addi %add3A_546, %add3A_554 : vector<16xi32>
        tpu.vector_store_idx %arg10[%add3A_555], %mul3A_467 : memref<3584xf32, #tpu.memory_space<vmem>>[vector<16xi32>], vector<16xf32>,
        %add3A_556 = arith.constant 3 : i32
        %add3A_557 = vector.broadcast %add3A_556 : i32 to vector<16xi32>
        %add3A_558 = arith.addi %add3A_546, %add3A_557 : vector<16xi32>
        tpu.vector_store_idx %arg10[%add3A_558], %mul3A_468 : memref<3584xf32, #tpu.memory_space<vmem>>[vector<16xi32>], vector<16xf32>,
        %add3A_559 = arith.constant 9.99999974E-5 : f32
        %add3A_560 = vector.broadcast %add3A_559 : f32 to vector<16xf32>
        %add3A_561 = arith.addf %scan3A_289#15, %add3A_560 : vector<16xf32>
        %div3A_562 = arith.constant 1.000000e+00 : f32
        %div3A_563 = vector.broadcast %div3A_562 : f32 to vector<16xf32>
        %div3A_564 = arith.divf %div3A_563, %add3A_561 : vector<16xf32>
        %mul3A_565 = arith.mulf %scan3A_289#16, %div3A_564 : vector<16xf32>
        %mul3A_566 = arith.mulf %scan3A_289#17, %div3A_564 : vector<16xf32>
        %mul3A_567 = arith.mulf %scan3A_289#18, %div3A_564 : vector<16xf32>
        %mul3A_568 = arith.mulf %scan3A_289#19, %div3A_564 : vector<16xf32>
        %add3A_569 = arith.constant 16 : i32
        %add3A_570 = vector.broadcast %add3A_569 : i32 to vector<16xi32>
        %add3A_571 = arith.addi %iota3A, %add3A_570 : vector<16xi32>
        %mul3A_572 = arith.constant 10 : i32
        %mul3A_573 = vector.broadcast %mul3A_572 : i32 to vector<16xi32>
        %mul3A_574 = arith.muli %add3A_571, %mul3A_573 : vector<16xi32>
        %add3A_575 = arith.constant 0 : i32
        %add3A_576 = vector.broadcast %add3A_575 : i32 to vector<16xi32>
        %add3A_577 = arith.addi %add3A_576, %mul3A_574 : vector<16xi32>
        %mul3A_578 = arith.mulf %scan3A_289#20, %div3A_564 : vector<16xf32>
        %mul3A_579 = arith.mulf %mul3A_565, %mul3A_565 : vector<16xf32>
        %sub3A_580 = arith.subf %mul3A_578, %mul3A_579 : vector<16xf32>
        %add3A_581 = arith.constant 0 : i32
        %add3A_582 = vector.broadcast %add3A_581 : i32 to vector<16xi32>
        %add3A_583 = arith.addi %add3A_577, %add3A_582 : vector<16xi32>
        tpu.vector_store_idx %arg10[%add3A_583], %sub3A_580 : memref<3584xf32, #tpu.memory_space<vmem>>[vector<16xi32>], vector<16xf32>,
        %mul3A_584 = arith.mulf %scan3A_289#21, %div3A_564 : vector<16xf32>
        %mul3A_585 = arith.mulf %mul3A_566, %mul3A_565 : vector<16xf32>
        %sub3A_586 = arith.subf %mul3A_584, %mul3A_585 : vector<16xf32>
        %add3A_587 = arith.constant 1 : i32
        %add3A_588 = vector.broadcast %add3A_587 : i32 to vector<16xi32>
        %add3A_589 = arith.addi %add3A_577, %add3A_588 : vector<16xi32>
        tpu.vector_store_idx %arg10[%add3A_589], %sub3A_586 : memref<3584xf32, #tpu.memory_space<vmem>>[vector<16xi32>], vector<16xf32>,
        %mul3A_590 = arith.mulf %scan3A_289#22, %div3A_564 : vector<16xf32>
        %mul3A_591 = arith.mulf %mul3A_566, %mul3A_566 : vector<16xf32>
        %sub3A_592 = arith.subf %mul3A_590, %mul3A_591 : vector<16xf32>
        %add3A_593 = arith.constant 2 : i32
        %add3A_594 = vector.broadcast %add3A_593 : i32 to vector<16xi32>
        %add3A_595 = arith.addi %add3A_577, %add3A_594 : vector<16xi32>
        tpu.vector_store_idx %arg10[%add3A_595], %sub3A_592 : memref<3584xf32, #tpu.memory_space<vmem>>[vector<16xi32>], vector<16xf32>,
        %mul3A_596 = arith.mulf %scan3A_289#23, %div3A_564 : vector<16xf32>
        %mul3A_597 = arith.mulf %mul3A_567, %mul3A_565 : vector<16xf32>
        %sub3A_598 = arith.subf %mul3A_596, %mul3A_597 : vector<16xf32>
        %add3A_599 = arith.constant 3 : i32
        %add3A_600 = vector.broadcast %add3A_599 : i32 to vector<16xi32>
        %add3A_601 = arith.addi %add3A_577, %add3A_600 : vector<16xi32>
        tpu.vector_store_idx %arg10[%add3A_601], %sub3A_598 : memref<3584xf32, #tpu.memory_space<vmem>>[vector<16xi32>], vector<16xf32>,
        %mul3A_602 = arith.mulf %scan3A_289#24, %div3A_564 : vector<16xf32>
        %mul3A_603 = arith.mulf %mul3A_567, %mul3A_566 : vector<16xf32>
        %sub3A_604 = arith.subf %mul3A_602, %mul3A_603 : vector<16xf32>
        %add3A_605 = arith.constant 4 : i32
        %add3A_606 = vector.broadcast %add3A_605 : i32 to vector<16xi32>
        %add3A_607 = arith.addi %add3A_577, %add3A_606 : vector<16xi32>
        tpu.vector_store_idx %arg10[%add3A_607], %sub3A_604 : memref<3584xf32, #tpu.memory_space<vmem>>[vector<16xi32>], vector<16xf32>,
        %mul3A_608 = arith.mulf %scan3A_289#25, %div3A_564 : vector<16xf32>
        %mul3A_609 = arith.mulf %mul3A_567, %mul3A_567 : vector<16xf32>
        %sub3A_610 = arith.subf %mul3A_608, %mul3A_609 : vector<16xf32>
        %add3A_611 = arith.constant 5 : i32
        %add3A_612 = vector.broadcast %add3A_611 : i32 to vector<16xi32>
        %add3A_613 = arith.addi %add3A_577, %add3A_612 : vector<16xi32>
        tpu.vector_store_idx %arg10[%add3A_613], %sub3A_610 : memref<3584xf32, #tpu.memory_space<vmem>>[vector<16xi32>], vector<16xf32>,
        %mul3A_614 = arith.mulf %scan3A_289#26, %div3A_564 : vector<16xf32>
        %mul3A_615 = arith.mulf %mul3A_568, %mul3A_565 : vector<16xf32>
        %sub3A_616 = arith.subf %mul3A_614, %mul3A_615 : vector<16xf32>
        %add3A_617 = arith.constant 6 : i32
        %add3A_618 = vector.broadcast %add3A_617 : i32 to vector<16xi32>
        %add3A_619 = arith.addi %add3A_577, %add3A_618 : vector<16xi32>
        tpu.vector_store_idx %arg10[%add3A_619], %sub3A_616 : memref<3584xf32, #tpu.memory_space<vmem>>[vector<16xi32>], vector<16xf32>,
        %mul3A_620 = arith.mulf %scan3A_289#27, %div3A_564 : vector<16xf32>
        %mul3A_621 = arith.mulf %mul3A_568, %mul3A_566 : vector<16xf32>
        %sub3A_622 = arith.subf %mul3A_620, %mul3A_621 : vector<16xf32>
        %add3A_623 = arith.constant 7 : i32
        %add3A_624 = vector.broadcast %add3A_623 : i32 to vector<16xi32>
        %add3A_625 = arith.addi %add3A_577, %add3A_624 : vector<16xi32>
        tpu.vector_store_idx %arg10[%add3A_625], %sub3A_622 : memref<3584xf32, #tpu.memory_space<vmem>>[vector<16xi32>], vector<16xf32>,
        %mul3A_626 = arith.mulf %scan3A_289#28, %div3A_564 : vector<16xf32>
        %mul3A_627 = arith.mulf %mul3A_568, %mul3A_567 : vector<16xf32>
        %sub3A_628 = arith.subf %mul3A_626, %mul3A_627 : vector<16xf32>
        %add3A_629 = arith.constant 8 : i32
        %add3A_630 = vector.broadcast %add3A_629 : i32 to vector<16xi32>
        %add3A_631 = arith.addi %add3A_577, %add3A_630 : vector<16xi32>
        tpu.vector_store_idx %arg10[%add3A_631], %sub3A_628 : memref<3584xf32, #tpu.memory_space<vmem>>[vector<16xi32>], vector<16xf32>,
        %mul3A_632 = arith.mulf %scan3A_289#29, %div3A_564 : vector<16xf32>
        %mul3A_633 = arith.mulf %mul3A_568, %mul3A_568 : vector<16xf32>
        %sub3A_634 = arith.subf %mul3A_632, %mul3A_633 : vector<16xf32>
        %add3A_635 = arith.constant 9 : i32
        %add3A_636 = vector.broadcast %add3A_635 : i32 to vector<16xi32>
        %add3A_637 = arith.addi %add3A_577, %add3A_636 : vector<16xi32>
        tpu.vector_store_idx %arg10[%add3A_637], %sub3A_634 : memref<3584xf32, #tpu.memory_space<vmem>>[vector<16xi32>], vector<16xf32>,
        %add3A_638 = arith.constant 16 : i32
        %add3A_639 = vector.broadcast %add3A_638 : i32 to vector<16xi32>
        %add3A_640 = arith.addi %iota3A, %add3A_639 : vector<16xi32>
        %mul3A_641 = arith.constant 4 : i32
        %mul3A_642 = vector.broadcast %mul3A_641 : i32 to vector<16xi32>
        %mul3A_643 = arith.muli %add3A_640, %mul3A_642 : vector<16xi32>
        %add3A_644 = arith.constant 1280 : i32
        %add3A_645 = vector.broadcast %add3A_644 : i32 to vector<16xi32>
        %add3A_646 = arith.addi %add3A_645, %mul3A_643 : vector<16xi32>
        %add3A_647 = arith.constant 0 : i32
        %add3A_648 = vector.broadcast %add3A_647 : i32 to vector<16xi32>
        %add3A_649 = arith.addi %add3A_646, %add3A_648 : vector<16xi32>
        tpu.vector_store_idx %arg10[%add3A_649], %mul3A_565 : memref<3584xf32, #tpu.memory_space<vmem>>[vector<16xi32>], vector<16xf32>,
        %add3A_650 = arith.constant 1 : i32
        %add3A_651 = vector.broadcast %add3A_650 : i32 to vector<16xi32>
        %add3A_652 = arith.addi %add3A_646, %add3A_651 : vector<16xi32>
        tpu.vector_store_idx %arg10[%add3A_652], %mul3A_566 : memref<3584xf32, #tpu.memory_space<vmem>>[vector<16xi32>], vector<16xf32>,
        %add3A_653 = arith.constant 2 : i32
        %add3A_654 = vector.broadcast %add3A_653 : i32 to vector<16xi32>
        %add3A_655 = arith.addi %add3A_646, %add3A_654 : vector<16xi32>
        tpu.vector_store_idx %arg10[%add3A_655], %mul3A_567 : memref<3584xf32, #tpu.memory_space<vmem>>[vector<16xi32>], vector<16xf32>,
        %add3A_656 = arith.constant 3 : i32
        %add3A_657 = vector.broadcast %add3A_656 : i32 to vector<16xi32>
        %add3A_658 = arith.addi %add3A_646, %add3A_657 : vector<16xi32>
        tpu.vector_store_idx %arg10[%add3A_658], %mul3A_568 : memref<3584xf32, #tpu.memory_space<vmem>>[vector<16xi32>], vector<16xf32>,
        %add3A_659 = arith.constant 9.99999974E-5 : f32
        %add3A_660 = vector.broadcast %add3A_659 : f32 to vector<16xf32>
        %add3A_661 = arith.addf %scan3A_289#30, %add3A_660 : vector<16xf32>
        %div3A_662 = arith.constant 1.000000e+00 : f32
        %div3A_663 = vector.broadcast %div3A_662 : f32 to vector<16xf32>
        %div3A_664 = arith.divf %div3A_663, %add3A_661 : vector<16xf32>
        %mul3A_665 = arith.mulf %scan3A_289#31, %div3A_664 : vector<16xf32>
        %mul3A_666 = arith.mulf %scan3A_289#32, %div3A_664 : vector<16xf32>
        %mul3A_667 = arith.mulf %scan3A_289#33, %div3A_664 : vector<16xf32>
        %mul3A_668 = arith.mulf %scan3A_289#34, %div3A_664 : vector<16xf32>
        %add3A_669 = arith.constant 32 : i32
        %add3A_670 = vector.broadcast %add3A_669 : i32 to vector<16xi32>
        %add3A_671 = arith.addi %iota3A, %add3A_670 : vector<16xi32>
        %mul3A_672 = arith.constant 10 : i32
        %mul3A_673 = vector.broadcast %mul3A_672 : i32 to vector<16xi32>
        %mul3A_674 = arith.muli %add3A_671, %mul3A_673 : vector<16xi32>
        %add3A_675 = arith.constant 0 : i32
        %add3A_676 = vector.broadcast %add3A_675 : i32 to vector<16xi32>
        %add3A_677 = arith.addi %add3A_676, %mul3A_674 : vector<16xi32>
        %mul3A_678 = arith.mulf %scan3A_289#35, %div3A_664 : vector<16xf32>
        %mul3A_679 = arith.mulf %mul3A_665, %mul3A_665 : vector<16xf32>
        %sub3A_680 = arith.subf %mul3A_678, %mul3A_679 : vector<16xf32>
        %add3A_681 = arith.constant 0 : i32
        %add3A_682 = vector.broadcast %add3A_681 : i32 to vector<16xi32>
        %add3A_683 = arith.addi %add3A_677, %add3A_682 : vector<16xi32>
        tpu.vector_store_idx %arg10[%add3A_683], %sub3A_680 : memref<3584xf32, #tpu.memory_space<vmem>>[vector<16xi32>], vector<16xf32>,
        %mul3A_684 = arith.mulf %scan3A_289#36, %div3A_664 : vector<16xf32>
        %mul3A_685 = arith.mulf %mul3A_666, %mul3A_665 : vector<16xf32>
        %sub3A_686 = arith.subf %mul3A_684, %mul3A_685 : vector<16xf32>
        %add3A_687 = arith.constant 1 : i32
        %add3A_688 = vector.broadcast %add3A_687 : i32 to vector<16xi32>
        %add3A_689 = arith.addi %add3A_677, %add3A_688 : vector<16xi32>
        tpu.vector_store_idx %arg10[%add3A_689], %sub3A_686 : memref<3584xf32, #tpu.memory_space<vmem>>[vector<16xi32>], vector<16xf32>,
        %mul3A_690 = arith.mulf %scan3A_289#37, %div3A_664 : vector<16xf32>
        %mul3A_691 = arith.mulf %mul3A_666, %mul3A_666 : vector<16xf32>
        %sub3A_692 = arith.subf %mul3A_690, %mul3A_691 : vector<16xf32>
        %add3A_693 = arith.constant 2 : i32
        %add3A_694 = vector.broadcast %add3A_693 : i32 to vector<16xi32>
        %add3A_695 = arith.addi %add3A_677, %add3A_694 : vector<16xi32>
        tpu.vector_store_idx %arg10[%add3A_695], %sub3A_692 : memref<3584xf32, #tpu.memory_space<vmem>>[vector<16xi32>], vector<16xf32>,
        %mul3A_696 = arith.mulf %scan3A_289#38, %div3A_664 : vector<16xf32>
        %mul3A_697 = arith.mulf %mul3A_667, %mul3A_665 : vector<16xf32>
        %sub3A_698 = arith.subf %mul3A_696, %mul3A_697 : vector<16xf32>
        %add3A_699 = arith.constant 3 : i32
        %add3A_700 = vector.broadcast %add3A_699 : i32 to vector<16xi32>
        %add3A_701 = arith.addi %add3A_677, %add3A_700 : vector<16xi32>
        tpu.vector_store_idx %arg10[%add3A_701], %sub3A_698 : memref<3584xf32, #tpu.memory_space<vmem>>[vector<16xi32>], vector<16xf32>,
        %mul3A_702 = arith.mulf %scan3A_289#39, %div3A_664 : vector<16xf32>
        %mul3A_703 = arith.mulf %mul3A_667, %mul3A_666 : vector<16xf32>
        %sub3A_704 = arith.subf %mul3A_702, %mul3A_703 : vector<16xf32>
        %add3A_705 = arith.constant 4 : i32
        %add3A_706 = vector.broadcast %add3A_705 : i32 to vector<16xi32>
        %add3A_707 = arith.addi %add3A_677, %add3A_706 : vector<16xi32>
        tpu.vector_store_idx %arg10[%add3A_707], %sub3A_704 : memref<3584xf32, #tpu.memory_space<vmem>>[vector<16xi32>], vector<16xf32>,
        %mul3A_708 = arith.mulf %scan3A_289#40, %div3A_664 : vector<16xf32>
        %mul3A_709 = arith.mulf %mul3A_667, %mul3A_667 : vector<16xf32>
        %sub3A_710 = arith.subf %mul3A_708, %mul3A_709 : vector<16xf32>
        %add3A_711 = arith.constant 5 : i32
        %add3A_712 = vector.broadcast %add3A_711 : i32 to vector<16xi32>
        %add3A_713 = arith.addi %add3A_677, %add3A_712 : vector<16xi32>
        tpu.vector_store_idx %arg10[%add3A_713], %sub3A_710 : memref<3584xf32, #tpu.memory_space<vmem>>[vector<16xi32>], vector<16xf32>,
        %mul3A_714 = arith.mulf %scan3A_289#41, %div3A_664 : vector<16xf32>
        %mul3A_715 = arith.mulf %mul3A_668, %mul3A_665 : vector<16xf32>
        %sub3A_716 = arith.subf %mul3A_714, %mul3A_715 : vector<16xf32>
        %add3A_717 = arith.constant 6 : i32
        %add3A_718 = vector.broadcast %add3A_717 : i32 to vector<16xi32>
        %add3A_719 = arith.addi %add3A_677, %add3A_718 : vector<16xi32>
        tpu.vector_store_idx %arg10[%add3A_719], %sub3A_716 : memref<3584xf32, #tpu.memory_space<vmem>>[vector<16xi32>], vector<16xf32>,
        %mul3A_720 = arith.mulf %scan3A_289#42, %div3A_664 : vector<16xf32>
        %mul3A_721 = arith.mulf %mul3A_668, %mul3A_666 : vector<16xf32>
        %sub3A_722 = arith.subf %mul3A_720, %mul3A_721 : vector<16xf32>
        %add3A_723 = arith.constant 7 : i32
        %add3A_724 = vector.broadcast %add3A_723 : i32 to vector<16xi32>
        %add3A_725 = arith.addi %add3A_677, %add3A_724 : vector<16xi32>
        tpu.vector_store_idx %arg10[%add3A_725], %sub3A_722 : memref<3584xf32, #tpu.memory_space<vmem>>[vector<16xi32>], vector<16xf32>,
        %mul3A_726 = arith.mulf %scan3A_289#43, %div3A_664 : vector<16xf32>
        %mul3A_727 = arith.mulf %mul3A_668, %mul3A_667 : vector<16xf32>
        %sub3A_728 = arith.subf %mul3A_726, %mul3A_727 : vector<16xf32>
        %add3A_729 = arith.constant 8 : i32
        %add3A_730 = vector.broadcast %add3A_729 : i32 to vector<16xi32>
        %add3A_731 = arith.addi %add3A_677, %add3A_730 : vector<16xi32>
        tpu.vector_store_idx %arg10[%add3A_731], %sub3A_728 : memref<3584xf32, #tpu.memory_space<vmem>>[vector<16xi32>], vector<16xf32>,
        %mul3A_732 = arith.mulf %scan3A_289#44, %div3A_664 : vector<16xf32>
        %mul3A_733 = arith.mulf %mul3A_668, %mul3A_668 : vector<16xf32>
        %sub3A_734 = arith.subf %mul3A_732, %mul3A_733 : vector<16xf32>
        %add3A_735 = arith.constant 9 : i32
        %add3A_736 = vector.broadcast %add3A_735 : i32 to vector<16xi32>
        %add3A_737 = arith.addi %add3A_677, %add3A_736 : vector<16xi32>
        tpu.vector_store_idx %arg10[%add3A_737], %sub3A_734 : memref<3584xf32, #tpu.memory_space<vmem>>[vector<16xi32>], vector<16xf32>,
        %add3A_738 = arith.constant 32 : i32
        %add3A_739 = vector.broadcast %add3A_738 : i32 to vector<16xi32>
        %add3A_740 = arith.addi %iota3A, %add3A_739 : vector<16xi32>
        %mul3A_741 = arith.constant 4 : i32
        %mul3A_742 = vector.broadcast %mul3A_741 : i32 to vector<16xi32>
        %mul3A_743 = arith.muli %add3A_740, %mul3A_742 : vector<16xi32>
        %add3A_744 = arith.constant 1280 : i32
        %add3A_745 = vector.broadcast %add3A_744 : i32 to vector<16xi32>
        %add3A_746 = arith.addi %add3A_745, %mul3A_743 : vector<16xi32>
        %add3A_747 = arith.constant 0 : i32
        %add3A_748 = vector.broadcast %add3A_747 : i32 to vector<16xi32>
        %add3A_749 = arith.addi %add3A_746, %add3A_748 : vector<16xi32>
        tpu.vector_store_idx %arg10[%add3A_749], %mul3A_665 : memref<3584xf32, #tpu.memory_space<vmem>>[vector<16xi32>], vector<16xf32>,
        %add3A_750 = arith.constant 1 : i32
        %add3A_751 = vector.broadcast %add3A_750 : i32 to vector<16xi32>
        %add3A_752 = arith.addi %add3A_746, %add3A_751 : vector<16xi32>
        tpu.vector_store_idx %arg10[%add3A_752], %mul3A_666 : memref<3584xf32, #tpu.memory_space<vmem>>[vector<16xi32>], vector<16xf32>,
        %add3A_753 = arith.constant 2 : i32
        %add3A_754 = vector.broadcast %add3A_753 : i32 to vector<16xi32>
        %add3A_755 = arith.addi %add3A_746, %add3A_754 : vector<16xi32>
        tpu.vector_store_idx %arg10[%add3A_755], %mul3A_667 : memref<3584xf32, #tpu.memory_space<vmem>>[vector<16xi32>], vector<16xf32>,
        %add3A_756 = arith.constant 3 : i32
        %add3A_757 = vector.broadcast %add3A_756 : i32 to vector<16xi32>
        %add3A_758 = arith.addi %add3A_746, %add3A_757 : vector<16xi32>
        tpu.vector_store_idx %arg10[%add3A_758], %mul3A_668 : memref<3584xf32, #tpu.memory_space<vmem>>[vector<16xi32>], vector<16xf32>,
        %add3A_759 = arith.constant 9.99999974E-5 : f32
        %add3A_760 = vector.broadcast %add3A_759 : f32 to vector<16xf32>
        %add3A_761 = arith.addf %scan3A_385#0, %add3A_760 : vector<16xf32>
        %div3A_762 = arith.constant 1.000000e+00 : f32
        %div3A_763 = vector.broadcast %div3A_762 : f32 to vector<16xf32>
        %div3A_764 = arith.divf %div3A_763, %add3A_761 : vector<16xf32>
        %mul3A_765 = arith.mulf %scan3A_385#1, %div3A_764 : vector<16xf32>
        %mul3A_766 = arith.mulf %scan3A_385#2, %div3A_764 : vector<16xf32>
        %mul3A_767 = arith.mulf %scan3A_385#3, %div3A_764 : vector<16xf32>
        %mul3A_768 = arith.mulf %scan3A_385#4, %div3A_764 : vector<16xf32>
        %add3A_769 = arith.constant 48 : i32
        %add3A_770 = vector.broadcast %add3A_769 : i32 to vector<16xi32>
        %add3A_771 = arith.addi %iota3A, %add3A_770 : vector<16xi32>
        %mul3A_772 = arith.constant 10 : i32
        %mul3A_773 = vector.broadcast %mul3A_772 : i32 to vector<16xi32>
        %mul3A_774 = arith.muli %add3A_771, %mul3A_773 : vector<16xi32>
        %add3A_775 = arith.constant 0 : i32
        %add3A_776 = vector.broadcast %add3A_775 : i32 to vector<16xi32>
        %add3A_777 = arith.addi %add3A_776, %mul3A_774 : vector<16xi32>
        %mul3A_778 = arith.mulf %scan3A_385#5, %div3A_764 : vector<16xf32>
        %mul3A_779 = arith.mulf %mul3A_765, %mul3A_765 : vector<16xf32>
        %sub3A_780 = arith.subf %mul3A_778, %mul3A_779 : vector<16xf32>
        %add3A_781 = arith.constant 0 : i32
        %add3A_782 = vector.broadcast %add3A_781 : i32 to vector<16xi32>
        %add3A_783 = arith.addi %add3A_777, %add3A_782 : vector<16xi32>
        tpu.vector_store_idx %arg10[%add3A_783], %sub3A_780 : memref<3584xf32, #tpu.memory_space<vmem>>[vector<16xi32>], vector<16xf32>,
        %mul3A_784 = arith.mulf %scan3A_385#6, %div3A_764 : vector<16xf32>
        %mul3A_785 = arith.mulf %mul3A_766, %mul3A_765 : vector<16xf32>
        %sub3A_786 = arith.subf %mul3A_784, %mul3A_785 : vector<16xf32>
        %add3A_787 = arith.constant 1 : i32
        %add3A_788 = vector.broadcast %add3A_787 : i32 to vector<16xi32>
        %add3A_789 = arith.addi %add3A_777, %add3A_788 : vector<16xi32>
        tpu.vector_store_idx %arg10[%add3A_789], %sub3A_786 : memref<3584xf32, #tpu.memory_space<vmem>>[vector<16xi32>], vector<16xf32>,
        %mul3A_790 = arith.mulf %scan3A_385#7, %div3A_764 : vector<16xf32>
        %mul3A_791 = arith.mulf %mul3A_766, %mul3A_766 : vector<16xf32>
        %sub3A_792 = arith.subf %mul3A_790, %mul3A_791 : vector<16xf32>
        %add3A_793 = arith.constant 2 : i32
        %add3A_794 = vector.broadcast %add3A_793 : i32 to vector<16xi32>
        %add3A_795 = arith.addi %add3A_777, %add3A_794 : vector<16xi32>
        tpu.vector_store_idx %arg10[%add3A_795], %sub3A_792 : memref<3584xf32, #tpu.memory_space<vmem>>[vector<16xi32>], vector<16xf32>,
        %mul3A_796 = arith.mulf %scan3A_385#8, %div3A_764 : vector<16xf32>
        %mul3A_797 = arith.mulf %mul3A_767, %mul3A_765 : vector<16xf32>
        %sub3A_798 = arith.subf %mul3A_796, %mul3A_797 : vector<16xf32>
        %add3A_799 = arith.constant 3 : i32
        %add3A_800 = vector.broadcast %add3A_799 : i32 to vector<16xi32>
        %add3A_801 = arith.addi %add3A_777, %add3A_800 : vector<16xi32>
        tpu.vector_store_idx %arg10[%add3A_801], %sub3A_798 : memref<3584xf32, #tpu.memory_space<vmem>>[vector<16xi32>], vector<16xf32>,
        %mul3A_802 = arith.mulf %scan3A_385#9, %div3A_764 : vector<16xf32>
        %mul3A_803 = arith.mulf %mul3A_767, %mul3A_766 : vector<16xf32>
        %sub3A_804 = arith.subf %mul3A_802, %mul3A_803 : vector<16xf32>
        %add3A_805 = arith.constant 4 : i32
        %add3A_806 = vector.broadcast %add3A_805 : i32 to vector<16xi32>
        %add3A_807 = arith.addi %add3A_777, %add3A_806 : vector<16xi32>
        tpu.vector_store_idx %arg10[%add3A_807], %sub3A_804 : memref<3584xf32, #tpu.memory_space<vmem>>[vector<16xi32>], vector<16xf32>,
        %mul3A_808 = arith.mulf %scan3A_385#10, %div3A_764 : vector<16xf32>
        %mul3A_809 = arith.mulf %mul3A_767, %mul3A_767 : vector<16xf32>
        %sub3A_810 = arith.subf %mul3A_808, %mul3A_809 : vector<16xf32>
        %add3A_811 = arith.constant 5 : i32
        %add3A_812 = vector.broadcast %add3A_811 : i32 to vector<16xi32>
        %add3A_813 = arith.addi %add3A_777, %add3A_812 : vector<16xi32>
        tpu.vector_store_idx %arg10[%add3A_813], %sub3A_810 : memref<3584xf32, #tpu.memory_space<vmem>>[vector<16xi32>], vector<16xf32>,
        %mul3A_814 = arith.mulf %scan3A_385#11, %div3A_764 : vector<16xf32>
        %mul3A_815 = arith.mulf %mul3A_768, %mul3A_765 : vector<16xf32>
        %sub3A_816 = arith.subf %mul3A_814, %mul3A_815 : vector<16xf32>
        %add3A_817 = arith.constant 6 : i32
        %add3A_818 = vector.broadcast %add3A_817 : i32 to vector<16xi32>
        %add3A_819 = arith.addi %add3A_777, %add3A_818 : vector<16xi32>
        tpu.vector_store_idx %arg10[%add3A_819], %sub3A_816 : memref<3584xf32, #tpu.memory_space<vmem>>[vector<16xi32>], vector<16xf32>,
        %mul3A_820 = arith.mulf %scan3A_385#12, %div3A_764 : vector<16xf32>
        %mul3A_821 = arith.mulf %mul3A_768, %mul3A_766 : vector<16xf32>
        %sub3A_822 = arith.subf %mul3A_820, %mul3A_821 : vector<16xf32>
        %add3A_823 = arith.constant 7 : i32
        %add3A_824 = vector.broadcast %add3A_823 : i32 to vector<16xi32>
        %add3A_825 = arith.addi %add3A_777, %add3A_824 : vector<16xi32>
        tpu.vector_store_idx %arg10[%add3A_825], %sub3A_822 : memref<3584xf32, #tpu.memory_space<vmem>>[vector<16xi32>], vector<16xf32>,
        %mul3A_826 = arith.mulf %scan3A_385#13, %div3A_764 : vector<16xf32>
        %mul3A_827 = arith.mulf %mul3A_768, %mul3A_767 : vector<16xf32>
        %sub3A_828 = arith.subf %mul3A_826, %mul3A_827 : vector<16xf32>
        %add3A_829 = arith.constant 8 : i32
        %add3A_830 = vector.broadcast %add3A_829 : i32 to vector<16xi32>
        %add3A_831 = arith.addi %add3A_777, %add3A_830 : vector<16xi32>
        tpu.vector_store_idx %arg10[%add3A_831], %sub3A_828 : memref<3584xf32, #tpu.memory_space<vmem>>[vector<16xi32>], vector<16xf32>,
        %mul3A_832 = arith.mulf %scan3A_385#14, %div3A_764 : vector<16xf32>
        %mul3A_833 = arith.mulf %mul3A_768, %mul3A_768 : vector<16xf32>
        %sub3A_834 = arith.subf %mul3A_832, %mul3A_833 : vector<16xf32>
        %add3A_835 = arith.constant 9 : i32
        %add3A_836 = vector.broadcast %add3A_835 : i32 to vector<16xi32>
        %add3A_837 = arith.addi %add3A_777, %add3A_836 : vector<16xi32>
        tpu.vector_store_idx %arg10[%add3A_837], %sub3A_834 : memref<3584xf32, #tpu.memory_space<vmem>>[vector<16xi32>], vector<16xf32>,
        %add3A_838 = arith.constant 48 : i32
        %add3A_839 = vector.broadcast %add3A_838 : i32 to vector<16xi32>
        %add3A_840 = arith.addi %iota3A, %add3A_839 : vector<16xi32>
        %mul3A_841 = arith.constant 4 : i32
        %mul3A_842 = vector.broadcast %mul3A_841 : i32 to vector<16xi32>
        %mul3A_843 = arith.muli %add3A_840, %mul3A_842 : vector<16xi32>
        %add3A_844 = arith.constant 1280 : i32
        %add3A_845 = vector.broadcast %add3A_844 : i32 to vector<16xi32>
        %add3A_846 = arith.addi %add3A_845, %mul3A_843 : vector<16xi32>
        %add3A_847 = arith.constant 0 : i32
        %add3A_848 = vector.broadcast %add3A_847 : i32 to vector<16xi32>
        %add3A_849 = arith.addi %add3A_846, %add3A_848 : vector<16xi32>
        tpu.vector_store_idx %arg10[%add3A_849], %mul3A_765 : memref<3584xf32, #tpu.memory_space<vmem>>[vector<16xi32>], vector<16xf32>,
        %add3A_850 = arith.constant 1 : i32
        %add3A_851 = vector.broadcast %add3A_850 : i32 to vector<16xi32>
        %add3A_852 = arith.addi %add3A_846, %add3A_851 : vector<16xi32>
        tpu.vector_store_idx %arg10[%add3A_852], %mul3A_766 : memref<3584xf32, #tpu.memory_space<vmem>>[vector<16xi32>], vector<16xf32>,
        %add3A_853 = arith.constant 2 : i32
        %add3A_854 = vector.broadcast %add3A_853 : i32 to vector<16xi32>
        %add3A_855 = arith.addi %add3A_846, %add3A_854 : vector<16xi32>
        tpu.vector_store_idx %arg10[%add3A_855], %mul3A_767 : memref<3584xf32, #tpu.memory_space<vmem>>[vector<16xi32>], vector<16xf32>,
        %add3A_856 = arith.constant 3 : i32
        %add3A_857 = vector.broadcast %add3A_856 : i32 to vector<16xi32>
        %add3A_858 = arith.addi %add3A_846, %add3A_857 : vector<16xi32>
        tpu.vector_store_idx %arg10[%add3A_858], %mul3A_768 : memref<3584xf32, #tpu.memory_space<vmem>>[vector<16xi32>], vector<16xf32>,
        %add3A_859 = arith.constant 9.99999974E-5 : f32
        %add3A_860 = vector.broadcast %add3A_859 : f32 to vector<16xf32>
        %add3A_861 = arith.addf %scan3A_385#15, %add3A_860 : vector<16xf32>
        %div3A_862 = arith.constant 1.000000e+00 : f32
        %div3A_863 = vector.broadcast %div3A_862 : f32 to vector<16xf32>
        %div3A_864 = arith.divf %div3A_863, %add3A_861 : vector<16xf32>
        %mul3A_865 = arith.mulf %scan3A_385#16, %div3A_864 : vector<16xf32>
        %mul3A_866 = arith.mulf %scan3A_385#17, %div3A_864 : vector<16xf32>
        %mul3A_867 = arith.mulf %scan3A_385#18, %div3A_864 : vector<16xf32>
        %mul3A_868 = arith.mulf %scan3A_385#19, %div3A_864 : vector<16xf32>
        %add3A_869 = arith.constant 64 : i32
        %add3A_870 = vector.broadcast %add3A_869 : i32 to vector<16xi32>
        %add3A_871 = arith.addi %iota3A, %add3A_870 : vector<16xi32>
        %mul3A_872 = arith.constant 10 : i32
        %mul3A_873 = vector.broadcast %mul3A_872 : i32 to vector<16xi32>
        %mul3A_874 = arith.muli %add3A_871, %mul3A_873 : vector<16xi32>
        %add3A_875 = arith.constant 0 : i32
        %add3A_876 = vector.broadcast %add3A_875 : i32 to vector<16xi32>
        %add3A_877 = arith.addi %add3A_876, %mul3A_874 : vector<16xi32>
        %mul3A_878 = arith.mulf %scan3A_385#20, %div3A_864 : vector<16xf32>
        %mul3A_879 = arith.mulf %mul3A_865, %mul3A_865 : vector<16xf32>
        %sub3A_880 = arith.subf %mul3A_878, %mul3A_879 : vector<16xf32>
        %add3A_881 = arith.constant 0 : i32
        %add3A_882 = vector.broadcast %add3A_881 : i32 to vector<16xi32>
        %add3A_883 = arith.addi %add3A_877, %add3A_882 : vector<16xi32>
        tpu.vector_store_idx %arg10[%add3A_883], %sub3A_880 : memref<3584xf32, #tpu.memory_space<vmem>>[vector<16xi32>], vector<16xf32>,
        %mul3A_884 = arith.mulf %scan3A_385#21, %div3A_864 : vector<16xf32>
        %mul3A_885 = arith.mulf %mul3A_866, %mul3A_865 : vector<16xf32>
        %sub3A_886 = arith.subf %mul3A_884, %mul3A_885 : vector<16xf32>
        %add3A_887 = arith.constant 1 : i32
        %add3A_888 = vector.broadcast %add3A_887 : i32 to vector<16xi32>
        %add3A_889 = arith.addi %add3A_877, %add3A_888 : vector<16xi32>
        tpu.vector_store_idx %arg10[%add3A_889], %sub3A_886 : memref<3584xf32, #tpu.memory_space<vmem>>[vector<16xi32>], vector<16xf32>,
        %mul3A_890 = arith.mulf %scan3A_385#22, %div3A_864 : vector<16xf32>
        %mul3A_891 = arith.mulf %mul3A_866, %mul3A_866 : vector<16xf32>
        %sub3A_892 = arith.subf %mul3A_890, %mul3A_891 : vector<16xf32>
        %add3A_893 = arith.constant 2 : i32
        %add3A_894 = vector.broadcast %add3A_893 : i32 to vector<16xi32>
        %add3A_895 = arith.addi %add3A_877, %add3A_894 : vector<16xi32>
        tpu.vector_store_idx %arg10[%add3A_895], %sub3A_892 : memref<3584xf32, #tpu.memory_space<vmem>>[vector<16xi32>], vector<16xf32>,
        %mul3A_896 = arith.mulf %scan3A_385#23, %div3A_864 : vector<16xf32>
        %mul3A_897 = arith.mulf %mul3A_867, %mul3A_865 : vector<16xf32>
        %sub3A_898 = arith.subf %mul3A_896, %mul3A_897 : vector<16xf32>
        %add3A_899 = arith.constant 3 : i32
        %add3A_900 = vector.broadcast %add3A_899 : i32 to vector<16xi32>
        %add3A_901 = arith.addi %add3A_877, %add3A_900 : vector<16xi32>
        tpu.vector_store_idx %arg10[%add3A_901], %sub3A_898 : memref<3584xf32, #tpu.memory_space<vmem>>[vector<16xi32>], vector<16xf32>,
        %mul3A_902 = arith.mulf %scan3A_385#24, %div3A_864 : vector<16xf32>
        %mul3A_903 = arith.mulf %mul3A_867, %mul3A_866 : vector<16xf32>
        %sub3A_904 = arith.subf %mul3A_902, %mul3A_903 : vector<16xf32>
        %add3A_905 = arith.constant 4 : i32
        %add3A_906 = vector.broadcast %add3A_905 : i32 to vector<16xi32>
        %add3A_907 = arith.addi %add3A_877, %add3A_906 : vector<16xi32>
        tpu.vector_store_idx %arg10[%add3A_907], %sub3A_904 : memref<3584xf32, #tpu.memory_space<vmem>>[vector<16xi32>], vector<16xf32>,
        %mul3A_908 = arith.mulf %scan3A_385#25, %div3A_864 : vector<16xf32>
        %mul3A_909 = arith.mulf %mul3A_867, %mul3A_867 : vector<16xf32>
        %sub3A_910 = arith.subf %mul3A_908, %mul3A_909 : vector<16xf32>
        %add3A_911 = arith.constant 5 : i32
        %add3A_912 = vector.broadcast %add3A_911 : i32 to vector<16xi32>
        %add3A_913 = arith.addi %add3A_877, %add3A_912 : vector<16xi32>
        tpu.vector_store_idx %arg10[%add3A_913], %sub3A_910 : memref<3584xf32, #tpu.memory_space<vmem>>[vector<16xi32>], vector<16xf32>,
        %mul3A_914 = arith.mulf %scan3A_385#26, %div3A_864 : vector<16xf32>
        %mul3A_915 = arith.mulf %mul3A_868, %mul3A_865 : vector<16xf32>
        %sub3A_916 = arith.subf %mul3A_914, %mul3A_915 : vector<16xf32>
        %add3A_917 = arith.constant 6 : i32
        %add3A_918 = vector.broadcast %add3A_917 : i32 to vector<16xi32>
        %add3A_919 = arith.addi %add3A_877, %add3A_918 : vector<16xi32>
        tpu.vector_store_idx %arg10[%add3A_919], %sub3A_916 : memref<3584xf32, #tpu.memory_space<vmem>>[vector<16xi32>], vector<16xf32>,
        %mul3A_920 = arith.mulf %scan3A_385#27, %div3A_864 : vector<16xf32>
        %mul3A_921 = arith.mulf %mul3A_868, %mul3A_866 : vector<16xf32>
        %sub3A_922 = arith.subf %mul3A_920, %mul3A_921 : vector<16xf32>
        %add3A_923 = arith.constant 7 : i32
        %add3A_924 = vector.broadcast %add3A_923 : i32 to vector<16xi32>
        %add3A_925 = arith.addi %add3A_877, %add3A_924 : vector<16xi32>
        tpu.vector_store_idx %arg10[%add3A_925], %sub3A_922 : memref<3584xf32, #tpu.memory_space<vmem>>[vector<16xi32>], vector<16xf32>,
        %mul3A_926 = arith.mulf %scan3A_385#28, %div3A_864 : vector<16xf32>
        %mul3A_927 = arith.mulf %mul3A_868, %mul3A_867 : vector<16xf32>
        %sub3A_928 = arith.subf %mul3A_926, %mul3A_927 : vector<16xf32>
        %add3A_929 = arith.constant 8 : i32
        %add3A_930 = vector.broadcast %add3A_929 : i32 to vector<16xi32>
        %add3A_931 = arith.addi %add3A_877, %add3A_930 : vector<16xi32>
        tpu.vector_store_idx %arg10[%add3A_931], %sub3A_928 : memref<3584xf32, #tpu.memory_space<vmem>>[vector<16xi32>], vector<16xf32>,
        %mul3A_932 = arith.mulf %scan3A_385#29, %div3A_864 : vector<16xf32>
        %mul3A_933 = arith.mulf %mul3A_868, %mul3A_868 : vector<16xf32>
        %sub3A_934 = arith.subf %mul3A_932, %mul3A_933 : vector<16xf32>
        %add3A_935 = arith.constant 9 : i32
        %add3A_936 = vector.broadcast %add3A_935 : i32 to vector<16xi32>
        %add3A_937 = arith.addi %add3A_877, %add3A_936 : vector<16xi32>
        tpu.vector_store_idx %arg10[%add3A_937], %sub3A_934 : memref<3584xf32, #tpu.memory_space<vmem>>[vector<16xi32>], vector<16xf32>,
        %add3A_938 = arith.constant 64 : i32
        %add3A_939 = vector.broadcast %add3A_938 : i32 to vector<16xi32>
        %add3A_940 = arith.addi %iota3A, %add3A_939 : vector<16xi32>
        %mul3A_941 = arith.constant 4 : i32
        %mul3A_942 = vector.broadcast %mul3A_941 : i32 to vector<16xi32>
        %mul3A_943 = arith.muli %add3A_940, %mul3A_942 : vector<16xi32>
        %add3A_944 = arith.constant 1280 : i32
        %add3A_945 = vector.broadcast %add3A_944 : i32 to vector<16xi32>
        %add3A_946 = arith.addi %add3A_945, %mul3A_943 : vector<16xi32>
        %add3A_947 = arith.constant 0 : i32
        %add3A_948 = vector.broadcast %add3A_947 : i32 to vector<16xi32>
        %add3A_949 = arith.addi %add3A_946, %add3A_948 : vector<16xi32>
        tpu.vector_store_idx %arg10[%add3A_949], %mul3A_865 : memref<3584xf32, #tpu.memory_space<vmem>>[vector<16xi32>], vector<16xf32>,
        %add3A_950 = arith.constant 1 : i32
        %add3A_951 = vector.broadcast %add3A_950 : i32 to vector<16xi32>
        %add3A_952 = arith.addi %add3A_946, %add3A_951 : vector<16xi32>
        tpu.vector_store_idx %arg10[%add3A_952], %mul3A_866 : memref<3584xf32, #tpu.memory_space<vmem>>[vector<16xi32>], vector<16xf32>,
        %add3A_953 = arith.constant 2 : i32
        %add3A_954 = vector.broadcast %add3A_953 : i32 to vector<16xi32>
        %add3A_955 = arith.addi %add3A_946, %add3A_954 : vector<16xi32>
        tpu.vector_store_idx %arg10[%add3A_955], %mul3A_867 : memref<3584xf32, #tpu.memory_space<vmem>>[vector<16xi32>], vector<16xf32>,
        %add3A_956 = arith.constant 3 : i32
        %add3A_957 = vector.broadcast %add3A_956 : i32 to vector<16xi32>
        %add3A_958 = arith.addi %add3A_946, %add3A_957 : vector<16xi32>
        tpu.vector_store_idx %arg10[%add3A_958], %mul3A_868 : memref<3584xf32, #tpu.memory_space<vmem>>[vector<16xi32>], vector<16xf32>,
        %add3A_959 = arith.constant 9.99999974E-5 : f32
        %add3A_960 = vector.broadcast %add3A_959 : f32 to vector<16xf32>
        %add3A_961 = arith.addf %scan3A_385#30, %add3A_960 : vector<16xf32>
        %div3A_962 = arith.constant 1.000000e+00 : f32
        %div3A_963 = vector.broadcast %div3A_962 : f32 to vector<16xf32>
        %div3A_964 = arith.divf %div3A_963, %add3A_961 : vector<16xf32>
        %mul3A_965 = arith.mulf %scan3A_385#31, %div3A_964 : vector<16xf32>
        %mul3A_966 = arith.mulf %scan3A_385#32, %div3A_964 : vector<16xf32>
        %mul3A_967 = arith.mulf %scan3A_385#33, %div3A_964 : vector<16xf32>
        %mul3A_968 = arith.mulf %scan3A_385#34, %div3A_964 : vector<16xf32>
        %add3A_969 = arith.constant 80 : i32
        %add3A_970 = vector.broadcast %add3A_969 : i32 to vector<16xi32>
        %add3A_971 = arith.addi %iota3A, %add3A_970 : vector<16xi32>
        %mul3A_972 = arith.constant 10 : i32
        %mul3A_973 = vector.broadcast %mul3A_972 : i32 to vector<16xi32>
        %mul3A_974 = arith.muli %add3A_971, %mul3A_973 : vector<16xi32>
        %add3A_975 = arith.constant 0 : i32
        %add3A_976 = vector.broadcast %add3A_975 : i32 to vector<16xi32>
        %add3A_977 = arith.addi %add3A_976, %mul3A_974 : vector<16xi32>
        %mul3A_978 = arith.mulf %scan3A_385#35, %div3A_964 : vector<16xf32>
        %mul3A_979 = arith.mulf %mul3A_965, %mul3A_965 : vector<16xf32>
        %sub3A_980 = arith.subf %mul3A_978, %mul3A_979 : vector<16xf32>
        %add3A_981 = arith.constant 0 : i32
        %add3A_982 = vector.broadcast %add3A_981 : i32 to vector<16xi32>
        %add3A_983 = arith.addi %add3A_977, %add3A_982 : vector<16xi32>
        tpu.vector_store_idx %arg10[%add3A_983], %sub3A_980 : memref<3584xf32, #tpu.memory_space<vmem>>[vector<16xi32>], vector<16xf32>,
        %mul3A_984 = arith.mulf %scan3A_385#36, %div3A_964 : vector<16xf32>
        %mul3A_985 = arith.mulf %mul3A_966, %mul3A_965 : vector<16xf32>
        %sub3A_986 = arith.subf %mul3A_984, %mul3A_985 : vector<16xf32>
        %add3A_987 = arith.constant 1 : i32
        %add3A_988 = vector.broadcast %add3A_987 : i32 to vector<16xi32>
        %add3A_989 = arith.addi %add3A_977, %add3A_988 : vector<16xi32>
        tpu.vector_store_idx %arg10[%add3A_989], %sub3A_986 : memref<3584xf32, #tpu.memory_space<vmem>>[vector<16xi32>], vector<16xf32>,
        %mul3A_990 = arith.mulf %scan3A_385#37, %div3A_964 : vector<16xf32>
        %mul3A_991 = arith.mulf %mul3A_966, %mul3A_966 : vector<16xf32>
        %sub3A_992 = arith.subf %mul3A_990, %mul3A_991 : vector<16xf32>
        %add3A_993 = arith.constant 2 : i32
        %add3A_994 = vector.broadcast %add3A_993 : i32 to vector<16xi32>
        %add3A_995 = arith.addi %add3A_977, %add3A_994 : vector<16xi32>
        tpu.vector_store_idx %arg10[%add3A_995], %sub3A_992 : memref<3584xf32, #tpu.memory_space<vmem>>[vector<16xi32>], vector<16xf32>,
        %mul3A_996 = arith.mulf %scan3A_385#38, %div3A_964 : vector<16xf32>
        %mul3A_997 = arith.mulf %mul3A_967, %mul3A_965 : vector<16xf32>
        %sub3A_998 = arith.subf %mul3A_996, %mul3A_997 : vector<16xf32>
        %add3A_999 = arith.constant 3 : i32
        %add3A_1000 = vector.broadcast %add3A_999 : i32 to vector<16xi32>
        %add3A_1001 = arith.addi %add3A_977, %add3A_1000 : vector<16xi32>
        tpu.vector_store_idx %arg10[%add3A_1001], %sub3A_998 : memref<3584xf32, #tpu.memory_space<vmem>>[vector<16xi32>], vector<16xf32>,
        %mul3A_1002 = arith.mulf %scan3A_385#39, %div3A_964 : vector<16xf32>
        %mul3A_1003 = arith.mulf %mul3A_967, %mul3A_966 : vector<16xf32>
        %sub3A_1004 = arith.subf %mul3A_1002, %mul3A_1003 : vector<16xf32>
        %add3A_1005 = arith.constant 4 : i32
        %add3A_1006 = vector.broadcast %add3A_1005 : i32 to vector<16xi32>
        %add3A_1007 = arith.addi %add3A_977, %add3A_1006 : vector<16xi32>
        tpu.vector_store_idx %arg10[%add3A_1007], %sub3A_1004 : memref<3584xf32, #tpu.memory_space<vmem>>[vector<16xi32>], vector<16xf32>,
        %mul3A_1008 = arith.mulf %scan3A_385#40, %div3A_964 : vector<16xf32>
        %mul3A_1009 = arith.mulf %mul3A_967, %mul3A_967 : vector<16xf32>
        %sub3A_1010 = arith.subf %mul3A_1008, %mul3A_1009 : vector<16xf32>
        %add3A_1011 = arith.constant 5 : i32
        %add3A_1012 = vector.broadcast %add3A_1011 : i32 to vector<16xi32>
        %add3A_1013 = arith.addi %add3A_977, %add3A_1012 : vector<16xi32>
        tpu.vector_store_idx %arg10[%add3A_1013], %sub3A_1010 : memref<3584xf32, #tpu.memory_space<vmem>>[vector<16xi32>], vector<16xf32>,
        %mul3A_1014 = arith.mulf %scan3A_385#41, %div3A_964 : vector<16xf32>
        %mul3A_1015 = arith.mulf %mul3A_968, %mul3A_965 : vector<16xf32>
        %sub3A_1016 = arith.subf %mul3A_1014, %mul3A_1015 : vector<16xf32>
        %add3A_1017 = arith.constant 6 : i32
        %add3A_1018 = vector.broadcast %add3A_1017 : i32 to vector<16xi32>
        %add3A_1019 = arith.addi %add3A_977, %add3A_1018 : vector<16xi32>
        tpu.vector_store_idx %arg10[%add3A_1019], %sub3A_1016 : memref<3584xf32, #tpu.memory_space<vmem>>[vector<16xi32>], vector<16xf32>,
        %mul3A_1020 = arith.mulf %scan3A_385#42, %div3A_964 : vector<16xf32>
        %mul3A_1021 = arith.mulf %mul3A_968, %mul3A_966 : vector<16xf32>
        %sub3A_1022 = arith.subf %mul3A_1020, %mul3A_1021 : vector<16xf32>
        %add3A_1023 = arith.constant 7 : i32
        %add3A_1024 = vector.broadcast %add3A_1023 : i32 to vector<16xi32>
        %add3A_1025 = arith.addi %add3A_977, %add3A_1024 : vector<16xi32>
        tpu.vector_store_idx %arg10[%add3A_1025], %sub3A_1022 : memref<3584xf32, #tpu.memory_space<vmem>>[vector<16xi32>], vector<16xf32>,
        %mul3A_1026 = arith.mulf %scan3A_385#43, %div3A_964 : vector<16xf32>
        %mul3A_1027 = arith.mulf %mul3A_968, %mul3A_967 : vector<16xf32>
        %sub3A_1028 = arith.subf %mul3A_1026, %mul3A_1027 : vector<16xf32>
        %add3A_1029 = arith.constant 8 : i32
        %add3A_1030 = vector.broadcast %add3A_1029 : i32 to vector<16xi32>
        %add3A_1031 = arith.addi %add3A_977, %add3A_1030 : vector<16xi32>
        tpu.vector_store_idx %arg10[%add3A_1031], %sub3A_1028 : memref<3584xf32, #tpu.memory_space<vmem>>[vector<16xi32>], vector<16xf32>,
        %mul3A_1032 = arith.mulf %scan3A_385#44, %div3A_964 : vector<16xf32>
        %mul3A_1033 = arith.mulf %mul3A_968, %mul3A_968 : vector<16xf32>
        %sub3A_1034 = arith.subf %mul3A_1032, %mul3A_1033 : vector<16xf32>
        %add3A_1035 = arith.constant 9 : i32
        %add3A_1036 = vector.broadcast %add3A_1035 : i32 to vector<16xi32>
        %add3A_1037 = arith.addi %add3A_977, %add3A_1036 : vector<16xi32>
        tpu.vector_store_idx %arg10[%add3A_1037], %sub3A_1034 : memref<3584xf32, #tpu.memory_space<vmem>>[vector<16xi32>], vector<16xf32>,
        %add3A_1038 = arith.constant 80 : i32
        %add3A_1039 = vector.broadcast %add3A_1038 : i32 to vector<16xi32>
        %add3A_1040 = arith.addi %iota3A, %add3A_1039 : vector<16xi32>
        %mul3A_1041 = arith.constant 4 : i32
        %mul3A_1042 = vector.broadcast %mul3A_1041 : i32 to vector<16xi32>
        %mul3A_1043 = arith.muli %add3A_1040, %mul3A_1042 : vector<16xi32>
        %add3A_1044 = arith.constant 1280 : i32
        %add3A_1045 = vector.broadcast %add3A_1044 : i32 to vector<16xi32>
        %add3A_1046 = arith.addi %add3A_1045, %mul3A_1043 : vector<16xi32>
        %add3A_1047 = arith.constant 0 : i32
        %add3A_1048 = vector.broadcast %add3A_1047 : i32 to vector<16xi32>
        %add3A_1049 = arith.addi %add3A_1046, %add3A_1048 : vector<16xi32>
        tpu.vector_store_idx %arg10[%add3A_1049], %mul3A_965 : memref<3584xf32, #tpu.memory_space<vmem>>[vector<16xi32>], vector<16xf32>,
        %add3A_1050 = arith.constant 1 : i32
        %add3A_1051 = vector.broadcast %add3A_1050 : i32 to vector<16xi32>
        %add3A_1052 = arith.addi %add3A_1046, %add3A_1051 : vector<16xi32>
        tpu.vector_store_idx %arg10[%add3A_1052], %mul3A_966 : memref<3584xf32, #tpu.memory_space<vmem>>[vector<16xi32>], vector<16xf32>,
        %add3A_1053 = arith.constant 2 : i32
        %add3A_1054 = vector.broadcast %add3A_1053 : i32 to vector<16xi32>
        %add3A_1055 = arith.addi %add3A_1046, %add3A_1054 : vector<16xi32>
        tpu.vector_store_idx %arg10[%add3A_1055], %mul3A_967 : memref<3584xf32, #tpu.memory_space<vmem>>[vector<16xi32>], vector<16xf32>,
        %add3A_1056 = arith.constant 3 : i32
        %add3A_1057 = vector.broadcast %add3A_1056 : i32 to vector<16xi32>
        %add3A_1058 = arith.addi %add3A_1046, %add3A_1057 : vector<16xi32>
        tpu.vector_store_idx %arg10[%add3A_1058], %mul3A_968 : memref<3584xf32, #tpu.memory_space<vmem>>[vector<16xi32>], vector<16xf32>,
        %add3A_1059 = arith.constant 9.99999974E-5 : f32
        %add3A_1060 = vector.broadcast %add3A_1059 : f32 to vector<16xf32>
        %add3A_1061 = arith.addf %scan3A_451#0, %add3A_1060 : vector<16xf32>
        %div3A_1062 = arith.constant 1.000000e+00 : f32
        %div3A_1063 = vector.broadcast %div3A_1062 : f32 to vector<16xf32>
        %div3A_1064 = arith.divf %div3A_1063, %add3A_1061 : vector<16xf32>
        %mul3A_1065 = arith.mulf %scan3A_451#1, %div3A_1064 : vector<16xf32>
        %mul3A_1066 = arith.mulf %scan3A_451#2, %div3A_1064 : vector<16xf32>
        %mul3A_1067 = arith.mulf %scan3A_451#3, %div3A_1064 : vector<16xf32>
        %mul3A_1068 = arith.mulf %scan3A_451#4, %div3A_1064 : vector<16xf32>
        %add3A_1069 = arith.constant 96 : i32
        %add3A_1070 = vector.broadcast %add3A_1069 : i32 to vector<16xi32>
        %add3A_1071 = arith.addi %iota3A, %add3A_1070 : vector<16xi32>
        %mul3A_1072 = arith.constant 10 : i32
        %mul3A_1073 = vector.broadcast %mul3A_1072 : i32 to vector<16xi32>
        %mul3A_1074 = arith.muli %add3A_1071, %mul3A_1073 : vector<16xi32>
        %add3A_1075 = arith.constant 0 : i32
        %add3A_1076 = vector.broadcast %add3A_1075 : i32 to vector<16xi32>
        %add3A_1077 = arith.addi %add3A_1076, %mul3A_1074 : vector<16xi32>
        %mul3A_1078 = arith.mulf %scan3A_451#5, %div3A_1064 : vector<16xf32>
        %mul3A_1079 = arith.mulf %mul3A_1065, %mul3A_1065 : vector<16xf32>
        %sub3A_1080 = arith.subf %mul3A_1078, %mul3A_1079 : vector<16xf32>
        %add3A_1081 = arith.constant 0 : i32
        %add3A_1082 = vector.broadcast %add3A_1081 : i32 to vector<16xi32>
        %add3A_1083 = arith.addi %add3A_1077, %add3A_1082 : vector<16xi32>
        tpu.vector_store_idx %arg10[%add3A_1083], %sub3A_1080 : memref<3584xf32, #tpu.memory_space<vmem>>[vector<16xi32>], vector<16xf32>,
        %mul3A_1084 = arith.mulf %scan3A_451#6, %div3A_1064 : vector<16xf32>
        %mul3A_1085 = arith.mulf %mul3A_1066, %mul3A_1065 : vector<16xf32>
        %sub3A_1086 = arith.subf %mul3A_1084, %mul3A_1085 : vector<16xf32>
        %add3A_1087 = arith.constant 1 : i32
        %add3A_1088 = vector.broadcast %add3A_1087 : i32 to vector<16xi32>
        %add3A_1089 = arith.addi %add3A_1077, %add3A_1088 : vector<16xi32>
        tpu.vector_store_idx %arg10[%add3A_1089], %sub3A_1086 : memref<3584xf32, #tpu.memory_space<vmem>>[vector<16xi32>], vector<16xf32>,
        %mul3A_1090 = arith.mulf %scan3A_451#7, %div3A_1064 : vector<16xf32>
        %mul3A_1091 = arith.mulf %mul3A_1066, %mul3A_1066 : vector<16xf32>
        %sub3A_1092 = arith.subf %mul3A_1090, %mul3A_1091 : vector<16xf32>
        %add3A_1093 = arith.constant 2 : i32
        %add3A_1094 = vector.broadcast %add3A_1093 : i32 to vector<16xi32>
        %add3A_1095 = arith.addi %add3A_1077, %add3A_1094 : vector<16xi32>
        tpu.vector_store_idx %arg10[%add3A_1095], %sub3A_1092 : memref<3584xf32, #tpu.memory_space<vmem>>[vector<16xi32>], vector<16xf32>,
        %mul3A_1096 = arith.mulf %scan3A_451#8, %div3A_1064 : vector<16xf32>
        %mul3A_1097 = arith.mulf %mul3A_1067, %mul3A_1065 : vector<16xf32>
        %sub3A_1098 = arith.subf %mul3A_1096, %mul3A_1097 : vector<16xf32>
        %add3A_1099 = arith.constant 3 : i32
        %add3A_1100 = vector.broadcast %add3A_1099 : i32 to vector<16xi32>
        %add3A_1101 = arith.addi %add3A_1077, %add3A_1100 : vector<16xi32>
        tpu.vector_store_idx %arg10[%add3A_1101], %sub3A_1098 : memref<3584xf32, #tpu.memory_space<vmem>>[vector<16xi32>], vector<16xf32>,
        %mul3A_1102 = arith.mulf %scan3A_451#9, %div3A_1064 : vector<16xf32>
        %mul3A_1103 = arith.mulf %mul3A_1067, %mul3A_1066 : vector<16xf32>
        %sub3A_1104 = arith.subf %mul3A_1102, %mul3A_1103 : vector<16xf32>
        %add3A_1105 = arith.constant 4 : i32
        %add3A_1106 = vector.broadcast %add3A_1105 : i32 to vector<16xi32>
        %add3A_1107 = arith.addi %add3A_1077, %add3A_1106 : vector<16xi32>
        tpu.vector_store_idx %arg10[%add3A_1107], %sub3A_1104 : memref<3584xf32, #tpu.memory_space<vmem>>[vector<16xi32>], vector<16xf32>,
        %mul3A_1108 = arith.mulf %scan3A_451#10, %div3A_1064 : vector<16xf32>
        %mul3A_1109 = arith.mulf %mul3A_1067, %mul3A_1067 : vector<16xf32>
        %sub3A_1110 = arith.subf %mul3A_1108, %mul3A_1109 : vector<16xf32>
        %add3A_1111 = arith.constant 5 : i32
        %add3A_1112 = vector.broadcast %add3A_1111 : i32 to vector<16xi32>
        %add3A_1113 = arith.addi %add3A_1077, %add3A_1112 : vector<16xi32>
        tpu.vector_store_idx %arg10[%add3A_1113], %sub3A_1110 : memref<3584xf32, #tpu.memory_space<vmem>>[vector<16xi32>], vector<16xf32>,
        %mul3A_1114 = arith.mulf %scan3A_451#11, %div3A_1064 : vector<16xf32>
        %mul3A_1115 = arith.mulf %mul3A_1068, %mul3A_1065 : vector<16xf32>
        %sub3A_1116 = arith.subf %mul3A_1114, %mul3A_1115 : vector<16xf32>
        %add3A_1117 = arith.constant 6 : i32
        %add3A_1118 = vector.broadcast %add3A_1117 : i32 to vector<16xi32>
        %add3A_1119 = arith.addi %add3A_1077, %add3A_1118 : vector<16xi32>
        tpu.vector_store_idx %arg10[%add3A_1119], %sub3A_1116 : memref<3584xf32, #tpu.memory_space<vmem>>[vector<16xi32>], vector<16xf32>,
        %mul3A_1120 = arith.mulf %scan3A_451#12, %div3A_1064 : vector<16xf32>
        %mul3A_1121 = arith.mulf %mul3A_1068, %mul3A_1066 : vector<16xf32>
        %sub3A_1122 = arith.subf %mul3A_1120, %mul3A_1121 : vector<16xf32>
        %add3A_1123 = arith.constant 7 : i32
        %add3A_1124 = vector.broadcast %add3A_1123 : i32 to vector<16xi32>
        %add3A_1125 = arith.addi %add3A_1077, %add3A_1124 : vector<16xi32>
        tpu.vector_store_idx %arg10[%add3A_1125], %sub3A_1122 : memref<3584xf32, #tpu.memory_space<vmem>>[vector<16xi32>], vector<16xf32>,
        %mul3A_1126 = arith.mulf %scan3A_451#13, %div3A_1064 : vector<16xf32>
        %mul3A_1127 = arith.mulf %mul3A_1068, %mul3A_1067 : vector<16xf32>
        %sub3A_1128 = arith.subf %mul3A_1126, %mul3A_1127 : vector<16xf32>
        %add3A_1129 = arith.constant 8 : i32
        %add3A_1130 = vector.broadcast %add3A_1129 : i32 to vector<16xi32>
        %add3A_1131 = arith.addi %add3A_1077, %add3A_1130 : vector<16xi32>
        tpu.vector_store_idx %arg10[%add3A_1131], %sub3A_1128 : memref<3584xf32, #tpu.memory_space<vmem>>[vector<16xi32>], vector<16xf32>,
        %mul3A_1132 = arith.mulf %scan3A_451#14, %div3A_1064 : vector<16xf32>
        %mul3A_1133 = arith.mulf %mul3A_1068, %mul3A_1068 : vector<16xf32>
        %sub3A_1134 = arith.subf %mul3A_1132, %mul3A_1133 : vector<16xf32>
        %add3A_1135 = arith.constant 9 : i32
        %add3A_1136 = vector.broadcast %add3A_1135 : i32 to vector<16xi32>
        %add3A_1137 = arith.addi %add3A_1077, %add3A_1136 : vector<16xi32>
        tpu.vector_store_idx %arg10[%add3A_1137], %sub3A_1134 : memref<3584xf32, #tpu.memory_space<vmem>>[vector<16xi32>], vector<16xf32>,
        %add3A_1138 = arith.constant 96 : i32
        %add3A_1139 = vector.broadcast %add3A_1138 : i32 to vector<16xi32>
        %add3A_1140 = arith.addi %iota3A, %add3A_1139 : vector<16xi32>
        %mul3A_1141 = arith.constant 4 : i32
        %mul3A_1142 = vector.broadcast %mul3A_1141 : i32 to vector<16xi32>
        %mul3A_1143 = arith.muli %add3A_1140, %mul3A_1142 : vector<16xi32>
        %add3A_1144 = arith.constant 1280 : i32
        %add3A_1145 = vector.broadcast %add3A_1144 : i32 to vector<16xi32>
        %add3A_1146 = arith.addi %add3A_1145, %mul3A_1143 : vector<16xi32>
        %add3A_1147 = arith.constant 0 : i32
        %add3A_1148 = vector.broadcast %add3A_1147 : i32 to vector<16xi32>
        %add3A_1149 = arith.addi %add3A_1146, %add3A_1148 : vector<16xi32>
        tpu.vector_store_idx %arg10[%add3A_1149], %mul3A_1065 : memref<3584xf32, #tpu.memory_space<vmem>>[vector<16xi32>], vector<16xf32>,
        %add3A_1150 = arith.constant 1 : i32
        %add3A_1151 = vector.broadcast %add3A_1150 : i32 to vector<16xi32>
        %add3A_1152 = arith.addi %add3A_1146, %add3A_1151 : vector<16xi32>
        tpu.vector_store_idx %arg10[%add3A_1152], %mul3A_1066 : memref<3584xf32, #tpu.memory_space<vmem>>[vector<16xi32>], vector<16xf32>,
        %add3A_1153 = arith.constant 2 : i32
        %add3A_1154 = vector.broadcast %add3A_1153 : i32 to vector<16xi32>
        %add3A_1155 = arith.addi %add3A_1146, %add3A_1154 : vector<16xi32>
        tpu.vector_store_idx %arg10[%add3A_1155], %mul3A_1067 : memref<3584xf32, #tpu.memory_space<vmem>>[vector<16xi32>], vector<16xf32>,
        %add3A_1156 = arith.constant 3 : i32
        %add3A_1157 = vector.broadcast %add3A_1156 : i32 to vector<16xi32>
        %add3A_1158 = arith.addi %add3A_1146, %add3A_1157 : vector<16xi32>
        tpu.vector_store_idx %arg10[%add3A_1158], %mul3A_1068 : memref<3584xf32, #tpu.memory_space<vmem>>[vector<16xi32>], vector<16xf32>,
        %add3A_1159 = arith.constant 9.99999974E-5 : f32
        %add3A_1160 = vector.broadcast %add3A_1159 : f32 to vector<16xf32>
        %add3A_1161 = arith.addf %scan3A_451#15, %add3A_1160 : vector<16xf32>
        %div3A_1162 = arith.constant 1.000000e+00 : f32
        %div3A_1163 = vector.broadcast %div3A_1162 : f32 to vector<16xf32>
        %div3A_1164 = arith.divf %div3A_1163, %add3A_1161 : vector<16xf32>
        %mul3A_1165 = arith.mulf %scan3A_451#16, %div3A_1164 : vector<16xf32>
        %mul3A_1166 = arith.mulf %scan3A_451#17, %div3A_1164 : vector<16xf32>
        %mul3A_1167 = arith.mulf %scan3A_451#18, %div3A_1164 : vector<16xf32>
        %mul3A_1168 = arith.mulf %scan3A_451#19, %div3A_1164 : vector<16xf32>
        %add3A_1169 = arith.constant 112 : i32
        %add3A_1170 = vector.broadcast %add3A_1169 : i32 to vector<16xi32>
        %add3A_1171 = arith.addi %iota3A, %add3A_1170 : vector<16xi32>
        %mul3A_1172 = arith.constant 10 : i32
        %mul3A_1173 = vector.broadcast %mul3A_1172 : i32 to vector<16xi32>
        %mul3A_1174 = arith.muli %add3A_1171, %mul3A_1173 : vector<16xi32>
        %add3A_1175 = arith.constant 0 : i32
        %add3A_1176 = vector.broadcast %add3A_1175 : i32 to vector<16xi32>
        %add3A_1177 = arith.addi %add3A_1176, %mul3A_1174 : vector<16xi32>
        %mul3A_1178 = arith.mulf %scan3A_451#20, %div3A_1164 : vector<16xf32>
        %mul3A_1179 = arith.mulf %mul3A_1165, %mul3A_1165 : vector<16xf32>
        %sub3A_1180 = arith.subf %mul3A_1178, %mul3A_1179 : vector<16xf32>
        %add3A_1181 = arith.constant 0 : i32
        %add3A_1182 = vector.broadcast %add3A_1181 : i32 to vector<16xi32>
        %add3A_1183 = arith.addi %add3A_1177, %add3A_1182 : vector<16xi32>
        tpu.vector_store_idx %arg10[%add3A_1183], %sub3A_1180 : memref<3584xf32, #tpu.memory_space<vmem>>[vector<16xi32>], vector<16xf32>,
        %mul3A_1184 = arith.mulf %scan3A_451#21, %div3A_1164 : vector<16xf32>
        %mul3A_1185 = arith.mulf %mul3A_1166, %mul3A_1165 : vector<16xf32>
        %sub3A_1186 = arith.subf %mul3A_1184, %mul3A_1185 : vector<16xf32>
        %add3A_1187 = arith.constant 1 : i32
        %add3A_1188 = vector.broadcast %add3A_1187 : i32 to vector<16xi32>
        %add3A_1189 = arith.addi %add3A_1177, %add3A_1188 : vector<16xi32>
        tpu.vector_store_idx %arg10[%add3A_1189], %sub3A_1186 : memref<3584xf32, #tpu.memory_space<vmem>>[vector<16xi32>], vector<16xf32>,
        %mul3A_1190 = arith.mulf %scan3A_451#22, %div3A_1164 : vector<16xf32>
        %mul3A_1191 = arith.mulf %mul3A_1166, %mul3A_1166 : vector<16xf32>
        %sub3A_1192 = arith.subf %mul3A_1190, %mul3A_1191 : vector<16xf32>
        %add3A_1193 = arith.constant 2 : i32
        %add3A_1194 = vector.broadcast %add3A_1193 : i32 to vector<16xi32>
        %add3A_1195 = arith.addi %add3A_1177, %add3A_1194 : vector<16xi32>
        tpu.vector_store_idx %arg10[%add3A_1195], %sub3A_1192 : memref<3584xf32, #tpu.memory_space<vmem>>[vector<16xi32>], vector<16xf32>,
        %mul3A_1196 = arith.mulf %scan3A_451#23, %div3A_1164 : vector<16xf32>
        %mul3A_1197 = arith.mulf %mul3A_1167, %mul3A_1165 : vector<16xf32>
        %sub3A_1198 = arith.subf %mul3A_1196, %mul3A_1197 : vector<16xf32>
        %add3A_1199 = arith.constant 3 : i32
        %add3A_1200 = vector.broadcast %add3A_1199 : i32 to vector<16xi32>
        %add3A_1201 = arith.addi %add3A_1177, %add3A_1200 : vector<16xi32>
        tpu.vector_store_idx %arg10[%add3A_1201], %sub3A_1198 : memref<3584xf32, #tpu.memory_space<vmem>>[vector<16xi32>], vector<16xf32>,
        %mul3A_1202 = arith.mulf %scan3A_451#24, %div3A_1164 : vector<16xf32>
        %mul3A_1203 = arith.mulf %mul3A_1167, %mul3A_1166 : vector<16xf32>
        %sub3A_1204 = arith.subf %mul3A_1202, %mul3A_1203 : vector<16xf32>
        %add3A_1205 = arith.constant 4 : i32
        %add3A_1206 = vector.broadcast %add3A_1205 : i32 to vector<16xi32>
        %add3A_1207 = arith.addi %add3A_1177, %add3A_1206 : vector<16xi32>
        tpu.vector_store_idx %arg10[%add3A_1207], %sub3A_1204 : memref<3584xf32, #tpu.memory_space<vmem>>[vector<16xi32>], vector<16xf32>,
        %mul3A_1208 = arith.mulf %scan3A_451#25, %div3A_1164 : vector<16xf32>
        %mul3A_1209 = arith.mulf %mul3A_1167, %mul3A_1167 : vector<16xf32>
        %sub3A_1210 = arith.subf %mul3A_1208, %mul3A_1209 : vector<16xf32>
        %add3A_1211 = arith.constant 5 : i32
        %add3A_1212 = vector.broadcast %add3A_1211 : i32 to vector<16xi32>
        %add3A_1213 = arith.addi %add3A_1177, %add3A_1212 : vector<16xi32>
        tpu.vector_store_idx %arg10[%add3A_1213], %sub3A_1210 : memref<3584xf32, #tpu.memory_space<vmem>>[vector<16xi32>], vector<16xf32>,
        %mul3A_1214 = arith.mulf %scan3A_451#26, %div3A_1164 : vector<16xf32>
        %mul3A_1215 = arith.mulf %mul3A_1168, %mul3A_1165 : vector<16xf32>
        %sub3A_1216 = arith.subf %mul3A_1214, %mul3A_1215 : vector<16xf32>
        %add3A_1217 = arith.constant 6 : i32
        %add3A_1218 = vector.broadcast %add3A_1217 : i32 to vector<16xi32>
        %add3A_1219 = arith.addi %add3A_1177, %add3A_1218 : vector<16xi32>
        tpu.vector_store_idx %arg10[%add3A_1219], %sub3A_1216 : memref<3584xf32, #tpu.memory_space<vmem>>[vector<16xi32>], vector<16xf32>,
        %mul3A_1220 = arith.mulf %scan3A_451#27, %div3A_1164 : vector<16xf32>
        %mul3A_1221 = arith.mulf %mul3A_1168, %mul3A_1166 : vector<16xf32>
        %sub3A_1222 = arith.subf %mul3A_1220, %mul3A_1221 : vector<16xf32>
        %add3A_1223 = arith.constant 7 : i32
        %add3A_1224 = vector.broadcast %add3A_1223 : i32 to vector<16xi32>
        %add3A_1225 = arith.addi %add3A_1177, %add3A_1224 : vector<16xi32>
        tpu.vector_store_idx %arg10[%add3A_1225], %sub3A_1222 : memref<3584xf32, #tpu.memory_space<vmem>>[vector<16xi32>], vector<16xf32>,
        %mul3A_1226 = arith.mulf %scan3A_451#28, %div3A_1164 : vector<16xf32>
        %mul3A_1227 = arith.mulf %mul3A_1168, %mul3A_1167 : vector<16xf32>
        %sub3A_1228 = arith.subf %mul3A_1226, %mul3A_1227 : vector<16xf32>
        %add3A_1229 = arith.constant 8 : i32
        %add3A_1230 = vector.broadcast %add3A_1229 : i32 to vector<16xi32>
        %add3A_1231 = arith.addi %add3A_1177, %add3A_1230 : vector<16xi32>
        tpu.vector_store_idx %arg10[%add3A_1231], %sub3A_1228 : memref<3584xf32, #tpu.memory_space<vmem>>[vector<16xi32>], vector<16xf32>,
        %mul3A_1232 = arith.mulf %scan3A_451#29, %div3A_1164 : vector<16xf32>
        %mul3A_1233 = arith.mulf %mul3A_1168, %mul3A_1168 : vector<16xf32>
        %sub3A_1234 = arith.subf %mul3A_1232, %mul3A_1233 : vector<16xf32>
        %add3A_1235 = arith.constant 9 : i32
        %add3A_1236 = vector.broadcast %add3A_1235 : i32 to vector<16xi32>
        %add3A_1237 = arith.addi %add3A_1177, %add3A_1236 : vector<16xi32>
        tpu.vector_store_idx %arg10[%add3A_1237], %sub3A_1234 : memref<3584xf32, #tpu.memory_space<vmem>>[vector<16xi32>], vector<16xf32>,
        %add3A_1238 = arith.constant 112 : i32
        %add3A_1239 = vector.broadcast %add3A_1238 : i32 to vector<16xi32>
        %add3A_1240 = arith.addi %iota3A, %add3A_1239 : vector<16xi32>
        %mul3A_1241 = arith.constant 4 : i32
        %mul3A_1242 = vector.broadcast %mul3A_1241 : i32 to vector<16xi32>
        %mul3A_1243 = arith.muli %add3A_1240, %mul3A_1242 : vector<16xi32>
        %add3A_1244 = arith.constant 1280 : i32
        %add3A_1245 = vector.broadcast %add3A_1244 : i32 to vector<16xi32>
        %add3A_1246 = arith.addi %add3A_1245, %mul3A_1243 : vector<16xi32>
        %add3A_1247 = arith.constant 0 : i32
        %add3A_1248 = vector.broadcast %add3A_1247 : i32 to vector<16xi32>
        %add3A_1249 = arith.addi %add3A_1246, %add3A_1248 : vector<16xi32>
        tpu.vector_store_idx %arg10[%add3A_1249], %mul3A_1165 : memref<3584xf32, #tpu.memory_space<vmem>>[vector<16xi32>], vector<16xf32>,
        %add3A_1250 = arith.constant 1 : i32
        %add3A_1251 = vector.broadcast %add3A_1250 : i32 to vector<16xi32>
        %add3A_1252 = arith.addi %add3A_1246, %add3A_1251 : vector<16xi32>
        tpu.vector_store_idx %arg10[%add3A_1252], %mul3A_1166 : memref<3584xf32, #tpu.memory_space<vmem>>[vector<16xi32>], vector<16xf32>,
        %add3A_1253 = arith.constant 2 : i32
        %add3A_1254 = vector.broadcast %add3A_1253 : i32 to vector<16xi32>
        %add3A_1255 = arith.addi %add3A_1246, %add3A_1254 : vector<16xi32>
        tpu.vector_store_idx %arg10[%add3A_1255], %mul3A_1167 : memref<3584xf32, #tpu.memory_space<vmem>>[vector<16xi32>], vector<16xf32>,
        %add3A_1256 = arith.constant 3 : i32
        %add3A_1257 = vector.broadcast %add3A_1256 : i32 to vector<16xi32>
        %add3A_1258 = arith.addi %add3A_1246, %add3A_1257 : vector<16xi32>
        tpu.vector_store_idx %arg10[%add3A_1258], %mul3A_1168 : memref<3584xf32, #tpu.memory_space<vmem>>[vector<16xi32>], vector<16xf32>,
        %add3A_1259 = arith.addi %select_n3A, %mul3A_83 : i32
        %mul3A_1260 = arith.constant 1792 : i32
        %mul3A_1261 = arith.muli %add3A_1259, %mul3A_1260 : i32
        %dma_start3A_1262 = arith.constant 0 : i32
        %dma_start3A_1263 = tpu.memref_slice %arg10[%dma_start3A_1262] : memref<3584xf32, #tpu.memory_space<vmem>> -> memref<1792xf32, #tpu.memory_space<vmem>>
        %dma_start3A_1264 = tpu.memref_slice %arg5[%mul3A_1261] : memref<17920000xf32, #tpu.memory_space<hbm>> -> memref<1792xf32, #tpu.memory_space<hbm>>
        %dma_start3A_1265 = tpu.memref_slice %arg5[%mul3A_1261] : memref<17920000xf32, #tpu.memory_space<hbm>> -> memref<1792xf32, #tpu.memory_space<hbm>>
        %dma_start3A_1266 = arith.constant 0 : i32
        %dma_start3A_1267 = tpu.memref_slice %arg10[%dma_start3A_1266] : memref<3584xf32, #tpu.memory_space<vmem>> -> memref<1792xf32, #tpu.memory_space<vmem>>
        tpu.enqueue_dma source(%dma_start3A_1267 : memref<1792xf32, #tpu.memory_space<vmem>>) target(%dma_start3A_1265 : memref<1792xf32, #tpu.memory_space<hbm>>) target_semaphore(%arg13 : memref<!tpu.dma_semaphore, #tpu.memory_space<semaphore_mem>>)
      } else {
      }
      %add3A_86 = arith.constant 1 : i32
      %add3A_87 = arith.addi %mul3A_83, %add3A_86 : i32
      %lt3A_88 = arith.cmpi slt, %add3A_87, %select_n3A_10 : i32
      %convert_element_type3A_89 = arith.extui %lt3A_88 : i1 to i32
      %cond3A_90 = arith.constant 0 : i32
      %cond3A_91 = arith.cmpi ne, %convert_element_type3A_89, %cond3A_90 : i32
      scf.if %cond3A_91 {
        %add3A_92 = arith.constant 1 : i32
        %add3A_93 = arith.addi %mul3A_83, %add3A_92 : i32
        %add3A_94 = arith.addi %sub3A_33, %add3A_93 : i32
        %mul3A_95 = arith.constant 32 : i32
        %mul3A_96 = arith.muli %add3A_94, %mul3A_95 : i32
        %add3A_97 = arith.constant 0 : i32
        %add3A_98 = arith.addi %mul3A_96, %add3A_97 : i32
        %get3A = arith.index_cast %add3A_98 : i32 to index
        %get3A_99 = tpu.vector_load %arg7[%get3A] {strides = array<i32>} : memref<10240xi32, #tpu.memory_space<vmem>>, vector<16xi32>,
        %mul3A_100 = arith.constant 32 : i32
        %mul3A_101 = arith.muli %add3A_94, %mul3A_100 : i32
        %add3A_102 = arith.constant 16 : i32
        %add3A_103 = arith.addi %mul3A_101, %add3A_102 : i32
        %get3A_104 = arith.index_cast %add3A_103 : i32 to index
        %get3A_105 = tpu.vector_load %arg7[%get3A_104] {strides = array<i32>} : memref<10240xi32, #tpu.memory_space<vmem>>, vector<16xi32>,
        %mul3A_106 = arith.constant 4 : i32
        %mul3A_107 = vector.broadcast %mul3A_106 : i32 to vector<16xi32>
        %mul3A_108 = arith.muli %get3A_99, %mul3A_107 : vector<16xi32>
        %add3A_109 = arith.constant 0 : i32
        %add3A_110 = vector.broadcast %add3A_109 : i32 to vector<16xi32>
        %add3A_111 = arith.addi %mul3A_108, %add3A_110 : vector<16xi32>
        %gather3A = tpu.vector_load_idx %arg6[%add3A_111] : memref<40000xf32, #tpu.memory_space<vmem>>[vector<16xi32>], vector<16xf32>,
        %add3A_112 = arith.constant 1 : i32
        %add3A_113 = vector.broadcast %add3A_112 : i32 to vector<16xi32>
        %add3A_114 = arith.addi %mul3A_108, %add3A_113 : vector<16xi32>
        %gather3A_115 = tpu.vector_load_idx %arg6[%add3A_114] : memref<40000xf32, #tpu.memory_space<vmem>>[vector<16xi32>], vector<16xf32>,
        %add3A_116 = arith.constant 2 : i32
        %add3A_117 = vector.broadcast %add3A_116 : i32 to vector<16xi32>
        %add3A_118 = arith.addi %mul3A_108, %add3A_117 : vector<16xi32>
        %gather3A_119 = tpu.vector_load_idx %arg6[%add3A_118] : memref<40000xf32, #tpu.memory_space<vmem>>[vector<16xi32>], vector<16xf32>,
        %add3A_120 = arith.constant 3 : i32
        %add3A_121 = vector.broadcast %add3A_120 : i32 to vector<16xi32>
        %add3A_122 = arith.addi %mul3A_108, %add3A_121 : vector<16xi32>
        %gather3A_123 = tpu.vector_load_idx %arg6[%add3A_122] : memref<40000xf32, #tpu.memory_space<vmem>>[vector<16xi32>], vector<16xf32>,
        %add3A_124 = arith.constant 0 : i32
        %add3A_125 = vector.broadcast %add3A_124 : i32 to vector<16xi32>
        %add3A_126 = arith.addi %iota3A, %add3A_125 : vector<16xi32>
        %mul3A_127 = arith.constant 16 : i32
        %mul3A_128 = vector.broadcast %mul3A_127 : i32 to vector<16xi32>
        %mul3A_129 = arith.muli %add3A_126, %mul3A_128 : vector<16xi32>
        %add3A_130 = arith.constant 0 : i32
        %add3A_131 = vector.broadcast %add3A_130 : i32 to vector<16xi32>
        %add3A_132 = arith.addi %mul3A_129, %add3A_131 : vector<16xi32>
        tpu.vector_store_idx %arg9[%add3A_132], %gather3A : memref<512xf32, #tpu.memory_space<vmem>>[vector<16xi32>], vector<16xf32>,
        %add3A_133 = arith.constant 1 : i32
        %add3A_134 = vector.broadcast %add3A_133 : i32 to vector<16xi32>
        %add3A_135 = arith.addi %mul3A_129, %add3A_134 : vector<16xi32>
        tpu.vector_store_idx %arg9[%add3A_135], %gather3A_115 : memref<512xf32, #tpu.memory_space<vmem>>[vector<16xi32>], vector<16xf32>,
        %add3A_136 = arith.constant 2 : i32
        %add3A_137 = vector.broadcast %add3A_136 : i32 to vector<16xi32>
        %add3A_138 = arith.addi %mul3A_129, %add3A_137 : vector<16xi32>
        tpu.vector_store_idx %arg9[%add3A_138], %gather3A_119 : memref<512xf32, #tpu.memory_space<vmem>>[vector<16xi32>], vector<16xf32>,
        %add3A_139 = arith.constant 3 : i32
        %add3A_140 = vector.broadcast %add3A_139 : i32 to vector<16xi32>
        %add3A_141 = arith.addi %mul3A_129, %add3A_140 : vector<16xi32>
        tpu.vector_store_idx %arg9[%add3A_141], %gather3A_123 : memref<512xf32, #tpu.memory_space<vmem>>[vector<16xi32>], vector<16xf32>,
        %mul3A_142 = arith.constant 4 : i32
        %mul3A_143 = vector.broadcast %mul3A_142 : i32 to vector<16xi32>
        %mul3A_144 = arith.muli %get3A_105, %mul3A_143 : vector<16xi32>
        %add3A_145 = arith.constant 0 : i32
        %add3A_146 = vector.broadcast %add3A_145 : i32 to vector<16xi32>
        %add3A_147 = arith.addi %mul3A_144, %add3A_146 : vector<16xi32>
        %gather3A_148 = tpu.vector_load_idx %arg6[%add3A_147] : memref<40000xf32, #tpu.memory_space<vmem>>[vector<16xi32>], vector<16xf32>,
        %add3A_149 = arith.constant 1 : i32
        %add3A_150 = vector.broadcast %add3A_149 : i32 to vector<16xi32>
        %add3A_151 = arith.addi %mul3A_144, %add3A_150 : vector<16xi32>
        %gather3A_152 = tpu.vector_load_idx %arg6[%add3A_151] : memref<40000xf32, #tpu.memory_space<vmem>>[vector<16xi32>], vector<16xf32>,
        %add3A_153 = arith.constant 2 : i32
        %add3A_154 = vector.broadcast %add3A_153 : i32 to vector<16xi32>
        %add3A_155 = arith.addi %mul3A_144, %add3A_154 : vector<16xi32>
        %gather3A_156 = tpu.vector_load_idx %arg6[%add3A_155] : memref<40000xf32, #tpu.memory_space<vmem>>[vector<16xi32>], vector<16xf32>,
        %add3A_157 = arith.constant 3 : i32
        %add3A_158 = vector.broadcast %add3A_157 : i32 to vector<16xi32>
        %add3A_159 = arith.addi %mul3A_144, %add3A_158 : vector<16xi32>
        %gather3A_160 = tpu.vector_load_idx %arg6[%add3A_159] : memref<40000xf32, #tpu.memory_space<vmem>>[vector<16xi32>], vector<16xf32>,
        %add3A_161 = arith.constant 16 : i32
        %add3A_162 = vector.broadcast %add3A_161 : i32 to vector<16xi32>
        %add3A_163 = arith.addi %iota3A, %add3A_162 : vector<16xi32>
        %mul3A_164 = arith.constant 16 : i32
        %mul3A_165 = vector.broadcast %mul3A_164 : i32 to vector<16xi32>
        %mul3A_166 = arith.muli %add3A_163, %mul3A_165 : vector<16xi32>
        %add3A_167 = arith.constant 0 : i32
        %add3A_168 = vector.broadcast %add3A_167 : i32 to vector<16xi32>
        %add3A_169 = arith.addi %mul3A_166, %add3A_168 : vector<16xi32>
        tpu.vector_store_idx %arg9[%add3A_169], %gather3A_148 : memref<512xf32, #tpu.memory_space<vmem>>[vector<16xi32>], vector<16xf32>,
        %add3A_170 = arith.constant 1 : i32
        %add3A_171 = vector.broadcast %add3A_170 : i32 to vector<16xi32>
        %add3A_172 = arith.addi %mul3A_166, %add3A_171 : vector<16xi32>
        tpu.vector_store_idx %arg9[%add3A_172], %gather3A_152 : memref<512xf32, #tpu.memory_space<vmem>>[vector<16xi32>], vector<16xf32>,
        %add3A_173 = arith.constant 2 : i32
        %add3A_174 = vector.broadcast %add3A_173 : i32 to vector<16xi32>
        %add3A_175 = arith.addi %mul3A_166, %add3A_174 : vector<16xi32>
        tpu.vector_store_idx %arg9[%add3A_175], %gather3A_156 : memref<512xf32, #tpu.memory_space<vmem>>[vector<16xi32>], vector<16xf32>,
        %add3A_176 = arith.constant 3 : i32
        %add3A_177 = vector.broadcast %add3A_176 : i32 to vector<16xi32>
        %add3A_178 = arith.addi %mul3A_166, %add3A_177 : vector<16xi32>
        tpu.vector_store_idx %arg9[%add3A_178], %gather3A_160 : memref<512xf32, #tpu.memory_space<vmem>>[vector<16xi32>], vector<16xf32>,
        %dma_wait3A_179 = arith.constant 1 : i32
        %dma_wait3A_180 = arith.constant 0 : i32
        %dma_wait3A_181 = arith.constant 0 : i32
        %dma_wait3A_182 = tpu.memref_slice %arg8[%dma_wait3A_179, %dma_wait3A_180, %dma_wait3A_181] : memref<2x32x128xf32, #tpu.memory_space<vmem>> -> memref<1x32x128xf32, #tpu.memory_space<vmem>>
        %dma_wait3A_183 = tpu.memref_squeeze %dma_wait3A_182 : memref<1x32x128xf32, #tpu.memory_space<vmem>> -> memref<32x128xf32, #tpu.memory_space<vmem>>
        %dma_wait3A_184 = arith.constant 0 : i32
        %dma_wait3A_185 = arith.constant 0 : i32
        %dma_wait3A_186 = tpu.memref_slice %arg3[%dma_wait3A_184, %dma_wait3A_185] : memref<10000x128xf32, #tpu.memory_space<hbm>> -> memref<32x128xf32, #tpu.memory_space<hbm>>
        %dma_wait3A_187 = arith.constant 0 : i32
        %dma_wait3A_188 = arith.constant 0 : i32
        %dma_wait3A_189 = tpu.memref_slice %arg8[%dma_wait3A_179, %dma_wait3A_187, %dma_wait3A_188] : memref<2x32x128xf32, #tpu.memory_space<vmem>> -> memref<1x32x128xf32, #tpu.memory_space<vmem>>
        %dma_wait3A_190 = tpu.memref_squeeze %dma_wait3A_189 : memref<1x32x128xf32, #tpu.memory_space<vmem>> -> memref<32x128xf32, #tpu.memory_space<vmem>>
        %dma_wait3A_191 = arith.constant 0 : i32
        %dma_wait3A_192 = arith.constant 0 : i32
        %dma_wait3A_193 = tpu.memref_slice %arg3[%dma_wait3A_191, %dma_wait3A_192] : memref<10000x128xf32, #tpu.memory_space<hbm>> -> memref<32x128xf32, #tpu.memory_space<hbm>>
        tpu.wait_dma2 semaphore(%arg12 : memref<!tpu.dma_semaphore, #tpu.memory_space<semaphore_mem>>) src(%dma_wait3A_193 : memref<32x128xf32, #tpu.memory_space<hbm>>) dst(%dma_wait3A_190 : memref<32x128xf32, #tpu.memory_space<vmem>>)
        %ge3A = arith.constant 2 : i32
        %ge3A_194 = arith.cmpi sge, %add3A_93, %ge3A : i32
        %convert_element_type3A_195 = arith.extui %ge3A_194 : i1 to i32
        %cond3A_196 = arith.constant 0 : i32
        %cond3A_197 = arith.cmpi ne, %convert_element_type3A_195, %cond3A_196 : i32
        scf.if %cond3A_197 {
          %dma_wait3A_1270 = arith.constant 1792 : i32
          %dma_wait3A_1271 = tpu.memref_slice %arg10[%dma_wait3A_1270] : memref<3584xf32, #tpu.memory_space<vmem>> -> memref<1792xf32, #tpu.memory_space<vmem>>
          %dma_wait3A_1272 = arith.constant 0 : i32
          %dma_wait3A_1273 = tpu.memref_slice %arg5[%dma_wait3A_1272] : memref<17920000xf32, #tpu.memory_space<hbm>> -> memref<1792xf32, #tpu.memory_space<hbm>>
          %dma_wait3A_1274 = arith.constant 0 : i32
          %dma_wait3A_1275 = tpu.memref_slice %arg5[%dma_wait3A_1274] : memref<17920000xf32, #tpu.memory_space<hbm>> -> memref<1792xf32, #tpu.memory_space<hbm>>
          %dma_wait3A_1276 = arith.constant 1792 : i32
          %dma_wait3A_1277 = tpu.memref_slice %arg10[%dma_wait3A_1276] : memref<3584xf32, #tpu.memory_space<vmem>> -> memref<1792xf32, #tpu.memory_space<vmem>>
          tpu.wait_dma2 semaphore(%arg14 : memref<!tpu.dma_semaphore, #tpu.memory_space<semaphore_mem>>) src(%dma_wait3A_1277 : memref<1792xf32, #tpu.memory_space<vmem>>) dst(%dma_wait3A_1275 : memref<1792xf32, #tpu.memory_space<hbm>>)
        } else {
        }
        %broadcast_in_dim3A = arith.constant 0.000000e+00 : f32
        %broadcast_in_dim3A_198 = vector.broadcast %broadcast_in_dim3A : f32 to vector<16xf32>
        %broadcast_in_dim3A_199 = arith.constant 0.000000e+00 : f32
        %broadcast_in_dim3A_200 = vector.broadcast %broadcast_in_dim3A_199 : f32 to vector<16xf32>
        %broadcast_in_dim3A_201 = arith.constant 0.000000e+00 : f32
        %broadcast_in_dim3A_202 = vector.broadcast %broadcast_in_dim3A_201 : f32 to vector<16xf32>
        %broadcast_in_dim3A_203 = arith.constant 0.000000e+00 : f32
        %broadcast_in_dim3A_204 = vector.broadcast %broadcast_in_dim3A_203 : f32 to vector<16xf32>
        %broadcast_in_dim3A_205 = arith.constant 0.000000e+00 : f32
        %broadcast_in_dim3A_206 = vector.broadcast %broadcast_in_dim3A_205 : f32 to vector<16xf32>
        %broadcast_in_dim3A_207 = arith.constant 0.000000e+00 : f32
        %broadcast_in_dim3A_208 = vector.broadcast %broadcast_in_dim3A_207 : f32 to vector<16xf32>
        %broadcast_in_dim3A_209 = arith.constant 0.000000e+00 : f32
        %broadcast_in_dim3A_210 = vector.broadcast %broadcast_in_dim3A_209 : f32 to vector<16xf32>
        %broadcast_in_dim3A_211 = arith.constant 0.000000e+00 : f32
        %broadcast_in_dim3A_212 = vector.broadcast %broadcast_in_dim3A_211 : f32 to vector<16xf32>
        %broadcast_in_dim3A_213 = arith.constant 0.000000e+00 : f32
        %broadcast_in_dim3A_214 = vector.broadcast %broadcast_in_dim3A_213 : f32 to vector<16xf32>
        %broadcast_in_dim3A_215 = arith.constant 0.000000e+00 : f32
        %broadcast_in_dim3A_216 = vector.broadcast %broadcast_in_dim3A_215 : f32 to vector<16xf32>
        %broadcast_in_dim3A_217 = arith.constant 0.000000e+00 : f32
        %broadcast_in_dim3A_218 = vector.broadcast %broadcast_in_dim3A_217 : f32 to vector<16xf32>
        %broadcast_in_dim3A_219 = arith.constant 0.000000e+00 : f32
        %broadcast_in_dim3A_220 = vector.broadcast %broadcast_in_dim3A_219 : f32 to vector<16xf32>
        %broadcast_in_dim3A_221 = arith.constant 0.000000e+00 : f32
        %broadcast_in_dim3A_222 = vector.broadcast %broadcast_in_dim3A_221 : f32 to vector<16xf32>
        %broadcast_in_dim3A_223 = arith.constant 0.000000e+00 : f32
        %broadcast_in_dim3A_224 = vector.broadcast %broadcast_in_dim3A_223 : f32 to vector<16xf32>
        %broadcast_in_dim3A_225 = arith.constant 0.000000e+00 : f32
        %broadcast_in_dim3A_226 = vector.broadcast %broadcast_in_dim3A_225 : f32 to vector<16xf32>
        %broadcast_in_dim3A_227 = arith.constant 0.000000e+00 : f32
        %broadcast_in_dim3A_228 = vector.broadcast %broadcast_in_dim3A_227 : f32 to vector<16xf32>
        %broadcast_in_dim3A_229 = arith.constant 0.000000e+00 : f32
        %broadcast_in_dim3A_230 = vector.broadcast %broadcast_in_dim3A_229 : f32 to vector<16xf32>
        %broadcast_in_dim3A_231 = arith.constant 0.000000e+00 : f32
        %broadcast_in_dim3A_232 = vector.broadcast %broadcast_in_dim3A_231 : f32 to vector<16xf32>
        %broadcast_in_dim3A_233 = arith.constant 0.000000e+00 : f32
        %broadcast_in_dim3A_234 = vector.broadcast %broadcast_in_dim3A_233 : f32 to vector<16xf32>
        %broadcast_in_dim3A_235 = arith.constant 0.000000e+00 : f32
        %broadcast_in_dim3A_236 = vector.broadcast %broadcast_in_dim3A_235 : f32 to vector<16xf32>
        %broadcast_in_dim3A_237 = arith.constant 0.000000e+00 : f32
        %broadcast_in_dim3A_238 = vector.broadcast %broadcast_in_dim3A_237 : f32 to vector<16xf32>
        %broadcast_in_dim3A_239 = arith.constant 0.000000e+00 : f32
        %broadcast_in_dim3A_240 = vector.broadcast %broadcast_in_dim3A_239 : f32 to vector<16xf32>
        %broadcast_in_dim3A_241 = arith.constant 0.000000e+00 : f32
        %broadcast_in_dim3A_242 = vector.broadcast %broadcast_in_dim3A_241 : f32 to vector<16xf32>
        %broadcast_in_dim3A_243 = arith.constant 0.000000e+00 : f32
        %broadcast_in_dim3A_244 = vector.broadcast %broadcast_in_dim3A_243 : f32 to vector<16xf32>
        %broadcast_in_dim3A_245 = arith.constant 0.000000e+00 : f32
        %broadcast_in_dim3A_246 = vector.broadcast %broadcast_in_dim3A_245 : f32 to vector<16xf32>
        %broadcast_in_dim3A_247 = arith.constant 0.000000e+00 : f32
        %broadcast_in_dim3A_248 = vector.broadcast %broadcast_in_dim3A_247 : f32 to vector<16xf32>
        %broadcast_in_dim3A_249 = arith.constant 0.000000e+00 : f32
        %broadcast_in_dim3A_250 = vector.broadcast %broadcast_in_dim3A_249 : f32 to vector<16xf32>
        %broadcast_in_dim3A_251 = arith.constant 0.000000e+00 : f32
        %broadcast_in_dim3A_252 = vector.broadcast %broadcast_in_dim3A_251 : f32 to vector<16xf32>
        %broadcast_in_dim3A_253 = arith.constant 0.000000e+00 : f32
        %broadcast_in_dim3A_254 = vector.broadcast %broadcast_in_dim3A_253 : f32 to vector<16xf32>
        %broadcast_in_dim3A_255 = arith.constant 0.000000e+00 : f32
        %broadcast_in_dim3A_256 = vector.broadcast %broadcast_in_dim3A_255 : f32 to vector<16xf32>
        %broadcast_in_dim3A_257 = arith.constant 0.000000e+00 : f32
        %broadcast_in_dim3A_258 = vector.broadcast %broadcast_in_dim3A_257 : f32 to vector<16xf32>
        %broadcast_in_dim3A_259 = arith.constant 0.000000e+00 : f32
        %broadcast_in_dim3A_260 = vector.broadcast %broadcast_in_dim3A_259 : f32 to vector<16xf32>
        %broadcast_in_dim3A_261 = arith.constant 0.000000e+00 : f32
        %broadcast_in_dim3A_262 = vector.broadcast %broadcast_in_dim3A_261 : f32 to vector<16xf32>
        %broadcast_in_dim3A_263 = arith.constant 0.000000e+00 : f32
        %broadcast_in_dim3A_264 = vector.broadcast %broadcast_in_dim3A_263 : f32 to vector<16xf32>
        %broadcast_in_dim3A_265 = arith.constant 0.000000e+00 : f32
        %broadcast_in_dim3A_266 = vector.broadcast %broadcast_in_dim3A_265 : f32 to vector<16xf32>
        %broadcast_in_dim3A_267 = arith.constant 0.000000e+00 : f32
        %broadcast_in_dim3A_268 = vector.broadcast %broadcast_in_dim3A_267 : f32 to vector<16xf32>
        %broadcast_in_dim3A_269 = arith.constant 0.000000e+00 : f32
        %broadcast_in_dim3A_270 = vector.broadcast %broadcast_in_dim3A_269 : f32 to vector<16xf32>
        %broadcast_in_dim3A_271 = arith.constant 0.000000e+00 : f32
        %broadcast_in_dim3A_272 = vector.broadcast %broadcast_in_dim3A_271 : f32 to vector<16xf32>
        %broadcast_in_dim3A_273 = arith.constant 0.000000e+00 : f32
        %broadcast_in_dim3A_274 = vector.broadcast %broadcast_in_dim3A_273 : f32 to vector<16xf32>
        %broadcast_in_dim3A_275 = arith.constant 0.000000e+00 : f32
        %broadcast_in_dim3A_276 = vector.broadcast %broadcast_in_dim3A_275 : f32 to vector<16xf32>
        %broadcast_in_dim3A_277 = arith.constant 0.000000e+00 : f32
        %broadcast_in_dim3A_278 = vector.broadcast %broadcast_in_dim3A_277 : f32 to vector<16xf32>
        %broadcast_in_dim3A_279 = arith.constant 0.000000e+00 : f32
        %broadcast_in_dim3A_280 = vector.broadcast %broadcast_in_dim3A_279 : f32 to vector<16xf32>
        %broadcast_in_dim3A_281 = arith.constant 0.000000e+00 : f32
        %broadcast_in_dim3A_282 = vector.broadcast %broadcast_in_dim3A_281 : f32 to vector<16xf32>
        %broadcast_in_dim3A_283 = arith.constant 0.000000e+00 : f32
        %broadcast_in_dim3A_284 = vector.broadcast %broadcast_in_dim3A_283 : f32 to vector<16xf32>
        %broadcast_in_dim3A_285 = arith.constant 0.000000e+00 : f32
        %broadcast_in_dim3A_286 = vector.broadcast %broadcast_in_dim3A_285 : f32 to vector<16xf32>
        %scan3A_287 = arith.constant 0 : i32
        %scan3A_288 = arith.constant 32 : i32
        %scan3A_289 = arith.addi %scan3A_287, %scan3A_288 : i32
        %scan3A_290 = arith.constant 1 : i32
        %scan3A_291:45 = scf.for %scan3A_1270 = %scan3A_287 to %scan3A_289 step %scan3A_290 iter_args(%scan3A_1271 = %broadcast_in_dim3A_198, %scan3A_1272 = %broadcast_in_dim3A_200, %scan3A_1273 = %broadcast_in_dim3A_202, %scan3A_1274 = %broadcast_in_dim3A_204, %scan3A_1275 = %broadcast_in_dim3A_206, %scan3A_1276 = %broadcast_in_dim3A_208, %scan3A_1277 = %broadcast_in_dim3A_210, %scan3A_1278 = %broadcast_in_dim3A_212, %scan3A_1279 = %broadcast_in_dim3A_214, %scan3A_1280 = %broadcast_in_dim3A_216, %scan3A_1281 = %broadcast_in_dim3A_218, %scan3A_1282 = %broadcast_in_dim3A_220, %scan3A_1283 = %broadcast_in_dim3A_222, %scan3A_1284 = %broadcast_in_dim3A_224, %scan3A_1285 = %broadcast_in_dim3A_226, %scan3A_1286 = %broadcast_in_dim3A_228, %scan3A_1287 = %broadcast_in_dim3A_230, %scan3A_1288 = %broadcast_in_dim3A_232, %scan3A_1289 = %broadcast_in_dim3A_234, %scan3A_1290 = %broadcast_in_dim3A_236, %scan3A_1291 = %broadcast_in_dim3A_238, %scan3A_1292 = %broadcast_in_dim3A_240, %scan3A_1293 = %broadcast_in_dim3A_242, %scan3A_1294 = %broadcast_in_dim3A_244, %scan3A_1295 = %broadcast_in_dim3A_246, %scan3A_1296 = %broadcast_in_dim3A_248, %scan3A_1297 = %broadcast_in_dim3A_250, %scan3A_1298 = %broadcast_in_dim3A_252, %scan3A_1299 = %broadcast_in_dim3A_254, %scan3A_1300 = %broadcast_in_dim3A_256, %scan3A_1301 = %broadcast_in_dim3A_258, %scan3A_1302 = %broadcast_in_dim3A_260, %scan3A_1303 = %broadcast_in_dim3A_262, %scan3A_1304 = %broadcast_in_dim3A_264, %scan3A_1305 = %broadcast_in_dim3A_266, %scan3A_1306 = %broadcast_in_dim3A_268, %scan3A_1307 = %broadcast_in_dim3A_270, %scan3A_1308 = %broadcast_in_dim3A_272, %scan3A_1309 = %broadcast_in_dim3A_274, %scan3A_1310 = %broadcast_in_dim3A_276, %scan3A_1311 = %broadcast_in_dim3A_278, %scan3A_1312 = %broadcast_in_dim3A_280, %scan3A_1313 = %broadcast_in_dim3A_282, %scan3A_1314 = %broadcast_in_dim3A_284, %scan3A_1315 = %broadcast_in_dim3A_286) -> (vector<16xf32>, vector<16xf32>, vector<16xf32>, vector<16xf32>, vector<16xf32>, vector<16xf32>, vector<16xf32>, vector<16xf32>, vector<16xf32>, vector<16xf32>, vector<16xf32>, vector<16xf32>, vector<16xf32>, vector<16xf32>, vector<16xf32>, vector<16xf32>, vector<16xf32>, vector<16xf32>, vector<16xf32>, vector<16xf32>, vector<16xf32>, vector<16xf32>, vector<16xf32>, vector<16xf32>, vector<16xf32>, vector<16xf32>, vector<16xf32>, vector<16xf32>, vector<16xf32>, vector<16xf32>, vector<16xf32>, vector<16xf32>, vector<16xf32>, vector<16xf32>, vector<16xf32>, vector<16xf32>, vector<16xf32>, vector<16xf32>, vector<16xf32>, vector<16xf32>, vector<16xf32>, vector<16xf32>, vector<16xf32>, vector<16xf32>, vector<16xf32>)  : i32 {
          %mul3A_1316 = arith.constant 16 : i32
          %mul3A_1317 = arith.muli %scan3A_1270, %mul3A_1316 : i32
          %get3A_1318 = arith.index_cast %mul3A_1317 : i32 to index
          %get3A_1319 = tpu.vector_load %arg9[%get3A_1318] {strides = array<i32>} : memref<512xf32, #tpu.memory_space<vmem>>, vector<16xf32>,
          %slice3A = vector.extract_strided_slice %get3A_1319 {offsets = [0], sizes = [1], strides = [1]} : vector<16xf32> to vector<1xf32>
          %squeeze3A = vector.extract %slice3A[0] : f32 from vector<1xf32>
          %slice3A_1320 = vector.extract_strided_slice %get3A_1319 {offsets = [1], sizes = [1], strides = [1]} : vector<16xf32> to vector<1xf32>
          %squeeze3A_1321 = vector.extract %slice3A_1320[0] : f32 from vector<1xf32>
          %slice3A_1322 = vector.extract_strided_slice %get3A_1319 {offsets = [2], sizes = [1], strides = [1]} : vector<16xf32> to vector<1xf32>
          %squeeze3A_1323 = vector.extract %slice3A_1322[0] : f32 from vector<1xf32>
          %slice3A_1324 = vector.extract_strided_slice %get3A_1319 {offsets = [3], sizes = [1], strides = [1]} : vector<16xf32> to vector<1xf32>
          %squeeze3A_1325 = vector.extract %slice3A_1324[0] : f32 from vector<1xf32>
          %get3A_1326 = arith.constant 1 : i32
          %get3A_1327 = arith.index_cast %get3A_1326 : i32 to index
          %get3A_1328 = arith.index_cast %scan3A_1270 : i32 to index
          %get3A_1329 = arith.constant 0 : index
          %get3A_1330 = tpu.vector_load %arg8[%get3A_1327, %get3A_1328, %get3A_1329] {strides = array<i32>} : memref<2x32x128xf32, #tpu.memory_space<vmem>>, vector<16xf32>,
          %mul3A_1331 = vector.broadcast %squeeze3A : f32 to vector<16xf32>
          %mul3A_1332 = arith.mulf %get3A_1330, %mul3A_1331 : vector<16xf32>
          %mul3A_1333 = vector.broadcast %squeeze3A_1321 : f32 to vector<16xf32>
          %mul3A_1334 = arith.mulf %get3A_1330, %mul3A_1333 : vector<16xf32>
          %mul3A_1335 = vector.broadcast %squeeze3A_1323 : f32 to vector<16xf32>
          %mul3A_1336 = arith.mulf %get3A_1330, %mul3A_1335 : vector<16xf32>
          %mul3A_1337 = vector.broadcast %squeeze3A_1325 : f32 to vector<16xf32>
          %mul3A_1338 = arith.mulf %get3A_1330, %mul3A_1337 : vector<16xf32>
          %add3A_1339 = arith.addf %scan3A_1271, %get3A_1330 : vector<16xf32>
          %add3A_1340 = arith.addf %scan3A_1272, %mul3A_1332 : vector<16xf32>
          %add3A_1341 = arith.addf %scan3A_1273, %mul3A_1334 : vector<16xf32>
          %add3A_1342 = arith.addf %scan3A_1274, %mul3A_1336 : vector<16xf32>
          %add3A_1343 = arith.addf %scan3A_1275, %mul3A_1338 : vector<16xf32>
          %mul3A_1344 = vector.broadcast %squeeze3A : f32 to vector<16xf32>
          %mul3A_1345 = arith.mulf %mul3A_1332, %mul3A_1344 : vector<16xf32>
          %add3A_1346 = arith.addf %scan3A_1276, %mul3A_1345 : vector<16xf32>
          %mul3A_1347 = vector.broadcast %squeeze3A_1321 : f32 to vector<16xf32>
          %mul3A_1348 = arith.mulf %mul3A_1332, %mul3A_1347 : vector<16xf32>
          %add3A_1349 = arith.addf %scan3A_1277, %mul3A_1348 : vector<16xf32>
          %mul3A_1350 = vector.broadcast %squeeze3A_1321 : f32 to vector<16xf32>
          %mul3A_1351 = arith.mulf %mul3A_1334, %mul3A_1350 : vector<16xf32>
          %add3A_1352 = arith.addf %scan3A_1278, %mul3A_1351 : vector<16xf32>
          %mul3A_1353 = vector.broadcast %squeeze3A_1323 : f32 to vector<16xf32>
          %mul3A_1354 = arith.mulf %mul3A_1332, %mul3A_1353 : vector<16xf32>
          %add3A_1355 = arith.addf %scan3A_1279, %mul3A_1354 : vector<16xf32>
          %mul3A_1356 = vector.broadcast %squeeze3A_1323 : f32 to vector<16xf32>
          %mul3A_1357 = arith.mulf %mul3A_1334, %mul3A_1356 : vector<16xf32>
          %add3A_1358 = arith.addf %scan3A_1280, %mul3A_1357 : vector<16xf32>
          %mul3A_1359 = vector.broadcast %squeeze3A_1323 : f32 to vector<16xf32>
          %mul3A_1360 = arith.mulf %mul3A_1336, %mul3A_1359 : vector<16xf32>
          %add3A_1361 = arith.addf %scan3A_1281, %mul3A_1360 : vector<16xf32>
          %mul3A_1362 = vector.broadcast %squeeze3A_1325 : f32 to vector<16xf32>
          %mul3A_1363 = arith.mulf %mul3A_1332, %mul3A_1362 : vector<16xf32>
          %add3A_1364 = arith.addf %scan3A_1282, %mul3A_1363 : vector<16xf32>
          %mul3A_1365 = vector.broadcast %squeeze3A_1325 : f32 to vector<16xf32>
          %mul3A_1366 = arith.mulf %mul3A_1334, %mul3A_1365 : vector<16xf32>
          %add3A_1367 = arith.addf %scan3A_1283, %mul3A_1366 : vector<16xf32>
          %mul3A_1368 = vector.broadcast %squeeze3A_1325 : f32 to vector<16xf32>
          %mul3A_1369 = arith.mulf %mul3A_1336, %mul3A_1368 : vector<16xf32>
          %add3A_1370 = arith.addf %scan3A_1284, %mul3A_1369 : vector<16xf32>
          %mul3A_1371 = vector.broadcast %squeeze3A_1325 : f32 to vector<16xf32>
          %mul3A_1372 = arith.mulf %mul3A_1338, %mul3A_1371 : vector<16xf32>
          %add3A_1373 = arith.addf %scan3A_1285, %mul3A_1372 : vector<16xf32>
          %get3A_1374 = arith.constant 1 : i32
          %get3A_1375 = arith.index_cast %get3A_1374 : i32 to index
          %get3A_1376 = arith.index_cast %scan3A_1270 : i32 to index
          %get3A_1377 = arith.constant 16 : index
          %get3A_1378 = tpu.vector_load %arg8[%get3A_1375, %get3A_1376, %get3A_1377] {strides = array<i32>} : memref<2x32x128xf32, #tpu.memory_space<vmem>>, vector<16xf32>,
          %mul3A_1379 = vector.broadcast %squeeze3A : f32 to vector<16xf32>
          %mul3A_1380 = arith.mulf %get3A_1378, %mul3A_1379 : vector<16xf32>
          %mul3A_1381 = vector.broadcast %squeeze3A_1321 : f32 to vector<16xf32>
          %mul3A_1382 = arith.mulf %get3A_1378, %mul3A_1381 : vector<16xf32>
          %mul3A_1383 = vector.broadcast %squeeze3A_1323 : f32 to vector<16xf32>
          %mul3A_1384 = arith.mulf %get3A_1378, %mul3A_1383 : vector<16xf32>
          %mul3A_1385 = vector.broadcast %squeeze3A_1325 : f32 to vector<16xf32>
          %mul3A_1386 = arith.mulf %get3A_1378, %mul3A_1385 : vector<16xf32>
          %add3A_1387 = arith.addf %scan3A_1286, %get3A_1378 : vector<16xf32>
          %add3A_1388 = arith.addf %scan3A_1287, %mul3A_1380 : vector<16xf32>
          %add3A_1389 = arith.addf %scan3A_1288, %mul3A_1382 : vector<16xf32>
          %add3A_1390 = arith.addf %scan3A_1289, %mul3A_1384 : vector<16xf32>
          %add3A_1391 = arith.addf %scan3A_1290, %mul3A_1386 : vector<16xf32>
          %mul3A_1392 = vector.broadcast %squeeze3A : f32 to vector<16xf32>
          %mul3A_1393 = arith.mulf %mul3A_1380, %mul3A_1392 : vector<16xf32>
          %add3A_1394 = arith.addf %scan3A_1291, %mul3A_1393 : vector<16xf32>
          %mul3A_1395 = vector.broadcast %squeeze3A_1321 : f32 to vector<16xf32>
          %mul3A_1396 = arith.mulf %mul3A_1380, %mul3A_1395 : vector<16xf32>
          %add3A_1397 = arith.addf %scan3A_1292, %mul3A_1396 : vector<16xf32>
          %mul3A_1398 = vector.broadcast %squeeze3A_1321 : f32 to vector<16xf32>
          %mul3A_1399 = arith.mulf %mul3A_1382, %mul3A_1398 : vector<16xf32>
          %add3A_1400 = arith.addf %scan3A_1293, %mul3A_1399 : vector<16xf32>
          %mul3A_1401 = vector.broadcast %squeeze3A_1323 : f32 to vector<16xf32>
          %mul3A_1402 = arith.mulf %mul3A_1380, %mul3A_1401 : vector<16xf32>
          %add3A_1403 = arith.addf %scan3A_1294, %mul3A_1402 : vector<16xf32>
          %mul3A_1404 = vector.broadcast %squeeze3A_1323 : f32 to vector<16xf32>
          %mul3A_1405 = arith.mulf %mul3A_1382, %mul3A_1404 : vector<16xf32>
          %add3A_1406 = arith.addf %scan3A_1295, %mul3A_1405 : vector<16xf32>
          %mul3A_1407 = vector.broadcast %squeeze3A_1323 : f32 to vector<16xf32>
          %mul3A_1408 = arith.mulf %mul3A_1384, %mul3A_1407 : vector<16xf32>
          %add3A_1409 = arith.addf %scan3A_1296, %mul3A_1408 : vector<16xf32>
          %mul3A_1410 = vector.broadcast %squeeze3A_1325 : f32 to vector<16xf32>
          %mul3A_1411 = arith.mulf %mul3A_1380, %mul3A_1410 : vector<16xf32>
          %add3A_1412 = arith.addf %scan3A_1297, %mul3A_1411 : vector<16xf32>
          %mul3A_1413 = vector.broadcast %squeeze3A_1325 : f32 to vector<16xf32>
          %mul3A_1414 = arith.mulf %mul3A_1382, %mul3A_1413 : vector<16xf32>
          %add3A_1415 = arith.addf %scan3A_1298, %mul3A_1414 : vector<16xf32>
          %mul3A_1416 = vector.broadcast %squeeze3A_1325 : f32 to vector<16xf32>
          %mul3A_1417 = arith.mulf %mul3A_1384, %mul3A_1416 : vector<16xf32>
          %add3A_1418 = arith.addf %scan3A_1299, %mul3A_1417 : vector<16xf32>
          %mul3A_1419 = vector.broadcast %squeeze3A_1325 : f32 to vector<16xf32>
          %mul3A_1420 = arith.mulf %mul3A_1386, %mul3A_1419 : vector<16xf32>
          %add3A_1421 = arith.addf %scan3A_1300, %mul3A_1420 : vector<16xf32>
          %get3A_1422 = arith.constant 1 : i32
          %get3A_1423 = arith.index_cast %get3A_1422 : i32 to index
          %get3A_1424 = arith.index_cast %scan3A_1270 : i32 to index
          %get3A_1425 = arith.constant 32 : index
          %get3A_1426 = tpu.vector_load %arg8[%get3A_1423, %get3A_1424, %get3A_1425] {strides = array<i32>} : memref<2x32x128xf32, #tpu.memory_space<vmem>>, vector<16xf32>,
          %mul3A_1427 = vector.broadcast %squeeze3A : f32 to vector<16xf32>
          %mul3A_1428 = arith.mulf %get3A_1426, %mul3A_1427 : vector<16xf32>
          %mul3A_1429 = vector.broadcast %squeeze3A_1321 : f32 to vector<16xf32>
          %mul3A_1430 = arith.mulf %get3A_1426, %mul3A_1429 : vector<16xf32>
          %mul3A_1431 = vector.broadcast %squeeze3A_1323 : f32 to vector<16xf32>
          %mul3A_1432 = arith.mulf %get3A_1426, %mul3A_1431 : vector<16xf32>
          %mul3A_1433 = vector.broadcast %squeeze3A_1325 : f32 to vector<16xf32>
          %mul3A_1434 = arith.mulf %get3A_1426, %mul3A_1433 : vector<16xf32>
          %add3A_1435 = arith.addf %scan3A_1301, %get3A_1426 : vector<16xf32>
          %add3A_1436 = arith.addf %scan3A_1302, %mul3A_1428 : vector<16xf32>
          %add3A_1437 = arith.addf %scan3A_1303, %mul3A_1430 : vector<16xf32>
          %add3A_1438 = arith.addf %scan3A_1304, %mul3A_1432 : vector<16xf32>
          %add3A_1439 = arith.addf %scan3A_1305, %mul3A_1434 : vector<16xf32>
          %mul3A_1440 = vector.broadcast %squeeze3A : f32 to vector<16xf32>
          %mul3A_1441 = arith.mulf %mul3A_1428, %mul3A_1440 : vector<16xf32>
          %add3A_1442 = arith.addf %scan3A_1306, %mul3A_1441 : vector<16xf32>
          %mul3A_1443 = vector.broadcast %squeeze3A_1321 : f32 to vector<16xf32>
          %mul3A_1444 = arith.mulf %mul3A_1428, %mul3A_1443 : vector<16xf32>
          %add3A_1445 = arith.addf %scan3A_1307, %mul3A_1444 : vector<16xf32>
          %mul3A_1446 = vector.broadcast %squeeze3A_1321 : f32 to vector<16xf32>
          %mul3A_1447 = arith.mulf %mul3A_1430, %mul3A_1446 : vector<16xf32>
          %add3A_1448 = arith.addf %scan3A_1308, %mul3A_1447 : vector<16xf32>
          %mul3A_1449 = vector.broadcast %squeeze3A_1323 : f32 to vector<16xf32>
          %mul3A_1450 = arith.mulf %mul3A_1428, %mul3A_1449 : vector<16xf32>
          %add3A_1451 = arith.addf %scan3A_1309, %mul3A_1450 : vector<16xf32>
          %mul3A_1452 = vector.broadcast %squeeze3A_1323 : f32 to vector<16xf32>
          %mul3A_1453 = arith.mulf %mul3A_1430, %mul3A_1452 : vector<16xf32>
          %add3A_1454 = arith.addf %scan3A_1310, %mul3A_1453 : vector<16xf32>
          %mul3A_1455 = vector.broadcast %squeeze3A_1323 : f32 to vector<16xf32>
          %mul3A_1456 = arith.mulf %mul3A_1432, %mul3A_1455 : vector<16xf32>
          %add3A_1457 = arith.addf %scan3A_1311, %mul3A_1456 : vector<16xf32>
          %mul3A_1458 = vector.broadcast %squeeze3A_1325 : f32 to vector<16xf32>
          %mul3A_1459 = arith.mulf %mul3A_1428, %mul3A_1458 : vector<16xf32>
          %add3A_1460 = arith.addf %scan3A_1312, %mul3A_1459 : vector<16xf32>
          %mul3A_1461 = vector.broadcast %squeeze3A_1325 : f32 to vector<16xf32>
          %mul3A_1462 = arith.mulf %mul3A_1430, %mul3A_1461 : vector<16xf32>
          %add3A_1463 = arith.addf %scan3A_1313, %mul3A_1462 : vector<16xf32>
          %mul3A_1464 = vector.broadcast %squeeze3A_1325 : f32 to vector<16xf32>
          %mul3A_1465 = arith.mulf %mul3A_1432, %mul3A_1464 : vector<16xf32>
          %add3A_1466 = arith.addf %scan3A_1314, %mul3A_1465 : vector<16xf32>
          %mul3A_1467 = vector.broadcast %squeeze3A_1325 : f32 to vector<16xf32>
          %mul3A_1468 = arith.mulf %mul3A_1434, %mul3A_1467 : vector<16xf32>
          %add3A_1469 = arith.addf %scan3A_1315, %mul3A_1468 : vector<16xf32>
          scf.yield %add3A_1339, %add3A_1340, %add3A_1341, %add3A_1342, %add3A_1343, %add3A_1346, %add3A_1349, %add3A_1352, %add3A_1355, %add3A_1358, %add3A_1361, %add3A_1364, %add3A_1367, %add3A_1370, %add3A_1373, %add3A_1387, %add3A_1388, %add3A_1389, %add3A_1390, %add3A_1391, %add3A_1394, %add3A_1397, %add3A_1400, %add3A_1403, %add3A_1406, %add3A_1409, %add3A_1412, %add3A_1415, %add3A_1418, %add3A_1421, %add3A_1435, %add3A_1436, %add3A_1437, %add3A_1438, %add3A_1439, %add3A_1442, %add3A_1445, %add3A_1448, %add3A_1451, %add3A_1454, %add3A_1457, %add3A_1460, %add3A_1463, %add3A_1466, %add3A_1469 : vector<16xf32>, vector<16xf32>, vector<16xf32>, vector<16xf32>, vector<16xf32>, vector<16xf32>, vector<16xf32>, vector<16xf32>, vector<16xf32>, vector<16xf32>, vector<16xf32>, vector<16xf32>, vector<16xf32>, vector<16xf32>, vector<16xf32>, vector<16xf32>, vector<16xf32>, vector<16xf32>, vector<16xf32>, vector<16xf32>, vector<16xf32>, vector<16xf32>, vector<16xf32>, vector<16xf32>, vector<16xf32>, vector<16xf32>, vector<16xf32>, vector<16xf32>, vector<16xf32>, vector<16xf32>, vector<16xf32>, vector<16xf32>, vector<16xf32>, vector<16xf32>, vector<16xf32>, vector<16xf32>, vector<16xf32>, vector<16xf32>, vector<16xf32>, vector<16xf32>, vector<16xf32>, vector<16xf32>, vector<16xf32>, vector<16xf32>, vector<16xf32>
        }
        %scan3A_292 = arith.constant 32 : i32
        %broadcast_in_dim3A_293 = arith.constant 0.000000e+00 : f32
        %broadcast_in_dim3A_294 = vector.broadcast %broadcast_in_dim3A_293 : f32 to vector<16xf32>
        %broadcast_in_dim3A_295 = arith.constant 0.000000e+00 : f32
        %broadcast_in_dim3A_296 = vector.broadcast %broadcast_in_dim3A_295 : f32 to vector<16xf32>
        %broadcast_in_dim3A_297 = arith.constant 0.000000e+00 : f32
        %broadcast_in_dim3A_298 = vector.broadcast %broadcast_in_dim3A_297 : f32 to vector<16xf32>
        %broadcast_in_dim3A_299 = arith.constant 0.000000e+00 : f32
        %broadcast_in_dim3A_300 = vector.broadcast %broadcast_in_dim3A_299 : f32 to vector<16xf32>
        %broadcast_in_dim3A_301 = arith.constant 0.000000e+00 : f32
        %broadcast_in_dim3A_302 = vector.broadcast %broadcast_in_dim3A_301 : f32 to vector<16xf32>
        %broadcast_in_dim3A_303 = arith.constant 0.000000e+00 : f32
        %broadcast_in_dim3A_304 = vector.broadcast %broadcast_in_dim3A_303 : f32 to vector<16xf32>
        %broadcast_in_dim3A_305 = arith.constant 0.000000e+00 : f32
        %broadcast_in_dim3A_306 = vector.broadcast %broadcast_in_dim3A_305 : f32 to vector<16xf32>
        %broadcast_in_dim3A_307 = arith.constant 0.000000e+00 : f32
        %broadcast_in_dim3A_308 = vector.broadcast %broadcast_in_dim3A_307 : f32 to vector<16xf32>
        %broadcast_in_dim3A_309 = arith.constant 0.000000e+00 : f32
        %broadcast_in_dim3A_310 = vector.broadcast %broadcast_in_dim3A_309 : f32 to vector<16xf32>
        %broadcast_in_dim3A_311 = arith.constant 0.000000e+00 : f32
        %broadcast_in_dim3A_312 = vector.broadcast %broadcast_in_dim3A_311 : f32 to vector<16xf32>
        %broadcast_in_dim3A_313 = arith.constant 0.000000e+00 : f32
        %broadcast_in_dim3A_314 = vector.broadcast %broadcast_in_dim3A_313 : f32 to vector<16xf32>
        %broadcast_in_dim3A_315 = arith.constant 0.000000e+00 : f32
        %broadcast_in_dim3A_316 = vector.broadcast %broadcast_in_dim3A_315 : f32 to vector<16xf32>
        %broadcast_in_dim3A_317 = arith.constant 0.000000e+00 : f32
        %broadcast_in_dim3A_318 = vector.broadcast %broadcast_in_dim3A_317 : f32 to vector<16xf32>
        %broadcast_in_dim3A_319 = arith.constant 0.000000e+00 : f32
        %broadcast_in_dim3A_320 = vector.broadcast %broadcast_in_dim3A_319 : f32 to vector<16xf32>
        %broadcast_in_dim3A_321 = arith.constant 0.000000e+00 : f32
        %broadcast_in_dim3A_322 = vector.broadcast %broadcast_in_dim3A_321 : f32 to vector<16xf32>
        %broadcast_in_dim3A_323 = arith.constant 0.000000e+00 : f32
        %broadcast_in_dim3A_324 = vector.broadcast %broadcast_in_dim3A_323 : f32 to vector<16xf32>
        %broadcast_in_dim3A_325 = arith.constant 0.000000e+00 : f32
        %broadcast_in_dim3A_326 = vector.broadcast %broadcast_in_dim3A_325 : f32 to vector<16xf32>
        %broadcast_in_dim3A_327 = arith.constant 0.000000e+00 : f32
        %broadcast_in_dim3A_328 = vector.broadcast %broadcast_in_dim3A_327 : f32 to vector<16xf32>
        %broadcast_in_dim3A_329 = arith.constant 0.000000e+00 : f32
        %broadcast_in_dim3A_330 = vector.broadcast %broadcast_in_dim3A_329 : f32 to vector<16xf32>
        %broadcast_in_dim3A_331 = arith.constant 0.000000e+00 : f32
        %broadcast_in_dim3A_332 = vector.broadcast %broadcast_in_dim3A_331 : f32 to vector<16xf32>
        %broadcast_in_dim3A_333 = arith.constant 0.000000e+00 : f32
        %broadcast_in_dim3A_334 = vector.broadcast %broadcast_in_dim3A_333 : f32 to vector<16xf32>
        %broadcast_in_dim3A_335 = arith.constant 0.000000e+00 : f32
        %broadcast_in_dim3A_336 = vector.broadcast %broadcast_in_dim3A_335 : f32 to vector<16xf32>
        %broadcast_in_dim3A_337 = arith.constant 0.000000e+00 : f32
        %broadcast_in_dim3A_338 = vector.broadcast %broadcast_in_dim3A_337 : f32 to vector<16xf32>
        %broadcast_in_dim3A_339 = arith.constant 0.000000e+00 : f32
        %broadcast_in_dim3A_340 = vector.broadcast %broadcast_in_dim3A_339 : f32 to vector<16xf32>
        %broadcast_in_dim3A_341 = arith.constant 0.000000e+00 : f32
        %broadcast_in_dim3A_342 = vector.broadcast %broadcast_in_dim3A_341 : f32 to vector<16xf32>
        %broadcast_in_dim3A_343 = arith.constant 0.000000e+00 : f32
        %broadcast_in_dim3A_344 = vector.broadcast %broadcast_in_dim3A_343 : f32 to vector<16xf32>
        %broadcast_in_dim3A_345 = arith.constant 0.000000e+00 : f32
        %broadcast_in_dim3A_346 = vector.broadcast %broadcast_in_dim3A_345 : f32 to vector<16xf32>
        %broadcast_in_dim3A_347 = arith.constant 0.000000e+00 : f32
        %broadcast_in_dim3A_348 = vector.broadcast %broadcast_in_dim3A_347 : f32 to vector<16xf32>
        %broadcast_in_dim3A_349 = arith.constant 0.000000e+00 : f32
        %broadcast_in_dim3A_350 = vector.broadcast %broadcast_in_dim3A_349 : f32 to vector<16xf32>
        %broadcast_in_dim3A_351 = arith.constant 0.000000e+00 : f32
        %broadcast_in_dim3A_352 = vector.broadcast %broadcast_in_dim3A_351 : f32 to vector<16xf32>
        %broadcast_in_dim3A_353 = arith.constant 0.000000e+00 : f32
        %broadcast_in_dim3A_354 = vector.broadcast %broadcast_in_dim3A_353 : f32 to vector<16xf32>
        %broadcast_in_dim3A_355 = arith.constant 0.000000e+00 : f32
        %broadcast_in_dim3A_356 = vector.broadcast %broadcast_in_dim3A_355 : f32 to vector<16xf32>
        %broadcast_in_dim3A_357 = arith.constant 0.000000e+00 : f32
        %broadcast_in_dim3A_358 = vector.broadcast %broadcast_in_dim3A_357 : f32 to vector<16xf32>
        %broadcast_in_dim3A_359 = arith.constant 0.000000e+00 : f32
        %broadcast_in_dim3A_360 = vector.broadcast %broadcast_in_dim3A_359 : f32 to vector<16xf32>
        %broadcast_in_dim3A_361 = arith.constant 0.000000e+00 : f32
        %broadcast_in_dim3A_362 = vector.broadcast %broadcast_in_dim3A_361 : f32 to vector<16xf32>
        %broadcast_in_dim3A_363 = arith.constant 0.000000e+00 : f32
        %broadcast_in_dim3A_364 = vector.broadcast %broadcast_in_dim3A_363 : f32 to vector<16xf32>
        %broadcast_in_dim3A_365 = arith.constant 0.000000e+00 : f32
        %broadcast_in_dim3A_366 = vector.broadcast %broadcast_in_dim3A_365 : f32 to vector<16xf32>
        %broadcast_in_dim3A_367 = arith.constant 0.000000e+00 : f32
        %broadcast_in_dim3A_368 = vector.broadcast %broadcast_in_dim3A_367 : f32 to vector<16xf32>
        %broadcast_in_dim3A_369 = arith.constant 0.000000e+00 : f32
        %broadcast_in_dim3A_370 = vector.broadcast %broadcast_in_dim3A_369 : f32 to vector<16xf32>
        %broadcast_in_dim3A_371 = arith.constant 0.000000e+00 : f32
        %broadcast_in_dim3A_372 = vector.broadcast %broadcast_in_dim3A_371 : f32 to vector<16xf32>
        %broadcast_in_dim3A_373 = arith.constant 0.000000e+00 : f32
        %broadcast_in_dim3A_374 = vector.broadcast %broadcast_in_dim3A_373 : f32 to vector<16xf32>
        %broadcast_in_dim3A_375 = arith.constant 0.000000e+00 : f32
        %broadcast_in_dim3A_376 = vector.broadcast %broadcast_in_dim3A_375 : f32 to vector<16xf32>
        %broadcast_in_dim3A_377 = arith.constant 0.000000e+00 : f32
        %broadcast_in_dim3A_378 = vector.broadcast %broadcast_in_dim3A_377 : f32 to vector<16xf32>
        %broadcast_in_dim3A_379 = arith.constant 0.000000e+00 : f32
        %broadcast_in_dim3A_380 = vector.broadcast %broadcast_in_dim3A_379 : f32 to vector<16xf32>
        %broadcast_in_dim3A_381 = arith.constant 0.000000e+00 : f32
        %broadcast_in_dim3A_382 = vector.broadcast %broadcast_in_dim3A_381 : f32 to vector<16xf32>
        %scan3A_383 = arith.constant 0 : i32
        %scan3A_384 = arith.constant 32 : i32
        %scan3A_385 = arith.addi %scan3A_383, %scan3A_384 : i32
        %scan3A_386 = arith.constant 1 : i32
        %scan3A_387:45 = scf.for %scan3A_1270 = %scan3A_383 to %scan3A_385 step %scan3A_386 iter_args(%scan3A_1271 = %broadcast_in_dim3A_294, %scan3A_1272 = %broadcast_in_dim3A_296, %scan3A_1273 = %broadcast_in_dim3A_298, %scan3A_1274 = %broadcast_in_dim3A_300, %scan3A_1275 = %broadcast_in_dim3A_302, %scan3A_1276 = %broadcast_in_dim3A_304, %scan3A_1277 = %broadcast_in_dim3A_306, %scan3A_1278 = %broadcast_in_dim3A_308, %scan3A_1279 = %broadcast_in_dim3A_310, %scan3A_1280 = %broadcast_in_dim3A_312, %scan3A_1281 = %broadcast_in_dim3A_314, %scan3A_1282 = %broadcast_in_dim3A_316, %scan3A_1283 = %broadcast_in_dim3A_318, %scan3A_1284 = %broadcast_in_dim3A_320, %scan3A_1285 = %broadcast_in_dim3A_322, %scan3A_1286 = %broadcast_in_dim3A_324, %scan3A_1287 = %broadcast_in_dim3A_326, %scan3A_1288 = %broadcast_in_dim3A_328, %scan3A_1289 = %broadcast_in_dim3A_330, %scan3A_1290 = %broadcast_in_dim3A_332, %scan3A_1291 = %broadcast_in_dim3A_334, %scan3A_1292 = %broadcast_in_dim3A_336, %scan3A_1293 = %broadcast_in_dim3A_338, %scan3A_1294 = %broadcast_in_dim3A_340, %scan3A_1295 = %broadcast_in_dim3A_342, %scan3A_1296 = %broadcast_in_dim3A_344, %scan3A_1297 = %broadcast_in_dim3A_346, %scan3A_1298 = %broadcast_in_dim3A_348, %scan3A_1299 = %broadcast_in_dim3A_350, %scan3A_1300 = %broadcast_in_dim3A_352, %scan3A_1301 = %broadcast_in_dim3A_354, %scan3A_1302 = %broadcast_in_dim3A_356, %scan3A_1303 = %broadcast_in_dim3A_358, %scan3A_1304 = %broadcast_in_dim3A_360, %scan3A_1305 = %broadcast_in_dim3A_362, %scan3A_1306 = %broadcast_in_dim3A_364, %scan3A_1307 = %broadcast_in_dim3A_366, %scan3A_1308 = %broadcast_in_dim3A_368, %scan3A_1309 = %broadcast_in_dim3A_370, %scan3A_1310 = %broadcast_in_dim3A_372, %scan3A_1311 = %broadcast_in_dim3A_374, %scan3A_1312 = %broadcast_in_dim3A_376, %scan3A_1313 = %broadcast_in_dim3A_378, %scan3A_1314 = %broadcast_in_dim3A_380, %scan3A_1315 = %broadcast_in_dim3A_382) -> (vector<16xf32>, vector<16xf32>, vector<16xf32>, vector<16xf32>, vector<16xf32>, vector<16xf32>, vector<16xf32>, vector<16xf32>, vector<16xf32>, vector<16xf32>, vector<16xf32>, vector<16xf32>, vector<16xf32>, vector<16xf32>, vector<16xf32>, vector<16xf32>, vector<16xf32>, vector<16xf32>, vector<16xf32>, vector<16xf32>, vector<16xf32>, vector<16xf32>, vector<16xf32>, vector<16xf32>, vector<16xf32>, vector<16xf32>, vector<16xf32>, vector<16xf32>, vector<16xf32>, vector<16xf32>, vector<16xf32>, vector<16xf32>, vector<16xf32>, vector<16xf32>, vector<16xf32>, vector<16xf32>, vector<16xf32>, vector<16xf32>, vector<16xf32>, vector<16xf32>, vector<16xf32>, vector<16xf32>, vector<16xf32>, vector<16xf32>, vector<16xf32>)  : i32 {
          %mul3A_1316 = arith.constant 16 : i32
          %mul3A_1317 = arith.muli %scan3A_1270, %mul3A_1316 : i32
          %get3A_1318 = arith.index_cast %mul3A_1317 : i32 to index
          %get3A_1319 = tpu.vector_load %arg9[%get3A_1318] {strides = array<i32>} : memref<512xf32, #tpu.memory_space<vmem>>, vector<16xf32>,
          %slice3A = vector.extract_strided_slice %get3A_1319 {offsets = [0], sizes = [1], strides = [1]} : vector<16xf32> to vector<1xf32>
          %squeeze3A = vector.extract %slice3A[0] : f32 from vector<1xf32>
          %slice3A_1320 = vector.extract_strided_slice %get3A_1319 {offsets = [1], sizes = [1], strides = [1]} : vector<16xf32> to vector<1xf32>
          %squeeze3A_1321 = vector.extract %slice3A_1320[0] : f32 from vector<1xf32>
          %slice3A_1322 = vector.extract_strided_slice %get3A_1319 {offsets = [2], sizes = [1], strides = [1]} : vector<16xf32> to vector<1xf32>
          %squeeze3A_1323 = vector.extract %slice3A_1322[0] : f32 from vector<1xf32>
          %slice3A_1324 = vector.extract_strided_slice %get3A_1319 {offsets = [3], sizes = [1], strides = [1]} : vector<16xf32> to vector<1xf32>
          %squeeze3A_1325 = vector.extract %slice3A_1324[0] : f32 from vector<1xf32>
          %get3A_1326 = arith.constant 1 : i32
          %get3A_1327 = arith.index_cast %get3A_1326 : i32 to index
          %get3A_1328 = arith.index_cast %scan3A_1270 : i32 to index
          %get3A_1329 = arith.constant 48 : index
          %get3A_1330 = tpu.vector_load %arg8[%get3A_1327, %get3A_1328, %get3A_1329] {strides = array<i32>} : memref<2x32x128xf32, #tpu.memory_space<vmem>>, vector<16xf32>,
          %mul3A_1331 = vector.broadcast %squeeze3A : f32 to vector<16xf32>
          %mul3A_1332 = arith.mulf %get3A_1330, %mul3A_1331 : vector<16xf32>
          %mul3A_1333 = vector.broadcast %squeeze3A_1321 : f32 to vector<16xf32>
          %mul3A_1334 = arith.mulf %get3A_1330, %mul3A_1333 : vector<16xf32>
          %mul3A_1335 = vector.broadcast %squeeze3A_1323 : f32 to vector<16xf32>
          %mul3A_1336 = arith.mulf %get3A_1330, %mul3A_1335 : vector<16xf32>
          %mul3A_1337 = vector.broadcast %squeeze3A_1325 : f32 to vector<16xf32>
          %mul3A_1338 = arith.mulf %get3A_1330, %mul3A_1337 : vector<16xf32>
          %add3A_1339 = arith.addf %scan3A_1271, %get3A_1330 : vector<16xf32>
          %add3A_1340 = arith.addf %scan3A_1272, %mul3A_1332 : vector<16xf32>
          %add3A_1341 = arith.addf %scan3A_1273, %mul3A_1334 : vector<16xf32>
          %add3A_1342 = arith.addf %scan3A_1274, %mul3A_1336 : vector<16xf32>
          %add3A_1343 = arith.addf %scan3A_1275, %mul3A_1338 : vector<16xf32>
          %mul3A_1344 = vector.broadcast %squeeze3A : f32 to vector<16xf32>
          %mul3A_1345 = arith.mulf %mul3A_1332, %mul3A_1344 : vector<16xf32>
          %add3A_1346 = arith.addf %scan3A_1276, %mul3A_1345 : vector<16xf32>
          %mul3A_1347 = vector.broadcast %squeeze3A_1321 : f32 to vector<16xf32>
          %mul3A_1348 = arith.mulf %mul3A_1332, %mul3A_1347 : vector<16xf32>
          %add3A_1349 = arith.addf %scan3A_1277, %mul3A_1348 : vector<16xf32>
          %mul3A_1350 = vector.broadcast %squeeze3A_1321 : f32 to vector<16xf32>
          %mul3A_1351 = arith.mulf %mul3A_1334, %mul3A_1350 : vector<16xf32>
          %add3A_1352 = arith.addf %scan3A_1278, %mul3A_1351 : vector<16xf32>
          %mul3A_1353 = vector.broadcast %squeeze3A_1323 : f32 to vector<16xf32>
          %mul3A_1354 = arith.mulf %mul3A_1332, %mul3A_1353 : vector<16xf32>
          %add3A_1355 = arith.addf %scan3A_1279, %mul3A_1354 : vector<16xf32>
          %mul3A_1356 = vector.broadcast %squeeze3A_1323 : f32 to vector<16xf32>
          %mul3A_1357 = arith.mulf %mul3A_1334, %mul3A_1356 : vector<16xf32>
          %add3A_1358 = arith.addf %scan3A_1280, %mul3A_1357 : vector<16xf32>
          %mul3A_1359 = vector.broadcast %squeeze3A_1323 : f32 to vector<16xf32>
          %mul3A_1360 = arith.mulf %mul3A_1336, %mul3A_1359 : vector<16xf32>
          %add3A_1361 = arith.addf %scan3A_1281, %mul3A_1360 : vector<16xf32>
          %mul3A_1362 = vector.broadcast %squeeze3A_1325 : f32 to vector<16xf32>
          %mul3A_1363 = arith.mulf %mul3A_1332, %mul3A_1362 : vector<16xf32>
          %add3A_1364 = arith.addf %scan3A_1282, %mul3A_1363 : vector<16xf32>
          %mul3A_1365 = vector.broadcast %squeeze3A_1325 : f32 to vector<16xf32>
          %mul3A_1366 = arith.mulf %mul3A_1334, %mul3A_1365 : vector<16xf32>
          %add3A_1367 = arith.addf %scan3A_1283, %mul3A_1366 : vector<16xf32>
          %mul3A_1368 = vector.broadcast %squeeze3A_1325 : f32 to vector<16xf32>
          %mul3A_1369 = arith.mulf %mul3A_1336, %mul3A_1368 : vector<16xf32>
          %add3A_1370 = arith.addf %scan3A_1284, %mul3A_1369 : vector<16xf32>
          %mul3A_1371 = vector.broadcast %squeeze3A_1325 : f32 to vector<16xf32>
          %mul3A_1372 = arith.mulf %mul3A_1338, %mul3A_1371 : vector<16xf32>
          %add3A_1373 = arith.addf %scan3A_1285, %mul3A_1372 : vector<16xf32>
          %get3A_1374 = arith.constant 1 : i32
          %get3A_1375 = arith.index_cast %get3A_1374 : i32 to index
          %get3A_1376 = arith.index_cast %scan3A_1270 : i32 to index
          %get3A_1377 = arith.constant 64 : index
          %get3A_1378 = tpu.vector_load %arg8[%get3A_1375, %get3A_1376, %get3A_1377] {strides = array<i32>} : memref<2x32x128xf32, #tpu.memory_space<vmem>>, vector<16xf32>,
          %mul3A_1379 = vector.broadcast %squeeze3A : f32 to vector<16xf32>
          %mul3A_1380 = arith.mulf %get3A_1378, %mul3A_1379 : vector<16xf32>
          %mul3A_1381 = vector.broadcast %squeeze3A_1321 : f32 to vector<16xf32>
          %mul3A_1382 = arith.mulf %get3A_1378, %mul3A_1381 : vector<16xf32>
          %mul3A_1383 = vector.broadcast %squeeze3A_1323 : f32 to vector<16xf32>
          %mul3A_1384 = arith.mulf %get3A_1378, %mul3A_1383 : vector<16xf32>
          %mul3A_1385 = vector.broadcast %squeeze3A_1325 : f32 to vector<16xf32>
          %mul3A_1386 = arith.mulf %get3A_1378, %mul3A_1385 : vector<16xf32>
          %add3A_1387 = arith.addf %scan3A_1286, %get3A_1378 : vector<16xf32>
          %add3A_1388 = arith.addf %scan3A_1287, %mul3A_1380 : vector<16xf32>
          %add3A_1389 = arith.addf %scan3A_1288, %mul3A_1382 : vector<16xf32>
          %add3A_1390 = arith.addf %scan3A_1289, %mul3A_1384 : vector<16xf32>
          %add3A_1391 = arith.addf %scan3A_1290, %mul3A_1386 : vector<16xf32>
          %mul3A_1392 = vector.broadcast %squeeze3A : f32 to vector<16xf32>
          %mul3A_1393 = arith.mulf %mul3A_1380, %mul3A_1392 : vector<16xf32>
          %add3A_1394 = arith.addf %scan3A_1291, %mul3A_1393 : vector<16xf32>
          %mul3A_1395 = vector.broadcast %squeeze3A_1321 : f32 to vector<16xf32>
          %mul3A_1396 = arith.mulf %mul3A_1380, %mul3A_1395 : vector<16xf32>
          %add3A_1397 = arith.addf %scan3A_1292, %mul3A_1396 : vector<16xf32>
          %mul3A_1398 = vector.broadcast %squeeze3A_1321 : f32 to vector<16xf32>
          %mul3A_1399 = arith.mulf %mul3A_1382, %mul3A_1398 : vector<16xf32>
          %add3A_1400 = arith.addf %scan3A_1293, %mul3A_1399 : vector<16xf32>
          %mul3A_1401 = vector.broadcast %squeeze3A_1323 : f32 to vector<16xf32>
          %mul3A_1402 = arith.mulf %mul3A_1380, %mul3A_1401 : vector<16xf32>
          %add3A_1403 = arith.addf %scan3A_1294, %mul3A_1402 : vector<16xf32>
          %mul3A_1404 = vector.broadcast %squeeze3A_1323 : f32 to vector<16xf32>
          %mul3A_1405 = arith.mulf %mul3A_1382, %mul3A_1404 : vector<16xf32>
          %add3A_1406 = arith.addf %scan3A_1295, %mul3A_1405 : vector<16xf32>
          %mul3A_1407 = vector.broadcast %squeeze3A_1323 : f32 to vector<16xf32>
          %mul3A_1408 = arith.mulf %mul3A_1384, %mul3A_1407 : vector<16xf32>
          %add3A_1409 = arith.addf %scan3A_1296, %mul3A_1408 : vector<16xf32>
          %mul3A_1410 = vector.broadcast %squeeze3A_1325 : f32 to vector<16xf32>
          %mul3A_1411 = arith.mulf %mul3A_1380, %mul3A_1410 : vector<16xf32>
          %add3A_1412 = arith.addf %scan3A_1297, %mul3A_1411 : vector<16xf32>
          %mul3A_1413 = vector.broadcast %squeeze3A_1325 : f32 to vector<16xf32>
          %mul3A_1414 = arith.mulf %mul3A_1382, %mul3A_1413 : vector<16xf32>
          %add3A_1415 = arith.addf %scan3A_1298, %mul3A_1414 : vector<16xf32>
          %mul3A_1416 = vector.broadcast %squeeze3A_1325 : f32 to vector<16xf32>
          %mul3A_1417 = arith.mulf %mul3A_1384, %mul3A_1416 : vector<16xf32>
          %add3A_1418 = arith.addf %scan3A_1299, %mul3A_1417 : vector<16xf32>
          %mul3A_1419 = vector.broadcast %squeeze3A_1325 : f32 to vector<16xf32>
          %mul3A_1420 = arith.mulf %mul3A_1386, %mul3A_1419 : vector<16xf32>
          %add3A_1421 = arith.addf %scan3A_1300, %mul3A_1420 : vector<16xf32>
          %get3A_1422 = arith.constant 1 : i32
          %get3A_1423 = arith.index_cast %get3A_1422 : i32 to index
          %get3A_1424 = arith.index_cast %scan3A_1270 : i32 to index
          %get3A_1425 = arith.constant 80 : index
          %get3A_1426 = tpu.vector_load %arg8[%get3A_1423, %get3A_1424, %get3A_1425] {strides = array<i32>} : memref<2x32x128xf32, #tpu.memory_space<vmem>>, vector<16xf32>,
          %mul3A_1427 = vector.broadcast %squeeze3A : f32 to vector<16xf32>
          %mul3A_1428 = arith.mulf %get3A_1426, %mul3A_1427 : vector<16xf32>
          %mul3A_1429 = vector.broadcast %squeeze3A_1321 : f32 to vector<16xf32>
          %mul3A_1430 = arith.mulf %get3A_1426, %mul3A_1429 : vector<16xf32>
          %mul3A_1431 = vector.broadcast %squeeze3A_1323 : f32 to vector<16xf32>
          %mul3A_1432 = arith.mulf %get3A_1426, %mul3A_1431 : vector<16xf32>
          %mul3A_1433 = vector.broadcast %squeeze3A_1325 : f32 to vector<16xf32>
          %mul3A_1434 = arith.mulf %get3A_1426, %mul3A_1433 : vector<16xf32>
          %add3A_1435 = arith.addf %scan3A_1301, %get3A_1426 : vector<16xf32>
          %add3A_1436 = arith.addf %scan3A_1302, %mul3A_1428 : vector<16xf32>
          %add3A_1437 = arith.addf %scan3A_1303, %mul3A_1430 : vector<16xf32>
          %add3A_1438 = arith.addf %scan3A_1304, %mul3A_1432 : vector<16xf32>
          %add3A_1439 = arith.addf %scan3A_1305, %mul3A_1434 : vector<16xf32>
          %mul3A_1440 = vector.broadcast %squeeze3A : f32 to vector<16xf32>
          %mul3A_1441 = arith.mulf %mul3A_1428, %mul3A_1440 : vector<16xf32>
          %add3A_1442 = arith.addf %scan3A_1306, %mul3A_1441 : vector<16xf32>
          %mul3A_1443 = vector.broadcast %squeeze3A_1321 : f32 to vector<16xf32>
          %mul3A_1444 = arith.mulf %mul3A_1428, %mul3A_1443 : vector<16xf32>
          %add3A_1445 = arith.addf %scan3A_1307, %mul3A_1444 : vector<16xf32>
          %mul3A_1446 = vector.broadcast %squeeze3A_1321 : f32 to vector<16xf32>
          %mul3A_1447 = arith.mulf %mul3A_1430, %mul3A_1446 : vector<16xf32>
          %add3A_1448 = arith.addf %scan3A_1308, %mul3A_1447 : vector<16xf32>
          %mul3A_1449 = vector.broadcast %squeeze3A_1323 : f32 to vector<16xf32>
          %mul3A_1450 = arith.mulf %mul3A_1428, %mul3A_1449 : vector<16xf32>
          %add3A_1451 = arith.addf %scan3A_1309, %mul3A_1450 : vector<16xf32>
          %mul3A_1452 = vector.broadcast %squeeze3A_1323 : f32 to vector<16xf32>
          %mul3A_1453 = arith.mulf %mul3A_1430, %mul3A_1452 : vector<16xf32>
          %add3A_1454 = arith.addf %scan3A_1310, %mul3A_1453 : vector<16xf32>
          %mul3A_1455 = vector.broadcast %squeeze3A_1323 : f32 to vector<16xf32>
          %mul3A_1456 = arith.mulf %mul3A_1432, %mul3A_1455 : vector<16xf32>
          %add3A_1457 = arith.addf %scan3A_1311, %mul3A_1456 : vector<16xf32>
          %mul3A_1458 = vector.broadcast %squeeze3A_1325 : f32 to vector<16xf32>
          %mul3A_1459 = arith.mulf %mul3A_1428, %mul3A_1458 : vector<16xf32>
          %add3A_1460 = arith.addf %scan3A_1312, %mul3A_1459 : vector<16xf32>
          %mul3A_1461 = vector.broadcast %squeeze3A_1325 : f32 to vector<16xf32>
          %mul3A_1462 = arith.mulf %mul3A_1430, %mul3A_1461 : vector<16xf32>
          %add3A_1463 = arith.addf %scan3A_1313, %mul3A_1462 : vector<16xf32>
          %mul3A_1464 = vector.broadcast %squeeze3A_1325 : f32 to vector<16xf32>
          %mul3A_1465 = arith.mulf %mul3A_1432, %mul3A_1464 : vector<16xf32>
          %add3A_1466 = arith.addf %scan3A_1314, %mul3A_1465 : vector<16xf32>
          %mul3A_1467 = vector.broadcast %squeeze3A_1325 : f32 to vector<16xf32>
          %mul3A_1468 = arith.mulf %mul3A_1434, %mul3A_1467 : vector<16xf32>
          %add3A_1469 = arith.addf %scan3A_1315, %mul3A_1468 : vector<16xf32>
          scf.yield %add3A_1339, %add3A_1340, %add3A_1341, %add3A_1342, %add3A_1343, %add3A_1346, %add3A_1349, %add3A_1352, %add3A_1355, %add3A_1358, %add3A_1361, %add3A_1364, %add3A_1367, %add3A_1370, %add3A_1373, %add3A_1387, %add3A_1388, %add3A_1389, %add3A_1390, %add3A_1391, %add3A_1394, %add3A_1397, %add3A_1400, %add3A_1403, %add3A_1406, %add3A_1409, %add3A_1412, %add3A_1415, %add3A_1418, %add3A_1421, %add3A_1435, %add3A_1436, %add3A_1437, %add3A_1438, %add3A_1439, %add3A_1442, %add3A_1445, %add3A_1448, %add3A_1451, %add3A_1454, %add3A_1457, %add3A_1460, %add3A_1463, %add3A_1466, %add3A_1469 : vector<16xf32>, vector<16xf32>, vector<16xf32>, vector<16xf32>, vector<16xf32>, vector<16xf32>, vector<16xf32>, vector<16xf32>, vector<16xf32>, vector<16xf32>, vector<16xf32>, vector<16xf32>, vector<16xf32>, vector<16xf32>, vector<16xf32>, vector<16xf32>, vector<16xf32>, vector<16xf32>, vector<16xf32>, vector<16xf32>, vector<16xf32>, vector<16xf32>, vector<16xf32>, vector<16xf32>, vector<16xf32>, vector<16xf32>, vector<16xf32>, vector<16xf32>, vector<16xf32>, vector<16xf32>, vector<16xf32>, vector<16xf32>, vector<16xf32>, vector<16xf32>, vector<16xf32>, vector<16xf32>, vector<16xf32>, vector<16xf32>, vector<16xf32>, vector<16xf32>, vector<16xf32>, vector<16xf32>, vector<16xf32>, vector<16xf32>, vector<16xf32>
        }
        %scan3A_388 = arith.constant 32 : i32
        %broadcast_in_dim3A_389 = arith.constant 0.000000e+00 : f32
        %broadcast_in_dim3A_390 = vector.broadcast %broadcast_in_dim3A_389 : f32 to vector<16xf32>
        %broadcast_in_dim3A_391 = arith.constant 0.000000e+00 : f32
        %broadcast_in_dim3A_392 = vector.broadcast %broadcast_in_dim3A_391 : f32 to vector<16xf32>
        %broadcast_in_dim3A_393 = arith.constant 0.000000e+00 : f32
        %broadcast_in_dim3A_394 = vector.broadcast %broadcast_in_dim3A_393 : f32 to vector<16xf32>
        %broadcast_in_dim3A_395 = arith.constant 0.000000e+00 : f32
        %broadcast_in_dim3A_396 = vector.broadcast %broadcast_in_dim3A_395 : f32 to vector<16xf32>
        %broadcast_in_dim3A_397 = arith.constant 0.000000e+00 : f32
        %broadcast_in_dim3A_398 = vector.broadcast %broadcast_in_dim3A_397 : f32 to vector<16xf32>
        %broadcast_in_dim3A_399 = arith.constant 0.000000e+00 : f32
        %broadcast_in_dim3A_400 = vector.broadcast %broadcast_in_dim3A_399 : f32 to vector<16xf32>
        %broadcast_in_dim3A_401 = arith.constant 0.000000e+00 : f32
        %broadcast_in_dim3A_402 = vector.broadcast %broadcast_in_dim3A_401 : f32 to vector<16xf32>
        %broadcast_in_dim3A_403 = arith.constant 0.000000e+00 : f32
        %broadcast_in_dim3A_404 = vector.broadcast %broadcast_in_dim3A_403 : f32 to vector<16xf32>
        %broadcast_in_dim3A_405 = arith.constant 0.000000e+00 : f32
        %broadcast_in_dim3A_406 = vector.broadcast %broadcast_in_dim3A_405 : f32 to vector<16xf32>
        %broadcast_in_dim3A_407 = arith.constant 0.000000e+00 : f32
        %broadcast_in_dim3A_408 = vector.broadcast %broadcast_in_dim3A_407 : f32 to vector<16xf32>
        %broadcast_in_dim3A_409 = arith.constant 0.000000e+00 : f32
        %broadcast_in_dim3A_410 = vector.broadcast %broadcast_in_dim3A_409 : f32 to vector<16xf32>
        %broadcast_in_dim3A_411 = arith.constant 0.000000e+00 : f32
        %broadcast_in_dim3A_412 = vector.broadcast %broadcast_in_dim3A_411 : f32 to vector<16xf32>
        %broadcast_in_dim3A_413 = arith.constant 0.000000e+00 : f32
        %broadcast_in_dim3A_414 = vector.broadcast %broadcast_in_dim3A_413 : f32 to vector<16xf32>
        %broadcast_in_dim3A_415 = arith.constant 0.000000e+00 : f32
        %broadcast_in_dim3A_416 = vector.broadcast %broadcast_in_dim3A_415 : f32 to vector<16xf32>
        %broadcast_in_dim3A_417 = arith.constant 0.000000e+00 : f32
        %broadcast_in_dim3A_418 = vector.broadcast %broadcast_in_dim3A_417 : f32 to vector<16xf32>
        %broadcast_in_dim3A_419 = arith.constant 0.000000e+00 : f32
        %broadcast_in_dim3A_420 = vector.broadcast %broadcast_in_dim3A_419 : f32 to vector<16xf32>
        %broadcast_in_dim3A_421 = arith.constant 0.000000e+00 : f32
        %broadcast_in_dim3A_422 = vector.broadcast %broadcast_in_dim3A_421 : f32 to vector<16xf32>
        %broadcast_in_dim3A_423 = arith.constant 0.000000e+00 : f32
        %broadcast_in_dim3A_424 = vector.broadcast %broadcast_in_dim3A_423 : f32 to vector<16xf32>
        %broadcast_in_dim3A_425 = arith.constant 0.000000e+00 : f32
        %broadcast_in_dim3A_426 = vector.broadcast %broadcast_in_dim3A_425 : f32 to vector<16xf32>
        %broadcast_in_dim3A_427 = arith.constant 0.000000e+00 : f32
        %broadcast_in_dim3A_428 = vector.broadcast %broadcast_in_dim3A_427 : f32 to vector<16xf32>
        %broadcast_in_dim3A_429 = arith.constant 0.000000e+00 : f32
        %broadcast_in_dim3A_430 = vector.broadcast %broadcast_in_dim3A_429 : f32 to vector<16xf32>
        %broadcast_in_dim3A_431 = arith.constant 0.000000e+00 : f32
        %broadcast_in_dim3A_432 = vector.broadcast %broadcast_in_dim3A_431 : f32 to vector<16xf32>
        %broadcast_in_dim3A_433 = arith.constant 0.000000e+00 : f32
        %broadcast_in_dim3A_434 = vector.broadcast %broadcast_in_dim3A_433 : f32 to vector<16xf32>
        %broadcast_in_dim3A_435 = arith.constant 0.000000e+00 : f32
        %broadcast_in_dim3A_436 = vector.broadcast %broadcast_in_dim3A_435 : f32 to vector<16xf32>
        %broadcast_in_dim3A_437 = arith.constant 0.000000e+00 : f32
        %broadcast_in_dim3A_438 = vector.broadcast %broadcast_in_dim3A_437 : f32 to vector<16xf32>
        %broadcast_in_dim3A_439 = arith.constant 0.000000e+00 : f32
        %broadcast_in_dim3A_440 = vector.broadcast %broadcast_in_dim3A_439 : f32 to vector<16xf32>
        %broadcast_in_dim3A_441 = arith.constant 0.000000e+00 : f32
        %broadcast_in_dim3A_442 = vector.broadcast %broadcast_in_dim3A_441 : f32 to vector<16xf32>
        %broadcast_in_dim3A_443 = arith.constant 0.000000e+00 : f32
        %broadcast_in_dim3A_444 = vector.broadcast %broadcast_in_dim3A_443 : f32 to vector<16xf32>
        %broadcast_in_dim3A_445 = arith.constant 0.000000e+00 : f32
        %broadcast_in_dim3A_446 = vector.broadcast %broadcast_in_dim3A_445 : f32 to vector<16xf32>
        %broadcast_in_dim3A_447 = arith.constant 0.000000e+00 : f32
        %broadcast_in_dim3A_448 = vector.broadcast %broadcast_in_dim3A_447 : f32 to vector<16xf32>
        %scan3A_449 = arith.constant 0 : i32
        %scan3A_450 = arith.constant 32 : i32
        %scan3A_451 = arith.addi %scan3A_449, %scan3A_450 : i32
        %scan3A_452 = arith.constant 1 : i32
        %scan3A_453:30 = scf.for %scan3A_1270 = %scan3A_449 to %scan3A_451 step %scan3A_452 iter_args(%scan3A_1271 = %broadcast_in_dim3A_390, %scan3A_1272 = %broadcast_in_dim3A_392, %scan3A_1273 = %broadcast_in_dim3A_394, %scan3A_1274 = %broadcast_in_dim3A_396, %scan3A_1275 = %broadcast_in_dim3A_398, %scan3A_1276 = %broadcast_in_dim3A_400, %scan3A_1277 = %broadcast_in_dim3A_402, %scan3A_1278 = %broadcast_in_dim3A_404, %scan3A_1279 = %broadcast_in_dim3A_406, %scan3A_1280 = %broadcast_in_dim3A_408, %scan3A_1281 = %broadcast_in_dim3A_410, %scan3A_1282 = %broadcast_in_dim3A_412, %scan3A_1283 = %broadcast_in_dim3A_414, %scan3A_1284 = %broadcast_in_dim3A_416, %scan3A_1285 = %broadcast_in_dim3A_418, %scan3A_1286 = %broadcast_in_dim3A_420, %scan3A_1287 = %broadcast_in_dim3A_422, %scan3A_1288 = %broadcast_in_dim3A_424, %scan3A_1289 = %broadcast_in_dim3A_426, %scan3A_1290 = %broadcast_in_dim3A_428, %scan3A_1291 = %broadcast_in_dim3A_430, %scan3A_1292 = %broadcast_in_dim3A_432, %scan3A_1293 = %broadcast_in_dim3A_434, %scan3A_1294 = %broadcast_in_dim3A_436, %scan3A_1295 = %broadcast_in_dim3A_438, %scan3A_1296 = %broadcast_in_dim3A_440, %scan3A_1297 = %broadcast_in_dim3A_442, %scan3A_1298 = %broadcast_in_dim3A_444, %scan3A_1299 = %broadcast_in_dim3A_446, %scan3A_1300 = %broadcast_in_dim3A_448) -> (vector<16xf32>, vector<16xf32>, vector<16xf32>, vector<16xf32>, vector<16xf32>, vector<16xf32>, vector<16xf32>, vector<16xf32>, vector<16xf32>, vector<16xf32>, vector<16xf32>, vector<16xf32>, vector<16xf32>, vector<16xf32>, vector<16xf32>, vector<16xf32>, vector<16xf32>, vector<16xf32>, vector<16xf32>, vector<16xf32>, vector<16xf32>, vector<16xf32>, vector<16xf32>, vector<16xf32>, vector<16xf32>, vector<16xf32>, vector<16xf32>, vector<16xf32>, vector<16xf32>, vector<16xf32>)  : i32 {
          %mul3A_1301 = arith.constant 16 : i32
          %mul3A_1302 = arith.muli %scan3A_1270, %mul3A_1301 : i32
          %get3A_1303 = arith.index_cast %mul3A_1302 : i32 to index
          %get3A_1304 = tpu.vector_load %arg9[%get3A_1303] {strides = array<i32>} : memref<512xf32, #tpu.memory_space<vmem>>, vector<16xf32>,
          %slice3A = vector.extract_strided_slice %get3A_1304 {offsets = [0], sizes = [1], strides = [1]} : vector<16xf32> to vector<1xf32>
          %squeeze3A = vector.extract %slice3A[0] : f32 from vector<1xf32>
          %slice3A_1305 = vector.extract_strided_slice %get3A_1304 {offsets = [1], sizes = [1], strides = [1]} : vector<16xf32> to vector<1xf32>
          %squeeze3A_1306 = vector.extract %slice3A_1305[0] : f32 from vector<1xf32>
          %slice3A_1307 = vector.extract_strided_slice %get3A_1304 {offsets = [2], sizes = [1], strides = [1]} : vector<16xf32> to vector<1xf32>
          %squeeze3A_1308 = vector.extract %slice3A_1307[0] : f32 from vector<1xf32>
          %slice3A_1309 = vector.extract_strided_slice %get3A_1304 {offsets = [3], sizes = [1], strides = [1]} : vector<16xf32> to vector<1xf32>
          %squeeze3A_1310 = vector.extract %slice3A_1309[0] : f32 from vector<1xf32>
          %get3A_1311 = arith.constant 1 : i32
          %get3A_1312 = arith.index_cast %get3A_1311 : i32 to index
          %get3A_1313 = arith.index_cast %scan3A_1270 : i32 to index
          %get3A_1314 = arith.constant 96 : index
          %get3A_1315 = tpu.vector_load %arg8[%get3A_1312, %get3A_1313, %get3A_1314] {strides = array<i32>} : memref<2x32x128xf32, #tpu.memory_space<vmem>>, vector<16xf32>,
          %mul3A_1316 = vector.broadcast %squeeze3A : f32 to vector<16xf32>
          %mul3A_1317 = arith.mulf %get3A_1315, %mul3A_1316 : vector<16xf32>
          %mul3A_1318 = vector.broadcast %squeeze3A_1306 : f32 to vector<16xf32>
          %mul3A_1319 = arith.mulf %get3A_1315, %mul3A_1318 : vector<16xf32>
          %mul3A_1320 = vector.broadcast %squeeze3A_1308 : f32 to vector<16xf32>
          %mul3A_1321 = arith.mulf %get3A_1315, %mul3A_1320 : vector<16xf32>
          %mul3A_1322 = vector.broadcast %squeeze3A_1310 : f32 to vector<16xf32>
          %mul3A_1323 = arith.mulf %get3A_1315, %mul3A_1322 : vector<16xf32>
          %add3A_1324 = arith.addf %scan3A_1271, %get3A_1315 : vector<16xf32>
          %add3A_1325 = arith.addf %scan3A_1272, %mul3A_1317 : vector<16xf32>
          %add3A_1326 = arith.addf %scan3A_1273, %mul3A_1319 : vector<16xf32>
          %add3A_1327 = arith.addf %scan3A_1274, %mul3A_1321 : vector<16xf32>
          %add3A_1328 = arith.addf %scan3A_1275, %mul3A_1323 : vector<16xf32>
          %mul3A_1329 = vector.broadcast %squeeze3A : f32 to vector<16xf32>
          %mul3A_1330 = arith.mulf %mul3A_1317, %mul3A_1329 : vector<16xf32>
          %add3A_1331 = arith.addf %scan3A_1276, %mul3A_1330 : vector<16xf32>
          %mul3A_1332 = vector.broadcast %squeeze3A_1306 : f32 to vector<16xf32>
          %mul3A_1333 = arith.mulf %mul3A_1317, %mul3A_1332 : vector<16xf32>
          %add3A_1334 = arith.addf %scan3A_1277, %mul3A_1333 : vector<16xf32>
          %mul3A_1335 = vector.broadcast %squeeze3A_1306 : f32 to vector<16xf32>
          %mul3A_1336 = arith.mulf %mul3A_1319, %mul3A_1335 : vector<16xf32>
          %add3A_1337 = arith.addf %scan3A_1278, %mul3A_1336 : vector<16xf32>
          %mul3A_1338 = vector.broadcast %squeeze3A_1308 : f32 to vector<16xf32>
          %mul3A_1339 = arith.mulf %mul3A_1317, %mul3A_1338 : vector<16xf32>
          %add3A_1340 = arith.addf %scan3A_1279, %mul3A_1339 : vector<16xf32>
          %mul3A_1341 = vector.broadcast %squeeze3A_1308 : f32 to vector<16xf32>
          %mul3A_1342 = arith.mulf %mul3A_1319, %mul3A_1341 : vector<16xf32>
          %add3A_1343 = arith.addf %scan3A_1280, %mul3A_1342 : vector<16xf32>
          %mul3A_1344 = vector.broadcast %squeeze3A_1308 : f32 to vector<16xf32>
          %mul3A_1345 = arith.mulf %mul3A_1321, %mul3A_1344 : vector<16xf32>
          %add3A_1346 = arith.addf %scan3A_1281, %mul3A_1345 : vector<16xf32>
          %mul3A_1347 = vector.broadcast %squeeze3A_1310 : f32 to vector<16xf32>
          %mul3A_1348 = arith.mulf %mul3A_1317, %mul3A_1347 : vector<16xf32>
          %add3A_1349 = arith.addf %scan3A_1282, %mul3A_1348 : vector<16xf32>
          %mul3A_1350 = vector.broadcast %squeeze3A_1310 : f32 to vector<16xf32>
          %mul3A_1351 = arith.mulf %mul3A_1319, %mul3A_1350 : vector<16xf32>
          %add3A_1352 = arith.addf %scan3A_1283, %mul3A_1351 : vector<16xf32>
          %mul3A_1353 = vector.broadcast %squeeze3A_1310 : f32 to vector<16xf32>
          %mul3A_1354 = arith.mulf %mul3A_1321, %mul3A_1353 : vector<16xf32>
          %add3A_1355 = arith.addf %scan3A_1284, %mul3A_1354 : vector<16xf32>
          %mul3A_1356 = vector.broadcast %squeeze3A_1310 : f32 to vector<16xf32>
          %mul3A_1357 = arith.mulf %mul3A_1323, %mul3A_1356 : vector<16xf32>
          %add3A_1358 = arith.addf %scan3A_1285, %mul3A_1357 : vector<16xf32>
          %get3A_1359 = arith.constant 1 : i32
          %get3A_1360 = arith.index_cast %get3A_1359 : i32 to index
          %get3A_1361 = arith.index_cast %scan3A_1270 : i32 to index
          %get3A_1362 = arith.constant 112 : index
          %get3A_1363 = tpu.vector_load %arg8[%get3A_1360, %get3A_1361, %get3A_1362] {strides = array<i32>} : memref<2x32x128xf32, #tpu.memory_space<vmem>>, vector<16xf32>,
          %mul3A_1364 = vector.broadcast %squeeze3A : f32 to vector<16xf32>
          %mul3A_1365 = arith.mulf %get3A_1363, %mul3A_1364 : vector<16xf32>
          %mul3A_1366 = vector.broadcast %squeeze3A_1306 : f32 to vector<16xf32>
          %mul3A_1367 = arith.mulf %get3A_1363, %mul3A_1366 : vector<16xf32>
          %mul3A_1368 = vector.broadcast %squeeze3A_1308 : f32 to vector<16xf32>
          %mul3A_1369 = arith.mulf %get3A_1363, %mul3A_1368 : vector<16xf32>
          %mul3A_1370 = vector.broadcast %squeeze3A_1310 : f32 to vector<16xf32>
          %mul3A_1371 = arith.mulf %get3A_1363, %mul3A_1370 : vector<16xf32>
          %add3A_1372 = arith.addf %scan3A_1286, %get3A_1363 : vector<16xf32>
          %add3A_1373 = arith.addf %scan3A_1287, %mul3A_1365 : vector<16xf32>
          %add3A_1374 = arith.addf %scan3A_1288, %mul3A_1367 : vector<16xf32>
          %add3A_1375 = arith.addf %scan3A_1289, %mul3A_1369 : vector<16xf32>
          %add3A_1376 = arith.addf %scan3A_1290, %mul3A_1371 : vector<16xf32>
          %mul3A_1377 = vector.broadcast %squeeze3A : f32 to vector<16xf32>
          %mul3A_1378 = arith.mulf %mul3A_1365, %mul3A_1377 : vector<16xf32>
          %add3A_1379 = arith.addf %scan3A_1291, %mul3A_1378 : vector<16xf32>
          %mul3A_1380 = vector.broadcast %squeeze3A_1306 : f32 to vector<16xf32>
          %mul3A_1381 = arith.mulf %mul3A_1365, %mul3A_1380 : vector<16xf32>
          %add3A_1382 = arith.addf %scan3A_1292, %mul3A_1381 : vector<16xf32>
          %mul3A_1383 = vector.broadcast %squeeze3A_1306 : f32 to vector<16xf32>
          %mul3A_1384 = arith.mulf %mul3A_1367, %mul3A_1383 : vector<16xf32>
          %add3A_1385 = arith.addf %scan3A_1293, %mul3A_1384 : vector<16xf32>
          %mul3A_1386 = vector.broadcast %squeeze3A_1308 : f32 to vector<16xf32>
          %mul3A_1387 = arith.mulf %mul3A_1365, %mul3A_1386 : vector<16xf32>
          %add3A_1388 = arith.addf %scan3A_1294, %mul3A_1387 : vector<16xf32>
          %mul3A_1389 = vector.broadcast %squeeze3A_1308 : f32 to vector<16xf32>
          %mul3A_1390 = arith.mulf %mul3A_1367, %mul3A_1389 : vector<16xf32>
          %add3A_1391 = arith.addf %scan3A_1295, %mul3A_1390 : vector<16xf32>
          %mul3A_1392 = vector.broadcast %squeeze3A_1308 : f32 to vector<16xf32>
          %mul3A_1393 = arith.mulf %mul3A_1369, %mul3A_1392 : vector<16xf32>
          %add3A_1394 = arith.addf %scan3A_1296, %mul3A_1393 : vector<16xf32>
          %mul3A_1395 = vector.broadcast %squeeze3A_1310 : f32 to vector<16xf32>
          %mul3A_1396 = arith.mulf %mul3A_1365, %mul3A_1395 : vector<16xf32>
          %add3A_1397 = arith.addf %scan3A_1297, %mul3A_1396 : vector<16xf32>
          %mul3A_1398 = vector.broadcast %squeeze3A_1310 : f32 to vector<16xf32>
          %mul3A_1399 = arith.mulf %mul3A_1367, %mul3A_1398 : vector<16xf32>
          %add3A_1400 = arith.addf %scan3A_1298, %mul3A_1399 : vector<16xf32>
          %mul3A_1401 = vector.broadcast %squeeze3A_1310 : f32 to vector<16xf32>
          %mul3A_1402 = arith.mulf %mul3A_1369, %mul3A_1401 : vector<16xf32>
          %add3A_1403 = arith.addf %scan3A_1299, %mul3A_1402 : vector<16xf32>
          %mul3A_1404 = vector.broadcast %squeeze3A_1310 : f32 to vector<16xf32>
          %mul3A_1405 = arith.mulf %mul3A_1371, %mul3A_1404 : vector<16xf32>
          %add3A_1406 = arith.addf %scan3A_1300, %mul3A_1405 : vector<16xf32>
          scf.yield %add3A_1324, %add3A_1325, %add3A_1326, %add3A_1327, %add3A_1328, %add3A_1331, %add3A_1334, %add3A_1337, %add3A_1340, %add3A_1343, %add3A_1346, %add3A_1349, %add3A_1352, %add3A_1355, %add3A_1358, %add3A_1372, %add3A_1373, %add3A_1374, %add3A_1375, %add3A_1376, %add3A_1379, %add3A_1382, %add3A_1385, %add3A_1388, %add3A_1391, %add3A_1394, %add3A_1397, %add3A_1400, %add3A_1403, %add3A_1406 : vector<16xf32>, vector<16xf32>, vector<16xf32>, vector<16xf32>, vector<16xf32>, vector<16xf32>, vector<16xf32>, vector<16xf32>, vector<16xf32>, vector<16xf32>, vector<16xf32>, vector<16xf32>, vector<16xf32>, vector<16xf32>, vector<16xf32>, vector<16xf32>, vector<16xf32>, vector<16xf32>, vector<16xf32>, vector<16xf32>, vector<16xf32>, vector<16xf32>, vector<16xf32>, vector<16xf32>, vector<16xf32>, vector<16xf32>, vector<16xf32>, vector<16xf32>, vector<16xf32>, vector<16xf32>
        }
        %scan3A_454 = arith.constant 32 : i32
        %add3A_455 = arith.constant 2 : i32
        %add3A_456 = arith.addi %add3A_93, %add3A_455 : i32
        %lt3A_457 = arith.cmpi slt, %add3A_456, %select_n3A_10 : i32
        %convert_element_type3A_458 = arith.extui %lt3A_457 : i1 to i32
        %cond3A_459 = arith.constant 0 : i32
        %cond3A_460 = arith.cmpi ne, %convert_element_type3A_458, %cond3A_459 : i32
        scf.if %cond3A_460 {
          %add3A_1270 = arith.constant 2 : i32
          %add3A_1271 = arith.addi %add3A_93, %add3A_1270 : i32
          %add3A_1272 = arith.addi %sub3A_33, %add3A_1271 : i32
          %mul3A_1273 = arith.constant 32 : i32
          %mul3A_1274 = arith.muli %add3A_1272, %mul3A_1273 : i32
          %dma_start3A_1275 = arith.constant 1 : i32
          %dma_start3A_1276 = arith.constant 0 : i32
          %dma_start3A_1277 = arith.constant 0 : i32
          %dma_start3A_1278 = tpu.memref_slice %arg8[%dma_start3A_1275, %dma_start3A_1276, %dma_start3A_1277] : memref<2x32x128xf32, #tpu.memory_space<vmem>> -> memref<1x32x128xf32, #tpu.memory_space<vmem>>
          %dma_start3A_1279 = tpu.memref_squeeze %dma_start3A_1278 : memref<1x32x128xf32, #tpu.memory_space<vmem>> -> memref<32x128xf32, #tpu.memory_space<vmem>>
          %dma_start3A_1280 = tpu.memref_slice %arg7[%mul3A_1274] : memref<10240xi32, #tpu.memory_space<vmem>> -> memref<32xi32, #tpu.memory_space<vmem>>
          %dma_start3A_1281 = arith.constant 0 : i32
          %dma_start3A_1282 = arith.constant 0 : i32
          %dma_start3A_1283 = tpu.memref_slice %arg3[%dma_start3A_1281, %dma_start3A_1282] : memref<10000x128xf32, #tpu.memory_space<hbm>> -> memref<10000x128xf32, #tpu.memory_space<hbm>>
          tpu.enqueue_indirect_dma source(%dma_start3A_1283 : memref<10000x128xf32, #tpu.memory_space<hbm>>) target(%dma_start3A_1279 : memref<32x128xf32, #tpu.memory_space<vmem>>) offsets(%dma_start3A_1280 : memref<32xi32, #tpu.memory_space<vmem>>) semaphore(%arg12 : memref<!tpu.dma_semaphore, #tpu.memory_space<semaphore_mem>>)
        } else {
        }
        %add3A_461 = arith.constant 9.99999974E-5 : f32
        %add3A_462 = vector.broadcast %add3A_461 : f32 to vector<16xf32>
        %add3A_463 = arith.addf %scan3A_291#0, %add3A_462 : vector<16xf32>
        %div3A_464 = arith.constant 1.000000e+00 : f32
        %div3A_465 = vector.broadcast %div3A_464 : f32 to vector<16xf32>
        %div3A_466 = arith.divf %div3A_465, %add3A_463 : vector<16xf32>
        %mul3A_467 = arith.mulf %scan3A_291#1, %div3A_466 : vector<16xf32>
        %mul3A_468 = arith.mulf %scan3A_291#2, %div3A_466 : vector<16xf32>
        %mul3A_469 = arith.mulf %scan3A_291#3, %div3A_466 : vector<16xf32>
        %mul3A_470 = arith.mulf %scan3A_291#4, %div3A_466 : vector<16xf32>
        %add3A_471 = arith.constant 0 : i32
        %add3A_472 = vector.broadcast %add3A_471 : i32 to vector<16xi32>
        %add3A_473 = arith.addi %iota3A, %add3A_472 : vector<16xi32>
        %mul3A_474 = arith.constant 10 : i32
        %mul3A_475 = vector.broadcast %mul3A_474 : i32 to vector<16xi32>
        %mul3A_476 = arith.muli %add3A_473, %mul3A_475 : vector<16xi32>
        %add3A_477 = arith.constant 1792 : i32
        %add3A_478 = vector.broadcast %add3A_477 : i32 to vector<16xi32>
        %add3A_479 = arith.addi %add3A_478, %mul3A_476 : vector<16xi32>
        %mul3A_480 = arith.mulf %scan3A_291#5, %div3A_466 : vector<16xf32>
        %mul3A_481 = arith.mulf %mul3A_467, %mul3A_467 : vector<16xf32>
        %sub3A_482 = arith.subf %mul3A_480, %mul3A_481 : vector<16xf32>
        %add3A_483 = arith.constant 0 : i32
        %add3A_484 = vector.broadcast %add3A_483 : i32 to vector<16xi32>
        %add3A_485 = arith.addi %add3A_479, %add3A_484 : vector<16xi32>
        tpu.vector_store_idx %arg10[%add3A_485], %sub3A_482 : memref<3584xf32, #tpu.memory_space<vmem>>[vector<16xi32>], vector<16xf32>,
        %mul3A_486 = arith.mulf %scan3A_291#6, %div3A_466 : vector<16xf32>
        %mul3A_487 = arith.mulf %mul3A_468, %mul3A_467 : vector<16xf32>
        %sub3A_488 = arith.subf %mul3A_486, %mul3A_487 : vector<16xf32>
        %add3A_489 = arith.constant 1 : i32
        %add3A_490 = vector.broadcast %add3A_489 : i32 to vector<16xi32>
        %add3A_491 = arith.addi %add3A_479, %add3A_490 : vector<16xi32>
        tpu.vector_store_idx %arg10[%add3A_491], %sub3A_488 : memref<3584xf32, #tpu.memory_space<vmem>>[vector<16xi32>], vector<16xf32>,
        %mul3A_492 = arith.mulf %scan3A_291#7, %div3A_466 : vector<16xf32>
        %mul3A_493 = arith.mulf %mul3A_468, %mul3A_468 : vector<16xf32>
        %sub3A_494 = arith.subf %mul3A_492, %mul3A_493 : vector<16xf32>
        %add3A_495 = arith.constant 2 : i32
        %add3A_496 = vector.broadcast %add3A_495 : i32 to vector<16xi32>
        %add3A_497 = arith.addi %add3A_479, %add3A_496 : vector<16xi32>
        tpu.vector_store_idx %arg10[%add3A_497], %sub3A_494 : memref<3584xf32, #tpu.memory_space<vmem>>[vector<16xi32>], vector<16xf32>,
        %mul3A_498 = arith.mulf %scan3A_291#8, %div3A_466 : vector<16xf32>
        %mul3A_499 = arith.mulf %mul3A_469, %mul3A_467 : vector<16xf32>
        %sub3A_500 = arith.subf %mul3A_498, %mul3A_499 : vector<16xf32>
        %add3A_501 = arith.constant 3 : i32
        %add3A_502 = vector.broadcast %add3A_501 : i32 to vector<16xi32>
        %add3A_503 = arith.addi %add3A_479, %add3A_502 : vector<16xi32>
        tpu.vector_store_idx %arg10[%add3A_503], %sub3A_500 : memref<3584xf32, #tpu.memory_space<vmem>>[vector<16xi32>], vector<16xf32>,
        %mul3A_504 = arith.mulf %scan3A_291#9, %div3A_466 : vector<16xf32>
        %mul3A_505 = arith.mulf %mul3A_469, %mul3A_468 : vector<16xf32>
        %sub3A_506 = arith.subf %mul3A_504, %mul3A_505 : vector<16xf32>
        %add3A_507 = arith.constant 4 : i32
        %add3A_508 = vector.broadcast %add3A_507 : i32 to vector<16xi32>
        %add3A_509 = arith.addi %add3A_479, %add3A_508 : vector<16xi32>
        tpu.vector_store_idx %arg10[%add3A_509], %sub3A_506 : memref<3584xf32, #tpu.memory_space<vmem>>[vector<16xi32>], vector<16xf32>,
        %mul3A_510 = arith.mulf %scan3A_291#10, %div3A_466 : vector<16xf32>
        %mul3A_511 = arith.mulf %mul3A_469, %mul3A_469 : vector<16xf32>
        %sub3A_512 = arith.subf %mul3A_510, %mul3A_511 : vector<16xf32>
        %add3A_513 = arith.constant 5 : i32
        %add3A_514 = vector.broadcast %add3A_513 : i32 to vector<16xi32>
        %add3A_515 = arith.addi %add3A_479, %add3A_514 : vector<16xi32>
        tpu.vector_store_idx %arg10[%add3A_515], %sub3A_512 : memref<3584xf32, #tpu.memory_space<vmem>>[vector<16xi32>], vector<16xf32>,
        %mul3A_516 = arith.mulf %scan3A_291#11, %div3A_466 : vector<16xf32>
        %mul3A_517 = arith.mulf %mul3A_470, %mul3A_467 : vector<16xf32>
        %sub3A_518 = arith.subf %mul3A_516, %mul3A_517 : vector<16xf32>
        %add3A_519 = arith.constant 6 : i32
        %add3A_520 = vector.broadcast %add3A_519 : i32 to vector<16xi32>
        %add3A_521 = arith.addi %add3A_479, %add3A_520 : vector<16xi32>
        tpu.vector_store_idx %arg10[%add3A_521], %sub3A_518 : memref<3584xf32, #tpu.memory_space<vmem>>[vector<16xi32>], vector<16xf32>,
        %mul3A_522 = arith.mulf %scan3A_291#12, %div3A_466 : vector<16xf32>
        %mul3A_523 = arith.mulf %mul3A_470, %mul3A_468 : vector<16xf32>
        %sub3A_524 = arith.subf %mul3A_522, %mul3A_523 : vector<16xf32>
        %add3A_525 = arith.constant 7 : i32
        %add3A_526 = vector.broadcast %add3A_525 : i32 to vector<16xi32>
        %add3A_527 = arith.addi %add3A_479, %add3A_526 : vector<16xi32>
        tpu.vector_store_idx %arg10[%add3A_527], %sub3A_524 : memref<3584xf32, #tpu.memory_space<vmem>>[vector<16xi32>], vector<16xf32>,
        %mul3A_528 = arith.mulf %scan3A_291#13, %div3A_466 : vector<16xf32>
        %mul3A_529 = arith.mulf %mul3A_470, %mul3A_469 : vector<16xf32>
        %sub3A_530 = arith.subf %mul3A_528, %mul3A_529 : vector<16xf32>
        %add3A_531 = arith.constant 8 : i32
        %add3A_532 = vector.broadcast %add3A_531 : i32 to vector<16xi32>
        %add3A_533 = arith.addi %add3A_479, %add3A_532 : vector<16xi32>
        tpu.vector_store_idx %arg10[%add3A_533], %sub3A_530 : memref<3584xf32, #tpu.memory_space<vmem>>[vector<16xi32>], vector<16xf32>,
        %mul3A_534 = arith.mulf %scan3A_291#14, %div3A_466 : vector<16xf32>
        %mul3A_535 = arith.mulf %mul3A_470, %mul3A_470 : vector<16xf32>
        %sub3A_536 = arith.subf %mul3A_534, %mul3A_535 : vector<16xf32>
        %add3A_537 = arith.constant 9 : i32
        %add3A_538 = vector.broadcast %add3A_537 : i32 to vector<16xi32>
        %add3A_539 = arith.addi %add3A_479, %add3A_538 : vector<16xi32>
        tpu.vector_store_idx %arg10[%add3A_539], %sub3A_536 : memref<3584xf32, #tpu.memory_space<vmem>>[vector<16xi32>], vector<16xf32>,
        %add3A_540 = arith.constant 0 : i32
        %add3A_541 = vector.broadcast %add3A_540 : i32 to vector<16xi32>
        %add3A_542 = arith.addi %iota3A, %add3A_541 : vector<16xi32>
        %mul3A_543 = arith.constant 4 : i32
        %mul3A_544 = vector.broadcast %mul3A_543 : i32 to vector<16xi32>
        %mul3A_545 = arith.muli %add3A_542, %mul3A_544 : vector<16xi32>
        %add3A_546 = arith.constant 3072 : i32
        %add3A_547 = vector.broadcast %add3A_546 : i32 to vector<16xi32>
        %add3A_548 = arith.addi %add3A_547, %mul3A_545 : vector<16xi32>
        %add3A_549 = arith.constant 0 : i32
        %add3A_550 = vector.broadcast %add3A_549 : i32 to vector<16xi32>
        %add3A_551 = arith.addi %add3A_548, %add3A_550 : vector<16xi32>
        tpu.vector_store_idx %arg10[%add3A_551], %mul3A_467 : memref<3584xf32, #tpu.memory_space<vmem>>[vector<16xi32>], vector<16xf32>,
        %add3A_552 = arith.constant 1 : i32
        %add3A_553 = vector.broadcast %add3A_552 : i32 to vector<16xi32>
        %add3A_554 = arith.addi %add3A_548, %add3A_553 : vector<16xi32>
        tpu.vector_store_idx %arg10[%add3A_554], %mul3A_468 : memref<3584xf32, #tpu.memory_space<vmem>>[vector<16xi32>], vector<16xf32>,
        %add3A_555 = arith.constant 2 : i32
        %add3A_556 = vector.broadcast %add3A_555 : i32 to vector<16xi32>
        %add3A_557 = arith.addi %add3A_548, %add3A_556 : vector<16xi32>
        tpu.vector_store_idx %arg10[%add3A_557], %mul3A_469 : memref<3584xf32, #tpu.memory_space<vmem>>[vector<16xi32>], vector<16xf32>,
        %add3A_558 = arith.constant 3 : i32
        %add3A_559 = vector.broadcast %add3A_558 : i32 to vector<16xi32>
        %add3A_560 = arith.addi %add3A_548, %add3A_559 : vector<16xi32>
        tpu.vector_store_idx %arg10[%add3A_560], %mul3A_470 : memref<3584xf32, #tpu.memory_space<vmem>>[vector<16xi32>], vector<16xf32>,
        %add3A_561 = arith.constant 9.99999974E-5 : f32
        %add3A_562 = vector.broadcast %add3A_561 : f32 to vector<16xf32>
        %add3A_563 = arith.addf %scan3A_291#15, %add3A_562 : vector<16xf32>
        %div3A_564 = arith.constant 1.000000e+00 : f32
        %div3A_565 = vector.broadcast %div3A_564 : f32 to vector<16xf32>
        %div3A_566 = arith.divf %div3A_565, %add3A_563 : vector<16xf32>
        %mul3A_567 = arith.mulf %scan3A_291#16, %div3A_566 : vector<16xf32>
        %mul3A_568 = arith.mulf %scan3A_291#17, %div3A_566 : vector<16xf32>
        %mul3A_569 = arith.mulf %scan3A_291#18, %div3A_566 : vector<16xf32>
        %mul3A_570 = arith.mulf %scan3A_291#19, %div3A_566 : vector<16xf32>
        %add3A_571 = arith.constant 16 : i32
        %add3A_572 = vector.broadcast %add3A_571 : i32 to vector<16xi32>
        %add3A_573 = arith.addi %iota3A, %add3A_572 : vector<16xi32>
        %mul3A_574 = arith.constant 10 : i32
        %mul3A_575 = vector.broadcast %mul3A_574 : i32 to vector<16xi32>
        %mul3A_576 = arith.muli %add3A_573, %mul3A_575 : vector<16xi32>
        %add3A_577 = arith.constant 1792 : i32
        %add3A_578 = vector.broadcast %add3A_577 : i32 to vector<16xi32>
        %add3A_579 = arith.addi %add3A_578, %mul3A_576 : vector<16xi32>
        %mul3A_580 = arith.mulf %scan3A_291#20, %div3A_566 : vector<16xf32>
        %mul3A_581 = arith.mulf %mul3A_567, %mul3A_567 : vector<16xf32>
        %sub3A_582 = arith.subf %mul3A_580, %mul3A_581 : vector<16xf32>
        %add3A_583 = arith.constant 0 : i32
        %add3A_584 = vector.broadcast %add3A_583 : i32 to vector<16xi32>
        %add3A_585 = arith.addi %add3A_579, %add3A_584 : vector<16xi32>
        tpu.vector_store_idx %arg10[%add3A_585], %sub3A_582 : memref<3584xf32, #tpu.memory_space<vmem>>[vector<16xi32>], vector<16xf32>,
        %mul3A_586 = arith.mulf %scan3A_291#21, %div3A_566 : vector<16xf32>
        %mul3A_587 = arith.mulf %mul3A_568, %mul3A_567 : vector<16xf32>
        %sub3A_588 = arith.subf %mul3A_586, %mul3A_587 : vector<16xf32>
        %add3A_589 = arith.constant 1 : i32
        %add3A_590 = vector.broadcast %add3A_589 : i32 to vector<16xi32>
        %add3A_591 = arith.addi %add3A_579, %add3A_590 : vector<16xi32>
        tpu.vector_store_idx %arg10[%add3A_591], %sub3A_588 : memref<3584xf32, #tpu.memory_space<vmem>>[vector<16xi32>], vector<16xf32>,
        %mul3A_592 = arith.mulf %scan3A_291#22, %div3A_566 : vector<16xf32>
        %mul3A_593 = arith.mulf %mul3A_568, %mul3A_568 : vector<16xf32>
        %sub3A_594 = arith.subf %mul3A_592, %mul3A_593 : vector<16xf32>
        %add3A_595 = arith.constant 2 : i32
        %add3A_596 = vector.broadcast %add3A_595 : i32 to vector<16xi32>
        %add3A_597 = arith.addi %add3A_579, %add3A_596 : vector<16xi32>
        tpu.vector_store_idx %arg10[%add3A_597], %sub3A_594 : memref<3584xf32, #tpu.memory_space<vmem>>[vector<16xi32>], vector<16xf32>,
        %mul3A_598 = arith.mulf %scan3A_291#23, %div3A_566 : vector<16xf32>
        %mul3A_599 = arith.mulf %mul3A_569, %mul3A_567 : vector<16xf32>
        %sub3A_600 = arith.subf %mul3A_598, %mul3A_599 : vector<16xf32>
        %add3A_601 = arith.constant 3 : i32
        %add3A_602 = vector.broadcast %add3A_601 : i32 to vector<16xi32>
        %add3A_603 = arith.addi %add3A_579, %add3A_602 : vector<16xi32>
        tpu.vector_store_idx %arg10[%add3A_603], %sub3A_600 : memref<3584xf32, #tpu.memory_space<vmem>>[vector<16xi32>], vector<16xf32>,
        %mul3A_604 = arith.mulf %scan3A_291#24, %div3A_566 : vector<16xf32>
        %mul3A_605 = arith.mulf %mul3A_569, %mul3A_568 : vector<16xf32>
        %sub3A_606 = arith.subf %mul3A_604, %mul3A_605 : vector<16xf32>
        %add3A_607 = arith.constant 4 : i32
        %add3A_608 = vector.broadcast %add3A_607 : i32 to vector<16xi32>
        %add3A_609 = arith.addi %add3A_579, %add3A_608 : vector<16xi32>
        tpu.vector_store_idx %arg10[%add3A_609], %sub3A_606 : memref<3584xf32, #tpu.memory_space<vmem>>[vector<16xi32>], vector<16xf32>,
        %mul3A_610 = arith.mulf %scan3A_291#25, %div3A_566 : vector<16xf32>
        %mul3A_611 = arith.mulf %mul3A_569, %mul3A_569 : vector<16xf32>
        %sub3A_612 = arith.subf %mul3A_610, %mul3A_611 : vector<16xf32>
        %add3A_613 = arith.constant 5 : i32
        %add3A_614 = vector.broadcast %add3A_613 : i32 to vector<16xi32>
        %add3A_615 = arith.addi %add3A_579, %add3A_614 : vector<16xi32>
        tpu.vector_store_idx %arg10[%add3A_615], %sub3A_612 : memref<3584xf32, #tpu.memory_space<vmem>>[vector<16xi32>], vector<16xf32>,
        %mul3A_616 = arith.mulf %scan3A_291#26, %div3A_566 : vector<16xf32>
        %mul3A_617 = arith.mulf %mul3A_570, %mul3A_567 : vector<16xf32>
        %sub3A_618 = arith.subf %mul3A_616, %mul3A_617 : vector<16xf32>
        %add3A_619 = arith.constant 6 : i32
        %add3A_620 = vector.broadcast %add3A_619 : i32 to vector<16xi32>
        %add3A_621 = arith.addi %add3A_579, %add3A_620 : vector<16xi32>
        tpu.vector_store_idx %arg10[%add3A_621], %sub3A_618 : memref<3584xf32, #tpu.memory_space<vmem>>[vector<16xi32>], vector<16xf32>,
        %mul3A_622 = arith.mulf %scan3A_291#27, %div3A_566 : vector<16xf32>
        %mul3A_623 = arith.mulf %mul3A_570, %mul3A_568 : vector<16xf32>
        %sub3A_624 = arith.subf %mul3A_622, %mul3A_623 : vector<16xf32>
        %add3A_625 = arith.constant 7 : i32
        %add3A_626 = vector.broadcast %add3A_625 : i32 to vector<16xi32>
        %add3A_627 = arith.addi %add3A_579, %add3A_626 : vector<16xi32>
        tpu.vector_store_idx %arg10[%add3A_627], %sub3A_624 : memref<3584xf32, #tpu.memory_space<vmem>>[vector<16xi32>], vector<16xf32>,
        %mul3A_628 = arith.mulf %scan3A_291#28, %div3A_566 : vector<16xf32>
        %mul3A_629 = arith.mulf %mul3A_570, %mul3A_569 : vector<16xf32>
        %sub3A_630 = arith.subf %mul3A_628, %mul3A_629 : vector<16xf32>
        %add3A_631 = arith.constant 8 : i32
        %add3A_632 = vector.broadcast %add3A_631 : i32 to vector<16xi32>
        %add3A_633 = arith.addi %add3A_579, %add3A_632 : vector<16xi32>
        tpu.vector_store_idx %arg10[%add3A_633], %sub3A_630 : memref<3584xf32, #tpu.memory_space<vmem>>[vector<16xi32>], vector<16xf32>,
        %mul3A_634 = arith.mulf %scan3A_291#29, %div3A_566 : vector<16xf32>
        %mul3A_635 = arith.mulf %mul3A_570, %mul3A_570 : vector<16xf32>
        %sub3A_636 = arith.subf %mul3A_634, %mul3A_635 : vector<16xf32>
        %add3A_637 = arith.constant 9 : i32
        %add3A_638 = vector.broadcast %add3A_637 : i32 to vector<16xi32>
        %add3A_639 = arith.addi %add3A_579, %add3A_638 : vector<16xi32>
        tpu.vector_store_idx %arg10[%add3A_639], %sub3A_636 : memref<3584xf32, #tpu.memory_space<vmem>>[vector<16xi32>], vector<16xf32>,
        %add3A_640 = arith.constant 16 : i32
        %add3A_641 = vector.broadcast %add3A_640 : i32 to vector<16xi32>
        %add3A_642 = arith.addi %iota3A, %add3A_641 : vector<16xi32>
        %mul3A_643 = arith.constant 4 : i32
        %mul3A_644 = vector.broadcast %mul3A_643 : i32 to vector<16xi32>
        %mul3A_645 = arith.muli %add3A_642, %mul3A_644 : vector<16xi32>
        %add3A_646 = arith.constant 3072 : i32
        %add3A_647 = vector.broadcast %add3A_646 : i32 to vector<16xi32>
        %add3A_648 = arith.addi %add3A_647, %mul3A_645 : vector<16xi32>
        %add3A_649 = arith.constant 0 : i32
        %add3A_650 = vector.broadcast %add3A_649 : i32 to vector<16xi32>
        %add3A_651 = arith.addi %add3A_648, %add3A_650 : vector<16xi32>
        tpu.vector_store_idx %arg10[%add3A_651], %mul3A_567 : memref<3584xf32, #tpu.memory_space<vmem>>[vector<16xi32>], vector<16xf32>,
        %add3A_652 = arith.constant 1 : i32
        %add3A_653 = vector.broadcast %add3A_652 : i32 to vector<16xi32>
        %add3A_654 = arith.addi %add3A_648, %add3A_653 : vector<16xi32>
        tpu.vector_store_idx %arg10[%add3A_654], %mul3A_568 : memref<3584xf32, #tpu.memory_space<vmem>>[vector<16xi32>], vector<16xf32>,
        %add3A_655 = arith.constant 2 : i32
        %add3A_656 = vector.broadcast %add3A_655 : i32 to vector<16xi32>
        %add3A_657 = arith.addi %add3A_648, %add3A_656 : vector<16xi32>
        tpu.vector_store_idx %arg10[%add3A_657], %mul3A_569 : memref<3584xf32, #tpu.memory_space<vmem>>[vector<16xi32>], vector<16xf32>,
        %add3A_658 = arith.constant 3 : i32
        %add3A_659 = vector.broadcast %add3A_658 : i32 to vector<16xi32>
        %add3A_660 = arith.addi %add3A_648, %add3A_659 : vector<16xi32>
        tpu.vector_store_idx %arg10[%add3A_660], %mul3A_570 : memref<3584xf32, #tpu.memory_space<vmem>>[vector<16xi32>], vector<16xf32>,
        %add3A_661 = arith.constant 9.99999974E-5 : f32
        %add3A_662 = vector.broadcast %add3A_661 : f32 to vector<16xf32>
        %add3A_663 = arith.addf %scan3A_291#30, %add3A_662 : vector<16xf32>
        %div3A_664 = arith.constant 1.000000e+00 : f32
        %div3A_665 = vector.broadcast %div3A_664 : f32 to vector<16xf32>
        %div3A_666 = arith.divf %div3A_665, %add3A_663 : vector<16xf32>
        %mul3A_667 = arith.mulf %scan3A_291#31, %div3A_666 : vector<16xf32>
        %mul3A_668 = arith.mulf %scan3A_291#32, %div3A_666 : vector<16xf32>
        %mul3A_669 = arith.mulf %scan3A_291#33, %div3A_666 : vector<16xf32>
        %mul3A_670 = arith.mulf %scan3A_291#34, %div3A_666 : vector<16xf32>
        %add3A_671 = arith.constant 32 : i32
        %add3A_672 = vector.broadcast %add3A_671 : i32 to vector<16xi32>
        %add3A_673 = arith.addi %iota3A, %add3A_672 : vector<16xi32>
        %mul3A_674 = arith.constant 10 : i32
        %mul3A_675 = vector.broadcast %mul3A_674 : i32 to vector<16xi32>
        %mul3A_676 = arith.muli %add3A_673, %mul3A_675 : vector<16xi32>
        %add3A_677 = arith.constant 1792 : i32
        %add3A_678 = vector.broadcast %add3A_677 : i32 to vector<16xi32>
        %add3A_679 = arith.addi %add3A_678, %mul3A_676 : vector<16xi32>
        %mul3A_680 = arith.mulf %scan3A_291#35, %div3A_666 : vector<16xf32>
        %mul3A_681 = arith.mulf %mul3A_667, %mul3A_667 : vector<16xf32>
        %sub3A_682 = arith.subf %mul3A_680, %mul3A_681 : vector<16xf32>
        %add3A_683 = arith.constant 0 : i32
        %add3A_684 = vector.broadcast %add3A_683 : i32 to vector<16xi32>
        %add3A_685 = arith.addi %add3A_679, %add3A_684 : vector<16xi32>
        tpu.vector_store_idx %arg10[%add3A_685], %sub3A_682 : memref<3584xf32, #tpu.memory_space<vmem>>[vector<16xi32>], vector<16xf32>,
        %mul3A_686 = arith.mulf %scan3A_291#36, %div3A_666 : vector<16xf32>
        %mul3A_687 = arith.mulf %mul3A_668, %mul3A_667 : vector<16xf32>
        %sub3A_688 = arith.subf %mul3A_686, %mul3A_687 : vector<16xf32>
        %add3A_689 = arith.constant 1 : i32
        %add3A_690 = vector.broadcast %add3A_689 : i32 to vector<16xi32>
        %add3A_691 = arith.addi %add3A_679, %add3A_690 : vector<16xi32>
        tpu.vector_store_idx %arg10[%add3A_691], %sub3A_688 : memref<3584xf32, #tpu.memory_space<vmem>>[vector<16xi32>], vector<16xf32>,
        %mul3A_692 = arith.mulf %scan3A_291#37, %div3A_666 : vector<16xf32>
        %mul3A_693 = arith.mulf %mul3A_668, %mul3A_668 : vector<16xf32>
        %sub3A_694 = arith.subf %mul3A_692, %mul3A_693 : vector<16xf32>
        %add3A_695 = arith.constant 2 : i32
        %add3A_696 = vector.broadcast %add3A_695 : i32 to vector<16xi32>
        %add3A_697 = arith.addi %add3A_679, %add3A_696 : vector<16xi32>
        tpu.vector_store_idx %arg10[%add3A_697], %sub3A_694 : memref<3584xf32, #tpu.memory_space<vmem>>[vector<16xi32>], vector<16xf32>,
        %mul3A_698 = arith.mulf %scan3A_291#38, %div3A_666 : vector<16xf32>
        %mul3A_699 = arith.mulf %mul3A_669, %mul3A_667 : vector<16xf32>
        %sub3A_700 = arith.subf %mul3A_698, %mul3A_699 : vector<16xf32>
        %add3A_701 = arith.constant 3 : i32
        %add3A_702 = vector.broadcast %add3A_701 : i32 to vector<16xi32>
        %add3A_703 = arith.addi %add3A_679, %add3A_702 : vector<16xi32>
        tpu.vector_store_idx %arg10[%add3A_703], %sub3A_700 : memref<3584xf32, #tpu.memory_space<vmem>>[vector<16xi32>], vector<16xf32>,
        %mul3A_704 = arith.mulf %scan3A_291#39, %div3A_666 : vector<16xf32>
        %mul3A_705 = arith.mulf %mul3A_669, %mul3A_668 : vector<16xf32>
        %sub3A_706 = arith.subf %mul3A_704, %mul3A_705 : vector<16xf32>
        %add3A_707 = arith.constant 4 : i32
        %add3A_708 = vector.broadcast %add3A_707 : i32 to vector<16xi32>
        %add3A_709 = arith.addi %add3A_679, %add3A_708 : vector<16xi32>
        tpu.vector_store_idx %arg10[%add3A_709], %sub3A_706 : memref<3584xf32, #tpu.memory_space<vmem>>[vector<16xi32>], vector<16xf32>,
        %mul3A_710 = arith.mulf %scan3A_291#40, %div3A_666 : vector<16xf32>
        %mul3A_711 = arith.mulf %mul3A_669, %mul3A_669 : vector<16xf32>
        %sub3A_712 = arith.subf %mul3A_710, %mul3A_711 : vector<16xf32>
        %add3A_713 = arith.constant 5 : i32
        %add3A_714 = vector.broadcast %add3A_713 : i32 to vector<16xi32>
        %add3A_715 = arith.addi %add3A_679, %add3A_714 : vector<16xi32>
        tpu.vector_store_idx %arg10[%add3A_715], %sub3A_712 : memref<3584xf32, #tpu.memory_space<vmem>>[vector<16xi32>], vector<16xf32>,
        %mul3A_716 = arith.mulf %scan3A_291#41, %div3A_666 : vector<16xf32>
        %mul3A_717 = arith.mulf %mul3A_670, %mul3A_667 : vector<16xf32>
        %sub3A_718 = arith.subf %mul3A_716, %mul3A_717 : vector<16xf32>
        %add3A_719 = arith.constant 6 : i32
        %add3A_720 = vector.broadcast %add3A_719 : i32 to vector<16xi32>
        %add3A_721 = arith.addi %add3A_679, %add3A_720 : vector<16xi32>
        tpu.vector_store_idx %arg10[%add3A_721], %sub3A_718 : memref<3584xf32, #tpu.memory_space<vmem>>[vector<16xi32>], vector<16xf32>,
        %mul3A_722 = arith.mulf %scan3A_291#42, %div3A_666 : vector<16xf32>
        %mul3A_723 = arith.mulf %mul3A_670, %mul3A_668 : vector<16xf32>
        %sub3A_724 = arith.subf %mul3A_722, %mul3A_723 : vector<16xf32>
        %add3A_725 = arith.constant 7 : i32
        %add3A_726 = vector.broadcast %add3A_725 : i32 to vector<16xi32>
        %add3A_727 = arith.addi %add3A_679, %add3A_726 : vector<16xi32>
        tpu.vector_store_idx %arg10[%add3A_727], %sub3A_724 : memref<3584xf32, #tpu.memory_space<vmem>>[vector<16xi32>], vector<16xf32>,
        %mul3A_728 = arith.mulf %scan3A_291#43, %div3A_666 : vector<16xf32>
        %mul3A_729 = arith.mulf %mul3A_670, %mul3A_669 : vector<16xf32>
        %sub3A_730 = arith.subf %mul3A_728, %mul3A_729 : vector<16xf32>
        %add3A_731 = arith.constant 8 : i32
        %add3A_732 = vector.broadcast %add3A_731 : i32 to vector<16xi32>
        %add3A_733 = arith.addi %add3A_679, %add3A_732 : vector<16xi32>
        tpu.vector_store_idx %arg10[%add3A_733], %sub3A_730 : memref<3584xf32, #tpu.memory_space<vmem>>[vector<16xi32>], vector<16xf32>,
        %mul3A_734 = arith.mulf %scan3A_291#44, %div3A_666 : vector<16xf32>
        %mul3A_735 = arith.mulf %mul3A_670, %mul3A_670 : vector<16xf32>
        %sub3A_736 = arith.subf %mul3A_734, %mul3A_735 : vector<16xf32>
        %add3A_737 = arith.constant 9 : i32
        %add3A_738 = vector.broadcast %add3A_737 : i32 to vector<16xi32>
        %add3A_739 = arith.addi %add3A_679, %add3A_738 : vector<16xi32>
        tpu.vector_store_idx %arg10[%add3A_739], %sub3A_736 : memref<3584xf32, #tpu.memory_space<vmem>>[vector<16xi32>], vector<16xf32>,
        %add3A_740 = arith.constant 32 : i32
        %add3A_741 = vector.broadcast %add3A_740 : i32 to vector<16xi32>
        %add3A_742 = arith.addi %iota3A, %add3A_741 : vector<16xi32>
        %mul3A_743 = arith.constant 4 : i32
        %mul3A_744 = vector.broadcast %mul3A_743 : i32 to vector<16xi32>
        %mul3A_745 = arith.muli %add3A_742, %mul3A_744 : vector<16xi32>
        %add3A_746 = arith.constant 3072 : i32
        %add3A_747 = vector.broadcast %add3A_746 : i32 to vector<16xi32>
        %add3A_748 = arith.addi %add3A_747, %mul3A_745 : vector<16xi32>
        %add3A_749 = arith.constant 0 : i32
        %add3A_750 = vector.broadcast %add3A_749 : i32 to vector<16xi32>
        %add3A_751 = arith.addi %add3A_748, %add3A_750 : vector<16xi32>
        tpu.vector_store_idx %arg10[%add3A_751], %mul3A_667 : memref<3584xf32, #tpu.memory_space<vmem>>[vector<16xi32>], vector<16xf32>,
        %add3A_752 = arith.constant 1 : i32
        %add3A_753 = vector.broadcast %add3A_752 : i32 to vector<16xi32>
        %add3A_754 = arith.addi %add3A_748, %add3A_753 : vector<16xi32>
        tpu.vector_store_idx %arg10[%add3A_754], %mul3A_668 : memref<3584xf32, #tpu.memory_space<vmem>>[vector<16xi32>], vector<16xf32>,
        %add3A_755 = arith.constant 2 : i32
        %add3A_756 = vector.broadcast %add3A_755 : i32 to vector<16xi32>
        %add3A_757 = arith.addi %add3A_748, %add3A_756 : vector<16xi32>
        tpu.vector_store_idx %arg10[%add3A_757], %mul3A_669 : memref<3584xf32, #tpu.memory_space<vmem>>[vector<16xi32>], vector<16xf32>,
        %add3A_758 = arith.constant 3 : i32
        %add3A_759 = vector.broadcast %add3A_758 : i32 to vector<16xi32>
        %add3A_760 = arith.addi %add3A_748, %add3A_759 : vector<16xi32>
        tpu.vector_store_idx %arg10[%add3A_760], %mul3A_670 : memref<3584xf32, #tpu.memory_space<vmem>>[vector<16xi32>], vector<16xf32>,
        %add3A_761 = arith.constant 9.99999974E-5 : f32
        %add3A_762 = vector.broadcast %add3A_761 : f32 to vector<16xf32>
        %add3A_763 = arith.addf %scan3A_387#0, %add3A_762 : vector<16xf32>
        %div3A_764 = arith.constant 1.000000e+00 : f32
        %div3A_765 = vector.broadcast %div3A_764 : f32 to vector<16xf32>
        %div3A_766 = arith.divf %div3A_765, %add3A_763 : vector<16xf32>
        %mul3A_767 = arith.mulf %scan3A_387#1, %div3A_766 : vector<16xf32>
        %mul3A_768 = arith.mulf %scan3A_387#2, %div3A_766 : vector<16xf32>
        %mul3A_769 = arith.mulf %scan3A_387#3, %div3A_766 : vector<16xf32>
        %mul3A_770 = arith.mulf %scan3A_387#4, %div3A_766 : vector<16xf32>
        %add3A_771 = arith.constant 48 : i32
        %add3A_772 = vector.broadcast %add3A_771 : i32 to vector<16xi32>
        %add3A_773 = arith.addi %iota3A, %add3A_772 : vector<16xi32>
        %mul3A_774 = arith.constant 10 : i32
        %mul3A_775 = vector.broadcast %mul3A_774 : i32 to vector<16xi32>
        %mul3A_776 = arith.muli %add3A_773, %mul3A_775 : vector<16xi32>
        %add3A_777 = arith.constant 1792 : i32
        %add3A_778 = vector.broadcast %add3A_777 : i32 to vector<16xi32>
        %add3A_779 = arith.addi %add3A_778, %mul3A_776 : vector<16xi32>
        %mul3A_780 = arith.mulf %scan3A_387#5, %div3A_766 : vector<16xf32>
        %mul3A_781 = arith.mulf %mul3A_767, %mul3A_767 : vector<16xf32>
        %sub3A_782 = arith.subf %mul3A_780, %mul3A_781 : vector<16xf32>
        %add3A_783 = arith.constant 0 : i32
        %add3A_784 = vector.broadcast %add3A_783 : i32 to vector<16xi32>
        %add3A_785 = arith.addi %add3A_779, %add3A_784 : vector<16xi32>
        tpu.vector_store_idx %arg10[%add3A_785], %sub3A_782 : memref<3584xf32, #tpu.memory_space<vmem>>[vector<16xi32>], vector<16xf32>,
        %mul3A_786 = arith.mulf %scan3A_387#6, %div3A_766 : vector<16xf32>
        %mul3A_787 = arith.mulf %mul3A_768, %mul3A_767 : vector<16xf32>
        %sub3A_788 = arith.subf %mul3A_786, %mul3A_787 : vector<16xf32>
        %add3A_789 = arith.constant 1 : i32
        %add3A_790 = vector.broadcast %add3A_789 : i32 to vector<16xi32>
        %add3A_791 = arith.addi %add3A_779, %add3A_790 : vector<16xi32>
        tpu.vector_store_idx %arg10[%add3A_791], %sub3A_788 : memref<3584xf32, #tpu.memory_space<vmem>>[vector<16xi32>], vector<16xf32>,
        %mul3A_792 = arith.mulf %scan3A_387#7, %div3A_766 : vector<16xf32>
        %mul3A_793 = arith.mulf %mul3A_768, %mul3A_768 : vector<16xf32>
        %sub3A_794 = arith.subf %mul3A_792, %mul3A_793 : vector<16xf32>
        %add3A_795 = arith.constant 2 : i32
        %add3A_796 = vector.broadcast %add3A_795 : i32 to vector<16xi32>
        %add3A_797 = arith.addi %add3A_779, %add3A_796 : vector<16xi32>
        tpu.vector_store_idx %arg10[%add3A_797], %sub3A_794 : memref<3584xf32, #tpu.memory_space<vmem>>[vector<16xi32>], vector<16xf32>,
        %mul3A_798 = arith.mulf %scan3A_387#8, %div3A_766 : vector<16xf32>
        %mul3A_799 = arith.mulf %mul3A_769, %mul3A_767 : vector<16xf32>
        %sub3A_800 = arith.subf %mul3A_798, %mul3A_799 : vector<16xf32>
        %add3A_801 = arith.constant 3 : i32
        %add3A_802 = vector.broadcast %add3A_801 : i32 to vector<16xi32>
        %add3A_803 = arith.addi %add3A_779, %add3A_802 : vector<16xi32>
        tpu.vector_store_idx %arg10[%add3A_803], %sub3A_800 : memref<3584xf32, #tpu.memory_space<vmem>>[vector<16xi32>], vector<16xf32>,
        %mul3A_804 = arith.mulf %scan3A_387#9, %div3A_766 : vector<16xf32>
        %mul3A_805 = arith.mulf %mul3A_769, %mul3A_768 : vector<16xf32>
        %sub3A_806 = arith.subf %mul3A_804, %mul3A_805 : vector<16xf32>
        %add3A_807 = arith.constant 4 : i32
        %add3A_808 = vector.broadcast %add3A_807 : i32 to vector<16xi32>
        %add3A_809 = arith.addi %add3A_779, %add3A_808 : vector<16xi32>
        tpu.vector_store_idx %arg10[%add3A_809], %sub3A_806 : memref<3584xf32, #tpu.memory_space<vmem>>[vector<16xi32>], vector<16xf32>,
        %mul3A_810 = arith.mulf %scan3A_387#10, %div3A_766 : vector<16xf32>
        %mul3A_811 = arith.mulf %mul3A_769, %mul3A_769 : vector<16xf32>
        %sub3A_812 = arith.subf %mul3A_810, %mul3A_811 : vector<16xf32>
        %add3A_813 = arith.constant 5 : i32
        %add3A_814 = vector.broadcast %add3A_813 : i32 to vector<16xi32>
        %add3A_815 = arith.addi %add3A_779, %add3A_814 : vector<16xi32>
        tpu.vector_store_idx %arg10[%add3A_815], %sub3A_812 : memref<3584xf32, #tpu.memory_space<vmem>>[vector<16xi32>], vector<16xf32>,
        %mul3A_816 = arith.mulf %scan3A_387#11, %div3A_766 : vector<16xf32>
        %mul3A_817 = arith.mulf %mul3A_770, %mul3A_767 : vector<16xf32>
        %sub3A_818 = arith.subf %mul3A_816, %mul3A_817 : vector<16xf32>
        %add3A_819 = arith.constant 6 : i32
        %add3A_820 = vector.broadcast %add3A_819 : i32 to vector<16xi32>
        %add3A_821 = arith.addi %add3A_779, %add3A_820 : vector<16xi32>
        tpu.vector_store_idx %arg10[%add3A_821], %sub3A_818 : memref<3584xf32, #tpu.memory_space<vmem>>[vector<16xi32>], vector<16xf32>,
        %mul3A_822 = arith.mulf %scan3A_387#12, %div3A_766 : vector<16xf32>
        %mul3A_823 = arith.mulf %mul3A_770, %mul3A_768 : vector<16xf32>
        %sub3A_824 = arith.subf %mul3A_822, %mul3A_823 : vector<16xf32>
        %add3A_825 = arith.constant 7 : i32
        %add3A_826 = vector.broadcast %add3A_825 : i32 to vector<16xi32>
        %add3A_827 = arith.addi %add3A_779, %add3A_826 : vector<16xi32>
        tpu.vector_store_idx %arg10[%add3A_827], %sub3A_824 : memref<3584xf32, #tpu.memory_space<vmem>>[vector<16xi32>], vector<16xf32>,
        %mul3A_828 = arith.mulf %scan3A_387#13, %div3A_766 : vector<16xf32>
        %mul3A_829 = arith.mulf %mul3A_770, %mul3A_769 : vector<16xf32>
        %sub3A_830 = arith.subf %mul3A_828, %mul3A_829 : vector<16xf32>
        %add3A_831 = arith.constant 8 : i32
        %add3A_832 = vector.broadcast %add3A_831 : i32 to vector<16xi32>
        %add3A_833 = arith.addi %add3A_779, %add3A_832 : vector<16xi32>
        tpu.vector_store_idx %arg10[%add3A_833], %sub3A_830 : memref<3584xf32, #tpu.memory_space<vmem>>[vector<16xi32>], vector<16xf32>,
        %mul3A_834 = arith.mulf %scan3A_387#14, %div3A_766 : vector<16xf32>
        %mul3A_835 = arith.mulf %mul3A_770, %mul3A_770 : vector<16xf32>
        %sub3A_836 = arith.subf %mul3A_834, %mul3A_835 : vector<16xf32>
        %add3A_837 = arith.constant 9 : i32
        %add3A_838 = vector.broadcast %add3A_837 : i32 to vector<16xi32>
        %add3A_839 = arith.addi %add3A_779, %add3A_838 : vector<16xi32>
        tpu.vector_store_idx %arg10[%add3A_839], %sub3A_836 : memref<3584xf32, #tpu.memory_space<vmem>>[vector<16xi32>], vector<16xf32>,
        %add3A_840 = arith.constant 48 : i32
        %add3A_841 = vector.broadcast %add3A_840 : i32 to vector<16xi32>
        %add3A_842 = arith.addi %iota3A, %add3A_841 : vector<16xi32>
        %mul3A_843 = arith.constant 4 : i32
        %mul3A_844 = vector.broadcast %mul3A_843 : i32 to vector<16xi32>
        %mul3A_845 = arith.muli %add3A_842, %mul3A_844 : vector<16xi32>
        %add3A_846 = arith.constant 3072 : i32
        %add3A_847 = vector.broadcast %add3A_846 : i32 to vector<16xi32>
        %add3A_848 = arith.addi %add3A_847, %mul3A_845 : vector<16xi32>
        %add3A_849 = arith.constant 0 : i32
        %add3A_850 = vector.broadcast %add3A_849 : i32 to vector<16xi32>
        %add3A_851 = arith.addi %add3A_848, %add3A_850 : vector<16xi32>
        tpu.vector_store_idx %arg10[%add3A_851], %mul3A_767 : memref<3584xf32, #tpu.memory_space<vmem>>[vector<16xi32>], vector<16xf32>,
        %add3A_852 = arith.constant 1 : i32
        %add3A_853 = vector.broadcast %add3A_852 : i32 to vector<16xi32>
        %add3A_854 = arith.addi %add3A_848, %add3A_853 : vector<16xi32>
        tpu.vector_store_idx %arg10[%add3A_854], %mul3A_768 : memref<3584xf32, #tpu.memory_space<vmem>>[vector<16xi32>], vector<16xf32>,
        %add3A_855 = arith.constant 2 : i32
        %add3A_856 = vector.broadcast %add3A_855 : i32 to vector<16xi32>
        %add3A_857 = arith.addi %add3A_848, %add3A_856 : vector<16xi32>
        tpu.vector_store_idx %arg10[%add3A_857], %mul3A_769 : memref<3584xf32, #tpu.memory_space<vmem>>[vector<16xi32>], vector<16xf32>,
        %add3A_858 = arith.constant 3 : i32
        %add3A_859 = vector.broadcast %add3A_858 : i32 to vector<16xi32>
        %add3A_860 = arith.addi %add3A_848, %add3A_859 : vector<16xi32>
        tpu.vector_store_idx %arg10[%add3A_860], %mul3A_770 : memref<3584xf32, #tpu.memory_space<vmem>>[vector<16xi32>], vector<16xf32>,
        %add3A_861 = arith.constant 9.99999974E-5 : f32
        %add3A_862 = vector.broadcast %add3A_861 : f32 to vector<16xf32>
        %add3A_863 = arith.addf %scan3A_387#15, %add3A_862 : vector<16xf32>
        %div3A_864 = arith.constant 1.000000e+00 : f32
        %div3A_865 = vector.broadcast %div3A_864 : f32 to vector<16xf32>
        %div3A_866 = arith.divf %div3A_865, %add3A_863 : vector<16xf32>
        %mul3A_867 = arith.mulf %scan3A_387#16, %div3A_866 : vector<16xf32>
        %mul3A_868 = arith.mulf %scan3A_387#17, %div3A_866 : vector<16xf32>
        %mul3A_869 = arith.mulf %scan3A_387#18, %div3A_866 : vector<16xf32>
        %mul3A_870 = arith.mulf %scan3A_387#19, %div3A_866 : vector<16xf32>
        %add3A_871 = arith.constant 64 : i32
        %add3A_872 = vector.broadcast %add3A_871 : i32 to vector<16xi32>
        %add3A_873 = arith.addi %iota3A, %add3A_872 : vector<16xi32>
        %mul3A_874 = arith.constant 10 : i32
        %mul3A_875 = vector.broadcast %mul3A_874 : i32 to vector<16xi32>
        %mul3A_876 = arith.muli %add3A_873, %mul3A_875 : vector<16xi32>
        %add3A_877 = arith.constant 1792 : i32
        %add3A_878 = vector.broadcast %add3A_877 : i32 to vector<16xi32>
        %add3A_879 = arith.addi %add3A_878, %mul3A_876 : vector<16xi32>
        %mul3A_880 = arith.mulf %scan3A_387#20, %div3A_866 : vector<16xf32>
        %mul3A_881 = arith.mulf %mul3A_867, %mul3A_867 : vector<16xf32>
        %sub3A_882 = arith.subf %mul3A_880, %mul3A_881 : vector<16xf32>
        %add3A_883 = arith.constant 0 : i32
        %add3A_884 = vector.broadcast %add3A_883 : i32 to vector<16xi32>
        %add3A_885 = arith.addi %add3A_879, %add3A_884 : vector<16xi32>
        tpu.vector_store_idx %arg10[%add3A_885], %sub3A_882 : memref<3584xf32, #tpu.memory_space<vmem>>[vector<16xi32>], vector<16xf32>,
        %mul3A_886 = arith.mulf %scan3A_387#21, %div3A_866 : vector<16xf32>
        %mul3A_887 = arith.mulf %mul3A_868, %mul3A_867 : vector<16xf32>
        %sub3A_888 = arith.subf %mul3A_886, %mul3A_887 : vector<16xf32>
        %add3A_889 = arith.constant 1 : i32
        %add3A_890 = vector.broadcast %add3A_889 : i32 to vector<16xi32>
        %add3A_891 = arith.addi %add3A_879, %add3A_890 : vector<16xi32>
        tpu.vector_store_idx %arg10[%add3A_891], %sub3A_888 : memref<3584xf32, #tpu.memory_space<vmem>>[vector<16xi32>], vector<16xf32>,
        %mul3A_892 = arith.mulf %scan3A_387#22, %div3A_866 : vector<16xf32>
        %mul3A_893 = arith.mulf %mul3A_868, %mul3A_868 : vector<16xf32>
        %sub3A_894 = arith.subf %mul3A_892, %mul3A_893 : vector<16xf32>
        %add3A_895 = arith.constant 2 : i32
        %add3A_896 = vector.broadcast %add3A_895 : i32 to vector<16xi32>
        %add3A_897 = arith.addi %add3A_879, %add3A_896 : vector<16xi32>
        tpu.vector_store_idx %arg10[%add3A_897], %sub3A_894 : memref<3584xf32, #tpu.memory_space<vmem>>[vector<16xi32>], vector<16xf32>,
        %mul3A_898 = arith.mulf %scan3A_387#23, %div3A_866 : vector<16xf32>
        %mul3A_899 = arith.mulf %mul3A_869, %mul3A_867 : vector<16xf32>
        %sub3A_900 = arith.subf %mul3A_898, %mul3A_899 : vector<16xf32>
        %add3A_901 = arith.constant 3 : i32
        %add3A_902 = vector.broadcast %add3A_901 : i32 to vector<16xi32>
        %add3A_903 = arith.addi %add3A_879, %add3A_902 : vector<16xi32>
        tpu.vector_store_idx %arg10[%add3A_903], %sub3A_900 : memref<3584xf32, #tpu.memory_space<vmem>>[vector<16xi32>], vector<16xf32>,
        %mul3A_904 = arith.mulf %scan3A_387#24, %div3A_866 : vector<16xf32>
        %mul3A_905 = arith.mulf %mul3A_869, %mul3A_868 : vector<16xf32>
        %sub3A_906 = arith.subf %mul3A_904, %mul3A_905 : vector<16xf32>
        %add3A_907 = arith.constant 4 : i32
        %add3A_908 = vector.broadcast %add3A_907 : i32 to vector<16xi32>
        %add3A_909 = arith.addi %add3A_879, %add3A_908 : vector<16xi32>
        tpu.vector_store_idx %arg10[%add3A_909], %sub3A_906 : memref<3584xf32, #tpu.memory_space<vmem>>[vector<16xi32>], vector<16xf32>,
        %mul3A_910 = arith.mulf %scan3A_387#25, %div3A_866 : vector<16xf32>
        %mul3A_911 = arith.mulf %mul3A_869, %mul3A_869 : vector<16xf32>
        %sub3A_912 = arith.subf %mul3A_910, %mul3A_911 : vector<16xf32>
        %add3A_913 = arith.constant 5 : i32
        %add3A_914 = vector.broadcast %add3A_913 : i32 to vector<16xi32>
        %add3A_915 = arith.addi %add3A_879, %add3A_914 : vector<16xi32>
        tpu.vector_store_idx %arg10[%add3A_915], %sub3A_912 : memref<3584xf32, #tpu.memory_space<vmem>>[vector<16xi32>], vector<16xf32>,
        %mul3A_916 = arith.mulf %scan3A_387#26, %div3A_866 : vector<16xf32>
        %mul3A_917 = arith.mulf %mul3A_870, %mul3A_867 : vector<16xf32>
        %sub3A_918 = arith.subf %mul3A_916, %mul3A_917 : vector<16xf32>
        %add3A_919 = arith.constant 6 : i32
        %add3A_920 = vector.broadcast %add3A_919 : i32 to vector<16xi32>
        %add3A_921 = arith.addi %add3A_879, %add3A_920 : vector<16xi32>
        tpu.vector_store_idx %arg10[%add3A_921], %sub3A_918 : memref<3584xf32, #tpu.memory_space<vmem>>[vector<16xi32>], vector<16xf32>,
        %mul3A_922 = arith.mulf %scan3A_387#27, %div3A_866 : vector<16xf32>
        %mul3A_923 = arith.mulf %mul3A_870, %mul3A_868 : vector<16xf32>
        %sub3A_924 = arith.subf %mul3A_922, %mul3A_923 : vector<16xf32>
        %add3A_925 = arith.constant 7 : i32
        %add3A_926 = vector.broadcast %add3A_925 : i32 to vector<16xi32>
        %add3A_927 = arith.addi %add3A_879, %add3A_926 : vector<16xi32>
        tpu.vector_store_idx %arg10[%add3A_927], %sub3A_924 : memref<3584xf32, #tpu.memory_space<vmem>>[vector<16xi32>], vector<16xf32>,
        %mul3A_928 = arith.mulf %scan3A_387#28, %div3A_866 : vector<16xf32>
        %mul3A_929 = arith.mulf %mul3A_870, %mul3A_869 : vector<16xf32>
        %sub3A_930 = arith.subf %mul3A_928, %mul3A_929 : vector<16xf32>
        %add3A_931 = arith.constant 8 : i32
        %add3A_932 = vector.broadcast %add3A_931 : i32 to vector<16xi32>
        %add3A_933 = arith.addi %add3A_879, %add3A_932 : vector<16xi32>
        tpu.vector_store_idx %arg10[%add3A_933], %sub3A_930 : memref<3584xf32, #tpu.memory_space<vmem>>[vector<16xi32>], vector<16xf32>,
        %mul3A_934 = arith.mulf %scan3A_387#29, %div3A_866 : vector<16xf32>
        %mul3A_935 = arith.mulf %mul3A_870, %mul3A_870 : vector<16xf32>
        %sub3A_936 = arith.subf %mul3A_934, %mul3A_935 : vector<16xf32>
        %add3A_937 = arith.constant 9 : i32
        %add3A_938 = vector.broadcast %add3A_937 : i32 to vector<16xi32>
        %add3A_939 = arith.addi %add3A_879, %add3A_938 : vector<16xi32>
        tpu.vector_store_idx %arg10[%add3A_939], %sub3A_936 : memref<3584xf32, #tpu.memory_space<vmem>>[vector<16xi32>], vector<16xf32>,
        %add3A_940 = arith.constant 64 : i32
        %add3A_941 = vector.broadcast %add3A_940 : i32 to vector<16xi32>
        %add3A_942 = arith.addi %iota3A, %add3A_941 : vector<16xi32>
        %mul3A_943 = arith.constant 4 : i32
        %mul3A_944 = vector.broadcast %mul3A_943 : i32 to vector<16xi32>
        %mul3A_945 = arith.muli %add3A_942, %mul3A_944 : vector<16xi32>
        %add3A_946 = arith.constant 3072 : i32
        %add3A_947 = vector.broadcast %add3A_946 : i32 to vector<16xi32>
        %add3A_948 = arith.addi %add3A_947, %mul3A_945 : vector<16xi32>
        %add3A_949 = arith.constant 0 : i32
        %add3A_950 = vector.broadcast %add3A_949 : i32 to vector<16xi32>
        %add3A_951 = arith.addi %add3A_948, %add3A_950 : vector<16xi32>
        tpu.vector_store_idx %arg10[%add3A_951], %mul3A_867 : memref<3584xf32, #tpu.memory_space<vmem>>[vector<16xi32>], vector<16xf32>,
        %add3A_952 = arith.constant 1 : i32
        %add3A_953 = vector.broadcast %add3A_952 : i32 to vector<16xi32>
        %add3A_954 = arith.addi %add3A_948, %add3A_953 : vector<16xi32>
        tpu.vector_store_idx %arg10[%add3A_954], %mul3A_868 : memref<3584xf32, #tpu.memory_space<vmem>>[vector<16xi32>], vector<16xf32>,
        %add3A_955 = arith.constant 2 : i32
        %add3A_956 = vector.broadcast %add3A_955 : i32 to vector<16xi32>
        %add3A_957 = arith.addi %add3A_948, %add3A_956 : vector<16xi32>
        tpu.vector_store_idx %arg10[%add3A_957], %mul3A_869 : memref<3584xf32, #tpu.memory_space<vmem>>[vector<16xi32>], vector<16xf32>,
        %add3A_958 = arith.constant 3 : i32
        %add3A_959 = vector.broadcast %add3A_958 : i32 to vector<16xi32>
        %add3A_960 = arith.addi %add3A_948, %add3A_959 : vector<16xi32>
        tpu.vector_store_idx %arg10[%add3A_960], %mul3A_870 : memref<3584xf32, #tpu.memory_space<vmem>>[vector<16xi32>], vector<16xf32>,
        %add3A_961 = arith.constant 9.99999974E-5 : f32
        %add3A_962 = vector.broadcast %add3A_961 : f32 to vector<16xf32>
        %add3A_963 = arith.addf %scan3A_387#30, %add3A_962 : vector<16xf32>
        %div3A_964 = arith.constant 1.000000e+00 : f32
        %div3A_965 = vector.broadcast %div3A_964 : f32 to vector<16xf32>
        %div3A_966 = arith.divf %div3A_965, %add3A_963 : vector<16xf32>
        %mul3A_967 = arith.mulf %scan3A_387#31, %div3A_966 : vector<16xf32>
        %mul3A_968 = arith.mulf %scan3A_387#32, %div3A_966 : vector<16xf32>
        %mul3A_969 = arith.mulf %scan3A_387#33, %div3A_966 : vector<16xf32>
        %mul3A_970 = arith.mulf %scan3A_387#34, %div3A_966 : vector<16xf32>
        %add3A_971 = arith.constant 80 : i32
        %add3A_972 = vector.broadcast %add3A_971 : i32 to vector<16xi32>
        %add3A_973 = arith.addi %iota3A, %add3A_972 : vector<16xi32>
        %mul3A_974 = arith.constant 10 : i32
        %mul3A_975 = vector.broadcast %mul3A_974 : i32 to vector<16xi32>
        %mul3A_976 = arith.muli %add3A_973, %mul3A_975 : vector<16xi32>
        %add3A_977 = arith.constant 1792 : i32
        %add3A_978 = vector.broadcast %add3A_977 : i32 to vector<16xi32>
        %add3A_979 = arith.addi %add3A_978, %mul3A_976 : vector<16xi32>
        %mul3A_980 = arith.mulf %scan3A_387#35, %div3A_966 : vector<16xf32>
        %mul3A_981 = arith.mulf %mul3A_967, %mul3A_967 : vector<16xf32>
        %sub3A_982 = arith.subf %mul3A_980, %mul3A_981 : vector<16xf32>
        %add3A_983 = arith.constant 0 : i32
        %add3A_984 = vector.broadcast %add3A_983 : i32 to vector<16xi32>
        %add3A_985 = arith.addi %add3A_979, %add3A_984 : vector<16xi32>
        tpu.vector_store_idx %arg10[%add3A_985], %sub3A_982 : memref<3584xf32, #tpu.memory_space<vmem>>[vector<16xi32>], vector<16xf32>,
        %mul3A_986 = arith.mulf %scan3A_387#36, %div3A_966 : vector<16xf32>
        %mul3A_987 = arith.mulf %mul3A_968, %mul3A_967 : vector<16xf32>
        %sub3A_988 = arith.subf %mul3A_986, %mul3A_987 : vector<16xf32>
        %add3A_989 = arith.constant 1 : i32
        %add3A_990 = vector.broadcast %add3A_989 : i32 to vector<16xi32>
        %add3A_991 = arith.addi %add3A_979, %add3A_990 : vector<16xi32>
        tpu.vector_store_idx %arg10[%add3A_991], %sub3A_988 : memref<3584xf32, #tpu.memory_space<vmem>>[vector<16xi32>], vector<16xf32>,
        %mul3A_992 = arith.mulf %scan3A_387#37, %div3A_966 : vector<16xf32>
        %mul3A_993 = arith.mulf %mul3A_968, %mul3A_968 : vector<16xf32>
        %sub3A_994 = arith.subf %mul3A_992, %mul3A_993 : vector<16xf32>
        %add3A_995 = arith.constant 2 : i32
        %add3A_996 = vector.broadcast %add3A_995 : i32 to vector<16xi32>
        %add3A_997 = arith.addi %add3A_979, %add3A_996 : vector<16xi32>
        tpu.vector_store_idx %arg10[%add3A_997], %sub3A_994 : memref<3584xf32, #tpu.memory_space<vmem>>[vector<16xi32>], vector<16xf32>,
        %mul3A_998 = arith.mulf %scan3A_387#38, %div3A_966 : vector<16xf32>
        %mul3A_999 = arith.mulf %mul3A_969, %mul3A_967 : vector<16xf32>
        %sub3A_1000 = arith.subf %mul3A_998, %mul3A_999 : vector<16xf32>
        %add3A_1001 = arith.constant 3 : i32
        %add3A_1002 = vector.broadcast %add3A_1001 : i32 to vector<16xi32>
        %add3A_1003 = arith.addi %add3A_979, %add3A_1002 : vector<16xi32>
        tpu.vector_store_idx %arg10[%add3A_1003], %sub3A_1000 : memref<3584xf32, #tpu.memory_space<vmem>>[vector<16xi32>], vector<16xf32>,
        %mul3A_1004 = arith.mulf %scan3A_387#39, %div3A_966 : vector<16xf32>
        %mul3A_1005 = arith.mulf %mul3A_969, %mul3A_968 : vector<16xf32>
        %sub3A_1006 = arith.subf %mul3A_1004, %mul3A_1005 : vector<16xf32>
        %add3A_1007 = arith.constant 4 : i32
        %add3A_1008 = vector.broadcast %add3A_1007 : i32 to vector<16xi32>
        %add3A_1009 = arith.addi %add3A_979, %add3A_1008 : vector<16xi32>
        tpu.vector_store_idx %arg10[%add3A_1009], %sub3A_1006 : memref<3584xf32, #tpu.memory_space<vmem>>[vector<16xi32>], vector<16xf32>,
        %mul3A_1010 = arith.mulf %scan3A_387#40, %div3A_966 : vector<16xf32>
        %mul3A_1011 = arith.mulf %mul3A_969, %mul3A_969 : vector<16xf32>
        %sub3A_1012 = arith.subf %mul3A_1010, %mul3A_1011 : vector<16xf32>
        %add3A_1013 = arith.constant 5 : i32
        %add3A_1014 = vector.broadcast %add3A_1013 : i32 to vector<16xi32>
        %add3A_1015 = arith.addi %add3A_979, %add3A_1014 : vector<16xi32>
        tpu.vector_store_idx %arg10[%add3A_1015], %sub3A_1012 : memref<3584xf32, #tpu.memory_space<vmem>>[vector<16xi32>], vector<16xf32>,
        %mul3A_1016 = arith.mulf %scan3A_387#41, %div3A_966 : vector<16xf32>
        %mul3A_1017 = arith.mulf %mul3A_970, %mul3A_967 : vector<16xf32>
        %sub3A_1018 = arith.subf %mul3A_1016, %mul3A_1017 : vector<16xf32>
        %add3A_1019 = arith.constant 6 : i32
        %add3A_1020 = vector.broadcast %add3A_1019 : i32 to vector<16xi32>
        %add3A_1021 = arith.addi %add3A_979, %add3A_1020 : vector<16xi32>
        tpu.vector_store_idx %arg10[%add3A_1021], %sub3A_1018 : memref<3584xf32, #tpu.memory_space<vmem>>[vector<16xi32>], vector<16xf32>,
        %mul3A_1022 = arith.mulf %scan3A_387#42, %div3A_966 : vector<16xf32>
        %mul3A_1023 = arith.mulf %mul3A_970, %mul3A_968 : vector<16xf32>
        %sub3A_1024 = arith.subf %mul3A_1022, %mul3A_1023 : vector<16xf32>
        %add3A_1025 = arith.constant 7 : i32
        %add3A_1026 = vector.broadcast %add3A_1025 : i32 to vector<16xi32>
        %add3A_1027 = arith.addi %add3A_979, %add3A_1026 : vector<16xi32>
        tpu.vector_store_idx %arg10[%add3A_1027], %sub3A_1024 : memref<3584xf32, #tpu.memory_space<vmem>>[vector<16xi32>], vector<16xf32>,
        %mul3A_1028 = arith.mulf %scan3A_387#43, %div3A_966 : vector<16xf32>
        %mul3A_1029 = arith.mulf %mul3A_970, %mul3A_969 : vector<16xf32>
        %sub3A_1030 = arith.subf %mul3A_1028, %mul3A_1029 : vector<16xf32>
        %add3A_1031 = arith.constant 8 : i32
        %add3A_1032 = vector.broadcast %add3A_1031 : i32 to vector<16xi32>
        %add3A_1033 = arith.addi %add3A_979, %add3A_1032 : vector<16xi32>
        tpu.vector_store_idx %arg10[%add3A_1033], %sub3A_1030 : memref<3584xf32, #tpu.memory_space<vmem>>[vector<16xi32>], vector<16xf32>,
        %mul3A_1034 = arith.mulf %scan3A_387#44, %div3A_966 : vector<16xf32>
        %mul3A_1035 = arith.mulf %mul3A_970, %mul3A_970 : vector<16xf32>
        %sub3A_1036 = arith.subf %mul3A_1034, %mul3A_1035 : vector<16xf32>
        %add3A_1037 = arith.constant 9 : i32
        %add3A_1038 = vector.broadcast %add3A_1037 : i32 to vector<16xi32>
        %add3A_1039 = arith.addi %add3A_979, %add3A_1038 : vector<16xi32>
        tpu.vector_store_idx %arg10[%add3A_1039], %sub3A_1036 : memref<3584xf32, #tpu.memory_space<vmem>>[vector<16xi32>], vector<16xf32>,
        %add3A_1040 = arith.constant 80 : i32
        %add3A_1041 = vector.broadcast %add3A_1040 : i32 to vector<16xi32>
        %add3A_1042 = arith.addi %iota3A, %add3A_1041 : vector<16xi32>
        %mul3A_1043 = arith.constant 4 : i32
        %mul3A_1044 = vector.broadcast %mul3A_1043 : i32 to vector<16xi32>
        %mul3A_1045 = arith.muli %add3A_1042, %mul3A_1044 : vector<16xi32>
        %add3A_1046 = arith.constant 3072 : i32
        %add3A_1047 = vector.broadcast %add3A_1046 : i32 to vector<16xi32>
        %add3A_1048 = arith.addi %add3A_1047, %mul3A_1045 : vector<16xi32>
        %add3A_1049 = arith.constant 0 : i32
        %add3A_1050 = vector.broadcast %add3A_1049 : i32 to vector<16xi32>
        %add3A_1051 = arith.addi %add3A_1048, %add3A_1050 : vector<16xi32>
        tpu.vector_store_idx %arg10[%add3A_1051], %mul3A_967 : memref<3584xf32, #tpu.memory_space<vmem>>[vector<16xi32>], vector<16xf32>,
        %add3A_1052 = arith.constant 1 : i32
        %add3A_1053 = vector.broadcast %add3A_1052 : i32 to vector<16xi32>
        %add3A_1054 = arith.addi %add3A_1048, %add3A_1053 : vector<16xi32>
        tpu.vector_store_idx %arg10[%add3A_1054], %mul3A_968 : memref<3584xf32, #tpu.memory_space<vmem>>[vector<16xi32>], vector<16xf32>,
        %add3A_1055 = arith.constant 2 : i32
        %add3A_1056 = vector.broadcast %add3A_1055 : i32 to vector<16xi32>
        %add3A_1057 = arith.addi %add3A_1048, %add3A_1056 : vector<16xi32>
        tpu.vector_store_idx %arg10[%add3A_1057], %mul3A_969 : memref<3584xf32, #tpu.memory_space<vmem>>[vector<16xi32>], vector<16xf32>,
        %add3A_1058 = arith.constant 3 : i32
        %add3A_1059 = vector.broadcast %add3A_1058 : i32 to vector<16xi32>
        %add3A_1060 = arith.addi %add3A_1048, %add3A_1059 : vector<16xi32>
        tpu.vector_store_idx %arg10[%add3A_1060], %mul3A_970 : memref<3584xf32, #tpu.memory_space<vmem>>[vector<16xi32>], vector<16xf32>,
        %add3A_1061 = arith.constant 9.99999974E-5 : f32
        %add3A_1062 = vector.broadcast %add3A_1061 : f32 to vector<16xf32>
        %add3A_1063 = arith.addf %scan3A_453#0, %add3A_1062 : vector<16xf32>
        %div3A_1064 = arith.constant 1.000000e+00 : f32
        %div3A_1065 = vector.broadcast %div3A_1064 : f32 to vector<16xf32>
        %div3A_1066 = arith.divf %div3A_1065, %add3A_1063 : vector<16xf32>
        %mul3A_1067 = arith.mulf %scan3A_453#1, %div3A_1066 : vector<16xf32>
        %mul3A_1068 = arith.mulf %scan3A_453#2, %div3A_1066 : vector<16xf32>
        %mul3A_1069 = arith.mulf %scan3A_453#3, %div3A_1066 : vector<16xf32>
        %mul3A_1070 = arith.mulf %scan3A_453#4, %div3A_1066 : vector<16xf32>
        %add3A_1071 = arith.constant 96 : i32
        %add3A_1072 = vector.broadcast %add3A_1071 : i32 to vector<16xi32>
        %add3A_1073 = arith.addi %iota3A, %add3A_1072 : vector<16xi32>
        %mul3A_1074 = arith.constant 10 : i32
        %mul3A_1075 = vector.broadcast %mul3A_1074 : i32 to vector<16xi32>
        %mul3A_1076 = arith.muli %add3A_1073, %mul3A_1075 : vector<16xi32>
        %add3A_1077 = arith.constant 1792 : i32
        %add3A_1078 = vector.broadcast %add3A_1077 : i32 to vector<16xi32>
        %add3A_1079 = arith.addi %add3A_1078, %mul3A_1076 : vector<16xi32>
        %mul3A_1080 = arith.mulf %scan3A_453#5, %div3A_1066 : vector<16xf32>
        %mul3A_1081 = arith.mulf %mul3A_1067, %mul3A_1067 : vector<16xf32>
        %sub3A_1082 = arith.subf %mul3A_1080, %mul3A_1081 : vector<16xf32>
        %add3A_1083 = arith.constant 0 : i32
        %add3A_1084 = vector.broadcast %add3A_1083 : i32 to vector<16xi32>
        %add3A_1085 = arith.addi %add3A_1079, %add3A_1084 : vector<16xi32>
        tpu.vector_store_idx %arg10[%add3A_1085], %sub3A_1082 : memref<3584xf32, #tpu.memory_space<vmem>>[vector<16xi32>], vector<16xf32>,
        %mul3A_1086 = arith.mulf %scan3A_453#6, %div3A_1066 : vector<16xf32>
        %mul3A_1087 = arith.mulf %mul3A_1068, %mul3A_1067 : vector<16xf32>
        %sub3A_1088 = arith.subf %mul3A_1086, %mul3A_1087 : vector<16xf32>
        %add3A_1089 = arith.constant 1 : i32
        %add3A_1090 = vector.broadcast %add3A_1089 : i32 to vector<16xi32>
        %add3A_1091 = arith.addi %add3A_1079, %add3A_1090 : vector<16xi32>
        tpu.vector_store_idx %arg10[%add3A_1091], %sub3A_1088 : memref<3584xf32, #tpu.memory_space<vmem>>[vector<16xi32>], vector<16xf32>,
        %mul3A_1092 = arith.mulf %scan3A_453#7, %div3A_1066 : vector<16xf32>
        %mul3A_1093 = arith.mulf %mul3A_1068, %mul3A_1068 : vector<16xf32>
        %sub3A_1094 = arith.subf %mul3A_1092, %mul3A_1093 : vector<16xf32>
        %add3A_1095 = arith.constant 2 : i32
        %add3A_1096 = vector.broadcast %add3A_1095 : i32 to vector<16xi32>
        %add3A_1097 = arith.addi %add3A_1079, %add3A_1096 : vector<16xi32>
        tpu.vector_store_idx %arg10[%add3A_1097], %sub3A_1094 : memref<3584xf32, #tpu.memory_space<vmem>>[vector<16xi32>], vector<16xf32>,
        %mul3A_1098 = arith.mulf %scan3A_453#8, %div3A_1066 : vector<16xf32>
        %mul3A_1099 = arith.mulf %mul3A_1069, %mul3A_1067 : vector<16xf32>
        %sub3A_1100 = arith.subf %mul3A_1098, %mul3A_1099 : vector<16xf32>
        %add3A_1101 = arith.constant 3 : i32
        %add3A_1102 = vector.broadcast %add3A_1101 : i32 to vector<16xi32>
        %add3A_1103 = arith.addi %add3A_1079, %add3A_1102 : vector<16xi32>
        tpu.vector_store_idx %arg10[%add3A_1103], %sub3A_1100 : memref<3584xf32, #tpu.memory_space<vmem>>[vector<16xi32>], vector<16xf32>,
        %mul3A_1104 = arith.mulf %scan3A_453#9, %div3A_1066 : vector<16xf32>
        %mul3A_1105 = arith.mulf %mul3A_1069, %mul3A_1068 : vector<16xf32>
        %sub3A_1106 = arith.subf %mul3A_1104, %mul3A_1105 : vector<16xf32>
        %add3A_1107 = arith.constant 4 : i32
        %add3A_1108 = vector.broadcast %add3A_1107 : i32 to vector<16xi32>
        %add3A_1109 = arith.addi %add3A_1079, %add3A_1108 : vector<16xi32>
        tpu.vector_store_idx %arg10[%add3A_1109], %sub3A_1106 : memref<3584xf32, #tpu.memory_space<vmem>>[vector<16xi32>], vector<16xf32>,
        %mul3A_1110 = arith.mulf %scan3A_453#10, %div3A_1066 : vector<16xf32>
        %mul3A_1111 = arith.mulf %mul3A_1069, %mul3A_1069 : vector<16xf32>
        %sub3A_1112 = arith.subf %mul3A_1110, %mul3A_1111 : vector<16xf32>
        %add3A_1113 = arith.constant 5 : i32
        %add3A_1114 = vector.broadcast %add3A_1113 : i32 to vector<16xi32>
        %add3A_1115 = arith.addi %add3A_1079, %add3A_1114 : vector<16xi32>
        tpu.vector_store_idx %arg10[%add3A_1115], %sub3A_1112 : memref<3584xf32, #tpu.memory_space<vmem>>[vector<16xi32>], vector<16xf32>,
        %mul3A_1116 = arith.mulf %scan3A_453#11, %div3A_1066 : vector<16xf32>
        %mul3A_1117 = arith.mulf %mul3A_1070, %mul3A_1067 : vector<16xf32>
        %sub3A_1118 = arith.subf %mul3A_1116, %mul3A_1117 : vector<16xf32>
        %add3A_1119 = arith.constant 6 : i32
        %add3A_1120 = vector.broadcast %add3A_1119 : i32 to vector<16xi32>
        %add3A_1121 = arith.addi %add3A_1079, %add3A_1120 : vector<16xi32>
        tpu.vector_store_idx %arg10[%add3A_1121], %sub3A_1118 : memref<3584xf32, #tpu.memory_space<vmem>>[vector<16xi32>], vector<16xf32>,
        %mul3A_1122 = arith.mulf %scan3A_453#12, %div3A_1066 : vector<16xf32>
        %mul3A_1123 = arith.mulf %mul3A_1070, %mul3A_1068 : vector<16xf32>
        %sub3A_1124 = arith.subf %mul3A_1122, %mul3A_1123 : vector<16xf32>
        %add3A_1125 = arith.constant 7 : i32
        %add3A_1126 = vector.broadcast %add3A_1125 : i32 to vector<16xi32>
        %add3A_1127 = arith.addi %add3A_1079, %add3A_1126 : vector<16xi32>
        tpu.vector_store_idx %arg10[%add3A_1127], %sub3A_1124 : memref<3584xf32, #tpu.memory_space<vmem>>[vector<16xi32>], vector<16xf32>,
        %mul3A_1128 = arith.mulf %scan3A_453#13, %div3A_1066 : vector<16xf32>
        %mul3A_1129 = arith.mulf %mul3A_1070, %mul3A_1069 : vector<16xf32>
        %sub3A_1130 = arith.subf %mul3A_1128, %mul3A_1129 : vector<16xf32>
        %add3A_1131 = arith.constant 8 : i32
        %add3A_1132 = vector.broadcast %add3A_1131 : i32 to vector<16xi32>
        %add3A_1133 = arith.addi %add3A_1079, %add3A_1132 : vector<16xi32>
        tpu.vector_store_idx %arg10[%add3A_1133], %sub3A_1130 : memref<3584xf32, #tpu.memory_space<vmem>>[vector<16xi32>], vector<16xf32>,
        %mul3A_1134 = arith.mulf %scan3A_453#14, %div3A_1066 : vector<16xf32>
        %mul3A_1135 = arith.mulf %mul3A_1070, %mul3A_1070 : vector<16xf32>
        %sub3A_1136 = arith.subf %mul3A_1134, %mul3A_1135 : vector<16xf32>
        %add3A_1137 = arith.constant 9 : i32
        %add3A_1138 = vector.broadcast %add3A_1137 : i32 to vector<16xi32>
        %add3A_1139 = arith.addi %add3A_1079, %add3A_1138 : vector<16xi32>
        tpu.vector_store_idx %arg10[%add3A_1139], %sub3A_1136 : memref<3584xf32, #tpu.memory_space<vmem>>[vector<16xi32>], vector<16xf32>,
        %add3A_1140 = arith.constant 96 : i32
        %add3A_1141 = vector.broadcast %add3A_1140 : i32 to vector<16xi32>
        %add3A_1142 = arith.addi %iota3A, %add3A_1141 : vector<16xi32>
        %mul3A_1143 = arith.constant 4 : i32
        %mul3A_1144 = vector.broadcast %mul3A_1143 : i32 to vector<16xi32>
        %mul3A_1145 = arith.muli %add3A_1142, %mul3A_1144 : vector<16xi32>
        %add3A_1146 = arith.constant 3072 : i32
        %add3A_1147 = vector.broadcast %add3A_1146 : i32 to vector<16xi32>
        %add3A_1148 = arith.addi %add3A_1147, %mul3A_1145 : vector<16xi32>
        %add3A_1149 = arith.constant 0 : i32
        %add3A_1150 = vector.broadcast %add3A_1149 : i32 to vector<16xi32>
        %add3A_1151 = arith.addi %add3A_1148, %add3A_1150 : vector<16xi32>
        tpu.vector_store_idx %arg10[%add3A_1151], %mul3A_1067 : memref<3584xf32, #tpu.memory_space<vmem>>[vector<16xi32>], vector<16xf32>,
        %add3A_1152 = arith.constant 1 : i32
        %add3A_1153 = vector.broadcast %add3A_1152 : i32 to vector<16xi32>
        %add3A_1154 = arith.addi %add3A_1148, %add3A_1153 : vector<16xi32>
        tpu.vector_store_idx %arg10[%add3A_1154], %mul3A_1068 : memref<3584xf32, #tpu.memory_space<vmem>>[vector<16xi32>], vector<16xf32>,
        %add3A_1155 = arith.constant 2 : i32
        %add3A_1156 = vector.broadcast %add3A_1155 : i32 to vector<16xi32>
        %add3A_1157 = arith.addi %add3A_1148, %add3A_1156 : vector<16xi32>
        tpu.vector_store_idx %arg10[%add3A_1157], %mul3A_1069 : memref<3584xf32, #tpu.memory_space<vmem>>[vector<16xi32>], vector<16xf32>,
        %add3A_1158 = arith.constant 3 : i32
        %add3A_1159 = vector.broadcast %add3A_1158 : i32 to vector<16xi32>
        %add3A_1160 = arith.addi %add3A_1148, %add3A_1159 : vector<16xi32>
        tpu.vector_store_idx %arg10[%add3A_1160], %mul3A_1070 : memref<3584xf32, #tpu.memory_space<vmem>>[vector<16xi32>], vector<16xf32>,
        %add3A_1161 = arith.constant 9.99999974E-5 : f32
        %add3A_1162 = vector.broadcast %add3A_1161 : f32 to vector<16xf32>
        %add3A_1163 = arith.addf %scan3A_453#15, %add3A_1162 : vector<16xf32>
        %div3A_1164 = arith.constant 1.000000e+00 : f32
        %div3A_1165 = vector.broadcast %div3A_1164 : f32 to vector<16xf32>
        %div3A_1166 = arith.divf %div3A_1165, %add3A_1163 : vector<16xf32>
        %mul3A_1167 = arith.mulf %scan3A_453#16, %div3A_1166 : vector<16xf32>
        %mul3A_1168 = arith.mulf %scan3A_453#17, %div3A_1166 : vector<16xf32>
        %mul3A_1169 = arith.mulf %scan3A_453#18, %div3A_1166 : vector<16xf32>
        %mul3A_1170 = arith.mulf %scan3A_453#19, %div3A_1166 : vector<16xf32>
        %add3A_1171 = arith.constant 112 : i32
        %add3A_1172 = vector.broadcast %add3A_1171 : i32 to vector<16xi32>
        %add3A_1173 = arith.addi %iota3A, %add3A_1172 : vector<16xi32>
        %mul3A_1174 = arith.constant 10 : i32
        %mul3A_1175 = vector.broadcast %mul3A_1174 : i32 to vector<16xi32>
        %mul3A_1176 = arith.muli %add3A_1173, %mul3A_1175 : vector<16xi32>
        %add3A_1177 = arith.constant 1792 : i32
        %add3A_1178 = vector.broadcast %add3A_1177 : i32 to vector<16xi32>
        %add3A_1179 = arith.addi %add3A_1178, %mul3A_1176 : vector<16xi32>
        %mul3A_1180 = arith.mulf %scan3A_453#20, %div3A_1166 : vector<16xf32>
        %mul3A_1181 = arith.mulf %mul3A_1167, %mul3A_1167 : vector<16xf32>
        %sub3A_1182 = arith.subf %mul3A_1180, %mul3A_1181 : vector<16xf32>
        %add3A_1183 = arith.constant 0 : i32
        %add3A_1184 = vector.broadcast %add3A_1183 : i32 to vector<16xi32>
        %add3A_1185 = arith.addi %add3A_1179, %add3A_1184 : vector<16xi32>
        tpu.vector_store_idx %arg10[%add3A_1185], %sub3A_1182 : memref<3584xf32, #tpu.memory_space<vmem>>[vector<16xi32>], vector<16xf32>,
        %mul3A_1186 = arith.mulf %scan3A_453#21, %div3A_1166 : vector<16xf32>
        %mul3A_1187 = arith.mulf %mul3A_1168, %mul3A_1167 : vector<16xf32>
        %sub3A_1188 = arith.subf %mul3A_1186, %mul3A_1187 : vector<16xf32>
        %add3A_1189 = arith.constant 1 : i32
        %add3A_1190 = vector.broadcast %add3A_1189 : i32 to vector<16xi32>
        %add3A_1191 = arith.addi %add3A_1179, %add3A_1190 : vector<16xi32>
        tpu.vector_store_idx %arg10[%add3A_1191], %sub3A_1188 : memref<3584xf32, #tpu.memory_space<vmem>>[vector<16xi32>], vector<16xf32>,
        %mul3A_1192 = arith.mulf %scan3A_453#22, %div3A_1166 : vector<16xf32>
        %mul3A_1193 = arith.mulf %mul3A_1168, %mul3A_1168 : vector<16xf32>
        %sub3A_1194 = arith.subf %mul3A_1192, %mul3A_1193 : vector<16xf32>
        %add3A_1195 = arith.constant 2 : i32
        %add3A_1196 = vector.broadcast %add3A_1195 : i32 to vector<16xi32>
        %add3A_1197 = arith.addi %add3A_1179, %add3A_1196 : vector<16xi32>
        tpu.vector_store_idx %arg10[%add3A_1197], %sub3A_1194 : memref<3584xf32, #tpu.memory_space<vmem>>[vector<16xi32>], vector<16xf32>,
        %mul3A_1198 = arith.mulf %scan3A_453#23, %div3A_1166 : vector<16xf32>
        %mul3A_1199 = arith.mulf %mul3A_1169, %mul3A_1167 : vector<16xf32>
        %sub3A_1200 = arith.subf %mul3A_1198, %mul3A_1199 : vector<16xf32>
        %add3A_1201 = arith.constant 3 : i32
        %add3A_1202 = vector.broadcast %add3A_1201 : i32 to vector<16xi32>
        %add3A_1203 = arith.addi %add3A_1179, %add3A_1202 : vector<16xi32>
        tpu.vector_store_idx %arg10[%add3A_1203], %sub3A_1200 : memref<3584xf32, #tpu.memory_space<vmem>>[vector<16xi32>], vector<16xf32>,
        %mul3A_1204 = arith.mulf %scan3A_453#24, %div3A_1166 : vector<16xf32>
        %mul3A_1205 = arith.mulf %mul3A_1169, %mul3A_1168 : vector<16xf32>
        %sub3A_1206 = arith.subf %mul3A_1204, %mul3A_1205 : vector<16xf32>
        %add3A_1207 = arith.constant 4 : i32
        %add3A_1208 = vector.broadcast %add3A_1207 : i32 to vector<16xi32>
        %add3A_1209 = arith.addi %add3A_1179, %add3A_1208 : vector<16xi32>
        tpu.vector_store_idx %arg10[%add3A_1209], %sub3A_1206 : memref<3584xf32, #tpu.memory_space<vmem>>[vector<16xi32>], vector<16xf32>,
        %mul3A_1210 = arith.mulf %scan3A_453#25, %div3A_1166 : vector<16xf32>
        %mul3A_1211 = arith.mulf %mul3A_1169, %mul3A_1169 : vector<16xf32>
        %sub3A_1212 = arith.subf %mul3A_1210, %mul3A_1211 : vector<16xf32>
        %add3A_1213 = arith.constant 5 : i32
        %add3A_1214 = vector.broadcast %add3A_1213 : i32 to vector<16xi32>
        %add3A_1215 = arith.addi %add3A_1179, %add3A_1214 : vector<16xi32>
        tpu.vector_store_idx %arg10[%add3A_1215], %sub3A_1212 : memref<3584xf32, #tpu.memory_space<vmem>>[vector<16xi32>], vector<16xf32>,
        %mul3A_1216 = arith.mulf %scan3A_453#26, %div3A_1166 : vector<16xf32>
        %mul3A_1217 = arith.mulf %mul3A_1170, %mul3A_1167 : vector<16xf32>
        %sub3A_1218 = arith.subf %mul3A_1216, %mul3A_1217 : vector<16xf32>
        %add3A_1219 = arith.constant 6 : i32
        %add3A_1220 = vector.broadcast %add3A_1219 : i32 to vector<16xi32>
        %add3A_1221 = arith.addi %add3A_1179, %add3A_1220 : vector<16xi32>
        tpu.vector_store_idx %arg10[%add3A_1221], %sub3A_1218 : memref<3584xf32, #tpu.memory_space<vmem>>[vector<16xi32>], vector<16xf32>,
        %mul3A_1222 = arith.mulf %scan3A_453#27, %div3A_1166 : vector<16xf32>
        %mul3A_1223 = arith.mulf %mul3A_1170, %mul3A_1168 : vector<16xf32>
        %sub3A_1224 = arith.subf %mul3A_1222, %mul3A_1223 : vector<16xf32>
        %add3A_1225 = arith.constant 7 : i32
        %add3A_1226 = vector.broadcast %add3A_1225 : i32 to vector<16xi32>
        %add3A_1227 = arith.addi %add3A_1179, %add3A_1226 : vector<16xi32>
        tpu.vector_store_idx %arg10[%add3A_1227], %sub3A_1224 : memref<3584xf32, #tpu.memory_space<vmem>>[vector<16xi32>], vector<16xf32>,
        %mul3A_1228 = arith.mulf %scan3A_453#28, %div3A_1166 : vector<16xf32>
        %mul3A_1229 = arith.mulf %mul3A_1170, %mul3A_1169 : vector<16xf32>
        %sub3A_1230 = arith.subf %mul3A_1228, %mul3A_1229 : vector<16xf32>
        %add3A_1231 = arith.constant 8 : i32
        %add3A_1232 = vector.broadcast %add3A_1231 : i32 to vector<16xi32>
        %add3A_1233 = arith.addi %add3A_1179, %add3A_1232 : vector<16xi32>
        tpu.vector_store_idx %arg10[%add3A_1233], %sub3A_1230 : memref<3584xf32, #tpu.memory_space<vmem>>[vector<16xi32>], vector<16xf32>,
        %mul3A_1234 = arith.mulf %scan3A_453#29, %div3A_1166 : vector<16xf32>
        %mul3A_1235 = arith.mulf %mul3A_1170, %mul3A_1170 : vector<16xf32>
        %sub3A_1236 = arith.subf %mul3A_1234, %mul3A_1235 : vector<16xf32>
        %add3A_1237 = arith.constant 9 : i32
        %add3A_1238 = vector.broadcast %add3A_1237 : i32 to vector<16xi32>
        %add3A_1239 = arith.addi %add3A_1179, %add3A_1238 : vector<16xi32>
        tpu.vector_store_idx %arg10[%add3A_1239], %sub3A_1236 : memref<3584xf32, #tpu.memory_space<vmem>>[vector<16xi32>], vector<16xf32>,
        %add3A_1240 = arith.constant 112 : i32
        %add3A_1241 = vector.broadcast %add3A_1240 : i32 to vector<16xi32>
        %add3A_1242 = arith.addi %iota3A, %add3A_1241 : vector<16xi32>
        %mul3A_1243 = arith.constant 4 : i32
        %mul3A_1244 = vector.broadcast %mul3A_1243 : i32 to vector<16xi32>
        %mul3A_1245 = arith.muli %add3A_1242, %mul3A_1244 : vector<16xi32>
        %add3A_1246 = arith.constant 3072 : i32
        %add3A_1247 = vector.broadcast %add3A_1246 : i32 to vector<16xi32>
        %add3A_1248 = arith.addi %add3A_1247, %mul3A_1245 : vector<16xi32>
        %add3A_1249 = arith.constant 0 : i32
        %add3A_1250 = vector.broadcast %add3A_1249 : i32 to vector<16xi32>
        %add3A_1251 = arith.addi %add3A_1248, %add3A_1250 : vector<16xi32>
        tpu.vector_store_idx %arg10[%add3A_1251], %mul3A_1167 : memref<3584xf32, #tpu.memory_space<vmem>>[vector<16xi32>], vector<16xf32>,
        %add3A_1252 = arith.constant 1 : i32
        %add3A_1253 = vector.broadcast %add3A_1252 : i32 to vector<16xi32>
        %add3A_1254 = arith.addi %add3A_1248, %add3A_1253 : vector<16xi32>
        tpu.vector_store_idx %arg10[%add3A_1254], %mul3A_1168 : memref<3584xf32, #tpu.memory_space<vmem>>[vector<16xi32>], vector<16xf32>,
        %add3A_1255 = arith.constant 2 : i32
        %add3A_1256 = vector.broadcast %add3A_1255 : i32 to vector<16xi32>
        %add3A_1257 = arith.addi %add3A_1248, %add3A_1256 : vector<16xi32>
        tpu.vector_store_idx %arg10[%add3A_1257], %mul3A_1169 : memref<3584xf32, #tpu.memory_space<vmem>>[vector<16xi32>], vector<16xf32>,
        %add3A_1258 = arith.constant 3 : i32
        %add3A_1259 = vector.broadcast %add3A_1258 : i32 to vector<16xi32>
        %add3A_1260 = arith.addi %add3A_1248, %add3A_1259 : vector<16xi32>
        tpu.vector_store_idx %arg10[%add3A_1260], %mul3A_1170 : memref<3584xf32, #tpu.memory_space<vmem>>[vector<16xi32>], vector<16xf32>,
        %add3A_1261 = arith.addi %select_n3A, %add3A_93 : i32
        %mul3A_1262 = arith.constant 1792 : i32
        %mul3A_1263 = arith.muli %add3A_1261, %mul3A_1262 : i32
        %dma_start3A_1264 = arith.constant 1792 : i32
        %dma_start3A_1265 = tpu.memref_slice %arg10[%dma_start3A_1264] : memref<3584xf32, #tpu.memory_space<vmem>> -> memref<1792xf32, #tpu.memory_space<vmem>>
        %dma_start3A_1266 = tpu.memref_slice %arg5[%mul3A_1263] : memref<17920000xf32, #tpu.memory_space<hbm>> -> memref<1792xf32, #tpu.memory_space<hbm>>
        %dma_start3A_1267 = tpu.memref_slice %arg5[%mul3A_1263] : memref<17920000xf32, #tpu.memory_space<hbm>> -> memref<1792xf32, #tpu.memory_space<hbm>>
        %dma_start3A_1268 = arith.constant 1792 : i32
        %dma_start3A_1269 = tpu.memref_slice %arg10[%dma_start3A_1268] : memref<3584xf32, #tpu.memory_space<vmem>> -> memref<1792xf32, #tpu.memory_space<vmem>>
        tpu.enqueue_dma source(%dma_start3A_1269 : memref<1792xf32, #tpu.memory_space<vmem>>) target(%dma_start3A_1267 : memref<1792xf32, #tpu.memory_space<hbm>>) target_semaphore(%arg14 : memref<!tpu.dma_semaphore, #tpu.memory_space<semaphore_mem>>)
      } else {
      }
    }
    %scan3A_65 = arith.constant 157 : i32
    %dma_wait3A = arith.constant 0 : i32
    %dma_wait3A_66 = tpu.memref_slice %arg10[%dma_wait3A] : memref<3584xf32, #tpu.memory_space<vmem>> -> memref<1792xf32, #tpu.memory_space<vmem>>
    %dma_wait3A_67 = arith.constant 0 : i32
    %dma_wait3A_68 = tpu.memref_slice %arg5[%dma_wait3A_67] : memref<17920000xf32, #tpu.memory_space<hbm>> -> memref<1792xf32, #tpu.memory_space<hbm>>
    %dma_wait3A_69 = arith.constant 0 : i32
    %dma_wait3A_70 = tpu.memref_slice %arg5[%dma_wait3A_69] : memref<17920000xf32, #tpu.memory_space<hbm>> -> memref<1792xf32, #tpu.memory_space<hbm>>
    %dma_wait3A_71 = arith.constant 0 : i32
    %dma_wait3A_72 = tpu.memref_slice %arg10[%dma_wait3A_71] : memref<3584xf32, #tpu.memory_space<vmem>> -> memref<1792xf32, #tpu.memory_space<vmem>>
    tpu.wait_dma2 semaphore(%arg13 : memref<!tpu.dma_semaphore, #tpu.memory_space<semaphore_mem>>) src(%dma_wait3A_72 : memref<1792xf32, #tpu.memory_space<vmem>>) dst(%dma_wait3A_70 : memref<1792xf32, #tpu.memory_space<hbm>>)
    %dma_wait3A_73 = arith.constant 1792 : i32
    %dma_wait3A_74 = tpu.memref_slice %arg10[%dma_wait3A_73] : memref<3584xf32, #tpu.memory_space<vmem>> -> memref<1792xf32, #tpu.memory_space<vmem>>
    %dma_wait3A_75 = arith.constant 0 : i32
    %dma_wait3A_76 = tpu.memref_slice %arg5[%dma_wait3A_75] : memref<17920000xf32, #tpu.memory_space<hbm>> -> memref<1792xf32, #tpu.memory_space<hbm>>
    %dma_wait3A_77 = arith.constant 0 : i32
    %dma_wait3A_78 = tpu.memref_slice %arg5[%dma_wait3A_77] : memref<17920000xf32, #tpu.memory_space<hbm>> -> memref<1792xf32, #tpu.memory_space<hbm>>
    %dma_wait3A_79 = arith.constant 1792 : i32
    %dma_wait3A_80 = tpu.memref_slice %arg10[%dma_wait3A_79] : memref<3584xf32, #tpu.memory_space<vmem>> -> memref<1792xf32, #tpu.memory_space<vmem>>
    tpu.wait_dma2 semaphore(%arg14 : memref<!tpu.dma_semaphore, #tpu.memory_space<semaphore_mem>>) src(%dma_wait3A_80 : memref<1792xf32, #tpu.memory_space<vmem>>) dst(%dma_wait3A_78 : memref<1792xf32, #tpu.memory_space<hbm>>)
    return
  }
}

</mosaic_0001>

<sc_bundles>
// kernel: kernel.3.cloned.1.call-start
scs
__scs_entry_jumppad:
0x0: {  	(pc) =	sbr.rel $0x88, $3  }
0x1: {  	(tag) =	ssettag $0x0;
	lr =	simm.s32 $0x1  }
0x2: {  	[smem:$0x3F9E] =	sst lr;
	_ =	strace $0xD0000000  }
0x3: {  	_ = 	snop  }
0x4: {  	_ = 	snop  }
0x5: {  	_ = 	snop  }
0x6: {  	_ = 	snop  }
0x7: {  	_ = 	snop  }
__scs_overlays_trampoline_lowered:
0x8: {  	[smem:$0x3FAD] =	sst s0  }
0x9: {  	[smem:$0x3FAE] =	sst s1  }
0xa: {  	[smem:$0x3FAF] =	sst s2  }
0xb: {  	[smem:$0x3FB0] =	sst s3  }
0xc: {  	[smem:$0x3FB1] =	sst s4  }
0xd: {  	[smem:$0x3FB2] =	sst s5  }
0xe: {  	[smem:$0x3FB3] =	sst s6  }
0xf: {  	[smem:$0x3FB4] =	sst s7  }
0x10: {  	[smem:$0x3FB5] =	sst s8  }
0x11: {  	[smem:$0x3FB6] =	sst s9;
	s0 =	simm.s32 @!p0 $0x0  }
0x12: {  	s1 =	sld [smem:$0x3F9C];
	s0 =	simm.s32 @p0 $0x1  }
0x13: {  	[smem:$0x3FB7] =	sst s0;
	s0 =	simm.s32 @!p1 $0x0  }
0x14: {  	s2 =	sld [smem:$0x3F9B];
	s0 =	simm.s32 @p1 $0x1  }
0x15: {  	[smem:$0x3FB8] =	sst s0;
	s0 =	simm.s32 @!p2 $0x0  }
0x16: {  	s3 =	sld [smem:$0x3FDB];
	s0 =	simm.s32 @p2 $0x1  }
0x17: {  	s4 =	simm.s32 $0x1BF5;
	[smem:$0x3FBA] =	sst s0  }
0x18: {  	s0 =	sld [smem:$0x3F9D];
	_ =	swait.ge [sflag:s4], $0x0  }
0x19: {  	s7 =	sld [smem:$0x3F9E]  }
0x1a: {  	s8 =	sadd.s32 $0xFFFFE003, lr  }
0x1b: {  	s9 =	sadd.s32 $0xFFFFFEF7, lr;
	s5 =	simm.s32 $0xFFFFFFFF;
	p2 =	slt.u32 s8, $0xFFFFF086  }
0x1c: {  	p1 =	slt.u32 s9, $0xF7A;
	s5 =	simm.s32 @!p2 $0x0  }
0x1d: {  	s5 =	simm.s32 @p1 $0x1;
	p0 =	seq.s32 s7, s2  }
0x1e: {  	s7 =	smul.u32 @!p0 $0xF7A, s2;
	p2 =	seq.s32 @!p0 s5, $0x0  }
0x1f: {  	s9 =	smul.u32 $0xF7A, s1;
	s8 =	simm.s32 @!p0 $0x1BF5;
	p2 =	por !p2, p0  }
0x20: {  	[sflag:s8] =	ssyncset.s32 @!p0 $0xFFFFF086;
	s6 =	sadd.s32 @!p0 s3, s7;
	s7 =	simm.s32 @!p0 $0x108  }
0x21: {  	s3 =	sadd.s32 s3, s9;
	s6 =	sadd.s32 @!p0 $0x88, s6;
	s7 =	simm.s32 @p2 $0x1082  }
0x22: {  	[simem:s7], [sflag:s8] =	dma.local @!p0 [hbm:s6], $0xF7A  }
0x23: {  	s9 =	sor.u32 $0xD0000000, s2;
	s6 =	simm.s32 $0x108;
	_ =	swait.ge @!p0 [sflag:s8], $0x0  }
0x24: {  	s3 =	sadd.s32 $0x88, s3;
	s6 =	simm.s32 @!p1 $0x1082;
	[sflag:s4] =	ssyncset.s32 $0xFFFFF086  }
0x25: {  	[simem:s6], [sflag:s4] =	dma.local [hbm:s3], $0xF7A  }
0x26: {  	[smem:$0x3F9E] =	sst s1;
	(tag) =	ssettag s2;
	_ =	strace s9  }
0x27: {  	s1 =	sld [smem:$0x3FAE]  }
0x28: {  	s2 =	sld [smem:$0x3FAF]  }
0x29: {  	s4 =	sld [smem:$0x3FB1]  }
0x2a: {  	p0 =	seq.s32 s5, $0x0;
	s5 =	sld [smem:$0x3FB2]  }
0x2b: {  	s6 =	sld [smem:$0x3FB3]  }
0x2c: {  	s7 =	sld [smem:$0x3FB4]  }
0x2d: {  	s3 =	simm.s32 $0x108;
	s8 =	sld [smem:$0x3FB5]  }
0x2e: {  	s3 =	simm.s32 @!p0 $0x1082;
	s9 =	sld [smem:$0x3FB6]  }
0x2f: {  	lr =	sadd.s32 s0, s3;
	s0 =	sld [smem:$0x3FAD]  }
0x30: {  	s3 =	sld [smem:$0x3FB0]  }
0x31: {  	[smem:$0x3FB9] =	sst s10  }
0x32: {  	s10 =	sld [smem:$0x3FB7];
	_ =	sdelay $0x3  }
0x33: {  	p0 =	seq.s32 s10, $0x1;
	s10 =	sld [smem:$0x3FB9];
	_ =	sdelay $0x3  }
0x34: {  	[smem:$0x3FB9] =	sst s10  }
0x35: {  	s10 =	sld [smem:$0x3FB8];
	_ =	sdelay $0x3  }
0x36: {  	p1 =	seq.s32 s10, $0x1;
	s10 =	sld [smem:$0x3FB9];
	_ =	sdelay $0x3  }
0x37: {  	[smem:$0x3FB9] =	sst s10  }
0x38: {  	s10 =	sld [smem:$0x3FBA]  }
0x39: {  	_ = 	snop;
	(pc) =	sbr.ind lr, $3  }
0x3a: {  	_ = 	snop  }
0x3b: {  	_ = 	snop  }
0x3c: {  	p2 =	seq.s32 s10, $0x1;
	s10 =	sld [smem:$0x3FB9]  }
0x3d: {  	_ =	shalt  }
0x3e: {  	_ =	shalt  }
0x3f: {  	_ =	shalt  }
0x40: {  	_ =	shalt  }
0x41: {  	_ =	shalt  }
0x42: {  	_ =	shalt  }
0x43: {  	_ =	shalt  }
0x44: {  	_ =	shalt  }
0x45: {  	_ =	shalt  }
0x46: {  	_ =	shalt  }
0x47: {  	_ =	shalt  }
0x48: {  	_ =	shalt  }
0x49: {  	_ =	shalt  }
0x4a: {  	_ =	shalt  }
0x4b: {  	_ =	shalt  }
0x4c: {  	_ =	shalt  }
0x4d: {  	_ =	shalt  }
0x4e: {  	_ =	shalt  }
0x4f: {  	_ =	shalt  }
0x50: {  	_ =	shalt  }
0x51: {  	_ =	shalt  }
0x52: {  	_ =	shalt  }
0x53: {  	_ =	shalt  }
0x54: {  	_ =	shalt  }
0x55: {  	_ =	shalt  }
0x56: {  	_ =	shalt  }
0x57: {  	_ =	shalt  }
0x58: {  	_ =	shalt  }
0x59: {  	_ =	shalt  }
0x5a: {  	_ =	shalt  }
0x5b: {  	_ =	shalt  }
0x5c: {  	_ =	shalt  }
0x5d: {  	_ =	shalt  }
0x5e: {  	_ =	shalt  }
0x5f: {  	_ =	shalt  }
0x60: {  	_ =	shalt  }
0x61: {  	_ =	shalt  }
0x62: {  	_ =	shalt  }
0x63: {  	_ =	shalt  }
0x64: {  	_ =	shalt  }
0x65: {  	_ =	shalt  }
0x66: {  	_ =	shalt  }
0x67: {  	_ =	shalt  }
0x68: {  	_ =	shalt  }
0x69: {  	_ =	shalt  }
0x6a: {  	_ =	shalt  }
0x6b: {  	_ =	shalt  }
0x6c: {  	_ =	shalt  }
0x6d: {  	_ =	shalt  }
0x6e: {  	_ =	shalt  }
0x6f: {  	_ =	shalt  }
0x70: {  	_ =	shalt  }
0x71: {  	_ =	shalt  }
0x72: {  	_ =	shalt  }
0x73: {  	_ =	shalt  }
0x74: {  	_ =	shalt  }
0x75: {  	_ =	shalt  }
0x76: {  	_ =	shalt  }
0x77: {  	_ =	shalt  }
0x78: {  	_ =	shalt  }
0x79: {  	_ =	shalt  }
0x7a: {  	_ =	shalt  }
0x7b: {  	_ =	shalt  }
0x7c: {  	_ =	shalt  }
0x7d: {  	_ =	shalt  }
0x7e: {  	_ =	shalt  }
0x7f: {  	_ =	shalt  }
0x80: {  	_ =	shalt  }
0x81: {  	_ =	shalt  }
0x82: {  	_ =	shalt  }
0x83: {  	_ =	shalt  }
0x84: {  	_ =	shalt  }
0x85: {  	_ =	shalt  }
0x86: {  	_ =	shalt  }
0x87: {  	_ =	shalt  }
.Lfunc_end0:
.L_simem_size_0:
called_computation_lowered:
.L_overlay_start_0:
0x88: {  	s2 =	sld [smem:$0x3FD9]  }
0x89: {  	s3 =	sld [smem:$0x3FFE];
	_ =	sdelay $0x1  }
0x8a: {  	s1 =	srdreg.scid  }
0x8b: {  	s0 =	sand.u32 $0x1, s1  }
0x8c: {  	s17 =	sshll.u32 s0, $0xA;
	s2 =	sadd.s32 s3, s2  }
0x8d: {  	s2 =	sadd.s32 s2, s17  }
0x8e: {  	[smem:$0x3FC5] =	sst s2  }
0x8f: {  	_ = 	snop  }
0x90: {  	s2 =	sld [smem:$0x3FC8]  }
0x91: {  	s18 =	sld [smem:$0x3FD0];
	(tm) =	ssettm $0x1  }
0x92: {  	s4 =	sld [smem:$0x3FFB];
	_ =	sdelay $0x3  }
0x93: {  	_ =	strace s4  }
0x94: {  	s4 =	sld [smem:$0x3FFC];
	_ =	sdelay $0x3  }
0x95: {  	_ =	strace s4  }
0x96: {  	s4 =	sld [smem:$0x3FFD];
	_ =	sdelay $0x3  }
0x97: {  	_ =	strace s4  }
0x98: {  	_ =	strace $0x8FFFFFFF  }
0x99: {  	s19 =	sld [smem:$0x3FDB];
	_ =	sdelay $0x1  }
0x9a: {  	s5 =	simm.s32 $_scs_section_size  }
0x9b: {  	s6 =	simm.s32 $_size__tile_overlayer_lowered;
	s7 =	simm.s32 $_tile_overlayer_lowered  }
0x9c: {  	s22 =	simm.s32 $0x1BFF;
	s21 =	sshll.u32 s7, $0x1;
	s4 =	sadd.s32 s5, s19  }
0x9d: {  	s8 =	simm.s32 $0x0;
	s20 =	sshll.u32 s6, $0x1;
	s6 =	sadd.s32 s21, s4  }
0x9e: {  	[timem:s8], [sflag:s22] =	dma.local [hbm:s6], s20  }
0x9f: {  	_ =	swait.ge [sflag:s22], s20  }
0xa0: {  	s5 =	ssub.s32 $0x0, s20;
	[sflag:s22] =	ssyncset.done $0x0  }
0xa1: {  	[sflag:s22] =	ssyncadd.s32 s5;
	_ =	sdelay $0x1  }
0xa2: {  	s23 =	simm.s32 $0x1B8B  }
0xa3: {  	_ =	swait.ge [sflag:s23], $0x1  }
0xa4: {  	[sflag:s23] =	ssyncset.done $0x0  }
0xa5: {  	s25 =	simm.s32 $0x1B8E;
	s24 =	sld [smem:$0x3FFE];
	[sflag:s23] =	ssyncadd.s32 $0xFFFFFFFF  }
0xa6: {  	s26 =	simm.s32 $execute0_lowered;
	[smem:$0x3FD2] =	sst s25  }
0xa7: {  	s6 =	sshll.u32 s26, $0x1;
	_ =	strace $0x80000046;
	[dreg:$0x1] =	wrdreg $0xFFFFFFFF  }
0xa8: {  	s28 =	simm.s32 $_size_execute0_lowered;
	s4 =	sadd.s32 s4, s6;
	[dreg:$0x0] =	wrdreg $0x0  }
0xa9: {  	s6 =	sshll.u32 s28, $0x1;
	[dreg:$0x2] =	wrdreg s4  }
0xaa: {  	[dreg:$0x3] =	wrdreg s6  }
0xab: {  	[dreg:$0x4] =	wrdreg $0xC0  }
0xac: {  	_ =	task [dreg:s8], $0x5FFFF  }
0xad: {  	[dreg:$0x1] =	wrdreg $0xFFFFFFFF  }
0xae: {  	[dreg:$0x0] =	wrdreg $0x60  }
0xaf: {  	[dreg:$0x2] =	wrdreg s24  }
0xb0: {  	[dreg:$0x3] =	wrdreg s2  }
0xb1: {  	[dreg:$0x4] =	wrdreg s18  }
0xb2: {  	[dreg:$0x5] =	wrdreg $0x9  }
0xb3: {  	_ =	task.clear_ibuf [dreg:s8], $0x6FFFF;
	_ =	strace $0x90000046  }
0xb4: {  	s29 =	simm.s32 $0x9;
	_ =	strace $0x80000048  }
0xb5: {  	_ =	swait.ge [sflag:s29], $0x1  }
0xb6: {  	[sflag:s29] =	ssyncadd.s32 $0xFFFFFFFF  }
0xb7: {  	_ =	strace $0x90000048  }
0xb8: {  	_ =	sfence  }
0xb9: {  	s30 =	sld [smem:$0x0];
	_ =	sdelay $0x2  }
0xba: {  	s31 =	sshll.u32 s1, $0xD;
	s1 =	sshrl.u32 s1, $0x2  }
0xbb: {  	s3 =	sand.u32 $0x4000, s31;
	s1 =	sadd.s32 s1, s30  }
0xbc: {  	s0 =	sor.u32 s3, s0;
	s1 =	sshll.u32 s1, $0x11  }
0xbd: {  	s0 =	sor.u32 s1, s0  }
0xbe: {  	s0 =	sadd.s32 $0x8F2B, s0  }
0xbf: {  	[sflag:s0] =	ssyncadd.remote.s32 $0x1  }
0xc0: {  	_ =	sfence.sel $0xFFFF  }
0xc1: {  	[dreg:$0x0] =	wrdreg $0xFFFFFFFF;
	(pc) =	sbr.abs _section_cstart, $3  }
0xc2: {  	[dreg:$0x1] =	wrdreg $0xFFFFFFFF  }
0xc3: {  	_ =	task.clear_ibuf [dreg:s8], $0x2FFFF;
	_ =	strace $0x9FFFFFFF  }
0xc4: {  	(tm) =	ssettm $0x7FFFFFFF  }
0xc5: {  	_ =	shalt  }
tec
execute0_lowered:
.L_overlay_start_1:
0x0: {  	(tag) =	ssettag $0x1  }
0x1: {  	s0 =	srdreg.scid;
	s7 =	rddreg [dreg:$0x0]  }
0x2: {  	s4 =	stileid.u32;
	s2 =	rddreg [dreg:$0x1]  }
0x3: {  	s9 =	rddreg [dreg:$0x2];
	s13 =	simm.s32 $0x5;
	s15 =	simm.s32 $0x20  }
0x4: {  	s16 =	simm.s32 $0xC480;
	s17 =	simm.s32 $0xD480;
	s18 =	simm.s32 $0xE480  }
0x5: {  	s19 =	simm.s32 $0x1;
	s0 =	sand.u32 $0x1, s0;
	s1 =	sshll.u32 s4, $0x1  }
0x6: {  	v0 =	vlaneseq.u32;
	s20 =	simm.s32 $0xE680;
	s21 =	simm.s32 $0x2;
	s1 =	sor.u32 s0, s1  }
0x7: {  	p0 =	slt.u32 s4, $0x8;
	s4 =	simm.s32 $0x0;
	v0 =	vmul.u32 $0x10, v0;
	s3 =	smul.u32 $0x138, s1  }
0x8: {  	s22 =	simm.s32 $0xED80;
	[smem:$0x7FF] =	sst s4;
	s1 =	smul.u32 $0x139, s1  }
0x9: {  	s23 =	simm.s32 $0x3;
	_ =	strace $0x80000047;
	v1 =	vor.u32 $0x1, v0;
	[tilespmem:$0x1FFE0] =	vst v0;
	s3 =	sadd.s32 $0x10, s3  }
0xa: {  	s24 =	simm.s32 $0x4;
	s25 =	simm.s32 $0x0;
	v59 =	vor.u32 $0x2, v0;
	[tilespmem:$0x1FF80] =	vst v1;
	s3 =	smov.u32 @p0 s1  }
0xb: {  	s5 =	sadd.s32 $0x600, s7;
	s0 =	ssub.s32 $0x2, s0;
	v60 =	vor.u32 $0x3, v0;
	[tilespmem:$0x1FF90] =	vst v59;
	s1 =	sand.u32 $0x7FF8, s3  }
.Ltmp0:
0xc: {  	s8 =	sshrl.u32 s0, $0x1;
	v61 =	vor.u32 $0x100, v0;
	[tilespmem:$0x1FFA0] =	vst v60;
	s1 =	smin.u32 s1, $0x25D0;
	(pc) =	sbr.rel .LBB2_1-.Ltmp0, $4  }
0xd: {  	v62 =	vor.u32 $0x101, v0;
	s0 =	ssub.s32 s0, s8;
	s8 =	simm.s32 $0x139;
	[tilespmem:$0x1FFB0] =	vst v61;
	s6 =	ssub.s32 s3, s1  }
0xe: {  	s7 =	sadd.s32 $0x1A00, s7;
	v63 =	vor.u32 $0x102, v0;
	[tilespmem:$0x1FFC0] =	vst v62;
	s8 =	simm.s32 @!p0 $0x138;
	s10 =	sshll.u32 s6, $0x7  }
0xf: {  	v0 =	vor.u32 $0x103, v0;
	[tilespmem:$0x1FFD0] =	vst v63;
	s12 =	smax.u32 s0, $0x1;
	s1 =	sshll.u32 s1, $0x2;
	s11 =	sshra.s32 s10, $0x2  }
0x10: {  	[tilespmem:$0x1FFF0] =	vst v0;
	s9 =	sadd.s32 s9, s1;
	s10 =	sadd.s32 $0x9C80, s11;
	s11 =	sadd.s32 $0x9CA0, s11  }
.LBB2_19:
0x11: {  	s25 =	sadd.s32 $0x1, s25  }
0x12: {  	_ =	swait.ge [sflag:s23], $0x700;
	p0 =	sne.s32 s25, s12  }
.Ltmp1:
0x13: {  	[sflag:s23] =	ssyncset.done $0x0;
	(pc) =	sbr.rel @!p0 .LBB2_20-.Ltmp1, $4  }
0x14: {  	[sflag:s23] =	ssyncadd.s32 $0xFFFFF900  }
0x15: {  	_ =	swait.ge [sflag:s24], $0x700  }
0x16: {  	[sflag:s24] =	ssyncset.done $0x0  }
0x17: {  	[sflag:s24] =	ssyncadd.s32 $0xFFFFF900  }
.LBB2_1:
0x18: {  	[tilespmem:s4], [sflag:$0x5] =	stream.linear.gather [hbm4b:s5+s4], $0x9C80, $0x38;
	[tilespmem:$0xF480] =	vst v63  }
0x19: {  	_ =	swait.ge [sflag:s13], $0x9C80  }
0x1a: {  	[sflag:s13] =	ssyncset.done $0x0  }
0x1b: {  	s0 =	simm.s32 $0x9C80;
	[sflag:s13] =	ssyncadd.s32 $0xFFFF6380  }
0x1c: {  	[tilespmem:s0], [sflag:$0x5] =	stream.linear.gather [hbm4b:s9+s4], $0x2800, $0x38;
	[tilespmem:$0xF480] =	vst v63  }
0x1d: {  	_ =	swait.ge [sflag:s13], $0x2800  }
.Ltmp2:
0x1e: {  	[sflag:s13] =	ssyncset.done $0x0;
	(pc) =	sbr.rel .LBB2_2-.Ltmp2, $4  }
0x1f: {  	[sflag:s13] =	ssyncadd.s32 $0xFFFFD800  }
0x20: {  	[tilespmem:s16], [sflag:$0x1] =	stream.indirect.gather [hbm4b:s2+s15], $0x80, s10, s15, $0xb8;
	[tilespmem:$0xF480] =	vst v63  }
0x21: {  	s26 =	simm.s32 $0x0  }
0x22: {  	[tilespmem:s17], [sflag:$0x2] =	stream.indirect.gather [hbm4b:s2+s15], $0x80, s11, s15, $0xb8;
	[tilespmem:$0xF480] =	vst v63  }
.LBB2_18:
0x23: {  	s26 =	sadd.s32 $0x1, s26  }
0x24: {  	p0 =	sne.s32 s26, $0x9D  }
.Ltmp3:
0x25: {  	_ = 	snop;
	(pc) =	sbr.rel @!p0 .LBB2_19-.Ltmp3, $1  }
0x26: {  	_ =	sdelay $0x3  }
.LBB2_2:
0x27: {  	s28 =	sshll.u32 s26, $0x1  }
0x28: {  	p0 =	sge.u32 s28, s8  }
.Ltmp4:
0x29: {  	_ = 	snop;
	(pc) =	sbr.rel @p0 .LBB2_10-.Ltmp4, $1  }
0x2a: {  	_ =	sdelay $0x3  }
0x2b: {  	s0 =	sadd.s32 s6, s28  }
0x2c: {  	s0 =	sshll.u32 s0, $0x7  }
0x2d: {  	s0 =	sshra.s32 s0, $0x2  }
0x2e: {  	v0 =	vld [tilespmem:s0+$0x9C80];
	_ =	sdelay $0x4  }
0x2f: {  	v0 =	vshll.u32 v0, $0x2;
	_ =	sdelay $0x1  }
0x30: {  	v5 =	vld [tilespmem:$0x1FFE0];
	v1 =	vor.u32 $0x1, v0  }
0x31: {  	v2 =	vor.u32 $0x2, v0  }
0x32: {  	v3 =	vor.u32 $0x3, v0  }
0x33: {  	v0 =	vld.idx.msk [tilespmem:v0+s4+$0x0], $0xffff  }
0x34: {  	v4 =	vld [tilespmem:s0+$0x9C90]  }
0x35: {  	v1 =	vld.idx.msk [tilespmem:v1+s4+$0x0], $0xffff  }
0x36: {  	v2 =	vld.idx.msk [tilespmem:v2+s4+$0x0], $0xffff  }
0x37: {  	v3 =	vld.idx.msk [tilespmem:v3+s4+$0x0], $0xffff  }
0x38: {  	[tilespmem:v5+s18+$0x0] =	vst.idx.msk $0xffff, v0;
	v5 =	vld [tilespmem:$0x1FF80];
	_ =	sdelay $0x7  }
0x39: {  	[tilespmem:v5+s18+$0x0] =	vst.idx.msk $0xffff, v1;
	v5 =	vld [tilespmem:$0x1FF90];
	_ =	sdelay $0x7  }
0x3a: {  	[tilespmem:v5+s18+$0x0] =	vst.idx.msk $0xffff, v2;
	v5 =	vld [tilespmem:$0x1FFA0];
	_ =	sdelay $0x3  }
0x3b: {  	v4 =	vshll.u32 v4, $0x2;
	_ =	sdelay $0x3  }
0x3c: {  	[tilespmem:v5+s18+$0x0] =	vst.idx.msk $0xffff, v3  }
0x3d: {  	v3 =	vld.idx.msk [tilespmem:v4+s4+$0x0], $0xffff  }
0x3e: {  	v0 =	vor.u32 $0x1, v4;
	v1 =	vor.u32 $0x2, v4;
	v2 =	vor.u32 $0x3, v4;
	v4 =	vld [tilespmem:$0x1FFB0];
	_ =	sdelay $0x4  }
0x3f: {  	v0 =	vld.idx.msk [tilespmem:v0+s4+$0x0], $0xffff  }
0x40: {  	v1 =	vld.idx.msk [tilespmem:v1+s4+$0x0], $0xffff  }
0x41: {  	v2 =	vld.idx.msk [tilespmem:v2+s4+$0x0], $0xffff  }
0x42: {  	[tilespmem:v4+s18+$0x0] =	vst.idx.msk $0xffff, v3;
	v3 =	vld [tilespmem:$0x1FFC0];
	_ =	sdelay $0x7  }
0x43: {  	[tilespmem:v3+s18+$0x0] =	vst.idx.msk $0xffff, v0;
	v0 =	vld [tilespmem:$0x1FFD0];
	_ =	sdelay $0x7  }
0x44: {  	[tilespmem:v0+s18+$0x0] =	vst.idx.msk $0xffff, v1;
	v0 =	vld [tilespmem:$0x1FFF0];
	_ =	sdelay $0x7  }
0x45: {  	[tilespmem:v0+s18+$0x0] =	vst.idx.msk $0xffff, v2  }
0x46: {  	_ =	swait.ge [sflag:s19], $0x1000  }
0x47: {  	p0 =	seq.s32 s26, $0x0;
	[sflag:s19] =	ssyncset.done $0x0  }
0x48: {  	s0 =	simm.s32 @!p0 $0x3;
	[sflag:s19] =	ssyncadd.s32 $0xFFFFF000  }
0x49: {  	_ =	swait.ge @!p0 [sflag:s0], $0x700  }
0x4a: {  	[sflag:s0] =	ssyncset.done @!p0 $0x0  }
0x4b: {  	s29 =	simm.s32 $0x0;
	[sflag:s0] =	ssyncadd.s32 @!p0 $0xFFFFF900  }
0x4c: {  	v0 =	vld [tilespmem:s29+$0xE480]  }
0x4d: {  	s30 =	simm.s32 $0xC4A0  }
0x4e: {  	v4 =	vld [tilespmem:s30+$0xFFFFFFE0];
	_ =	sdelay $0x1  }
0x4f: {  	v8 =	vld [tilespmem:s30+$0xFFFFFFF0]  }
0x50: {  	v6 =	vld [tilespmem:s30+$0x0];
	v1 =	vbroadcast v0, $0x1;
	v9 =	vbroadcast v0, $0x0  }
0x51: {  	v2 =	vbroadcast v0, $0x2;
	v0 =	vbroadcast v0, $0x3  }
0x52: {  	v7 =	vmul.f32 v1, v4;
	v10 =	vmul.f32 v9, v4  }
0x53: {  	v5 =	vmul.f32 v2, v4;
	v11 =	vmul.f32 v0, v4  }
0x54: {  	v30 =	vimm.f32 $0.0e+00;
	v12 =	vmul.f32 v8, v2;
	v13 =	vmul.f32 v8, v9  }
0x55: {  	v31 =	vadd.f32 v4, v30;
	v14 =	vmul.f32 v6, v9;
	v15 =	vmul.f32 v6, v2  }
0x56: {  	v44 =	vadd.f32 v6, v30;
	v19 =	vmul.f32 v6, v1;
	v22 =	vmul.f32 v8, v1  }
0x57: {  	v24 =	vmul.f32 v8, v0;
	v56 =	vadd.f32 v10, v30;
	v57 =	vadd.f32 v7, v30  }
0x58: {  	v4 =	vmul.f32 v7, v0;
	v60 =	vadd.f32 v11, v30;
	v45 =	vadd.f32 v12, v30  }
0x59: {  	v62 =	vadd.f32 v5, v30;
	v18 =	vmul.f32 v10, v9;
	v16 =	vmul.f32 v10, v0  }
0x5a: {  	v40 =	vadd.f32 v14, v30;
	v35 =	vadd.f32 v15, v30;
	v17 =	vmul.f32 v14, v9  }
0x5b: {  	v20 =	vmul.f32 v7, v1;
	v50 =	vadd.f32 v13, v30;
	v11 =	vmul.f32 v11, v0  }
0x5c: {  	v39 =	vadd.f32 v19, v30;
	v9 =	vmul.f32 v13, v9;
	v25 =	vmul.f32 v19, v2  }
0x5d: {  	v21 =	vmul.f32 v19, v0;
	v23 =	vmul.f32 v22, v2;
	v48 =	vadd.f32 v24, v30  }
0x5e: {  	v61 =	vadd.f32 v22, v30;
	v29 =	vmul.f32 v10, v1;
	v26 =	vmul.f32 v19, v1  }
0x5f: {  	v27 =	vmul.f32 v22, v0;
	v28 =	vmul.f32 v14, v0;
	v49 =	vadd.f32 v4, v30  }
0x60: {  	v19 =	vimm.f32 $0.0e+00;
	v4 =	vadd.f32 v8, v30;
	v59 =	vadd.f32 v18, v30  }
0x61: {  	v18 =	vmul.f32 v5, v0;
	v42 =	vadd.f32 v17, v30;
	v55 =	vadd.f32 v16, v30  }
0x62: {  	v16 =	vmul.f32 v14, v1;
	v17 =	vmul.f32 v14, v2;
	v3 =	vadd.f32 v20, v30  }
0x63: {  	v54 =	vadd.f32 v11, v30;
	v11 =	vmul.f32 v15, v2;
	v58 =	vadd.f32 v9, v30  }
0x64: {  	v8 =	vmul.f32 v13, v0;
	v9 =	vmul.f32 v12, v0;
	v20 =	vimm.f32 $0.0e+00  }
0x65: {  	v14 =	vimm.f32 $0.0e+00;
	v53 =	vadd.f32 v18, v30;
	v18 =	vmul.f32 v10, v2  }
0x66: {  	v38 =	vadd.f32 v17, v30;
	v17 =	vmul.f32 v12, v2;
	v41 =	vadd.f32 v16, v30  }
0x67: {  	v16 =	vmul.f32 v13, v1;
	v36 =	vadd.f32 v11, v30;
	v11 =	vmul.f32 v13, v2  }
0x68: {  	v47 =	vadd.f32 v8, v30;
	v8 =	vmul.f32 v15, v0;
	v43 =	vadd.f32 v9, v30  }
0x69: {  	v15 =	vimm.f32 $0.0e+00;
	v13 =	vimm.f32 $0.0e+00;
	v10 =	vimm.f32 $0.0e+00  }
0x6a: {  	v12 =	vimm.f32 $0.0e+00;
	v46 =	vadd.f32 v17, v30;
	v52 =	vadd.f32 v16, v30  }
0x6b: {  	v9 =	vimm.f32 $0.0e+00;
	v51 =	vadd.f32 v11, v30;
	v63 =	vadd.f32 v18, v30  }
0x6c: {  	v37 =	vadd.f32 v8, v30;
	v17 =	vimm.f32 $0.0e+00;
	v18 =	vimm.f32 $0.0e+00  }
0x6d: {  	s1 =	simm.s32 $0x40;
	v16 =	vimm.f32 $0.0e+00;
	v11 =	vimm.f32 $0.0e+00;
	v8 =	vimm.f32 $0.0e+00  }
.LBB2_4:
0x6e: {  	s0 =	sshra.s32 s1, $0x2;
	v7 =	vmul.f32 v7, v2  }
0x6f: {  	v6 =	vmul.f32 v6, v0;
	v20 =	vadd.f32 v29, v20;
	v29 =	vld [tilespmem:s0+$0xE480];
	v19 =	vadd.f32 v25, v19  }
0x70: {  	s30 =	sadd.s32 $0x80, s30;
	v2 =	vmul.f32 v5, v2;
	v17 =	vadd.f32 v28, v17;
	v15 =	vadd.f32 v27, v15  }
0x71: {  	v1 =	vmul.f32 v22, v1;
	v22 =	vld [tilespmem:s30+$0xFFFFFFE0];
	v14 =	vadd.f32 v26, v14;
	v11 =	vadd.f32 v23, v11  }
0x72: {  	v8 =	vadd.f32 v21, v8;
	v18 =	vadd.f32 v7, v18;
	v5 =	vmul.f32 v6, v0  }
0x73: {  	v0 =	vmul.f32 v24, v0;
	v16 =	vadd.f32 v6, v16;
	v13 =	vadd.f32 v1, v13;
	v24 =	vld [tilespmem:s30+$0xFFFFFFF0]  }
0x74: {  	v10 =	vadd.f32 v2, v10;
	v6 =	vld [tilespmem:s30+$0x0];
	v23 =	vbroadcast v29, $0x0;
	v1 =	vbroadcast v29, $0x1  }
0x75: {  	v12 =	vadd.f32 v0, v12;
	v2 =	vbroadcast v29, $0x2;
	v0 =	vbroadcast v29, $0x3  }
0x76: {  	v9 =	vadd.f32 v5, v9;
	v26 =	vmul.f32 v23, v22;
	v7 =	vmul.f32 v1, v22  }
0x77: {  	v31 =	vadd.f32 v22, v31;
	v5 =	vmul.f32 v2, v22;
	v21 =	vmul.f32 v0, v22  }
0x78: {  	v4 =	vadd.f32 v24, v4;
	v27 =	vmul.f32 v24, v23;
	v28 =	vmul.f32 v24, v2  }
0x79: {  	v44 =	vadd.f32 v6, v44;
	v30 =	vmul.f32 v6, v23;
	v29 =	vmul.f32 v6, v2  }
0x7a: {  	v33 =	vmul.f32 v6, v1;
	v56 =	vadd.f32 v26, v56;
	v57 =	vadd.f32 v7, v57  }
0x7b: {  	v22 =	vmul.f32 v7, v0;
	v60 =	vadd.f32 v21, v60;
	v45 =	vadd.f32 v28, v45  }
0x7c: {  	v25 =	vmul.f32 v26, v0;
	v62 =	vadd.f32 v5, v62;
	v40 =	vadd.f32 v30, v40  }
0x7d: {  	[tilespmem:$0x1FF70] =	vst v31;
	v35 =	vadd.f32 v29, v35;
	v31 =	vmul.f32 v30, v23;
	v50 =	vadd.f32 v27, v50  }
0x7e: {  	v32 =	vmul.f32 v5, v0;
	v21 =	vmul.f32 v21, v0;
	v39 =	vadd.f32 v33, v39  }
0x7f: {  	v34 =	vmul.f32 v27, v1;
	v49 =	vadd.f32 v22, v49;
	v22 =	vmul.f32 v26, v23  }
0x80: {  	v42 =	vadd.f32 v31, v42;
	v55 =	vadd.f32 v25, v55;
	v25 =	vmul.f32 v30, v1  }
0x81: {  	v53 =	vadd.f32 v32, v53;
	v31 =	vmul.f32 v30, v2;
	v32 =	vmul.f32 v26, v2  }
0x82: {  	v54 =	vadd.f32 v21, v54;
	v21 =	vmul.f32 v29, v2;
	v23 =	vmul.f32 v27, v23  }
0x83: {  	v52 =	vadd.f32 v34, v52;
	v59 =	vadd.f32 v22, v59;
	v22 =	vmul.f32 v7, v1  }
0x84: {  	v38 =	vadd.f32 v31, v38;
	v31 =	vmul.f32 v28, v2;
	v41 =	vadd.f32 v25, v41  }
0x85: {  	v25 =	vmul.f32 v33, v2;
	v58 =	vadd.f32 v23, v58;
	v23 =	vmul.f32 v27, v2  }
0x86: {  	v36 =	vadd.f32 v21, v36;
	v21 =	vmul.f32 v33, v0;
	v27 =	vmul.f32 v27, v0  }
0x87: {  	p0 =	sne.s32 s1, $0x7C0;
	v63 =	vadd.f32 v32, v63;
	v28 =	vmul.f32 v28, v0;
	v3 =	vadd.f32 v22, v3  }
.Ltmp5:
0x88: {  	v22 =	vmul.f32 v24, v1;
	v46 =	vadd.f32 v31, v46;
	v24 =	vmul.f32 v24, v0;
	(pc) =	sbr.rel @p0 .LBB2_4-.Ltmp5, $4  }
0x89: {  	v51 =	vadd.f32 v23, v51;
	v47 =	vadd.f32 v27, v47;
	v31 =	vmul.f32 v29, v0  }
0x8a: {  	s31 =	smov.u32 s1;
	v29 =	vmul.f32 v26, v1;
	v43 =	vadd.f32 v28, v43;
	v26 =	vmul.f32 v33, v1  }
0x8b: {  	s31 =	sadd.s32 $0x40, s1;
	v28 =	vmul.f32 v30, v0;
	v23 =	vmul.f32 v22, v2;
	v48 =	vadd.f32 v24, v48  }
0x8c: {  	s1 =	smov.u32 s31;
	v61 =	vadd.f32 v22, v61;
	v27 =	vmul.f32 v22, v0;
	v37 =	vadd.f32 v31, v37;
	v31 =	vld [tilespmem:$0x1FF70]  }
0x8d: {  	[tilespmem:$0x1FCB0] =	vst v63  }
0x8e: {  	[tilespmem:$0x1FCC0] =	vst v3  }
0x8f: {  	[tilespmem:$0x1FCD0] =	vst v4  }
0x90: {  	[tilespmem:$0x1FCE0] =	vst v59  }
0x91: {  	[tilespmem:$0x1FCF0] =	vst v62  }
0x92: {  	[tilespmem:$0x1FD10] =	vst v60;
	v1 =	vmul.f32 v22, v1  }
0x93: {  	[tilespmem:$0x1FD20] =	vst v58;
	v3 =	vadd.f32 v29, v20  }
0x94: {  	[tilespmem:$0x1FE50] =	vst v39;
	v1 =	vadd.f32 v1, v13  }
0x95: {  	[tilespmem:$0x1FEA0] =	vst v3;
	v3 =	vadd.f32 v25, v19;
	v19 =	vld [tilespmem:s29+$0xE480]  }
0x96: {  	v7 =	vmul.f32 v7, v2;
	v2 =	vmul.f32 v5, v2;
	s29 =	simm.s32 $0xC4D0;
	[tilespmem:$0x1FF00] =	vst v1;
	v1 =	vadd.f32 v26, v14  }
0x97: {  	v5 =	vld [tilespmem:s29+$0xFFFFFFE0];
	[tilespmem:$0x1FEB0] =	vst v3;
	v3 =	vadd.f32 v28, v17  }
0x98: {  	v6 =	vmul.f32 v6, v0;
	[tilespmem:$0x1FF10] =	vst v1;
	v1 =	vadd.f32 v2, v10  }
0x99: {  	[tilespmem:$0x1FEC0] =	vst v3;
	v3 =	vadd.f32 v7, v18;
	v7 =	vmul.f32 v24, v0  }
0x9a: {  	v0 =	vmul.f32 v6, v0;
	v17 =	vbroadcast v19, $0x0;
	[tilespmem:$0x1FF20] =	vst v1;
	v1 =	vadd.f32 v23, v11  }
0x9b: {  	v39 =	vimm.f32 $0.0e+00;
	[tilespmem:$0x1FED0] =	vst v3;
	v3 =	vadd.f32 v27, v15;
	v15 =	vld [tilespmem:s29+$0xFFFFFFF0]  }
0x9c: {  	v11 =	vld [tilespmem:s29+$0x0];
	v0 =	vadd.f32 v0, v9;
	v18 =	vmul.f32 v17, v5;
	[tilespmem:$0x1FF30] =	vst v1;
	v1 =	vadd.f32 v7, v12  }
0x9d: {  	[tilespmem:$0x1FEE0] =	vst v3;
	v3 =	vadd.f32 v6, v16;
	v7 =	vbroadcast v19, $0x1;
	v6 =	vbroadcast v19, $0x3  }
0x9e: {  	v13 =	vmul.f32 v18, v17;
	[tilespmem:$0x1FF40] =	vst v1;
	v1 =	vadd.f32 v21, v8;
	v8 =	vbroadcast v19, $0x2  }
0x9f: {  	v29 =	vimm.f32 $0.0e+00;
	[tilespmem:$0x1FF60] =	vst v0;
	v14 =	vmul.f32 v7, v5;
	v0 =	vmul.f32 v6, v5  }
0xa0: {  	[tilespmem:$0x1FE60] =	vst v38;
	v28 =	vimm.f32 $0.0e+00;
	v38 =	vmul.f32 v18, v7;
	v19 =	vmul.f32 v15, v17  }
0xa1: {  	[tilespmem:$0x1FD30] =	vst v57;
	v24 =	vadd.f32 v5, v39;
	v21 =	vmul.f32 v11, v17;
	v26 =	vmul.f32 v11, v7  }
0xa2: {  	[tilespmem:$0x1FD40] =	vst v56;
	v12 =	vadd.f32 v18, v39;
	v31 =	vmul.f32 v15, v7;
	v33 =	vmul.f32 v15, v6  }
0xa3: {  	[tilespmem:$0x1FD80] =	vst v52;
	v52 =	vadd.f32 v11, v39;
	v9 =	vmul.f32 v8, v5;
	v2 =	vmul.f32 v14, v6  }
0xa4: {  	[tilespmem:$0x1FD50] =	vst v55;
	v16 =	vadd.f32 v13, v39;
	v5 =	vmul.f32 v18, v6;
	v20 =	vmul.f32 v15, v8  }
0xa5: {  	[tilespmem:$0x1FF50] =	vst v1;
	v1 =	vadd.f32 v14, v39;
	v22 =	vmul.f32 v11, v8;
	v13 =	vmul.f32 v14, v7  }
0xa6: {  	[tilespmem:$0x1FD60] =	vst v54;
	v62 =	vadd.f32 v0, v39;
	v0 =	vmul.f32 v0, v6;
	v27 =	vmul.f32 v18, v8  }
0xa7: {  	[tilespmem:$0x1FDC0] =	vst v48;
	v18 =	vimm.f32 $0.0e+00;
	v48 =	vadd.f32 v21, v39;
	v23 =	vmul.f32 v21, v17  }
0xa8: {  	[tilespmem:$0x1FDA0] =	vst v50;
	v57 =	vadd.f32 v19, v39;
	v17 =	vmul.f32 v19, v17;
	v34 =	vmul.f32 v26, v8  }
0xa9: {  	[tilespmem:$0x1FE80] =	vst v36;
	v50 =	vadd.f32 v26, v39;
	v30 =	vmul.f32 v26, v6;
	v32 =	vmul.f32 v31, v8  }
0xaa: {  	[tilespmem:$0x1FE90] =	vst v35;
	v55 =	vadd.f32 v33, v39;
	v35 =	vmul.f32 v26, v7;
	v36 =	vmul.f32 v31, v6  }
0xab: {  	[tilespmem:$0x1FE70] =	vst v37;
	v37 =	vmul.f32 v21, v6;
	v4 =	vadd.f32 v2, v39;
	v2 =	vadd.f32 v15, v39  }
0xac: {  	[tilespmem:$0x1FD70] =	vst v53;
	v26 =	vimm.f32 $0.0e+00;
	v56 =	vadd.f32 v20, v39;
	v10 =	vadd.f32 v9, v39  }
0xad: {  	[tilespmem:$0x1FE00] =	vst v44;
	v44 =	vadd.f32 v22, v39;
	v25 =	vmul.f32 v9, v6;
	v5 =	vadd.f32 v5, v39  }
0xae: {  	[tilespmem:$0x1FD00] =	vst v61;
	v13 =	vadd.f32 v13, v39;
	v61 =	vadd.f32 v0, v39;
	v0 =	vmul.f32 v22, v8  }
0xaf: {  	[tilespmem:$0x1FDB0] =	vst v49;
	v15 =	vmul.f32 v19, v6;
	v49 =	vadd.f32 v23, v39;
	v23 =	vmul.f32 v21, v7  }
0xb0: {  	[tilespmem:$0x1FEF0] =	vst v3;
	v58 =	vadd.f32 v17, v39;
	v17 =	vmul.f32 v20, v6;
	v3 =	vadd.f32 v25, v39  }
0xb1: {  	[tilespmem:$0x1FDF0] =	vst v45;
	v25 =	vmul.f32 v21, v8;
	v45 =	vadd.f32 v0, v39;
	v0 =	vmul.f32 v19, v8  }
0xb2: {  	[tilespmem:$0x1FD90] =	vst v51;
	v63 =	vadd.f32 v15, v39;
	v15 =	vmul.f32 v22, v6;
	v21 =	vimm.f32 $0.0e+00  }
0xb3: {  	[tilespmem:$0x1FDD0] =	vst v47;
	v22 =	vimm.f32 $0.0e+00;
	v51 =	vadd.f32 v23, v39;
	v23 =	vmul.f32 v19, v7  }
0xb4: {  	[tilespmem:$0x1FDE0] =	vst v46;
	v19 =	vadd.f32 v27, v39;
	v53 =	vadd.f32 v17, v39;
	v27 =	vimm.f32 $0.0e+00  }
0xb5: {  	[tilespmem:$0x1FE10] =	vst v43;
	v17 =	vimm.f32 $0.0e+00;
	v46 =	vadd.f32 v25, v39;
	v59 =	vadd.f32 v0, v39  }
0xb6: {  	[tilespmem:$0x1FE20] =	vst v42;
	v25 =	vmul.f32 v20, v8;
	v0 =	vadd.f32 v31, v39;
	v47 =	vadd.f32 v15, v39  }
0xb7: {  	[tilespmem:$0x1FE30] =	vst v41;
	v20 =	vimm.f32 $0.0e+00;
	v15 =	vimm.f32 $0.0e+00;
	v60 =	vadd.f32 v23, v39  }
0xb8: {  	[tilespmem:$0x1FE40] =	vst v40;
	s1 =	simm.s32 $0x40;
	v23 =	vimm.f32 $0.0e+00;
	v54 =	vadd.f32 v25, v39;
	v25 =	vimm.f32 $0.0e+00  }
.LBB2_6:
0xb9: {  	s0 =	sshra.s32 s1, $0x2  }
0xba: {  	v14 =	vmul.f32 v14, v8;
	v39 =	vadd.f32 v38, v39;
	v43 =	vld [tilespmem:s0+$0xE480];
	v28 =	vadd.f32 v34, v28  }
0xbb: {  	v11 =	vmul.f32 v11, v6;
	s29 =	sadd.s32 $0x80, s29;
	v29 =	vadd.f32 v37, v29;
	v27 =	vadd.f32 v36, v27  }
0xbc: {  	v7 =	vmul.f32 v31, v7;
	v31 =	vld [tilespmem:s29+$0xFFFFFFE0];
	v21 =	vadd.f32 v35, v21;
	v17 =	vadd.f32 v32, v17  }
0xbd: {  	v8 =	vmul.f32 v9, v8;
	v20 =	vadd.f32 v30, v20;
	v26 =	vadd.f32 v14, v26  }
0xbe: {  	v9 =	vmul.f32 v11, v6;
	v6 =	vmul.f32 v33, v6;
	v23 =	vadd.f32 v11, v23;
	v33 =	vld [tilespmem:s29+$0xFFFFFFF0]  }
0xbf: {  	v25 =	vadd.f32 v7, v25;
	v22 =	vadd.f32 v8, v22;
	v11 =	vld [tilespmem:s29+$0x0];
	v32 =	vbroadcast v43, $0x0  }
0xc0: {  	v18 =	vadd.f32 v6, v18;
	v7 =	vbroadcast v43, $0x1;
	v8 =	vbroadcast v43, $0x2  }
0xc1: {  	v15 =	vadd.f32 v9, v15;
	v6 =	vbroadcast v43, $0x3;
	v35 =	vmul.f32 v32, v31  }
0xc2: {  	v24 =	vadd.f32 v31, v24;
	v14 =	vmul.f32 v7, v31;
	v9 =	vmul.f32 v8, v31  }
0xc3: {  	v2 =	vadd.f32 v33, v2;
	v30 =	vmul.f32 v6, v31;
	v36 =	vmul.f32 v33, v32  }
0xc4: {  	v52 =	vadd.f32 v11, v52;
	v37 =	vmul.f32 v33, v8;
	v38 =	vmul.f32 v11, v8  }
0xc5: {  	[tilespmem:$0x1FCA0] =	vst v24;
	v42 =	vmul.f32 v11, v7;
	v24 =	vadd.f32 v35, v12;
	v12 =	vadd.f32 v14, v1  }
0xc6: {  	v31 =	vmul.f32 v14, v6;
	v62 =	vadd.f32 v30, v62;
	v56 =	vadd.f32 v37, v56  }
0xc7: {  	v34 =	vmul.f32 v35, v6;
	v10 =	vadd.f32 v9, v10;
	v44 =	vadd.f32 v38, v44  }
0xc8: {  	v1 =	vmovc v2;
	v57 =	vadd.f32 v36, v57;
	v41 =	vmul.f32 v9, v6;
	v30 =	vmul.f32 v30, v6  }
0xc9: {  	v50 =	vadd.f32 v42, v50;
	v43 =	vmul.f32 v36, v7;
	v2 =	vmovc v39;
	v39 =	vmul.f32 v11, v32  }
0xca: {  	v4 =	vadd.f32 v31, v4;
	v31 =	vmul.f32 v35, v32;
	v5 =	vadd.f32 v34, v5  }
0xcb: {  	v3 =	vadd.f32 v41, v3;
	v41 =	vmul.f32 v35, v8;
	v61 =	vadd.f32 v30, v61  }
0xcc: {  	v30 =	vmul.f32 v38, v8;
	v60 =	vadd.f32 v43, v60;
	v40 =	vmul.f32 v39, v32  }
0xcd: {  	v48 =	vadd.f32 v39, v48;
	v34 =	vmul.f32 v39, v7;
	v32 =	vmul.f32 v36, v32  }
0xce: {  	v16 =	vadd.f32 v31, v16;
	v31 =	vmul.f32 v14, v7;
	v45 =	vadd.f32 v30, v45  }
0xcf: {  	v30 =	vmul.f32 v42, v6;
	v19 =	vadd.f32 v41, v19;
	v49 =	vadd.f32 v40, v49  }
0xd0: {  	v40 =	vmul.f32 v39, v8;
	v51 =	vadd.f32 v34, v51;
	v34 =	vmul.f32 v42, v8  }
0xd1: {  	v58 =	vadd.f32 v32, v58;
	v32 =	vmul.f32 v36, v8;
	v36 =	vmul.f32 v36, v6  }
0xd2: {  	v13 =	vadd.f32 v31, v13;
	v31 =	vmul.f32 v33, v7;
	v33 =	vmul.f32 v33, v6  }
0xd3: {  	p0 =	sne.s32 s1, $0x7C0;
	v46 =	vadd.f32 v40, v46;
	v40 =	vmul.f32 v37, v8;
	v59 =	vadd.f32 v32, v59  }
.Ltmp6:
0xd4: {  	v37 =	vmul.f32 v37, v6;
	v63 =	vadd.f32 v36, v63;
	v32 =	vmul.f32 v31, v8;
	(pc) =	sbr.rel @p0 .LBB2_6-.Ltmp6, $4  }
0xd5: {  	v55 =	vadd.f32 v33, v55;
	v0 =	vadd.f32 v31, v0;
	v36 =	vmul.f32 v31, v6  }
0xd6: {  	s30 =	smov.u32 s1;
	v54 =	vadd.f32 v40, v54;
	v40 =	vmul.f32 v38, v6;
	v38 =	vmul.f32 v35, v7  }
0xd7: {  	s30 =	sadd.s32 $0x40, s1;
	v53 =	vadd.f32 v37, v53;
	v35 =	vmul.f32 v42, v7;
	v37 =	vmul.f32 v39, v6  }
0xd8: {  	s1 =	smov.u32 s30;
	v39 =	vmovc v2;
	v2 =	vmovc v1;
	v1 =	vmov v12;
	v12 =	vmov v24;
	v24 =	vld [tilespmem:$0x1FCA0];
	v47 =	vadd.f32 v40, v47  }
0xd9: {  	[tilespmem:$0x1FAB0] =	vst v3  }
0xda: {  	[tilespmem:$0x1FAC0] =	vst v4  }
0xdb: {  	[tilespmem:$0x1FAD0] =	vst v60  }
0xdc: {  	[tilespmem:$0x1FAE0] =	vst v58  }
0xdd: {  	[tilespmem:$0x1FAF0] =	vst v59;
	v3 =	vadd.f32 v38, v39  }
0xde: {  	[tilespmem:$0x1FB00] =	vst v57;
	v4 =	vadd.f32 v34, v28  }
0xdf: {  	s0 =	simm.s32 $0x0;
	[tilespmem:$0x1FBF0] =	vst v3  }
0xe0: {  	v11 =	vmul.f32 v11, v6;
	v3 =	vmul.f32 v14, v8;
	[tilespmem:$0x1FC00] =	vst v4;
	v4 =	vadd.f32 v37, v29;
	v14 =	vld [tilespmem:s0+$0xE480]  }
0xe1: {  	[tilespmem:$0x1FBE0] =	vst v44;
	v7 =	vmul.f32 v31, v7;
	v60 =	vadd.f32 v30, v20;
	v44 =	vimm.f32 $0.0e+00  }
0xe2: {  	s29 =	simm.s32 $0xC4F0;
	v43 =	vimm.f32 $0.0e+00;
	v42 =	vimm.f32 $0.0e+00;
	[tilespmem:$0x1FC10] =	vst v4;
	v4 =	vadd.f32 v11, v23  }
0xe3: {  	[tilespmem:$0x1FB10] =	vst v55;
	v41 =	vimm.f32 $0.0e+00;
	v40 =	vimm.f32 $0.0e+00;
	v28 =	vld [tilespmem:s29+$0xFFFFFFF0];
	v3 =	vadd.f32 v3, v26  }
0xe4: {  	v39 =	vimm.f32 $0.0e+00;
	v38 =	vimm.f32 $0.0e+00;
	[tilespmem:$0x1FC40] =	vst v4;
	v4 =	vadd.f32 v7, v25  }
0xe5: {  	v8 =	vmul.f32 v9, v8;
	[tilespmem:$0x1FC20] =	vst v3;
	v3 =	vadd.f32 v36, v27;
	v27 =	vld [tilespmem:s29+$0x0];
	v7 =	vbroadcast v14, $0x0  }
0xe6: {  	v34 =	vbroadcast v14, $0x1;
	v26 =	vbroadcast v14, $0x3;
	[tilespmem:$0x1FC50] =	vst v4;
	v4 =	vadd.f32 v35, v21  }
0xe7: {  	v36 =	vimm.f32 $0.0e+00;
	[tilespmem:$0x1FC30] =	vst v3;
	v3 =	vmul.f32 v33, v6;
	v6 =	vmul.f32 v11, v6  }
0xe8: {  	v37 =	vmul.f32 v7, v28;
	v33 =	vmul.f32 v26, v28;
	[tilespmem:$0x1FC60] =	vst v4;
	v4 =	vadd.f32 v8, v22  }
0xe9: {  	[tilespmem:$0x1FB20] =	vst v63;
	v58 =	vadd.f32 v6, v15;
	v8 =	vbroadcast v14, $0x2;
	v6 =	vmul.f32 v34, v28  }
0xea: {  	[tilespmem:$0x1FB90] =	vst v49;
	v3 =	vadd.f32 v3, v18;
	v29 =	vmul.f32 v27, v34;
	v35 =	vmul.f32 v27, v7  }
0xeb: {  	[tilespmem:$0x1FBD0] =	vst v45;
	v14 =	vadd.f32 v27, v36;
	v11 =	vmul.f32 v37, v7;
	v49 =	vmul.f32 v37, v34  }
0xec: {  	v21 =	vadd.f32 v37, v36;
	[tilespmem:$0x1FC90] =	vst v3;
	v18 =	vmul.f32 v8, v28;
	v3 =	vmul.f32 v6, v26  }
0xed: {  	[tilespmem:$0x1FC70] =	vst v4;
	v4 =	vadd.f32 v32, v17;
	v45 =	vmul.f32 v27, v8;
	v22 =	vmul.f32 v6, v34  }
0xee: {  	[tilespmem:$0x1FBA0] =	vst v48;
	v20 =	vadd.f32 v6, v36;
	v17 =	vmul.f32 v37, v8;
	v48 =	vmul.f32 v6, v8  }
0xef: {  	[tilespmem:$0x1FB30] =	vst v56;
	v32 =	vimm.f32 $0.0e+00;
	v63 =	vadd.f32 v29, v36;
	v25 =	vmul.f32 v35, v7  }
0xf0: {  	[tilespmem:$0x1FBB0] =	vst v47;
	v23 =	vadd.f32 v11, v36;
	v47 =	vmul.f32 v29, v34;
	v30 =	vmul.f32 v35, v8  }
0xf1: {  	[tilespmem:$0x1FB80] =	vst v50;
	v31 =	vmul.f32 v29, v26;
	v50 =	vmul.f32 v29, v8;
	v15 =	vadd.f32 v18, v36  }
0xf2: {  	[tilespmem:$0x1FB40] =	vst v54;
	v29 =	vimm.f32 $0.0e+00;
	v9 =	vadd.f32 v3, v36;
	v3 =	vadd.f32 v35, v36  }
0xf3: {  	[tilespmem:$0x1FB50] =	vst v53;
	v11 =	vmul.f32 v18, v26;
	v17 =	vadd.f32 v17, v36;
	v7 =	vadd.f32 v45, v36  }
0xf4: {  	[tilespmem:$0x1FBC0] =	vst v46;
	v46 =	vmul.f32 v45, v8;
	v22 =	vadd.f32 v22, v36;
	v6 =	vadd.f32 v25, v36  }
0xf5: {  	[tilespmem:$0x1FB60] =	vst v52;
	v18 =	vmul.f32 v18, v8;
	v25 =	vadd.f32 v28, v36;
	v8 =	vadd.f32 v30, v36  }
0xf6: {  	[tilespmem:$0x1FB70] =	vst v51;
	v56 =	vadd.f32 v31, v36;
	v30 =	vimm.f32 $0.0e+00;
	v31 =	vimm.f32 $0.0e+00  }
0xf7: {  	s30 =	simm.s32 $0x40;
	[tilespmem:$0x1FC80] =	vst v4;
	v28 =	vimm.f32 $0.0e+00;
	v11 =	vadd.f32 v11, v36;
	v18 =	vadd.f32 v18, v36  }
.LBB2_8:
0xf8: {  	s1 =	smov.u32 s30  }
0xf9: {  	s0 =	sshra.s32 s30, $0x2;
	v27 =	vmul.f32 v27, v26;
	v51 =	vmul.f32 v35, v34;
	v36 =	vadd.f32 v50, v36;
	s29 =	sadd.s32 $0x80, s29;
	s1 =	sadd.s32 $0x40, s30  }
0xfa: {  	p0 =	sne.s32 s30, $0x7C0;
	v30 =	vadd.f32 v33, v30;
	v44 =	vadd.f32 v48, v44;
	v34 =	vmul.f32 v35, v26;
	v50 =	vld [tilespmem:s0+$0xE480]  }
0xfb: {  	v35 =	vmul.f32 v37, v26;
	v37 =	vmul.f32 v45, v26;
	v43 =	vadd.f32 v49, v43  }
0xfc: {  	v42 =	vadd.f32 v46, v42;
	v29 =	vadd.f32 v27, v29;
	v45 =	vmul.f32 v27, v26;
	v49 =	vld [tilespmem:s29+$0xFFFFFFF0]  }
0xfd: {  	v41 =	vadd.f32 v47, v41;
	v40 =	vadd.f32 v37, v40;
	v27 =	vld [tilespmem:s29+$0x0]  }
0xfe: {  	v33 =	vmul.f32 v33, v26;
	v39 =	vadd.f32 v35, v39;
	v38 =	vadd.f32 v34, v38  }
0xff: {  	v32 =	vadd.f32 v51, v32;
	v46 =	vbroadcast v50, $0x0;
	v34 =	vbroadcast v50, $0x1  }
0x100: {  	v31 =	vadd.f32 v33, v31;
	v51 =	vbroadcast v50, $0x2;
	v26 =	vbroadcast v50, $0x3  }
0x101: {  	v28 =	vadd.f32 v45, v28;
	v37 =	vmul.f32 v46, v49;
	v33 =	vmul.f32 v34, v49  }
0x102: {  	v47 =	vmul.f32 v51, v49;
	v50 =	vmul.f32 v27, v34;
	v14 =	vadd.f32 v27, v14  }
0x103: {  	v35 =	vmul.f32 v27, v46;
	v21 =	vadd.f32 v37, v21;
	v48 =	vmul.f32 v33, v26  }
0x104: {  	v45 =	vmul.f32 v27, v51;
	v20 =	vadd.f32 v33, v20;
	v15 =	vadd.f32 v47, v15  }
0x105: {  	v52 =	vmul.f32 v37, v46;
	v63 =	vadd.f32 v50, v63;
	v9 =	vadd.f32 v48, v9  }
0x106: {  	v53 =	vmul.f32 v33, v34;
	v3 =	vadd.f32 v35, v3;
	v48 =	vmul.f32 v37, v51  }
0x107: {  	v46 =	vmul.f32 v35, v46;
	v23 =	vadd.f32 v52, v23;
	v52 =	vmul.f32 v47, v26  }
0x108: {  	v7 =	vadd.f32 v45, v7;
	v17 =	vadd.f32 v48, v17;
	v48 =	vmul.f32 v33, v51  }
.Ltmp7:
0x109: {  	v6 =	vadd.f32 v46, v6;
	v46 =	vmul.f32 v45, v51;
	v11 =	vadd.f32 v52, v11;
	(pc) =	sbr.rel @p0 .LBB2_8-.Ltmp7, $4  }
0x10a: {  	v22 =	vadd.f32 v53, v22;
	v52 =	vmul.f32 v47, v51;
	v47 =	vmul.f32 v50, v34  }
0x10b: {  	v25 =	vadd.f32 v49, v25;
	v54 =	vmul.f32 v50, v26;
	v53 =	vmul.f32 v35, v51  }
0x10c: {  	v33 =	vmul.f32 v26, v49;
	v50 =	vmul.f32 v50, v51;
	v18 =	vadd.f32 v52, v18  }
0x10d: {  	s30 =	smov.u32 s1;
	v56 =	vadd.f32 v54, v56;
	v49 =	vmul.f32 v37, v34;
	v8 =	vadd.f32 v53, v8  }
0x10e: {  	v51 =	vld [tilespmem:$0x1FF70];
	_ =	sdelay $0x4  }
0x10f: {  	v51 =	vadd.f32 $9.999999740e-05, v51;
	_ =	sdelay $0x1  }
0x110: {  	(erf) = vrcp.f32 v51;
	_ =	sdelay $0x1  }
0x111: {  	v4 =	vld [tilespmem:$0x1FCD0];
	_ =	sdelay $0x2  }
0x112: {  	v53 =	vld [tilespmem:$0x1FD10];
	_ =	sdelay $0x1  }
0x113: {  	v54 =	vadd.f32 v50, v36;
	v50 =	vld [tilespmem:$0x1FD30];
	v59 =	vadd.f32 $9.999999740e-05, v4  }
0x114: {  	v55 =	vadd.f32 v48, v44;
	v57 =	vadd.f32 v49, v43;
	v49 =	vld [tilespmem:$0x1FD40]  }
0x115: {  	(erf) = vrcp.f32 v59;
	v59 =	vmul.f32 v45, v26;
	v45 =	vld [tilespmem:$0x1FEA0];
	v43 =	vpop (erf)  }
0x116: {  	v36 =	vmul.f32 v37, v26;
	v48 =	vadd.f32 v46, v42;
	[tilespmem:$0x1FA40] =	vst v55;
	v55 =	vmul.f32 v53, v43;
	v53 =	vld [tilespmem:$0x1FCC0]  }
0x117: {  	v52 =	vld [tilespmem:$0x1FCF0];
	[tilespmem:$0x1FA70] =	vst v54  }
0x118: {  	[tilespmem:$0x1FA80] =	vst v48;
	v44 =	vadd.f32 v36, v39  }
0x119: {  	[tilespmem:$0x1FA30] =	vst v57;
	v57 =	vld [tilespmem:$0x1FCE0];
	v54 =	vadd.f32 v59, v40;
	v59 =	vmul.f32 v35, v26;
	v48 =	vmul.f32 v43, v50  }
0x11a: {  	v42 =	vld [tilespmem:$0x1FCB0];
	[tilespmem:$0x1FA50] =	vst v44;
	v51 =	vadd.f32 v47, v41;
	v46 =	vmul.f32 v43, v49;
	v47 =	vmul.f32 v45, v43  }
0x11b: {  	[tilespmem:$0x1FAA0] =	vst v54;
	v45 =	vld [tilespmem:$0x1FED0];
	v44 =	vmul.f32 v48, v48;
	v54 =	vmul.f32 v53, v43  }
0x11c: {  	[tilespmem:$0x1FA60] =	vst v51;
	v51 =	vmul.f32 v52, v43  }
0x11d: {  	v52 =	vadd.f32 v59, v38;
	v59 =	vmul.f32 v46, v48;
	v53 =	vsub.f32 v54, v44;
	v54 =	vld [tilespmem:$0x1FF20]  }
0x11e: {  	v37 =	vmul.f32 v57, v43;
	v38 =	vld [tilespmem:$0x1FD50]  }
0x11f: {  	v41 =	vld [tilespmem:$0x1FDB0];
	v4 =	vmul.f32 v42, v43;
	v57 =	vsub.f32 v47, v59;
	v47 =	vmul.f32 v51, v46  }
0x120: {  	v49 =	vld [tilespmem:$0x1FDA0];
	[tilespmem:$0x1FA90] =	vst v52;
	v52 =	vmul.f32 v51, v48;
	v40 =	vmul.f32 v45, v43  }
0x121: {  	v50 =	vmul.f32 v46, v46;
	v45 =	vld [tilespmem:$0x1FD70];
	v44 =	vsub.f32 v4, v47  }
0x122: {  	v40 =	vsub.f32 v40, v52;
	v47 =	vld [tilespmem:$0x1FD60];
	[tilespmem:$0x1F970] =	vst v53;
	v53 =	vmul.f32 v51, v51;
	v59 =	vmul.f32 v54, v43  }
0x123: {  	v4 =	vmul.f32 v38, v43;
	v54 =	vmul.f32 v55, v46  }
0x124: {  	[tilespmem:$0x1F980] =	vst v40;
	v40 =	vmul.f32 v41, v43;
	v41 =	vld [tilespmem:$0x1FD20];
	v42 =	vsub.f32 v59, v53;
	v59 =	vmul.f32 v55, v48  }
0x125: {  	v34 =	vmul.f32 v35, v34;
	v4 =	vsub.f32 v4, v54  }
0x126: {  	s0 =	sadd.s32 $0x2, s28;
	v36 =	vpop (erf);
	v50 =	vsub.f32 v37, v50;
	v53 =	vmul.f32 v45, v43;
	v52 =	vsub.f32 v40, v59  }
0x127: {  	p0 =	sge.u32 s0, s8;
	v37 =	vld [tilespmem:$0x1FD00];
	v43 =	vmul.f32 v47, v43;
	v54 =	vmul.f32 v36, v49;
	v47 =	vlaneseq.u32;
	[tilespmem:$0x1F9A0] =	vst v4  }
0x128: {  	s0 =	sadd.s32 @!p0 s6, s0;
	v39 =	vld [tilespmem:$0x1FD80];
	v59 =	vmul.f32 v55, v51;
	v4 =	vmul.u32 $0xA, v47;
	[tilespmem:$0x1F9B0] =	vst v52;
	v52 =	vmul.f32 v55, v55  }
0x129: {  	s0 =	sshll.u32 @!p0 s0, $0x7;
	[tilespmem:$0x1F990] =	vst v42;
	v42 =	vmul.f32 v41, v36;
	v49 =	vmul.f32 v54, v54;
	v40 =	vld [tilespmem:$0x1FF00]  }
0x12a: {  	s0 =	sshra.s32 @!p0 s0, $0x2;
	v41 =	vld [tilespmem:$0x1FD90];
	v52 =	vsub.f32 v43, v52;
	v43 =	vor.u32 $0x1, v4  }
0x12b: {  	[tilespmem:$0x1FA20] =	vst v34;
	s1 =	simm.s32 @!p0 $0x20;
	s29 =	simm.s32 @!p0 $0xC480;
	s0 =	sadd.s32 @!p0 $0x9C80, s0;
	v38 =	vld [tilespmem:$0x1FDF0];
	v59 =	vsub.f32 v53, v59;
	v53 =	vsub.f32 v42, v49  }
0x12c: {  	[tilespmem:s29], [sflag:$0x1] =	stream.indirect.gather @!p0 [hbm4b:s2+s1], $0x80, s0, s1, $0xb8;
	v49 =	vmul.f32 v36, v37;
	v42 =	vld [tilespmem:$0x1FE00]  }
0x12d: {  	[tilespmem:$0x1F9D0] =	vst v53;
	v53 =	vmul.f32 v39, v36  }
0x12e: {  	v34 =	vmul.f32 v54, v49;
	v35 =	vmul.f32 v49, v49;
	[tilespmem:v4+s20+$0x0] =	vst.idx.msk $0xffff, v50  }
0x12f: {  	v45 =	vadd.s32 $0x2, v4;
	v39 =	vmul.f32 v40, v36;
	v40 =	vmul.f32 v41, v36;
	[tilespmem:v43+s20+$0x0] =	vst.idx.msk $0xffff, v57;
	v43 =	vld [tilespmem:$0x1F970]  }
0x130: {  	v41 =	vadd.s32 $0x3, v4;
	[tilespmem:$0x1F9C0] =	vst v52;
	v52 =	vmul.f32 v38, v36;
	v34 =	vsub.f32 v53, v34  }
0x131: {  	v38 =	vadd.f32 $9.999999740e-05, v42;
	v42 =	vadd.s32 $0x4, v4;
	v53 =	vsub.f32 v39, v35;
	v39 =	vld [tilespmem:$0x1F980];
	_ =	sdelay $0x2  }
0x132: {  	[tilespmem:v45+s20+$0x0] =	vst.idx.msk $0xffff, v43  }
0x133: {  	v50 =	vadd.s32 $0x5, v4;
	v35 =	vmul.u32 $0x4, v47;
	v47 =	vld [tilespmem:$0x1F990];
	v37 =	vmul.f32 v52, v54;
	[tilespmem:v41+s20+$0x0] =	vst.idx.msk $0xffff, v44  }
0x134: {  	(erf) = vrcp.f32 v38;
	v38 =	vadd.s32 $0x6, v4;
	[tilespmem:v42+s20+$0x0] =	vst.idx.msk $0xffff, v39;
	v39 =	vld [tilespmem:$0x1F9A0]  }
0x135: {  	v57 =	vsub.f32 v40, v37;
	_ =	sdelay $0x1  }
0x136: {  	v37 =	vld [tilespmem:$0x1FDC0];
	[tilespmem:$0x1FA00] =	vst v57  }
0x137: {  	v57 =	vld [tilespmem:$0x1FDD0];
	[tilespmem:v50+s20+$0x0] =	vst.idx.msk $0xffff, v47  }
0x138: {  	v40 =	vadd.s32 $0x7, v4;
	[tilespmem:v38+s20+$0x0] =	vst.idx.msk $0xffff, v39;
	v38 =	vld [tilespmem:$0x1F9B0]  }
0x139: {  	v43 =	vld [tilespmem:$0x1FF30];
	v44 =	vadd.s32 $0x8, v4  }
0x13a: {  	v45 =	vld [tilespmem:$0x1FDE0]  }
0x13b: {  	v41 =	vmul.f32 v37, v36;
	v37 =	vld [tilespmem:$0x1FEE0]  }
0x13c: {  	[tilespmem:$0x1F9F0] =	vst v53  }
0x13d: {  	[tilespmem:v40+s20+$0x0] =	vst.idx.msk $0xffff, v38  }
0x13e: {  	v53 =	vadd.s32 $0x9, v4;
	[tilespmem:v44+s20+$0x0] =	vst.idx.msk $0xffff, v59;
	v44 =	vld [tilespmem:$0x1F9C0]  }
0x13f: {  	v50 =	vmul.f32 v57, v36;
	v42 =	vmul.f32 v43, v36;
	v43 =	vor.u32 $0x500, v35  }
0x140: {  	v45 =	vmul.f32 v45, v36;
	v57 =	vmul.f32 v37, v36  }
0x141: {  	v37 =	vmul.f32 v52, v52;
	v38 =	vmul.f32 v41, v54  }
0x142: {  	[tilespmem:$0x1F9E0] =	vst v34;
	v34 =	vmul.f32 v52, v49  }
0x143: {  	v47 =	vor.u32 $0x501, v35;
	v37 =	vsub.f32 v45, v37;
	v45 =	vsub.f32 v50, v38;
	v50 =	vld [tilespmem:$0x1FF40];
	[tilespmem:v53+s20+$0x0] =	vst.idx.msk $0xffff, v44  }
0x144: {  	v40 =	vor.u32 $0x502, v35;
	[tilespmem:v43+s20+$0x0] =	vst.idx.msk $0xffff, v46;
	v46 =	vld [tilespmem:$0x1FE10]  }
0x145: {  	v59 =	vsub.f32 v42, v34;
	v42 =	vor.u32 $0x503, v35  }
0x146: {  	v39 =	vmul.f32 v41, v49  }
0x147: {  	v53 =	vld [tilespmem:$0x1FE40]  }
0x148: {  	v39 =	vsub.f32 v57, v39;
	v38 =	vmul.f32 v41, v41;
	[tilespmem:v47+s20+$0x0] =	vst.idx.msk $0xffff, v48  }
0x149: {  	v57 =	vld [tilespmem:$0x1FE20];
	[tilespmem:v40+s20+$0x0] =	vst.idx.msk $0xffff, v51;
	v43 =	vmul.f32 v46, v36;
	v36 =	vmul.f32 v50, v36  }
0x14a: {  	v44 =	vadd.s32 $0xA0, v4;
	[tilespmem:v42+s20+$0x0] =	vst.idx.msk $0xffff, v55;
	v55 =	vld [tilespmem:$0x1F9D0]  }
0x14b: {  	[tilespmem:$0x1FA10] =	vst v45;
	v45 =	vadd.s32 $0xA1, v4;
	v46 =	vpop (erf);
	v38 =	vsub.f32 v36, v38;
	v36 =	vld [tilespmem:$0x1F9E0]  }
0x14c: {  	v47 =	vmul.f32 v46, v53;
	_ =	sdelay $0x1  }
0x14d: {  	v48 =	vmul.f32 v57, v46;
	v57 =	vmul.f32 v47, v47  }
0x14e: {  	[tilespmem:v44+s20+$0x0] =	vst.idx.msk $0xffff, v55  }
0x14f: {  	v50 =	vadd.s32 $0xA2, v4;
	[tilespmem:v45+s20+$0x0] =	vst.idx.msk $0xffff, v36;
	v45 =	vsub.f32 v48, v57;
	v48 =	vld [tilespmem:$0x1F9F0]  }
0x150: {  	v40 =	vadd.s32 $0xA3, v4;
	v55 =	vld [tilespmem:$0x1FA00]  }
0x151: {  	v42 =	vadd.s32 $0xA4, v4  }
0x152: {  	v51 =	vmul.f32 v41, v52;
	v44 =	vadd.s32 $0xA5, v4  }
0x153: {  	v53 =	vld [tilespmem:$0x1FE90]  }
0x154: {  	v43 =	vsub.f32 v43, v51;
	v51 =	vld [tilespmem:$0x1FE50];
	[tilespmem:v50+s20+$0x0] =	vst.idx.msk $0xffff, v48  }
0x155: {  	v57 =	vld [tilespmem:$0x1FE30];
	[tilespmem:v40+s20+$0x0] =	vst.idx.msk $0xffff, v55  }
0x156: {  	v36 =	vld [tilespmem:$0x1FF10];
	[tilespmem:v42+s20+$0x0] =	vst.idx.msk $0xffff, v59  }
0x157: {  	[tilespmem:v44+s20+$0x0] =	vst.idx.msk $0xffff, v37;
	v44 =	vld [tilespmem:$0x1FE60]  }
0x158: {  	v34 =	vadd.s32 $0xA6, v4;
	v55 =	vld [tilespmem:$0x1FA10]  }
0x159: {  	v48 =	vmul.f32 v46, v51;
	v51 =	vadd.s32 $0xA7, v4  }
0x15a: {  	v40 =	vmul.f32 v57, v46;
	v57 =	vadd.s32 $0xA8, v4  }
0x15b: {  	v50 =	vmul.f32 v53, v46;
	v53 =	vmul.f32 v36, v46;
	v36 =	vadd.s32 $0xA9, v4  }
0x15c: {  	v37 =	vmul.f32 v44, v46;
	v44 =	vor.u32 $0x540, v35  }
0x15d: {  	[tilespmem:v34+s20+$0x0] =	vst.idx.msk $0xffff, v55  }
0x15e: {  	v42 =	vmul.f32 v47, v48;
	[tilespmem:v51+s20+$0x0] =	vst.idx.msk $0xffff, v39  }
0x15f: {  	v24 =	vadd.f32 $9.999999740e-05, v24;
	v55 =	vld [tilespmem:$0x1FEF0];
	[tilespmem:v57+s20+$0x0] =	vst.idx.msk $0xffff, v43  }
0x160: {  	v59 =	vmul.f32 v48, v48;
	v34 =	vsub.f32 v40, v42;
	v42 =	vor.u32 $0x541, v35;
	v57 =	vld [tilespmem:$0x1FEB0];
	[tilespmem:v36+s20+$0x0] =	vst.idx.msk $0xffff, v38  }
0x161: {  	(erf) = vrcp.f32 v24;
	v39 =	vor.u32 $0x542, v35;
	[tilespmem:v44+s20+$0x0] =	vst.idx.msk $0xffff, v54;
	v54 =	vld [tilespmem:$0x1FEC0]  }
0x162: {  	v24 =	vmul.f32 v50, v47;
	v40 =	vsub.f32 v53, v59;
	v59 =	vld [tilespmem:$0x1FE80];
	v53 =	vor.u32 $0x543, v35;
	_ =	sdelay $0x1  }
0x163: {  	v24 =	vsub.f32 v37, v24;
	v37 =	vmul.f32 v55, v46  }
0x164: {  	v38 =	vmul.f32 v50, v48;
	v43 =	vmul.f32 v57, v46;
	[tilespmem:v42+s20+$0x0] =	vst.idx.msk $0xffff, v49  }
0x165: {  	v36 =	vadd.s32 $0x140, v4;
	v55 =	vmul.f32 v37, v47;
	[tilespmem:v39+s20+$0x0] =	vst.idx.msk $0xffff, v52;
	v52 =	vld [tilespmem:$0x1FF50];
	v44 =	vmul.f32 v54, v46  }
0x166: {  	v51 =	vmul.f32 v59, v46;
	v57 =	vmul.f32 v50, v50;
	[tilespmem:v53+s20+$0x0] =	vst.idx.msk $0xffff, v41;
	v53 =	vld [tilespmem:$0x1FE70];
	v54 =	vadd.s32 $0x141, v4  }
0x167: {  	v38 =	vsub.f32 v43, v38;
	v43 =	vadd.s32 $0x142, v4;
	v39 =	vsub.f32 v44, v55;
	v55 =	vld [tilespmem:$0x1FF60]  }
0x168: {  	v49 =	vadd.s32 $0x143, v4  }
0x169: {  	v42 =	vsub.f32 v51, v57;
	v51 =	vadd.s32 $0x144, v4  }
0x16a: {  	v59 =	vmul.f32 v37, v50;
	[tilespmem:v36+s20+$0x0] =	vst.idx.msk $0xffff, v45;
	v36 =	vadd.s32 $0x145, v4  }
0x16b: {  	v44 =	vmul.f32 v52, v46;
	v41 =	vmul.f32 v53, v46;
	[tilespmem:v54+s20+$0x0] =	vst.idx.msk $0xffff, v34;
	v34 =	vadd.s32 $0x146, v4  }
0x16c: {  	[tilespmem:v43+s20+$0x0] =	vst.idx.msk $0xffff, v40;
	v40 =	vadd.s32 $0x147, v4;
	v43 =	vmul.f32 v37, v37;
	v46 =	vmul.f32 v55, v46  }
0x16d: {  	v57 =	vmul.f32 v37, v48;
	v41 =	vsub.f32 v41, v59;
	v59 =	vadd.s32 $0x148, v4;
	[tilespmem:v49+s20+$0x0] =	vst.idx.msk $0xffff, v24  }
0x16e: {  	v52 =	vpop (erf);
	[tilespmem:v51+s20+$0x0] =	vst.idx.msk $0xffff, v38;
	v38 =	vsub.f32 v46, v43;
	v43 =	vadd.s32 $0x149, v4  }
0x16f: {  	v57 =	vsub.f32 v44, v57;
	[tilespmem:v36+s20+$0x0] =	vst.idx.msk $0xffff, v42;
	v36 =	vmul.f32 v52, v1;
	v1 =	vor.u32 $0x580, v35  }
0x170: {  	v2 =	vadd.f32 $9.999999740e-05, v2;
	v49 =	vld [tilespmem:$0x1FBF0];
	v51 =	vor.u32 $0x581, v35;
	[tilespmem:v34+s20+$0x0] =	vst.idx.msk $0xffff, v39  }
0x171: {  	v53 =	vor.u32 $0x582, v35;
	[tilespmem:v40+s20+$0x0] =	vst.idx.msk $0xffff, v57  }
0x172: {  	(erf) = vrcp.f32 v2;
	v12 =	vmul.f32 v52, v12;
	[tilespmem:v59+s20+$0x0] =	vst.idx.msk $0xffff, v41  }
0x173: {  	v16 =	vmul.f32 v16, v52;
	v10 =	vmul.f32 v10, v52;
	[tilespmem:v43+s20+$0x0] =	vst.idx.msk $0xffff, v38  }
0x174: {  	v13 =	vmul.f32 v13, v52;
	v54 =	vmul.f32 v12, v12;
	[tilespmem:v1+s20+$0x0] =	vst.idx.msk $0xffff, v47  }
0x175: {  	v19 =	vmul.f32 v19, v52;
	v55 =	vor.u32 $0x583, v35;
	v34 =	vmul.f32 v49, v52;
	v49 =	vld [tilespmem:$0x1FC20];
	[tilespmem:v51+s20+$0x0] =	vst.idx.msk $0xffff, v48  }
0x176: {  	v2 =	vmul.f32 v62, v52;
	v16 =	vsub.f32 v16, v54;
	v46 =	vadd.s32 $0x1E0, v4;
	[tilespmem:v53+s20+$0x0] =	vst.idx.msk $0xffff, v50;
	v53 =	vld [tilespmem:$0x1FAC0]  }
0x177: {  	v54 =	vmul.f32 v12, v36;
	v57 =	vmul.f32 v36, v36;
	v47 =	vadd.s32 $0x1E1, v4;
	v50 =	vld [tilespmem:$0x1FC70]  }
0x178: {  	v5 =	vmul.f32 v5, v52;
	v59 =	vmul.f32 v10, v12;
	v48 =	vadd.s32 $0x1E2, v4  }
0x179: {  	v34 =	vsub.f32 v34, v54;
	v1 =	vsub.f32 v13, v57;
	v51 =	vadd.s32 $0x1E3, v4  }
0x17a: {  	v54 =	vadd.s32 $0x1E4, v4;
	v13 =	vsub.f32 v19, v59;
	v24 =	vmul.f32 v49, v52;
	[tilespmem:v55+s20+$0x0] =	vst.idx.msk $0xffff, v37  }
0x17b: {  	v43 =	vadd.s32 $0x1E5, v4;
	v55 =	vmul.f32 v10, v36;
	[tilespmem:v46+s20+$0x0] =	vst.idx.msk $0xffff, v16;
	v37 =	vmul.f32 v53, v52;
	v53 =	vld [tilespmem:$0x1FAB0]  }
0x17c: {  	v57 =	vmul.f32 v10, v10;
	[tilespmem:v47+s20+$0x0] =	vst.idx.msk $0xffff, v34;
	v34 =	vadd.s32 $0x1E6, v4;
	v40 =	vmul.f32 v50, v52  }
0x17d: {  	v59 =	vmul.f32 v2, v12;
	v47 =	vsub.f32 v24, v55;
	[tilespmem:v48+s20+$0x0] =	vst.idx.msk $0xffff, v1  }
0x17e: {  	v49 =	vadd.s32 $0x1E7, v4;
	[tilespmem:v51+s20+$0x0] =	vst.idx.msk $0xffff, v13;
	v48 =	vsub.f32 v40, v57  }
0x17f: {  	v62 =	vmul.f32 v2, v36;
	v5 =	vsub.f32 v5, v59;
	v51 =	vadd.s32 $0x1E8, v4;
	[tilespmem:v54+s20+$0x0] =	vst.idx.msk $0xffff, v47  }
0x180: {  	v55 =	vmul.f32 v2, v10;
	[tilespmem:v43+s20+$0x0] =	vst.idx.msk $0xffff, v48;
	v54 =	vmul.f32 v53, v52  }
0x181: {  	v50 =	vsub.f32 v37, v62;
	[tilespmem:v34+s20+$0x0] =	vst.idx.msk $0xffff, v5;
	v34 =	vld [tilespmem:$0x1FA20]  }
0x182: {  	v44 =	vld [tilespmem:$0x1FB00];
	v57 =	vadd.s32 $0x1E9, v4;
	v42 =	vsub.f32 v54, v55  }
0x183: {  	v59 =	vmul.f32 v61, v52;
	v61 =	vmul.f32 v2, v2;
	v62 =	vor.u32 $0x5C0, v35;
	v48 =	vld [tilespmem:$0x1FAE0];
	[tilespmem:v49+s20+$0x0] =	vst.idx.msk $0xffff, v50  }
0x184: {  	v45 =	vor.u32 $0x5C1, v35;
	[tilespmem:v51+s20+$0x0] =	vst.idx.msk $0xffff, v42;
	v51 =	vld [tilespmem:$0x1FAD0]  }
0x185: {  	v46 =	vld [tilespmem:$0x1FB30];
	v47 =	vor.u32 $0x5C2, v35;
	v43 =	vsub.f32 v59, v61  }
0x186: {  	v52 =	vld [tilespmem:$0x1FC50];
	v1 =	vadd.f32 v34, v32;
	v32 =	vpop (erf)  }
0x187: {  	[tilespmem:v57+s20+$0x0] =	vst.idx.msk $0xffff, v43;
	v16 =	vmul.f32 v32, v44;
	v19 =	vmul.f32 v32, v0  }
0x188: {  	v30 =	vadd.f32 v33, v30;
	v49 =	vor.u32 $0x5C3, v35;
	v54 =	vld [tilespmem:$0x1FAF0];
	v5 =	vmul.f32 v48, v32;
	[tilespmem:v62+s20+$0x0] =	vst.idx.msk $0xffff, v12  }
0x189: {  	v53 =	vadd.s32 $0x280, v4;
	v48 =	vld [tilespmem:$0x1FC80];
	[tilespmem:v45+s20+$0x0] =	vst.idx.msk $0xffff, v36;
	v55 =	vmul.f32 v16, v19;
	v12 =	vmul.f32 v51, v32  }
0x18a: {  	v40 =	vadd.s32 $0x282, v4;
	v57 =	vadd.s32 $0x281, v4;
	v50 =	vmul.f32 v16, v16;
	[tilespmem:v47+s20+$0x0] =	vst.idx.msk $0xffff, v10;
	v47 =	vld [tilespmem:$0x1FB10]  }
0x18b: {  	v34 =	vmul.f32 v46, v32;
	v38 =	vmul.f32 v52, v32;
	v62 =	vsub.f32 v12, v55;
	v12 =	vld [tilespmem:$0x1FB60]  }
0x18c: {  	v44 =	vmul.f32 v27, v26;
	v59 =	vmul.f32 v19, v19;
	v51 =	vld [tilespmem:$0x1FB40];
	v5 =	vsub.f32 v5, v50  }
0x18d: {  	v46 =	vmul.f32 v33, v26;
	v37 =	vmul.f32 v54, v32;
	[tilespmem:v49+s20+$0x0] =	vst.idx.msk $0xffff, v2  }
0x18e: {  	v45 =	vadd.s32 $0x283, v4;
	v61 =	vmul.f32 v34, v16;
	v42 =	vsub.f32 v38, v59;
	[tilespmem:v53+s20+$0x0] =	vst.idx.msk $0xffff, v5  }
0x18f: {  	v49 =	vmul.f32 v34, v19;
	v2 =	vadd.f32 v44, v29;
	v50 =	vadd.s32 $0x284, v4;
	v53 =	vld [tilespmem:$0x1FB20];
	[tilespmem:v57+s20+$0x0] =	vst.idx.msk $0xffff, v62  }
0x190: {  	v0 =	vmul.f32 v48, v32;
	v33 =	vmul.f32 v47, v32;
	[tilespmem:v40+s20+$0x0] =	vst.idx.msk $0xffff, v42;
	v40 =	vld [tilespmem:$0x1FC30];
	v10 =	vadd.f32 $9.999999740e-05, v12  }
0x191: {  	v55 =	vadd.s32 $0x285, v4;
	v57 =	vmul.f32 v34, v34;
	v52 =	vmul.f32 v51, v32  }
0x192: {  	v43 =	vsub.f32 v37, v61;
	v61 =	vadd.s32 $0x286, v4;
	v48 =	vld [tilespmem:$0x1FC90];
	(erf) = vrcp.f32 v10  }
0x193: {  	v0 =	vsub.f32 v0, v49;
	v59 =	vmul.f32 v33, v16;
	v12 =	vsub.f32 v52, v57;
	v52 =	vld [tilespmem:$0x1FBA0]  }
0x194: {  	[tilespmem:v45+s20+$0x0] =	vst.idx.msk $0xffff, v43;
	v43 =	vadd.s32 $0x287, v4;
	v54 =	vmul.f32 v53, v32;
	v10 =	vmul.f32 v44, v26;
	v44 =	vld [tilespmem:$0x1FB50]  }
0x195: {  	v42 =	vmul.f32 v33, v19;
	[tilespmem:v50+s20+$0x0] =	vst.idx.msk $0xffff, v0;
	v53 =	vld [tilespmem:$0x1FB80];
	v41 =	vmul.f32 v40, v32  }
0x196: {  	v25 =	vadd.f32 $9.999999740e-05, v25;
	[tilespmem:v55+s20+$0x0] =	vst.idx.msk $0xffff, v12;
	v55 =	vld [tilespmem:$0x1FB90];
	v62 =	vsub.f32 v54, v59  }
0x197: {  	v5 =	vadd.f32 v46, v31;
	v40 =	vld [tilespmem:$0x1FB70];
	v50 =	vsub.f32 v41, v42  }
0x198: {  	v47 =	vadd.s32 $0x288, v4;
	v51 =	vadd.s32 $0x289, v4;
	v46 =	vmul.f32 v33, v34;
	[tilespmem:v61+s20+$0x0] =	vst.idx.msk $0xffff, v62;
	v42 =	vld [tilespmem:$0x1FBE0]  }
0x199: {  	v49 =	vmul.f32 v33, v33;
	v54 =	vor.u32 $0x600, v35;
	v45 =	vmul.f32 v44, v32;
	[tilespmem:v43+s20+$0x0] =	vst.idx.msk $0xffff, v50;
	v43 =	vld [tilespmem:$0x1FC40]  }
0x19a: {  	v59 =	vor.u32 $0x601, v35;
	v0 =	vadd.f32 v10, v28;
	v10 =	vmul.f32 v48, v32;
	v44 =	vld [tilespmem:$0x1FC60]  }
0x19b: {  	v61 =	vor.u32 $0x602, v35;
	v12 =	vsub.f32 v45, v46;
	v32 =	vpop (erf);
	(erf) = vrcp.f32 v25  }
0x19c: {  	v10 =	vsub.f32 v10, v49;
	v26 =	vmul.f32 v32, v52;
	v27 =	vmul.f32 v32, v53  }
0x19d: {  	v49 =	vld [tilespmem:$0x1FBC0];
	[tilespmem:v47+s20+$0x0] =	vst.idx.msk $0xffff, v12;
	v28 =	vmul.f32 v55, v32;
	v29 =	vmul.f32 v40, v32  }
0x19e: {  	v62 =	vor.u32 $0x603, v35;
	[tilespmem:v51+s20+$0x0] =	vst.idx.msk $0xffff, v10;
	v10 =	vmul.f32 v42, v32;
	v24 =	vmul.f32 v43, v32  }
0x19f: {  	v46 =	vadd.s32 $0x320, v4;
	v37 =	vmul.f32 v44, v32;
	v52 =	vld [tilespmem:$0x1FC00];
	[tilespmem:v54+s20+$0x0] =	vst.idx.msk $0xffff, v16;
	v57 =	vmul.f32 v26, v26  }
0x1a0: {  	v47 =	vadd.s32 $0x321, v4;
	v55 =	vld [tilespmem:$0x1FBD0];
	v41 =	vmul.f32 v26, v27;
	v45 =	vmul.f32 v27, v27;
	[tilespmem:v59+s20+$0x0] =	vst.idx.msk $0xffff, v19  }
0x1a1: {  	v51 =	vadd.s32 $0x322, v4;
	v50 =	vmul.f32 v10, v26;
	v53 =	vmul.f32 v10, v27;
	[tilespmem:v61+s20+$0x0] =	vst.idx.msk $0xffff, v34  }
0x1a2: {  	v61 =	vld [tilespmem:$0x1FC10];
	v28 =	vsub.f32 v28, v57;
	v48 =	vsub.f32 v37, v45;
	v37 =	vmul.f32 v49, v32  }
0x1a3: {  	v54 =	vadd.s32 $0x323, v4;
	v57 =	vmul.f32 v10, v10;
	[tilespmem:v62+s20+$0x0] =	vst.idx.msk $0xffff, v33;
	v62 =	vmul.f32 v24, v26  }
0x1a4: {  	v29 =	vsub.f32 v29, v41;
	v49 =	vmul.f32 v24, v27;
	v19 =	vmul.f32 v52, v32  }
0x1a5: {  	v14 =	vadd.f32 $9.999999740e-05, v14;
	v34 =	vmul.f32 v55, v32;
	v52 =	vmul.f32 v24, v10;
	[tilespmem:v46+s20+$0x0] =	vst.idx.msk $0xffff, v28  }
0x1a6: {  	v59 =	vadd.s32 $0x324, v4;
	v43 =	vsub.f32 v37, v50;
	v19 =	vsub.f32 v19, v53;
	[tilespmem:v47+s20+$0x0] =	vst.idx.msk $0xffff, v29  }
0x1a7: {  	v46 =	vadd.s32 $0x325, v4;
	v36 =	vmul.f32 v61, v32;
	[tilespmem:v51+s20+$0x0] =	vst.idx.msk $0xffff, v48;
	v48 =	vmul.f32 v60, v32;
	v37 =	vpop (erf)  }
0x1a8: {  	v50 =	vadd.s32 $0x327, v4;
	[tilespmem:v54+s20+$0x0] =	vst.idx.msk $0xffff, v43;
	v54 =	vmul.f32 v24, v24;
	v21 =	vmul.f32 v37, v21  }
0x1a9: {  	v44 =	vsub.f32 v34, v57;
	v51 =	vld [tilespmem:$0x1FBB0];
	v20 =	vmul.f32 v37, v20;
	v23 =	vmul.f32 v23, v37  }
0x1aa: {  	v47 =	vadd.s32 $0x326, v4;
	v22 =	vmul.f32 v22, v37;
	v15 =	vmul.f32 v15, v37  }
0x1ab: {  	v53 =	vadd.s32 $0x328, v4;
	v16 =	vmul.f32 v30, v37;
	v17 =	vmul.f32 v17, v37  }
0x1ac: {  	v57 =	vadd.s32 $0x329, v4;
	v9 =	vmul.f32 v9, v37;
	v11 =	vmul.f32 v11, v37  }
0x1ad: {  	v60 =	vor.u32 $0x641, v35;
	v5 =	vmul.f32 v5, v37;
	v45 =	vsub.f32 v36, v62;
	[tilespmem:v59+s20+$0x0] =	vst.idx.msk $0xffff, v19  }
0x1ae: {  	v61 =	vld [tilespmem:$0x1FA30];
	v25 =	vsub.f32 v48, v49;
	v59 =	vmul.f32 v21, v21;
	v31 =	vmul.f32 v51, v32  }
0x1af: {  	[tilespmem:v46+s20+$0x0] =	vst.idx.msk $0xffff, v44;
	v62 =	vmul.f32 v21, v20;
	v32 =	vmul.f32 v58, v32;
	v58 =	vor.u32 $0x640, v35  }
0x1b0: {  	(erf) = vrcp.f32 v14;
	v39 =	vmul.f32 v20, v20;
	[tilespmem:v47+s20+$0x0] =	vst.idx.msk $0xffff, v45;
	v31 =	vsub.f32 v31, v52  }
0x1b1: {  	v36 =	vor.u32 $0x642, v35;
	v43 =	vmul.f32 v15, v21;
	[tilespmem:v50+s20+$0x0] =	vst.idx.msk $0xffff, v25;
	v55 =	vsub.f32 v32, v54  }
0x1b2: {  	v38 =	vor.u32 $0x643, v35;
	v46 =	vmul.f32 v15, v20;
	v48 =	vmul.f32 v15, v15;
	[tilespmem:v53+s20+$0x0] =	vst.idx.msk $0xffff, v31  }
0x1b3: {  	v41 =	vadd.s32 $0x3C0, v4;
	v45 =	vld [tilespmem:$0x1FA40];
	v47 =	vmul.f32 v18, v37;
	v25 =	vmul.f32 v61, v37;
	[tilespmem:v57+s20+$0x0] =	vst.idx.msk $0xffff, v55  }
0x1b4: {  	v42 =	vadd.s32 $0x3C1, v4;
	v23 =	vsub.f32 v23, v59;
	v40 =	vsub.f32 v22, v39;
	v51 =	vld [tilespmem:$0x1FA50];
	[tilespmem:v58+s20+$0x0] =	vst.idx.msk $0xffff, v26  }
0x1b5: {  	v44 =	vadd.s32 $0x3C2, v4;
	v14 =	vsub.f32 v17, v43;
	v59 =	vmul.f32 v16, v16;
	[tilespmem:v60+s20+$0x0] =	vst.idx.msk $0xffff, v27  }
0x1b6: {  	v49 =	vadd.s32 $0x3C3, v4;
	v17 =	vsub.f32 v47, v48;
	v25 =	vsub.f32 v25, v62;
	[tilespmem:v36+s20+$0x0] =	vst.idx.msk $0xffff, v10  }
0x1b7: {  	v50 =	vadd.s32 $0x3C4, v4;
	v52 =	vmul.f32 v16, v21;
	v54 =	vmul.f32 v16, v20;
	[tilespmem:v38+s20+$0x0] =	vst.idx.msk $0xffff, v24  }
0x1b8: {  	v5 =	vsub.f32 v5, v59;
	v19 =	vmul.f32 v45, v37;
	v53 =	vadd.s32 $0x3C5, v4;
	[tilespmem:v41+s20+$0x0] =	vst.idx.msk $0xffff, v23  }
0x1b9: {  	v9 =	vsub.f32 v9, v54;
	v18 =	vmul.f32 v51, v37;
	v55 =	vadd.s32 $0x3C6, v4;
	[tilespmem:v42+s20+$0x0] =	vst.idx.msk $0xffff, v25  }
0x1ba: {  	v62 =	vpop (erf);
	v57 =	vmul.f32 v16, v15;
	v19 =	vsub.f32 v19, v46;
	v58 =	vadd.s32 $0x3C7, v4;
	[tilespmem:v44+s20+$0x0] =	vst.idx.msk $0xffff, v40  }
0x1bb: {  	v61 =	vadd.s32 $0x3C8, v4;
	v3 =	vmul.f32 v62, v3;
	v7 =	vmul.f32 v7, v62;
	[tilespmem:v49+s20+$0x0] =	vst.idx.msk $0xffff, v14  }
0x1bc: {  	v32 =	vld [tilespmem:$0x1FA60];
	v6 =	vmul.f32 v6, v62;
	v60 =	vsub.f32 v18, v52;
	v24 =	vadd.s32 $0x3C9, v4;
	[tilespmem:v50+s20+$0x0] =	vst.idx.msk $0xffff, v19  }
0x1bd: {  	v1 =	vmul.f32 v1, v62;
	v8 =	vmul.f32 v8, v62;
	v25 =	vor.u32 $0x680, v35;
	[tilespmem:v53+s20+$0x0] =	vst.idx.msk $0xffff, v17  }
0x1be: {  	v2 =	vmul.f32 v2, v62;
	v26 =	vor.u32 $0x681, v35;
	v11 =	vsub.f32 v11, v57;
	[tilespmem:v55+s20+$0x0] =	vst.idx.msk $0xffff, v60  }
0x1bf: {  	v28 =	vor.u32 $0x682, v35;
	v0 =	vmul.f32 v0, v62;
	v27 =	vmul.f32 v62, v63;
	[tilespmem:v58+s20+$0x0] =	vst.idx.msk $0xffff, v9  }
0x1c0: {  	v30 =	vor.u32 $0x683, v35;
	v29 =	vmul.f32 v3, v3;
	v47 =	vmul.f32 v2, v3;
	[tilespmem:v61+s20+$0x0] =	vst.idx.msk $0xffff, v11  }
0x1c1: {  	v34 =	vadd.s32 $0x460, v4;
	v57 =	vmul.f32 v2, v7;
	v10 =	vmul.f32 v32, v62;
	v40 =	vld [tilespmem:$0x1FA70];
	[tilespmem:v24+s20+$0x0] =	vst.idx.msk $0xffff, v5  }
0x1c2: {  	v43 =	vld [tilespmem:$0x1FA80];
	v37 =	vadd.s32 $0x461, v4;
	v36 =	vmul.f32 v7, v3;
	v31 =	vmul.f32 v3, v27;
	[tilespmem:v25+s20+$0x0] =	vst.idx.msk $0xffff, v21  }
0x1c3: {  	v46 =	vld [tilespmem:$0x1FA90];
	v6 =	vsub.f32 v6, v29;
	v33 =	vmul.f32 v27, v27;
	v38 =	vadd.s32 $0x462, v4;
	[tilespmem:v26+s20+$0x0] =	vst.idx.msk $0xffff, v20  }
0x1c4: {  	v39 =	vadd.s32 $0x463, v4;
	v8 =	vsub.f32 v8, v36;
	v41 =	vmul.f32 v7, v27;
	[tilespmem:v28+s20+$0x0] =	vst.idx.msk $0xffff, v15  }
0x1c5: {  	v1 =	vsub.f32 v1, v31;
	v42 =	vadd.s32 $0x464, v4;
	v49 =	vmul.f32 v56, v62;
	v56 =	vld [tilespmem:$0x1FAA0];
	[tilespmem:v30+s20+$0x0] =	vst.idx.msk $0xffff, v16  }
0x1c6: {  	v45 =	vadd.s32 $0x465, v4;
	v10 =	vsub.f32 v10, v33;
	v15 =	vmul.f32 v40, v62;
	[tilespmem:v34+s20+$0x0] =	vst.idx.msk $0xffff, v6  }
0x1c7: {  	v48 =	vadd.s32 $0x466, v4;
	v44 =	vmul.f32 v7, v7;
	v16 =	vmul.f32 v43, v62;
	[tilespmem:v37+s20+$0x0] =	vst.idx.msk $0xffff, v1  }
0x1c8: {  	v53 =	vadd.s32 $0x467, v4;
	v6 =	vmul.f32 v46, v62;
	v51 =	vsub.f32 v15, v41;
	[tilespmem:v38+s20+$0x0] =	vst.idx.msk $0xffff, v10  }
0x1c9: {  	v50 =	vmul.f32 v2, v27;
	v55 =	vadd.s32 $0x468, v4;
	v52 =	vsub.f32 v16, v44;
	[tilespmem:v39+s20+$0x0] =	vst.idx.msk $0xffff, v8  }
0x1ca: {  	v4 =	vadd.s32 $0x469, v4;
	v6 =	vsub.f32 v6, v47;
	v10 =	vmul.f32 v56, v62;
	[tilespmem:v42+s20+$0x0] =	vst.idx.msk $0xffff, v51  }
0x1cb: {  	v59 =	vor.u32 $0x6C0, v35;
	v54 =	vsub.f32 v49, v50;
	v58 =	vmul.f32 v2, v2;
	[tilespmem:v45+s20+$0x0] =	vst.idx.msk $0xffff, v52  }
0x1cc: {  	v61 =	vor.u32 $0x6C1, v35;
	v60 =	vsub.f32 v10, v57;
	[tilespmem:v48+s20+$0x0] =	vst.idx.msk $0xffff, v6  }
0x1cd: {  	v0 =	vsub.f32 v0, v58;
	v62 =	vor.u32 $0x6C2, v35;
	[tilespmem:v53+s20+$0x0] =	vst.idx.msk $0xffff, v54  }
0x1ce: {  	v63 =	vor.u32 $0x6C3, v35;
	[tilespmem:v55+s20+$0x0] =	vst.idx.msk $0xffff, v60  }
0x1cf: {  	[tilespmem:v4+s20+$0x0] =	vst.idx.msk $0xffff, v0  }
0x1d0: {  	s31 =	sadd.s32 s3, s28;
	[tilespmem:v59+s20+$0x0] =	vst.idx.msk $0xffff, v3  }
0x1d1: {  	s0 =	smul.u32 $0xE0, s31;
	[tilespmem:v61+s20+$0x0] =	vst.idx.msk $0xffff, v27  }
0x1d2: {  	[tilespmem:v62+s20+$0x0] =	vst.idx.msk $0xffff, v7  }
0x1d3: {  	s0 =	sadd.s32 s7, s0;
	[tilespmem:v63+s20+$0x0] =	vst.idx.msk $0xffff, v2  }
0x1d4: {  	[hbm4b:s0+s4] =	stream.linear.scatter [tilespmem:s20], [sflag:$0x3], $0x700, $0x38;
	[tilespmem:$0xF480] =	vst v63  }
.LBB2_10:
0x1d5: {  	s29 =	sor.u32 $0x1, s28  }
0x1d6: {  	p0 =	sge.u32 s29, s8  }
.Ltmp8:
0x1d7: {  	_ = 	snop;
	(pc) =	sbr.rel @p0 .LBB2_18-.Ltmp8, $1  }
0x1d8: {  	_ =	sdelay $0x3  }
0x1d9: {  	s0 =	sadd.s32 s6, s29  }
0x1da: {  	s0 =	sshll.u32 s0, $0x7  }
0x1db: {  	s0 =	sshra.s32 s0, $0x2  }
0x1dc: {  	v0 =	vld [tilespmem:s0+$0x9C80];
	_ =	sdelay $0x4  }
0x1dd: {  	v0 =	vshll.u32 v0, $0x2;
	_ =	sdelay $0x1  }
0x1de: {  	v5 =	vld [tilespmem:$0x1FFE0];
	v1 =	vor.u32 $0x1, v0  }
0x1df: {  	v2 =	vor.u32 $0x2, v0  }
0x1e0: {  	v3 =	vor.u32 $0x3, v0  }
0x1e1: {  	v0 =	vld.idx.msk [tilespmem:v0+s4+$0x0], $0xffff  }
0x1e2: {  	v4 =	vld [tilespmem:s0+$0x9C90]  }
0x1e3: {  	v1 =	vld.idx.msk [tilespmem:v1+s4+$0x0], $0xffff  }
0x1e4: {  	v2 =	vld.idx.msk [tilespmem:v2+s4+$0x0], $0xffff  }
0x1e5: {  	v3 =	vld.idx.msk [tilespmem:v3+s4+$0x0], $0xffff  }
0x1e6: {  	[tilespmem:v5+s18+$0x0] =	vst.idx.msk $0xffff, v0;
	v5 =	vld [tilespmem:$0x1FF80];
	_ =	sdelay $0x7  }
0x1e7: {  	[tilespmem:v5+s18+$0x0] =	vst.idx.msk $0xffff, v1;
	v5 =	vld [tilespmem:$0x1FF90];
	_ =	sdelay $0x7  }
0x1e8: {  	[tilespmem:v5+s18+$0x0] =	vst.idx.msk $0xffff, v2;
	v5 =	vld [tilespmem:$0x1FFA0];
	_ =	sdelay $0x3  }
0x1e9: {  	v4 =	vshll.u32 v4, $0x2;
	_ =	sdelay $0x3  }
0x1ea: {  	[tilespmem:v5+s18+$0x0] =	vst.idx.msk $0xffff, v3  }
0x1eb: {  	v3 =	vld.idx.msk [tilespmem:v4+s4+$0x0], $0xffff  }
0x1ec: {  	v0 =	vor.u32 $0x1, v4;
	v1 =	vor.u32 $0x2, v4;
	v2 =	vor.u32 $0x3, v4;
	v4 =	vld [tilespmem:$0x1FFB0];
	_ =	sdelay $0x4  }
0x1ed: {  	v0 =	vld.idx.msk [tilespmem:v0+s4+$0x0], $0xffff  }
0x1ee: {  	v1 =	vld.idx.msk [tilespmem:v1+s4+$0x0], $0xffff  }
0x1ef: {  	v2 =	vld.idx.msk [tilespmem:v2+s4+$0x0], $0xffff  }
0x1f0: {  	[tilespmem:v4+s18+$0x0] =	vst.idx.msk $0xffff, v3;
	v3 =	vld [tilespmem:$0x1FFC0];
	_ =	sdelay $0x7  }
0x1f1: {  	[tilespmem:v3+s18+$0x0] =	vst.idx.msk $0xffff, v0;
	v0 =	vld [tilespmem:$0x1FFD0];
	_ =	sdelay $0x7  }
0x1f2: {  	[tilespmem:v0+s18+$0x0] =	vst.idx.msk $0xffff, v1;
	v0 =	vld [tilespmem:$0x1FFF0];
	_ =	sdelay $0x7  }
0x1f3: {  	[tilespmem:v0+s18+$0x0] =	vst.idx.msk $0xffff, v2  }
0x1f4: {  	_ =	swait.ge [sflag:s21], $0x1000  }
0x1f5: {  	p0 =	seq.s32 s26, $0x0;
	[sflag:s21] =	ssyncset.done $0x0  }
0x1f6: {  	s0 =	simm.s32 @!p0 $0x4;
	[sflag:s21] =	ssyncadd.s32 $0xFFFFF000  }
0x1f7: {  	_ =	swait.ge @!p0 [sflag:s0], $0x700  }
0x1f8: {  	[sflag:s0] =	ssyncset.done @!p0 $0x0  }
0x1f9: {  	s30 =	simm.s32 $0x0;
	[sflag:s0] =	ssyncadd.s32 @!p0 $0xFFFFF900  }
0x1fa: {  	v0 =	vld [tilespmem:s30+$0xE480]  }
0x1fb: {  	s31 =	simm.s32 $0xD4A0  }
0x1fc: {  	v4 =	vld [tilespmem:s31+$0xFFFFFFE0];
	_ =	sdelay $0x1  }
0x1fd: {  	v8 =	vld [tilespmem:s31+$0xFFFFFFF0]  }
0x1fe: {  	v6 =	vld [tilespmem:s31+$0x0];
	v1 =	vbroadcast v0, $0x1;
	v9 =	vbroadcast v0, $0x0  }
0x1ff: {  	v2 =	vbroadcast v0, $0x2;
	v0 =	vbroadcast v0, $0x3  }
0x200: {  	v7 =	vmul.f32 v1, v4;
	v10 =	vmul.f32 v9, v4  }
0x201: {  	v5 =	vmul.f32 v2, v4;
	v11 =	vmul.f32 v0, v4  }
0x202: {  	v30 =	vimm.f32 $0.0e+00;
	v12 =	vmul.f32 v8, v2;
	v13 =	vmul.f32 v8, v9  }
0x203: {  	v31 =	vadd.f32 v4, v30;
	v14 =	vmul.f32 v6, v9;
	v15 =	vmul.f32 v6, v2  }
0x204: {  	v44 =	vadd.f32 v6, v30;
	v19 =	vmul.f32 v6, v1;
	v22 =	vmul.f32 v8, v1  }
0x205: {  	v24 =	vmul.f32 v8, v0;
	v55 =	vadd.f32 v10, v30;
	v54 =	vadd.f32 v7, v30  }
0x206: {  	v4 =	vmul.f32 v7, v0;
	v60 =	vadd.f32 v11, v30;
	v45 =	vadd.f32 v12, v30  }
0x207: {  	v62 =	vadd.f32 v5, v30;
	v18 =	vmul.f32 v10, v9;
	v16 =	vmul.f32 v10, v0  }
0x208: {  	v40 =	vadd.f32 v14, v30;
	v35 =	vadd.f32 v15, v30;
	v17 =	vmul.f32 v14, v9  }
0x209: {  	v20 =	vmul.f32 v7, v1;
	v50 =	vadd.f32 v13, v30;
	v11 =	vmul.f32 v11, v0  }
0x20a: {  	v39 =	vadd.f32 v19, v30;
	v9 =	vmul.f32 v13, v9;
	v25 =	vmul.f32 v19, v2  }
0x20b: {  	v21 =	vmul.f32 v19, v0;
	v23 =	vmul.f32 v22, v2;
	v48 =	vadd.f32 v24, v30  }
0x20c: {  	v61 =	vadd.f32 v22, v30;
	v29 =	vmul.f32 v10, v1;
	v26 =	vmul.f32 v19, v1  }
0x20d: {  	v27 =	vmul.f32 v22, v0;
	v28 =	vmul.f32 v14, v0;
	v49 =	vadd.f32 v4, v30  }
0x20e: {  	v19 =	vimm.f32 $0.0e+00;
	v4 =	vadd.f32 v8, v30;
	v59 =	vadd.f32 v18, v30  }
0x20f: {  	v18 =	vmul.f32 v5, v0;
	v42 =	vadd.f32 v17, v30;
	v56 =	vadd.f32 v16, v30  }
0x210: {  	v16 =	vmul.f32 v14, v1;
	v17 =	vmul.f32 v14, v2;
	v3 =	vadd.f32 v20, v30  }
0x211: {  	v57 =	vadd.f32 v11, v30;
	v11 =	vmul.f32 v15, v2;
	v58 =	vadd.f32 v9, v30  }
0x212: {  	v8 =	vmul.f32 v13, v0;
	v9 =	vmul.f32 v12, v0;
	v20 =	vimm.f32 $0.0e+00  }
0x213: {  	v14 =	vimm.f32 $0.0e+00;
	v53 =	vadd.f32 v18, v30;
	v18 =	vmul.f32 v10, v2  }
0x214: {  	v38 =	vadd.f32 v17, v30;
	v17 =	vmul.f32 v12, v2;
	v41 =	vadd.f32 v16, v30  }
0x215: {  	v16 =	vmul.f32 v13, v1;
	v36 =	vadd.f32 v11, v30;
	v11 =	vmul.f32 v13, v2  }
0x216: {  	v47 =	vadd.f32 v8, v30;
	v8 =	vmul.f32 v15, v0;
	v43 =	vadd.f32 v9, v30  }
0x217: {  	v15 =	vimm.f32 $0.0e+00;
	v13 =	vimm.f32 $0.0e+00;
	v10 =	vimm.f32 $0.0e+00  }
0x218: {  	v12 =	vimm.f32 $0.0e+00;
	v46 =	vadd.f32 v17, v30;
	v52 =	vadd.f32 v16, v30  }
0x219: {  	v9 =	vimm.f32 $0.0e+00;
	v51 =	vadd.f32 v11, v30;
	v63 =	vadd.f32 v18, v30  }
0x21a: {  	v37 =	vadd.f32 v8, v30;
	v17 =	vimm.f32 $0.0e+00;
	v18 =	vimm.f32 $0.0e+00  }
0x21b: {  	s1 =	simm.s32 $0x40;
	v16 =	vimm.f32 $0.0e+00;
	v11 =	vimm.f32 $0.0e+00;
	v8 =	vimm.f32 $0.0e+00  }
.LBB2_12:
0x21c: {  	s14 =	sshra.s32 s1, $0x2;
	v7 =	vmul.f32 v7, v2  }
0x21d: {  	v6 =	vmul.f32 v6, v0;
	v20 =	vadd.f32 v29, v20;
	v29 =	vld [tilespmem:s14+$0xE480];
	v19 =	vadd.f32 v25, v19  }
0x21e: {  	s31 =	sadd.s32 $0x80, s31;
	v2 =	vmul.f32 v5, v2;
	v17 =	vadd.f32 v28, v17;
	v15 =	vadd.f32 v27, v15  }
0x21f: {  	v1 =	vmul.f32 v22, v1;
	v22 =	vld [tilespmem:s31+$0xFFFFFFE0];
	v14 =	vadd.f32 v26, v14;
	v11 =	vadd.f32 v23, v11  }
0x220: {  	v8 =	vadd.f32 v21, v8;
	v18 =	vadd.f32 v7, v18;
	v5 =	vmul.f32 v6, v0  }
0x221: {  	v0 =	vmul.f32 v24, v0;
	v16 =	vadd.f32 v6, v16;
	v13 =	vadd.f32 v1, v13;
	v24 =	vld [tilespmem:s31+$0xFFFFFFF0]  }
0x222: {  	v10 =	vadd.f32 v2, v10;
	v6 =	vld [tilespmem:s31+$0x0];
	v23 =	vbroadcast v29, $0x0;
	v1 =	vbroadcast v29, $0x1  }
0x223: {  	v12 =	vadd.f32 v0, v12;
	v2 =	vbroadcast v29, $0x2;
	v0 =	vbroadcast v29, $0x3  }
0x224: {  	v9 =	vadd.f32 v5, v9;
	v26 =	vmul.f32 v23, v22;
	v7 =	vmul.f32 v1, v22  }
0x225: {  	v31 =	vadd.f32 v22, v31;
	v5 =	vmul.f32 v2, v22;
	v21 =	vmul.f32 v0, v22  }
0x226: {  	v4 =	vadd.f32 v24, v4;
	v27 =	vmul.f32 v24, v23;
	v28 =	vmul.f32 v24, v2  }
0x227: {  	v44 =	vadd.f32 v6, v44;
	v30 =	vmul.f32 v6, v23;
	v29 =	vmul.f32 v6, v2  }
0x228: {  	v33 =	vmul.f32 v6, v1;
	v55 =	vadd.f32 v26, v55;
	v54 =	vadd.f32 v7, v54  }
0x229: {  	v22 =	vmul.f32 v7, v0;
	v60 =	vadd.f32 v21, v60;
	v45 =	vadd.f32 v28, v45  }
0x22a: {  	v25 =	vmul.f32 v26, v0;
	v62 =	vadd.f32 v5, v62;
	v40 =	vadd.f32 v30, v40  }
0x22b: {  	[tilespmem:$0x1F960] =	vst v31;
	v35 =	vadd.f32 v29, v35;
	v31 =	vmul.f32 v30, v23;
	v50 =	vadd.f32 v27, v50  }
0x22c: {  	v32 =	vmul.f32 v5, v0;
	v21 =	vmul.f32 v21, v0;
	v39 =	vadd.f32 v33, v39  }
0x22d: {  	v34 =	vmul.f32 v27, v1;
	v49 =	vadd.f32 v22, v49;
	v22 =	vmul.f32 v26, v23  }
0x22e: {  	v42 =	vadd.f32 v31, v42;
	v56 =	vadd.f32 v25, v56;
	v25 =	vmul.f32 v30, v1  }
0x22f: {  	v53 =	vadd.f32 v32, v53;
	v31 =	vmul.f32 v30, v2;
	v32 =	vmul.f32 v26, v2  }
0x230: {  	v57 =	vadd.f32 v21, v57;
	v21 =	vmul.f32 v29, v2;
	v23 =	vmul.f32 v27, v23  }
0x231: {  	v52 =	vadd.f32 v34, v52;
	v59 =	vadd.f32 v22, v59;
	v22 =	vmul.f32 v7, v1  }
0x232: {  	v38 =	vadd.f32 v31, v38;
	v31 =	vmul.f32 v28, v2;
	v41 =	vadd.f32 v25, v41  }
0x233: {  	v25 =	vmul.f32 v33, v2;
	v58 =	vadd.f32 v23, v58;
	v23 =	vmul.f32 v27, v2  }
0x234: {  	v36 =	vadd.f32 v21, v36;
	v21 =	vmul.f32 v33, v0;
	v27 =	vmul.f32 v27, v0  }
0x235: {  	p0 =	sne.s32 s1, $0x7C0;
	v63 =	vadd.f32 v32, v63;
	v28 =	vmul.f32 v28, v0;
	v3 =	vadd.f32 v22, v3  }
.Ltmp9:
0x236: {  	v22 =	vmul.f32 v24, v1;
	v46 =	vadd.f32 v31, v46;
	v24 =	vmul.f32 v24, v0;
	(pc) =	sbr.rel @p0 .LBB2_12-.Ltmp9, $4  }
0x237: {  	v51 =	vadd.f32 v23, v51;
	v47 =	vadd.f32 v27, v47;
	v31 =	vmul.f32 v29, v0  }
0x238: {  	s0 =	smov.u32 s1;
	v29 =	vmul.f32 v26, v1;
	v43 =	vadd.f32 v28, v43;
	v26 =	vmul.f32 v33, v1  }
0x239: {  	s0 =	sadd.s32 $0x40, s1;
	v28 =	vmul.f32 v30, v0;
	v23 =	vmul.f32 v22, v2;
	v48 =	vadd.f32 v24, v48  }
0x23a: {  	s1 =	smov.u32 s0;
	v61 =	vadd.f32 v22, v61;
	v27 =	vmul.f32 v22, v0;
	v37 =	vadd.f32 v31, v37;
	v31 =	vld [tilespmem:$0x1F960]  }
0x23b: {  	[tilespmem:$0x1F6A0] =	vst v63  }
0x23c: {  	[tilespmem:$0x1F6B0] =	vst v3  }
0x23d: {  	[tilespmem:$0x1F6C0] =	vst v4  }
0x23e: {  	[tilespmem:$0x1F6D0] =	vst v59  }
0x23f: {  	[tilespmem:$0x1F6E0] =	vst v62  }
0x240: {  	[tilespmem:$0x1F700] =	vst v60;
	v1 =	vmul.f32 v22, v1  }
0x241: {  	[tilespmem:$0x1F710] =	vst v58;
	v3 =	vadd.f32 v29, v20  }
0x242: {  	[tilespmem:$0x1F840] =	vst v39;
	v1 =	vadd.f32 v1, v13  }
0x243: {  	[tilespmem:$0x1F890] =	vst v3;
	v3 =	vadd.f32 v25, v19;
	v19 =	vld [tilespmem:s30+$0xE480]  }
0x244: {  	v7 =	vmul.f32 v7, v2;
	v2 =	vmul.f32 v5, v2;
	s30 =	simm.s32 $0xD4D0;
	[tilespmem:$0x1F8F0] =	vst v1;
	v1 =	vadd.f32 v26, v14  }
0x245: {  	v5 =	vld [tilespmem:s30+$0xFFFFFFE0];
	[tilespmem:$0x1F8A0] =	vst v3;
	v3 =	vadd.f32 v28, v17  }
0x246: {  	v6 =	vmul.f32 v6, v0;
	[tilespmem:$0x1F900] =	vst v1;
	v1 =	vadd.f32 v2, v10  }
0x247: {  	[tilespmem:$0x1F8B0] =	vst v3;
	v3 =	vadd.f32 v7, v18;
	v7 =	vmul.f32 v24, v0  }
0x248: {  	v0 =	vmul.f32 v6, v0;
	v17 =	vbroadcast v19, $0x0;
	[tilespmem:$0x1F910] =	vst v1;
	v1 =	vadd.f32 v23, v11  }
0x249: {  	v39 =	vimm.f32 $0.0e+00;
	[tilespmem:$0x1F8C0] =	vst v3;
	v3 =	vadd.f32 v27, v15;
	v15 =	vld [tilespmem:s30+$0xFFFFFFF0]  }
0x24a: {  	v11 =	vld [tilespmem:s30+$0x0];
	v0 =	vadd.f32 v0, v9;
	v18 =	vmul.f32 v17, v5;
	[tilespmem:$0x1F920] =	vst v1;
	v1 =	vadd.f32 v7, v12  }
0x24b: {  	[tilespmem:$0x1F8D0] =	vst v3;
	v3 =	vadd.f32 v6, v16;
	v7 =	vbroadcast v19, $0x1;
	v6 =	vbroadcast v19, $0x3  }
0x24c: {  	v13 =	vmul.f32 v18, v17;
	[tilespmem:$0x1F930] =	vst v1;
	v1 =	vadd.f32 v21, v8;
	v8 =	vbroadcast v19, $0x2  }
0x24d: {  	v29 =	vimm.f32 $0.0e+00;
	[tilespmem:$0x1F950] =	vst v0;
	v14 =	vmul.f32 v7, v5;
	v0 =	vmul.f32 v6, v5  }
0x24e: {  	[tilespmem:$0x1F850] =	vst v38;
	v28 =	vimm.f32 $0.0e+00;
	v38 =	vmul.f32 v18, v7;
	v19 =	vmul.f32 v15, v17  }
0x24f: {  	[tilespmem:$0x1F720] =	vst v57;
	v24 =	vadd.f32 v5, v39;
	v21 =	vmul.f32 v11, v17;
	v26 =	vmul.f32 v11, v7  }
0x250: {  	[tilespmem:$0x1F730] =	vst v56;
	v12 =	vadd.f32 v18, v39;
	v31 =	vmul.f32 v15, v7;
	v33 =	vmul.f32 v15, v6  }
0x251: {  	[tilespmem:$0x1F770] =	vst v52;
	v52 =	vadd.f32 v11, v39;
	v9 =	vmul.f32 v8, v5;
	v2 =	vmul.f32 v14, v6  }
0x252: {  	[tilespmem:$0x1F740] =	vst v55;
	v16 =	vadd.f32 v13, v39;
	v5 =	vmul.f32 v18, v6;
	v20 =	vmul.f32 v15, v8  }
0x253: {  	[tilespmem:$0x1F940] =	vst v1;
	v1 =	vadd.f32 v14, v39;
	v22 =	vmul.f32 v11, v8;
	v13 =	vmul.f32 v14, v7  }
0x254: {  	[tilespmem:$0x1F750] =	vst v54;
	v62 =	vadd.f32 v0, v39;
	v0 =	vmul.f32 v0, v6;
	v27 =	vmul.f32 v18, v8  }
0x255: {  	[tilespmem:$0x1F7B0] =	vst v48;
	v18 =	vimm.f32 $0.0e+00;
	v48 =	vadd.f32 v21, v39;
	v23 =	vmul.f32 v21, v17  }
0x256: {  	[tilespmem:$0x1F790] =	vst v50;
	v57 =	vadd.f32 v19, v39;
	v17 =	vmul.f32 v19, v17;
	v34 =	vmul.f32 v26, v8  }
0x257: {  	[tilespmem:$0x1F870] =	vst v36;
	v50 =	vadd.f32 v26, v39;
	v30 =	vmul.f32 v26, v6;
	v32 =	vmul.f32 v31, v8  }
0x258: {  	[tilespmem:$0x1F880] =	vst v35;
	v55 =	vadd.f32 v33, v39;
	v35 =	vmul.f32 v26, v7;
	v36 =	vmul.f32 v31, v6  }
0x259: {  	[tilespmem:$0x1F860] =	vst v37;
	v37 =	vmul.f32 v21, v6;
	v4 =	vadd.f32 v2, v39;
	v2 =	vadd.f32 v15, v39  }
0x25a: {  	[tilespmem:$0x1F760] =	vst v53;
	v26 =	vimm.f32 $0.0e+00;
	v56 =	vadd.f32 v20, v39;
	v10 =	vadd.f32 v9, v39  }
0x25b: {  	[tilespmem:$0x1F7F0] =	vst v44;
	v44 =	vadd.f32 v22, v39;
	v25 =	vmul.f32 v9, v6;
	v5 =	vadd.f32 v5, v39  }
0x25c: {  	[tilespmem:$0x1F6F0] =	vst v61;
	v13 =	vadd.f32 v13, v39;
	v61 =	vadd.f32 v0, v39;
	v0 =	vmul.f32 v22, v8  }
0x25d: {  	[tilespmem:$0x1F7A0] =	vst v49;
	v15 =	vmul.f32 v19, v6;
	v49 =	vadd.f32 v23, v39;
	v23 =	vmul.f32 v21, v7  }
0x25e: {  	[tilespmem:$0x1F8E0] =	vst v3;
	v58 =	vadd.f32 v17, v39;
	v17 =	vmul.f32 v20, v6;
	v3 =	vadd.f32 v25, v39  }
0x25f: {  	[tilespmem:$0x1F7E0] =	vst v45;
	v25 =	vmul.f32 v21, v8;
	v45 =	vadd.f32 v0, v39;
	v0 =	vmul.f32 v19, v8  }
0x260: {  	[tilespmem:$0x1F780] =	vst v51;
	v63 =	vadd.f32 v15, v39;
	v15 =	vmul.f32 v22, v6;
	v21 =	vimm.f32 $0.0e+00  }
0x261: {  	[tilespmem:$0x1F7C0] =	vst v47;
	v22 =	vimm.f32 $0.0e+00;
	v51 =	vadd.f32 v23, v39;
	v23 =	vmul.f32 v19, v7  }
0x262: {  	[tilespmem:$0x1F7D0] =	vst v46;
	v19 =	vadd.f32 v27, v39;
	v53 =	vadd.f32 v17, v39;
	v27 =	vimm.f32 $0.0e+00  }
0x263: {  	[tilespmem:$0x1F800] =	vst v43;
	v17 =	vimm.f32 $0.0e+00;
	v46 =	vadd.f32 v25, v39;
	v59 =	vadd.f32 v0, v39  }
0x264: {  	[tilespmem:$0x1F810] =	vst v42;
	v25 =	vmul.f32 v20, v8;
	v0 =	vadd.f32 v31, v39;
	v47 =	vadd.f32 v15, v39  }
0x265: {  	[tilespmem:$0x1F820] =	vst v41;
	v20 =	vimm.f32 $0.0e+00;
	v15 =	vimm.f32 $0.0e+00;
	v60 =	vadd.f32 v23, v39  }
0x266: {  	[tilespmem:$0x1F830] =	vst v40;
	s0 =	simm.s32 $0x40;
	v23 =	vimm.f32 $0.0e+00;
	v54 =	vadd.f32 v25, v39;
	v25 =	vimm.f32 $0.0e+00  }
.LBB2_14:
0x267: {  	s14 =	sshra.s32 s0, $0x2  }
0x268: {  	v14 =	vmul.f32 v14, v8;
	v39 =	vadd.f32 v38, v39;
	v43 =	vld [tilespmem:s14+$0xE480];
	v28 =	vadd.f32 v34, v28  }
0x269: {  	v11 =	vmul.f32 v11, v6;
	s30 =	sadd.s32 $0x80, s30;
	v29 =	vadd.f32 v37, v29;
	v27 =	vadd.f32 v36, v27  }
0x26a: {  	v7 =	vmul.f32 v31, v7;
	v31 =	vld [tilespmem:s30+$0xFFFFFFE0];
	v21 =	vadd.f32 v35, v21;
	v17 =	vadd.f32 v32, v17  }
0x26b: {  	v8 =	vmul.f32 v9, v8;
	v20 =	vadd.f32 v30, v20;
	v26 =	vadd.f32 v14, v26  }
0x26c: {  	v9 =	vmul.f32 v11, v6;
	v6 =	vmul.f32 v33, v6;
	v23 =	vadd.f32 v11, v23;
	v33 =	vld [tilespmem:s30+$0xFFFFFFF0]  }
0x26d: {  	v25 =	vadd.f32 v7, v25;
	v22 =	vadd.f32 v8, v22;
	v11 =	vld [tilespmem:s30+$0x0];
	v32 =	vbroadcast v43, $0x0  }
0x26e: {  	v18 =	vadd.f32 v6, v18;
	v7 =	vbroadcast v43, $0x1;
	v8 =	vbroadcast v43, $0x2  }
0x26f: {  	v15 =	vadd.f32 v9, v15;
	v6 =	vbroadcast v43, $0x3;
	v35 =	vmul.f32 v32, v31  }
0x270: {  	v24 =	vadd.f32 v31, v24;
	v14 =	vmul.f32 v7, v31;
	v9 =	vmul.f32 v8, v31  }
0x271: {  	v2 =	vadd.f32 v33, v2;
	v30 =	vmul.f32 v6, v31;
	v36 =	vmul.f32 v33, v32  }
0x272: {  	v52 =	vadd.f32 v11, v52;
	v37 =	vmul.f32 v33, v8;
	v38 =	vmul.f32 v11, v8  }
0x273: {  	[tilespmem:$0x1F690] =	vst v24;
	v42 =	vmul.f32 v11, v7;
	v24 =	vadd.f32 v35, v12;
	v12 =	vadd.f32 v14, v1  }
0x274: {  	v31 =	vmul.f32 v14, v6;
	v62 =	vadd.f32 v30, v62;
	v56 =	vadd.f32 v37, v56  }
0x275: {  	v34 =	vmul.f32 v35, v6;
	v10 =	vadd.f32 v9, v10;
	v44 =	vadd.f32 v38, v44  }
0x276: {  	v1 =	vmovc v2;
	v57 =	vadd.f32 v36, v57;
	v41 =	vmul.f32 v9, v6;
	v30 =	vmul.f32 v30, v6  }
0x277: {  	v50 =	vadd.f32 v42, v50;
	v43 =	vmul.f32 v36, v7;
	v2 =	vmovc v39;
	v39 =	vmul.f32 v11, v32  }
0x278: {  	v4 =	vadd.f32 v31, v4;
	v31 =	vmul.f32 v35, v32;
	v5 =	vadd.f32 v34, v5  }
0x279: {  	v3 =	vadd.f32 v41, v3;
	v41 =	vmul.f32 v35, v8;
	v61 =	vadd.f32 v30, v61  }
0x27a: {  	v30 =	vmul.f32 v38, v8;
	v60 =	vadd.f32 v43, v60;
	v40 =	vmul.f32 v39, v32  }
0x27b: {  	v48 =	vadd.f32 v39, v48;
	v34 =	vmul.f32 v39, v7;
	v32 =	vmul.f32 v36, v32  }
0x27c: {  	v16 =	vadd.f32 v31, v16;
	v31 =	vmul.f32 v14, v7;
	v45 =	vadd.f32 v30, v45  }
0x27d: {  	v30 =	vmul.f32 v42, v6;
	v19 =	vadd.f32 v41, v19;
	v49 =	vadd.f32 v40, v49  }
0x27e: {  	v40 =	vmul.f32 v39, v8;
	v51 =	vadd.f32 v34, v51;
	v34 =	vmul.f32 v42, v8  }
0x27f: {  	v58 =	vadd.f32 v32, v58;
	v32 =	vmul.f32 v36, v8;
	v36 =	vmul.f32 v36, v6  }
0x280: {  	v13 =	vadd.f32 v31, v13;
	v31 =	vmul.f32 v33, v7;
	v33 =	vmul.f32 v33, v6  }
0x281: {  	p0 =	sne.s32 s0, $0x7C0;
	v46 =	vadd.f32 v40, v46;
	v40 =	vmul.f32 v37, v8;
	v59 =	vadd.f32 v32, v59  }
.Ltmp10:
0x282: {  	v37 =	vmul.f32 v37, v6;
	v63 =	vadd.f32 v36, v63;
	v32 =	vmul.f32 v31, v8;
	(pc) =	sbr.rel @p0 .LBB2_14-.Ltmp10, $4  }
0x283: {  	v55 =	vadd.f32 v33, v55;
	v0 =	vadd.f32 v31, v0;
	v36 =	vmul.f32 v31, v6  }
0x284: {  	s1 =	smov.u32 s0;
	v54 =	vadd.f32 v40, v54;
	v40 =	vmul.f32 v38, v6;
	v38 =	vmul.f32 v35, v7  }
0x285: {  	s1 =	sadd.s32 $0x40, s0;
	v53 =	vadd.f32 v37, v53;
	v35 =	vmul.f32 v42, v7;
	v37 =	vmul.f32 v39, v6  }
0x286: {  	s0 =	smov.u32 s1;
	v39 =	vmovc v2;
	v2 =	vmovc v1;
	v1 =	vmov v12;
	v12 =	vmov v24;
	v24 =	vld [tilespmem:$0x1F690];
	v47 =	vadd.f32 v40, v47  }
0x287: {  	[tilespmem:$0x1F4A0] =	vst v3  }
0x288: {  	[tilespmem:$0x1F4B0] =	vst v4  }
0x289: {  	[tilespmem:$0x1F4C0] =	vst v60  }
0x28a: {  	[tilespmem:$0x1F4D0] =	vst v58  }
0x28b: {  	[tilespmem:$0x1F4E0] =	vst v59;
	v3 =	vadd.f32 v38, v39  }
0x28c: {  	[tilespmem:$0x1F4F0] =	vst v57;
	v4 =	vadd.f32 v34, v28  }
0x28d: {  	s0 =	simm.s32 $0x0;
	[tilespmem:$0x1F5E0] =	vst v3  }
0x28e: {  	v11 =	vmul.f32 v11, v6;
	v3 =	vmul.f32 v14, v8;
	[tilespmem:$0x1F5F0] =	vst v4;
	v4 =	vadd.f32 v37, v29;
	v14 =	vld [tilespmem:s0+$0xE480]  }
0x28f: {  	[tilespmem:$0x1F500] =	vst v55;
	v7 =	vmul.f32 v31, v7;
	v60 =	vadd.f32 v30, v20;
	v34 =	vimm.f32 $0.0e+00  }
0x290: {  	s30 =	simm.s32 $0xD4F0;
	v43 =	vimm.f32 $0.0e+00;
	v42 =	vimm.f32 $0.0e+00;
	[tilespmem:$0x1F600] =	vst v4;
	v4 =	vadd.f32 v11, v23  }
0x291: {  	[tilespmem:$0x1F510] =	vst v63;
	v41 =	vimm.f32 $0.0e+00;
	v40 =	vimm.f32 $0.0e+00;
	v28 =	vld [tilespmem:s30+$0xFFFFFFF0];
	v3 =	vadd.f32 v3, v26  }
0x292: {  	v39 =	vimm.f32 $0.0e+00;
	v38 =	vimm.f32 $0.0e+00;
	[tilespmem:$0x1F630] =	vst v4;
	v4 =	vadd.f32 v7, v25  }
0x293: {  	v8 =	vmul.f32 v9, v8;
	[tilespmem:$0x1F610] =	vst v3;
	v3 =	vadd.f32 v36, v27;
	v27 =	vld [tilespmem:s30+$0x0];
	v7 =	vbroadcast v14, $0x0  }
0x294: {  	v36 =	vbroadcast v14, $0x1;
	v26 =	vbroadcast v14, $0x3;
	[tilespmem:$0x1F640] =	vst v4;
	v4 =	vadd.f32 v35, v21  }
0x295: {  	v37 =	vimm.f32 $0.0e+00;
	[tilespmem:$0x1F620] =	vst v3;
	v3 =	vmul.f32 v33, v6;
	v6 =	vmul.f32 v11, v6  }
0x296: {  	v35 =	vmul.f32 v7, v28;
	v33 =	vmul.f32 v26, v28;
	[tilespmem:$0x1F650] =	vst v4;
	v4 =	vadd.f32 v8, v22  }
0x297: {  	[tilespmem:$0x1F580] =	vst v49;
	v58 =	vadd.f32 v6, v15;
	v8 =	vbroadcast v14, $0x2;
	v6 =	vmul.f32 v36, v28  }
0x298: {  	[tilespmem:$0x1F5C0] =	vst v45;
	v3 =	vadd.f32 v3, v18;
	v29 =	vmul.f32 v27, v36;
	v45 =	vmul.f32 v27, v7  }
0x299: {  	[tilespmem:$0x1F5D0] =	vst v44;
	v14 =	vadd.f32 v27, v34;
	v11 =	vmul.f32 v35, v7;
	v49 =	vmul.f32 v35, v36  }
0x29a: {  	v21 =	vadd.f32 v35, v34;
	[tilespmem:$0x1F680] =	vst v3;
	v18 =	vmul.f32 v8, v28;
	v3 =	vmul.f32 v6, v26  }
0x29b: {  	[tilespmem:$0x1F660] =	vst v4;
	v4 =	vadd.f32 v32, v17;
	v44 =	vmul.f32 v27, v8;
	v22 =	vmul.f32 v6, v36  }
0x29c: {  	[tilespmem:$0x1F590] =	vst v48;
	v20 =	vadd.f32 v6, v34;
	v17 =	vmul.f32 v35, v8;
	v48 =	vmul.f32 v6, v8  }
0x29d: {  	[tilespmem:$0x1F520] =	vst v56;
	v32 =	vimm.f32 $0.0e+00;
	v63 =	vadd.f32 v29, v34;
	v25 =	vmul.f32 v45, v7  }
0x29e: {  	[tilespmem:$0x1F5A0] =	vst v47;
	v23 =	vadd.f32 v11, v34;
	v47 =	vmul.f32 v29, v36;
	v30 =	vmul.f32 v45, v8  }
0x29f: {  	[tilespmem:$0x1F570] =	vst v50;
	v31 =	vmul.f32 v29, v26;
	v50 =	vmul.f32 v29, v8;
	v15 =	vadd.f32 v18, v34  }
0x2a0: {  	[tilespmem:$0x1F530] =	vst v54;
	v29 =	vimm.f32 $0.0e+00;
	v9 =	vadd.f32 v3, v34;
	v3 =	vadd.f32 v45, v34  }
0x2a1: {  	[tilespmem:$0x1F540] =	vst v53;
	v11 =	vmul.f32 v18, v26;
	v17 =	vadd.f32 v17, v34;
	v7 =	vadd.f32 v44, v34  }
0x2a2: {  	[tilespmem:$0x1F5B0] =	vst v46;
	v46 =	vmul.f32 v44, v8;
	v22 =	vadd.f32 v22, v34;
	v6 =	vadd.f32 v25, v34  }
0x2a3: {  	[tilespmem:$0x1F550] =	vst v52;
	v18 =	vmul.f32 v18, v8;
	v25 =	vadd.f32 v28, v34;
	v8 =	vadd.f32 v30, v34  }
0x2a4: {  	[tilespmem:$0x1F560] =	vst v51;
	v56 =	vadd.f32 v31, v34;
	v30 =	vimm.f32 $0.0e+00;
	v31 =	vimm.f32 $0.0e+00  }
0x2a5: {  	s31 =	simm.s32 $0x40;
	[tilespmem:$0x1F670] =	vst v4;
	v28 =	vimm.f32 $0.0e+00;
	v11 =	vadd.f32 v11, v34;
	v18 =	vadd.f32 v18, v34  }
.LBB2_16:
0x2a6: {  	s1 =	smov.u32 s31  }
0x2a7: {  	s0 =	sshra.s32 s31, $0x2;
	v27 =	vmul.f32 v27, v26;
	v51 =	vmul.f32 v45, v36;
	v34 =	vadd.f32 v50, v34;
	s30 =	sadd.s32 $0x80, s30;
	s1 =	sadd.s32 $0x40, s31  }
0x2a8: {  	p0 =	sne.s32 s31, $0x7C0;
	v30 =	vadd.f32 v33, v30;
	v43 =	vadd.f32 v48, v43;
	v36 =	vmul.f32 v45, v26;
	v50 =	vld [tilespmem:s0+$0xE480]  }
0x2a9: {  	v35 =	vmul.f32 v35, v26;
	v44 =	vmul.f32 v44, v26;
	v42 =	vadd.f32 v49, v42  }
0x2aa: {  	v41 =	vadd.f32 v46, v41;
	v29 =	vadd.f32 v27, v29;
	v45 =	vmul.f32 v27, v26;
	v49 =	vld [tilespmem:s30+$0xFFFFFFF0]  }
0x2ab: {  	v40 =	vadd.f32 v47, v40;
	v39 =	vadd.f32 v44, v39;
	v27 =	vld [tilespmem:s30+$0x0]  }
0x2ac: {  	v33 =	vmul.f32 v33, v26;
	v38 =	vadd.f32 v35, v38;
	v37 =	vadd.f32 v36, v37  }
0x2ad: {  	v32 =	vadd.f32 v51, v32;
	v46 =	vbroadcast v50, $0x0;
	v36 =	vbroadcast v50, $0x1  }
0x2ae: {  	v31 =	vadd.f32 v33, v31;
	v51 =	vbroadcast v50, $0x2;
	v26 =	vbroadcast v50, $0x3  }
0x2af: {  	v28 =	vadd.f32 v45, v28;
	v35 =	vmul.f32 v46, v49;
	v33 =	vmul.f32 v36, v49  }
0x2b0: {  	v47 =	vmul.f32 v51, v49;
	v50 =	vmul.f32 v27, v36;
	v14 =	vadd.f32 v27, v14  }
0x2b1: {  	v45 =	vmul.f32 v27, v46;
	v21 =	vadd.f32 v35, v21;
	v48 =	vmul.f32 v33, v26  }
0x2b2: {  	v44 =	vmul.f32 v27, v51;
	v20 =	vadd.f32 v33, v20;
	v15 =	vadd.f32 v47, v15  }
0x2b3: {  	v52 =	vmul.f32 v35, v46;
	v63 =	vadd.f32 v50, v63;
	v9 =	vadd.f32 v48, v9  }
0x2b4: {  	v53 =	vmul.f32 v33, v36;
	v3 =	vadd.f32 v45, v3;
	v48 =	vmul.f32 v35, v51  }
0x2b5: {  	v46 =	vmul.f32 v45, v46;
	v23 =	vadd.f32 v52, v23;
	v52 =	vmul.f32 v47, v26  }
0x2b6: {  	v7 =	vadd.f32 v44, v7;
	v17 =	vadd.f32 v48, v17;
	v48 =	vmul.f32 v33, v51  }
.Ltmp11:
0x2b7: {  	v6 =	vadd.f32 v46, v6;
	v46 =	vmul.f32 v44, v51;
	v11 =	vadd.f32 v52, v11;
	(pc) =	sbr.rel @p0 .LBB2_16-.Ltmp11, $4  }
0x2b8: {  	v22 =	vadd.f32 v53, v22;
	v52 =	vmul.f32 v47, v51;
	v47 =	vmul.f32 v50, v36  }
0x2b9: {  	v25 =	vadd.f32 v49, v25;
	v54 =	vmul.f32 v50, v26;
	v53 =	vmul.f32 v45, v51  }
0x2ba: {  	v33 =	vmul.f32 v26, v49;
	v50 =	vmul.f32 v50, v51;
	v18 =	vadd.f32 v52, v18  }
0x2bb: {  	s31 =	smov.u32 s1;
	v56 =	vadd.f32 v54, v56;
	v49 =	vmul.f32 v35, v36;
	v8 =	vadd.f32 v53, v8  }
0x2bc: {  	v51 =	vld [tilespmem:$0x1F960];
	_ =	sdelay $0x4  }
0x2bd: {  	v51 =	vadd.f32 $9.999999740e-05, v51;
	_ =	sdelay $0x1  }
0x2be: {  	(erf) = vrcp.f32 v51;
	_ =	sdelay $0x1  }
0x2bf: {  	v4 =	vld [tilespmem:$0x1F6C0]  }
0x2c0: {  	v52 =	vadd.f32 v50, v34  }
0x2c1: {  	v50 =	vld [tilespmem:$0x1F740]  }
0x2c2: {  	v53 =	vadd.f32 v48, v43;
	[tilespmem:$0x1F460] =	vst v52;
	v52 =	vld [tilespmem:$0x1F750]  }
0x2c3: {  	v57 =	vadd.f32 v46, v41;
	v46 =	vld [tilespmem:$0x1F890]  }
0x2c4: {  	v55 =	vadd.f32 v49, v42;
	[tilespmem:$0x1F430] =	vst v53;
	v53 =	vld [tilespmem:$0x1F6E0];
	v59 =	vadd.f32 $9.999999740e-05, v4  }
0x2c5: {  	v54 =	vmul.f32 v45, v36;
	[tilespmem:$0x1F470] =	vst v57;
	v57 =	vld [tilespmem:$0x1F6D0]  }
0x2c6: {  	[tilespmem:$0x1F420] =	vst v55;
	v55 =	vld [tilespmem:$0x1F700];
	(erf) = vrcp.f32 v59;
	v59 =	vmul.f32 v44, v26;
	v36 =	vpop (erf)  }
0x2c7: {  	v34 =	vmul.f32 v45, v26;
	v45 =	vmul.f32 v36, v52;
	v52 =	vld [tilespmem:$0x1F6B0]  }
0x2c8: {  	[tilespmem:$0x1F410] =	vst v54;
	v54 =	vadd.f32 v59, v39;
	v43 =	vmul.f32 v36, v50  }
0x2c9: {  	v51 =	vadd.f32 v47, v40;
	v48 =	vmul.f32 v53, v36  }
0x2ca: {  	[tilespmem:$0x1F490] =	vst v54;
	v54 =	vld [tilespmem:$0x1F6A0];
	v47 =	vmul.f32 v46, v36;
	v53 =	vmul.f32 v43, v45  }
0x2cb: {  	v40 =	vld [tilespmem:$0x1F8C0];
	[tilespmem:$0x1F450] =	vst v51;
	v51 =	vmul.f32 v55, v36;
	v59 =	vmul.f32 v57, v36;
	v50 =	vadd.f32 v34, v37  }
0x2cc: {  	v55 =	vmul.f32 v45, v45;
	v57 =	vsub.f32 v47, v53;
	v53 =	vld [tilespmem:$0x1F910];
	v34 =	vmul.f32 v52, v36  }
0x2cd: {  	v35 =	vmul.f32 v35, v26;
	v37 =	vld [tilespmem:$0x1F7A0]  }
0x2ce: {  	v49 =	vmul.f32 v43, v43;
	v34 =	vsub.f32 v34, v55;
	v55 =	vld [tilespmem:$0x1F730]  }
0x2cf: {  	v44 =	vadd.f32 v35, v38;
	v4 =	vmul.f32 v54, v36;
	v52 =	vmul.f32 v48, v43  }
0x2d0: {  	v42 =	vmul.f32 v40, v36;
	[tilespmem:$0x1F480] =	vst v50;
	v54 =	vmul.f32 v48, v45;
	v50 =	vsub.f32 v59, v49  }
0x2d1: {  	v40 =	vld [tilespmem:$0x1F790];
	v59 =	vmul.f32 v48, v48;
	v4 =	vsub.f32 v4, v52;
	[tilespmem:$0x1F370] =	vst v34;
	v34 =	vmul.f32 v53, v36  }
0x2d2: {  	[tilespmem:$0x1F440] =	vst v44;
	v39 =	vld [tilespmem:$0x1F720];
	v47 =	vmul.f32 v37, v36;
	v52 =	vmul.f32 v51, v43  }
0x2d3: {  	v44 =	vld [tilespmem:$0x1F710];
	[tilespmem:$0x1F380] =	vst v4;
	v34 =	vsub.f32 v34, v59;
	v59 =	vmul.f32 v51, v45;
	v4 =	vmul.f32 v55, v36  }
0x2d4: {  	v38 =	vld [tilespmem:$0x1F760];
	v35 =	vsub.f32 v42, v54  }
0x2d5: {  	v54 =	vpop (erf);
	v4 =	vsub.f32 v4, v52;
	v52 =	vsub.f32 v47, v59;
	v59 =	vld [tilespmem:$0x1F6F0]  }
0x2d6: {  	v46 =	vlaneseq.u32;
	v41 =	vmul.f32 v51, v48;
	v55 =	vmul.f32 v54, v40  }
0x2d7: {  	s0 =	sadd.s32 $0x3, s28;
	v42 =	vmul.f32 v51, v51;
	v37 =	vmul.f32 v39, v36;
	[tilespmem:$0x1F3B0] =	vst v4;
	v4 =	vmul.u32 $0xA, v46  }
0x2d8: {  	p0 =	sge.u32 s0, s8;
	v47 =	vmul.f32 v44, v54;
	v49 =	vmul.f32 v55, v55  }
0x2d9: {  	s0 =	sadd.s32 @!p0 s6, s0;
	[tilespmem:$0x1F390] =	vst v35;
	v35 =	vsub.f32 v37, v42;
	v53 =	vmul.f32 v38, v36;
	v42 =	vor.u32 $0x700, v4  }
0x2da: {  	s0 =	sshll.u32 @!p0 s0, $0x7;
	v39 =	vld [tilespmem:$0x1F780];
	[tilespmem:$0x1F3A0] =	vst v34;
	v34 =	vsub.f32 v47, v49;
	v47 =	vmul.f32 v54, v59;
	v59 =	vor.u32 $0x701, v4  }
0x2db: {  	s0 =	sshra.s32 @!p0 s0, $0x2;
	v38 =	vld [tilespmem:$0x1F8F0]  }
0x2dc: {  	s1 =	simm.s32 @!p0 $0x20;
	s14 =	simm.s32 @!p0 $0xD480;
	s0 =	sadd.s32 @!p0 $0x9C80, s0;
	v53 =	vsub.f32 v53, v41;
	v41 =	vld [tilespmem:$0x1F7F0]  }
0x2dd: {  	[tilespmem:s14], [sflag:$0x2] =	stream.indirect.gather @!p0 [hbm4b:s2+s1], $0x80, s0, s1, $0xb8;
	v36 =	vld [tilespmem:$0x1F7E0]  }
0x2de: {  	v37 =	vld [tilespmem:$0x1F770];
	[tilespmem:v42+s20+$0x0] =	vst.idx.msk $0xffff, v50  }
0x2df: {  	v44 =	vadd.s32 $0x702, v4;
	[tilespmem:v59+s20+$0x0] =	vst.idx.msk $0xffff, v57;
	v59 =	vld [tilespmem:$0x1F370];
	_ =	sdelay $0x1  }
0x2e0: {  	v38 =	vmul.f32 v38, v54  }
0x2e1: {  	v49 =	vmul.f32 v36, v54;
	v36 =	vadd.f32 $9.999999740e-05, v41;
	v50 =	vmul.f32 v47, v47  }
0x2e2: {  	[tilespmem:$0x1F3C0] =	vst v35;
	v40 =	vmul.f32 v37, v54;
	v37 =	vmul.f32 v39, v54;
	v39 =	vadd.s32 $0x703, v4  }
0x2e3: {  	v35 =	vmul.f32 v49, v55;
	(erf) = vrcp.f32 v36;
	v36 =	vsub.f32 v38, v50;
	[tilespmem:v44+s20+$0x0] =	vst.idx.msk $0xffff, v59;
	v44 =	vld [tilespmem:$0x1F380]  }
0x2e4: {  	v41 =	vadd.s32 $0x704, v4;
	v57 =	vld [tilespmem:$0x1F390]  }
0x2e5: {  	v42 =	vadd.s32 $0x705, v4;
	v38 =	vsub.f32 v37, v35;
	[tilespmem:$0x1F3F0] =	vst v36;
	v36 =	vmul.u32 $0x4, v46;
	v46 =	vld [tilespmem:$0x1F3A0]  }
0x2e6: {  	[tilespmem:$0x1F3D0] =	vst v34;
	v50 =	vld [tilespmem:$0x1F7B0]  }
0x2e7: {  	[tilespmem:$0x1F400] =	vst v38;
	v38 =	vld [tilespmem:$0x1F7D0]  }
0x2e8: {  	v34 =	vmul.f32 v55, v47;
	v59 =	vld [tilespmem:$0x1F920];
	[tilespmem:v39+s20+$0x0] =	vst.idx.msk $0xffff, v44  }
0x2e9: {  	[tilespmem:v41+s20+$0x0] =	vst.idx.msk $0xffff, v57  }
0x2ea: {  	v34 =	vsub.f32 v40, v34;
	v40 =	vadd.s32 $0x706, v4;
	[tilespmem:v42+s20+$0x0] =	vst.idx.msk $0xffff, v46;
	v46 =	vld [tilespmem:$0x1F3B0]  }
0x2eb: {  	v37 =	vadd.s32 $0x707, v4  }
0x2ec: {  	v39 =	vmul.f32 v50, v54;
	v44 =	vadd.s32 $0x708, v4;
	v50 =	vmul.f32 v38, v54;
	v38 =	vld [tilespmem:$0x1F8D0]  }
0x2ed: {  	v41 =	vmul.f32 v59, v54;
	v59 =	vld [tilespmem:$0x1F7C0];
	_ =	sdelay $0x1  }
0x2ee: {  	[tilespmem:v40+s20+$0x0] =	vst.idx.msk $0xffff, v46  }
0x2ef: {  	[tilespmem:v37+s20+$0x0] =	vst.idx.msk $0xffff, v52  }
0x2f0: {  	v35 =	vmul.f32 v49, v49;
	v57 =	vadd.s32 $0x709, v4;
	[tilespmem:v44+s20+$0x0] =	vst.idx.msk $0xffff, v53;
	v53 =	vld [tilespmem:$0x1F3C0]  }
0x2f1: {  	v42 =	vmul.f32 v59, v54;
	v59 =	vmul.f32 v38, v54;
	v38 =	vor.u32 $0xC00, v36  }
0x2f2: {  	[tilespmem:$0x1F3E0] =	vst v34;
	v34 =	vmul.f32 v49, v47;
	v40 =	vor.u32 $0xC01, v36;
	v52 =	vmul.f32 v39, v55  }
0x2f3: {  	v35 =	vsub.f32 v50, v35;
	v50 =	vld [tilespmem:$0x1F800];
	v46 =	vor.u32 $0xC02, v36  }
0x2f4: {  	v34 =	vsub.f32 v41, v34;
	v41 =	vor.u32 $0xC03, v36;
	v42 =	vsub.f32 v42, v52;
	v52 =	vld [tilespmem:$0x1F930]  }
0x2f5: {  	v44 =	vadd.s32 $0x7A0, v4;
	[tilespmem:v57+s20+$0x0] =	vst.idx.msk $0xffff, v53;
	v57 =	vld [tilespmem:$0x1F3D0]  }
0x2f6: {  	v53 =	vld [tilespmem:$0x1F830];
	[tilespmem:v38+s20+$0x0] =	vst.idx.msk $0xffff, v43  }
0x2f7: {  	[tilespmem:v40+s20+$0x0] =	vst.idx.msk $0xffff, v45  }
0x2f8: {  	v37 =	vmul.f32 v39, v47;
	[tilespmem:v46+s20+$0x0] =	vst.idx.msk $0xffff, v48  }
0x2f9: {  	v38 =	vmul.f32 v50, v54;
	v43 =	vmul.f32 v52, v54;
	v54 =	vld [tilespmem:$0x1F810];
	[tilespmem:v41+s20+$0x0] =	vst.idx.msk $0xffff, v51  }
0x2fa: {  	v50 =	vadd.s32 $0x7A1, v4;
	v52 =	vpop (erf);
	[tilespmem:v44+s20+$0x0] =	vst.idx.msk $0xffff, v57;
	v57 =	vld [tilespmem:$0x1F3E0]  }
0x2fb: {  	v37 =	vsub.f32 v59, v37;
	v59 =	vld [tilespmem:$0x1F3F0];
	v40 =	vmul.f32 v52, v53;
	v53 =	vadd.s32 $0x7A2, v4;
	_ =	sdelay $0x3  }
0x2fc: {  	v45 =	vmul.f32 v54, v52;
	v54 =	vmul.f32 v39, v39;
	[tilespmem:v50+s20+$0x0] =	vst.idx.msk $0xffff, v57;
	v57 =	vld [tilespmem:$0x1F880]  }
0x2fd: {  	v46 =	vadd.s32 $0x7A3, v4;
	[tilespmem:v53+s20+$0x0] =	vst.idx.msk $0xffff, v59;
	v59 =	vld [tilespmem:$0x1F400]  }
0x2fe: {  	v24 =	vadd.f32 $9.999999740e-05, v24;
	v43 =	vsub.f32 v43, v54;
	v54 =	vld [tilespmem:$0x1F840]  }
0x2ff: {  	v41 =	vadd.s32 $0x7A4, v4  }
0x300: {  	(erf) = vrcp.f32 v24;
	v44 =	vadd.s32 $0x7A5, v4;
	v51 =	vmul.f32 v40, v40  }
0x301: {  	v24 =	vadd.s32 $0x7A6, v4;
	v48 =	vmul.f32 v39, v49;
	v50 =	vmul.f32 v57, v52;
	v57 =	vld [tilespmem:$0x1F820]  }
0x302: {  	v45 =	vsub.f32 v45, v51;
	v51 =	vadd.s32 $0x7A7, v4;
	[tilespmem:v46+s20+$0x0] =	vst.idx.msk $0xffff, v59;
	v59 =	vld [tilespmem:$0x1F900]  }
0x303: {  	v38 =	vsub.f32 v38, v48;
	v48 =	vmul.f32 v52, v54;
	v54 =	vadd.s32 $0x7A8, v4  }
0x304: {  	[tilespmem:v41+s20+$0x0] =	vst.idx.msk $0xffff, v34  }
0x305: {  	[tilespmem:v44+s20+$0x0] =	vst.idx.msk $0xffff, v35;
	v44 =	vld [tilespmem:$0x1F850]  }
0x306: {  	v41 =	vmul.f32 v40, v48;
	[tilespmem:v24+s20+$0x0] =	vst.idx.msk $0xffff, v42;
	v46 =	vmul.f32 v57, v52  }
0x307: {  	v57 =	vmul.f32 v48, v48;
	[tilespmem:v51+s20+$0x0] =	vst.idx.msk $0xffff, v37;
	v53 =	vmul.f32 v59, v52  }
0x308: {  	[tilespmem:v54+s20+$0x0] =	vst.idx.msk $0xffff, v38;
	v54 =	vld [tilespmem:$0x1F8A0]  }
0x309: {  	v34 =	vadd.s32 $0x7A9, v4;
	v24 =	vsub.f32 v46, v41;
	v41 =	vsub.f32 v53, v57;
	v57 =	vld [tilespmem:$0x1F870]  }
0x30a: {  	v59 =	vmul.f32 v50, v40;
	v35 =	vmul.f32 v44, v52;
	v44 =	vor.u32 $0xC40, v36;
	v53 =	vld [tilespmem:$0x1F8E0]  }
0x30b: {  	v42 =	vor.u32 $0xC41, v36  }
0x30c: {  	v35 =	vsub.f32 v35, v59;
	v59 =	vld [tilespmem:$0x1F8B0]  }
0x30d: {  	v38 =	vmul.f32 v54, v52  }
0x30e: {  	[tilespmem:v34+s20+$0x0] =	vst.idx.msk $0xffff, v43;
	v54 =	vmul.f32 v50, v50;
	v51 =	vmul.f32 v57, v52  }
0x30f: {  	v46 =	vor.u32 $0xC42, v36;
	v37 =	vmul.f32 v53, v52;
	[tilespmem:v44+s20+$0x0] =	vst.idx.msk $0xffff, v55  }
0x310: {  	v43 =	vmul.f32 v50, v48;
	v53 =	vor.u32 $0xC43, v36;
	[tilespmem:v42+s20+$0x0] =	vst.idx.msk $0xffff, v47;
	v42 =	vsub.f32 v51, v54;
	v51 =	vld [tilespmem:$0x1F940]  }
0x311: {  	v34 =	vadd.s32 $0x840, v4;
	v44 =	vmul.f32 v59, v52;
	v55 =	vmul.f32 v37, v40  }
0x312: {  	v57 =	vadd.s32 $0x841, v4;
	v54 =	vld [tilespmem:$0x1F860]  }
0x313: {  	v38 =	vsub.f32 v38, v43;
	v43 =	vadd.s32 $0x842, v4;
	v44 =	vsub.f32 v44, v55;
	v55 =	vld [tilespmem:$0x1F950]  }
0x314: {  	v47 =	vadd.s32 $0x843, v4;
	[tilespmem:v46+s20+$0x0] =	vst.idx.msk $0xffff, v49  }
0x315: {  	[tilespmem:v53+s20+$0x0] =	vst.idx.msk $0xffff, v39;
	v46 =	vmul.f32 v51, v52;
	v51 =	vadd.s32 $0x844, v4  }
0x316: {  	[tilespmem:v34+s20+$0x0] =	vst.idx.msk $0xffff, v45;
	v34 =	vadd.s32 $0x845, v4  }
0x317: {  	v59 =	vmul.f32 v37, v50;
	v39 =	vmul.f32 v54, v52;
	[tilespmem:v57+s20+$0x0] =	vst.idx.msk $0xffff, v24;
	v24 =	vadd.s32 $0x846, v4  }
0x318: {  	[tilespmem:v43+s20+$0x0] =	vst.idx.msk $0xffff, v41;
	v41 =	vadd.s32 $0x847, v4;
	v43 =	vmul.f32 v37, v37;
	v49 =	vmul.f32 v55, v52  }
0x319: {  	v57 =	vmul.f32 v37, v48;
	[tilespmem:v47+s20+$0x0] =	vst.idx.msk $0xffff, v35;
	v39 =	vsub.f32 v39, v59;
	v59 =	vadd.s32 $0x848, v4  }
0x31a: {  	v2 =	vadd.f32 $9.999999740e-05, v2;
	v52 =	vpop (erf);
	[tilespmem:v51+s20+$0x0] =	vst.idx.msk $0xffff, v38;
	v38 =	vsub.f32 v49, v43;
	v43 =	vadd.s32 $0x849, v4  }
0x31b: {  	v57 =	vsub.f32 v46, v57;
	[tilespmem:v34+s20+$0x0] =	vst.idx.msk $0xffff, v42;
	v34 =	vmul.f32 v52, v1;
	v1 =	vor.u32 $0xC80, v36  }
0x31c: {  	v49 =	vld [tilespmem:$0x1F5E0];
	v51 =	vor.u32 $0xC81, v36;
	[tilespmem:v24+s20+$0x0] =	vst.idx.msk $0xffff, v44  }
0x31d: {  	v53 =	vor.u32 $0xC82, v36;
	(erf) = vrcp.f32 v2;
	[tilespmem:v41+s20+$0x0] =	vst.idx.msk $0xffff, v57  }
0x31e: {  	v12 =	vmul.f32 v52, v12;
	v16 =	vmul.f32 v16, v52;
	[tilespmem:v59+s20+$0x0] =	vst.idx.msk $0xffff, v39  }
0x31f: {  	v10 =	vmul.f32 v10, v52;
	v13 =	vmul.f32 v13, v52;
	[tilespmem:v43+s20+$0x0] =	vst.idx.msk $0xffff, v38  }
0x320: {  	v55 =	vor.u32 $0xC83, v36;
	v19 =	vmul.f32 v19, v52;
	v54 =	vmul.f32 v12, v12;
	[tilespmem:v1+s20+$0x0] =	vst.idx.msk $0xffff, v40  }
0x321: {  	v46 =	vadd.s32 $0x8E0, v4;
	v2 =	vmul.f32 v62, v52;
	v24 =	vmul.f32 v49, v52;
	v49 =	vld [tilespmem:$0x1F610];
	[tilespmem:v51+s20+$0x0] =	vst.idx.msk $0xffff, v48  }
0x322: {  	v47 =	vadd.s32 $0x8E1, v4;
	v16 =	vsub.f32 v16, v54;
	v57 =	vmul.f32 v34, v34;
	[tilespmem:v53+s20+$0x0] =	vst.idx.msk $0xffff, v50;
	v50 =	vld [tilespmem:$0x1F660]  }
0x323: {  	v54 =	vmul.f32 v12, v34;
	v59 =	vmul.f32 v10, v12;
	v48 =	vadd.s32 $0x8E2, v4  }
0x324: {  	v5 =	vmul.f32 v5, v52;
	v1 =	vsub.f32 v13, v57;
	v51 =	vadd.s32 $0x8E3, v4;
	v53 =	vld [tilespmem:$0x1F4B0]  }
0x325: {  	v13 =	vsub.f32 v19, v59;
	v24 =	vsub.f32 v24, v54;
	v54 =	vadd.s32 $0x8E4, v4;
	[tilespmem:v55+s20+$0x0] =	vst.idx.msk $0xffff, v37  }
0x326: {  	v43 =	vadd.s32 $0x8E5, v4;
	v55 =	vmul.f32 v10, v34;
	v35 =	vmul.f32 v49, v52;
	[tilespmem:v46+s20+$0x0] =	vst.idx.msk $0xffff, v16  }
0x327: {  	v57 =	vmul.f32 v10, v10;
	[tilespmem:v47+s20+$0x0] =	vst.idx.msk $0xffff, v24;
	v24 =	vadd.s32 $0x8E6, v4;
	v41 =	vmul.f32 v50, v52  }
0x328: {  	v59 =	vmul.f32 v2, v12;
	[tilespmem:v48+s20+$0x0] =	vst.idx.msk $0xffff, v1;
	v47 =	vsub.f32 v35, v55  }
0x329: {  	v37 =	vmul.f32 v53, v52;
	[tilespmem:v51+s20+$0x0] =	vst.idx.msk $0xffff, v13;
	v53 =	vld [tilespmem:$0x1F4A0];
	v48 =	vsub.f32 v41, v57  }
0x32a: {  	v5 =	vsub.f32 v5, v59;
	[tilespmem:v54+s20+$0x0] =	vst.idx.msk $0xffff, v47  }
0x32b: {  	v44 =	vld [tilespmem:$0x1F4F0];
	[tilespmem:v43+s20+$0x0] =	vst.idx.msk $0xffff, v48  }
0x32c: {  	v49 =	vadd.s32 $0x8E7, v4;
	[tilespmem:v24+s20+$0x0] =	vst.idx.msk $0xffff, v5;
	v24 =	vld [tilespmem:$0x1F410]  }
0x32d: {  	v62 =	vmul.f32 v2, v34;
	v59 =	vmul.f32 v61, v52;
	v46 =	vld [tilespmem:$0x1F520];
	v51 =	vadd.s32 $0x8E8, v4  }
0x32e: {  	v55 =	vmul.f32 v2, v10;
	v57 =	vadd.s32 $0x8E9, v4;
	v48 =	vld [tilespmem:$0x1F4D0];
	v54 =	vmul.f32 v53, v52  }
0x32f: {  	v61 =	vmul.f32 v2, v2;
	v50 =	vsub.f32 v37, v62;
	v62 =	vor.u32 $0xCC0, v36;
	v52 =	vld [tilespmem:$0x1F640]  }
0x330: {  	v45 =	vor.u32 $0xCC1, v36;
	v42 =	vsub.f32 v54, v55;
	v54 =	vld [tilespmem:$0x1F4E0]  }
0x331: {  	v43 =	vsub.f32 v59, v61;
	[tilespmem:v49+s20+$0x0] =	vst.idx.msk $0xffff, v50;
	v1 =	vadd.f32 v24, v32;
	v24 =	vpop (erf)  }
0x332: {  	v30 =	vadd.f32 v33, v30;
	v40 =	vld [tilespmem:$0x1F550];
	v47 =	vor.u32 $0xCC2, v36;
	[tilespmem:v51+s20+$0x0] =	vst.idx.msk $0xffff, v42;
	v16 =	vmul.f32 v24, v44  }
0x333: {  	v49 =	vor.u32 $0xCC3, v36;
	v51 =	vld [tilespmem:$0x1F4C0];
	[tilespmem:v57+s20+$0x0] =	vst.idx.msk $0xffff, v43;
	v19 =	vmul.f32 v24, v0;
	v35 =	vmul.f32 v46, v24  }
0x334: {  	v53 =	vadd.s32 $0x980, v4;
	v5 =	vmul.f32 v48, v24;
	[tilespmem:v62+s20+$0x0] =	vst.idx.msk $0xffff, v12;
	v38 =	vmul.f32 v52, v24  }
0x335: {  	v42 =	vadd.s32 $0x982, v4;
	v37 =	vmul.f32 v54, v24;
	[tilespmem:v45+s20+$0x0] =	vst.idx.msk $0xffff, v34;
	v45 =	vmul.f32 v27, v26  }
0x336: {  	v57 =	vadd.s32 $0x981, v4;
	v48 =	vld [tilespmem:$0x1F500];
	v50 =	vmul.f32 v16, v16;
	v55 =	vmul.f32 v16, v19  }
0x337: {  	v46 =	vadd.s32 $0x983, v4;
	v52 =	vld [tilespmem:$0x1F530];
	v59 =	vmul.f32 v19, v19;
	v61 =	vmul.f32 v35, v16;
	[tilespmem:v47+s20+$0x0] =	vst.idx.msk $0xffff, v10  }
0x338: {  	v54 =	vld [tilespmem:$0x1F510];
	v10 =	vadd.f32 $9.999999740e-05, v40;
	v12 =	vmul.f32 v51, v24;
	[tilespmem:v49+s20+$0x0] =	vst.idx.msk $0xffff, v2;
	v2 =	vadd.f32 v45, v29  }
0x339: {  	v47 =	vmul.f32 v33, v26;
	v49 =	vld [tilespmem:$0x1F670];
	v5 =	vsub.f32 v5, v50;
	v43 =	vsub.f32 v38, v59  }
0x33a: {  	v40 =	vld [tilespmem:$0x1F620];
	v44 =	vsub.f32 v37, v61;
	(erf) = vrcp.f32 v10;
	v62 =	vsub.f32 v12, v55  }
0x33b: {  	v50 =	vmul.f32 v35, v19;
	v59 =	vmul.f32 v35, v35;
	[tilespmem:v53+s20+$0x0] =	vst.idx.msk $0xffff, v5  }
0x33c: {  	v25 =	vadd.f32 $9.999999740e-05, v25;
	v10 =	vmul.f32 v45, v26;
	v33 =	vmul.f32 v48, v24;
	v48 =	vld [tilespmem:$0x1F680];
	[tilespmem:v57+s20+$0x0] =	vst.idx.msk $0xffff, v62  }
0x33d: {  	v51 =	vadd.s32 $0x984, v4;
	v53 =	vmul.f32 v52, v24;
	v55 =	vmul.f32 v54, v24;
	v52 =	vld [tilespmem:$0x1F590];
	[tilespmem:v42+s20+$0x0] =	vst.idx.msk $0xffff, v43  }
0x33e: {  	v5 =	vadd.f32 v47, v31;
	v57 =	vadd.s32 $0x985, v4;
	v0 =	vmul.f32 v49, v24;
	[tilespmem:v46+s20+$0x0] =	vst.idx.msk $0xffff, v44;
	v44 =	vld [tilespmem:$0x1F540]  }
0x33f: {  	v41 =	vmul.f32 v40, v24;
	v12 =	vsub.f32 v53, v59;
	v42 =	vmul.f32 v33, v19;
	v53 =	vld [tilespmem:$0x1F570]  }
0x340: {  	v61 =	vmul.f32 v33, v16;
	v62 =	vadd.s32 $0x986, v4;
	v0 =	vsub.f32 v0, v50  }
0x341: {  	v47 =	vadd.s32 $0x988, v4;
	v43 =	vadd.s32 $0x987, v4;
	v50 =	vsub.f32 v41, v42;
	v42 =	vld [tilespmem:$0x1F560]  }
0x342: {  	v54 =	vor.u32 $0xD00, v36;
	v39 =	vsub.f32 v55, v61;
	v46 =	vmul.f32 v33, v35;
	v55 =	vld [tilespmem:$0x1F580];
	[tilespmem:v51+s20+$0x0] =	vst.idx.msk $0xffff, v0  }
0x343: {  	v0 =	vadd.f32 v10, v28;
	v10 =	vmul.f32 v48, v24;
	v28 =	vpop (erf);
	v45 =	vmul.f32 v44, v24  }
0x344: {  	v51 =	vadd.s32 $0x989, v4;
	[tilespmem:v57+s20+$0x0] =	vst.idx.msk $0xffff, v12;
	v27 =	vmul.f32 v28, v52;
	v24 =	vmul.f32 v28, v53;
	v44 =	vld [tilespmem:$0x1F5D0]  }
0x345: {  	v49 =	vmul.f32 v33, v33;
	v59 =	vor.u32 $0xD01, v36;
	[tilespmem:v62+s20+$0x0] =	vst.idx.msk $0xffff, v39;
	v12 =	vsub.f32 v45, v46;
	v45 =	vld [tilespmem:$0x1F630]  }
0x346: {  	v61 =	vor.u32 $0xD02, v36;
	[tilespmem:v43+s20+$0x0] =	vst.idx.msk $0xffff, v50;
	v31 =	vmul.f32 v42, v28;
	v43 =	vmul.f32 v27, v24;
	v46 =	vld [tilespmem:$0x1F650]  }
0x347: {  	v10 =	vsub.f32 v10, v49;
	v29 =	vmul.f32 v55, v28;
	v57 =	vmul.f32 v27, v27  }
0x348: {  	v14 =	vadd.f32 $9.999999740e-05, v14;
	[tilespmem:v47+s20+$0x0] =	vst.idx.msk $0xffff, v12;
	v31 =	vsub.f32 v31, v43;
	v43 =	vld [tilespmem:$0x1F600]  }
0x349: {  	(erf) = vrcp.f32 v25;
	v62 =	vor.u32 $0xD03, v36;
	v29 =	vsub.f32 v29, v57;
	[tilespmem:v51+s20+$0x0] =	vst.idx.msk $0xffff, v10;
	v51 =	vld [tilespmem:$0x1F5B0]  }
0x34a: {  	v48 =	vadd.s32 $0xA20, v4;
	v47 =	vmul.f32 v24, v24;
	v10 =	vmul.f32 v44, v28;
	[tilespmem:v54+s20+$0x0] =	vst.idx.msk $0xffff, v16  }
0x34b: {  	v49 =	vadd.s32 $0xA21, v4;
	v54 =	vld [tilespmem:$0x1F5F0];
	v26 =	vmul.f32 v45, v28;
	v37 =	vmul.f32 v46, v28;
	[tilespmem:v59+s20+$0x0] =	vst.idx.msk $0xffff, v19  }
0x34c: {  	v53 =	vadd.s32 $0xA22, v4;
	v52 =	vmul.f32 v10, v27;
	v55 =	vmul.f32 v10, v24;
	v59 =	vld [tilespmem:$0x1F5C0];
	[tilespmem:v61+s20+$0x0] =	vst.idx.msk $0xffff, v35  }
0x34d: {  	v61 =	vmul.f32 v10, v10;
	v50 =	vsub.f32 v37, v47;
	v34 =	vmul.f32 v43, v28  }
0x34e: {  	v57 =	vadd.s32 $0xA23, v4;
	[tilespmem:v62+s20+$0x0] =	vst.idx.msk $0xffff, v33;
	v44 =	vmul.f32 v26, v27;
	v37 =	vmul.f32 v51, v28  }
0x34f: {  	v62 =	vadd.s32 $0xA24, v4;
	[tilespmem:v48+s20+$0x0] =	vst.idx.msk $0xffff, v29;
	v48 =	vadd.s32 $0xA25, v4;
	v51 =	vmul.f32 v26, v24  }
0x350: {  	v19 =	vmul.f32 v54, v28;
	[tilespmem:v49+s20+$0x0] =	vst.idx.msk $0xffff, v31;
	v47 =	vsub.f32 v34, v44;
	v49 =	vadd.s32 $0xA26, v4  }
0x351: {  	v54 =	vmul.f32 v26, v10;
	v35 =	vmul.f32 v59, v28;
	v45 =	vsub.f32 v37, v52  }
0x352: {  	[tilespmem:v53+s20+$0x0] =	vst.idx.msk $0xffff, v50;
	v50 =	vmul.f32 v60, v28;
	v52 =	vadd.s32 $0xA27, v4;
	v59 =	vadd.s32 $0xA29, v4;
	v37 =	vpop (erf)  }
0x353: {  	v53 =	vld [tilespmem:$0x1F5A0];
	v60 =	vor.u32 $0xD40, v36;
	[tilespmem:v57+s20+$0x0] =	vst.idx.msk $0xffff, v45;
	v57 =	vmul.f32 v26, v26;
	v21 =	vmul.f32 v37, v21  }
0x354: {  	v19 =	vsub.f32 v19, v55;
	v20 =	vmul.f32 v37, v20;
	v23 =	vmul.f32 v23, v37  }
0x355: {  	v46 =	vsub.f32 v35, v61;
	v22 =	vmul.f32 v22, v37;
	v15 =	vmul.f32 v15, v37  }
0x356: {  	v25 =	vsub.f32 v50, v51;
	v16 =	vmul.f32 v30, v37;
	v17 =	vmul.f32 v17, v37  }
0x357: {  	v55 =	vadd.s32 $0xA28, v4;
	[tilespmem:v62+s20+$0x0] =	vst.idx.msk $0xffff, v19;
	v9 =	vmul.f32 v9, v37;
	v11 =	vmul.f32 v11, v37  }
0x358: {  	v33 =	vld [tilespmem:$0x1F420];
	v35 =	vor.u32 $0xD42, v36;
	v5 =	vmul.f32 v5, v37;
	[tilespmem:v48+s20+$0x0] =	vst.idx.msk $0xffff, v46;
	v32 =	vmul.f32 v53, v28  }
0x359: {  	v62 =	vor.u32 $0xD41, v36;
	v28 =	vmul.f32 v58, v28;
	[tilespmem:v49+s20+$0x0] =	vst.idx.msk $0xffff, v47;
	v61 =	vmul.f32 v21, v21  }
0x35a: {  	v45 =	vld [tilespmem:$0x1F430];
	v34 =	vmul.f32 v21, v20;
	v39 =	vmul.f32 v20, v20;
	v32 =	vsub.f32 v32, v54  }
0x35b: {  	(erf) = vrcp.f32 v14;
	v43 =	vmul.f32 v15, v21;
	[tilespmem:v52+s20+$0x0] =	vst.idx.msk $0xffff, v25;
	v58 =	vsub.f32 v28, v57  }
0x35c: {  	v38 =	vor.u32 $0xD43, v36;
	v51 =	vld [tilespmem:$0x1F440];
	v46 =	vmul.f32 v15, v20;
	v47 =	vmul.f32 v18, v37;
	[tilespmem:v55+s20+$0x0] =	vst.idx.msk $0xffff, v32  }
0x35d: {  	v41 =	vadd.s32 $0xAC0, v4;
	v48 =	vmul.f32 v15, v15;
	v25 =	vmul.f32 v33, v37;
	[tilespmem:v59+s20+$0x0] =	vst.idx.msk $0xffff, v58  }
0x35e: {  	v42 =	vadd.s32 $0xAC1, v4;
	v52 =	vmul.f32 v16, v21;
	v23 =	vsub.f32 v23, v61;
	[tilespmem:v60+s20+$0x0] =	vst.idx.msk $0xffff, v27  }
0x35f: {  	v44 =	vadd.s32 $0xAC2, v4;
	v40 =	vsub.f32 v22, v39;
	v19 =	vmul.f32 v45, v37;
	[tilespmem:v62+s20+$0x0] =	vst.idx.msk $0xffff, v24  }
0x360: {  	v49 =	vadd.s32 $0xAC3, v4;
	v14 =	vsub.f32 v17, v43;
	v17 =	vsub.f32 v47, v48;
	[tilespmem:v35+s20+$0x0] =	vst.idx.msk $0xffff, v10  }
0x361: {  	v50 =	vadd.s32 $0xAC4, v4;
	v18 =	vmul.f32 v51, v37;
	v25 =	vsub.f32 v25, v34;
	[tilespmem:v38+s20+$0x0] =	vst.idx.msk $0xffff, v26  }
0x362: {  	v53 =	vadd.s32 $0xAC5, v4;
	v54 =	vmul.f32 v16, v20;
	v57 =	vmul.f32 v16, v15;
	[tilespmem:v41+s20+$0x0] =	vst.idx.msk $0xffff, v23  }
0x363: {  	v19 =	vsub.f32 v19, v46;
	v55 =	vadd.s32 $0xAC6, v4;
	v59 =	vmul.f32 v16, v16;
	[tilespmem:v42+s20+$0x0] =	vst.idx.msk $0xffff, v25  }
0x364: {  	v9 =	vsub.f32 v9, v54;
	v11 =	vsub.f32 v11, v57;
	v58 =	vadd.s32 $0xAC7, v4;
	[tilespmem:v44+s20+$0x0] =	vst.idx.msk $0xffff, v40  }
0x365: {  	v61 =	vadd.s32 $0xAC8, v4;
	v32 =	vld [tilespmem:$0x1F450];
	v60 =	vsub.f32 v18, v52;
	v5 =	vsub.f32 v5, v59;
	v62 =	vpop (erf);
	[tilespmem:v49+s20+$0x0] =	vst.idx.msk $0xffff, v14  }
0x366: {  	v24 =	vadd.s32 $0xAC9, v4;
	v3 =	vmul.f32 v62, v3;
	v27 =	vmul.f32 v62, v63;
	[tilespmem:v50+s20+$0x0] =	vst.idx.msk $0xffff, v19  }
0x367: {  	v7 =	vmul.f32 v7, v62;
	v6 =	vmul.f32 v6, v62;
	v25 =	vor.u32 $0xD80, v36;
	[tilespmem:v53+s20+$0x0] =	vst.idx.msk $0xffff, v17  }
0x368: {  	v1 =	vmul.f32 v1, v62;
	v8 =	vmul.f32 v8, v62;
	v26 =	vor.u32 $0xD81, v36;
	[tilespmem:v55+s20+$0x0] =	vst.idx.msk $0xffff, v60  }
0x369: {  	v28 =	vor.u32 $0xD82, v36;
	v2 =	vmul.f32 v2, v62;
	v0 =	vmul.f32 v0, v62;
	[tilespmem:v58+s20+$0x0] =	vst.idx.msk $0xffff, v9  }
0x36a: {  	v30 =	vor.u32 $0xD83, v36;
	v10 =	vmul.f32 v32, v62;
	v29 =	vmul.f32 v3, v3;
	[tilespmem:v61+s20+$0x0] =	vst.idx.msk $0xffff, v11  }
0x36b: {  	v34 =	vadd.s32 $0xB60, v4;
	v31 =	vmul.f32 v3, v27;
	v33 =	vmul.f32 v27, v27;
	v40 =	vld [tilespmem:$0x1F460];
	[tilespmem:v24+s20+$0x0] =	vst.idx.msk $0xffff, v5  }
0x36c: {  	v37 =	vadd.s32 $0xB61, v4;
	v43 =	vld [tilespmem:$0x1F470];
	v35 =	vmul.f32 v7, v3;
	v41 =	vmul.f32 v7, v27;
	[tilespmem:v25+s20+$0x0] =	vst.idx.msk $0xffff, v21  }
0x36d: {  	v46 =	vld [tilespmem:$0x1F480];
	v38 =	vadd.s32 $0xB62, v4;
	v47 =	vmul.f32 v2, v3;
	v57 =	vmul.f32 v2, v7;
	[tilespmem:v26+s20+$0x0] =	vst.idx.msk $0xffff, v20  }
0x36e: {  	v39 =	vadd.s32 $0xB63, v4;
	v6 =	vsub.f32 v6, v29;
	v1 =	vsub.f32 v1, v31;
	[tilespmem:v28+s20+$0x0] =	vst.idx.msk $0xffff, v15  }
0x36f: {  	v42 =	vadd.s32 $0xB64, v4;
	v10 =	vsub.f32 v10, v33;
	v49 =	vmul.f32 v56, v62;
	v56 =	vld [tilespmem:$0x1F490];
	[tilespmem:v30+s20+$0x0] =	vst.idx.msk $0xffff, v16  }
0x370: {  	v45 =	vadd.s32 $0xB65, v4;
	v8 =	vsub.f32 v8, v35;
	v15 =	vmul.f32 v40, v62;
	[tilespmem:v34+s20+$0x0] =	vst.idx.msk $0xffff, v6  }
0x371: {  	v48 =	vadd.s32 $0xB66, v4;
	v44 =	vmul.f32 v7, v7;
	v16 =	vmul.f32 v43, v62;
	[tilespmem:v37+s20+$0x0] =	vst.idx.msk $0xffff, v1  }
0x372: {  	v53 =	vadd.s32 $0xB67, v4;
	v6 =	vmul.f32 v46, v62;
	v51 =	vsub.f32 v15, v41;
	[tilespmem:v38+s20+$0x0] =	vst.idx.msk $0xffff, v10  }
0x373: {  	v50 =	vmul.f32 v2, v27;
	v55 =	vadd.s32 $0xB68, v4;
	v52 =	vsub.f32 v16, v44;
	[tilespmem:v39+s20+$0x0] =	vst.idx.msk $0xffff, v8  }
0x374: {  	v4 =	vadd.s32 $0xB69, v4;
	v6 =	vsub.f32 v6, v47;
	v10 =	vmul.f32 v56, v62;
	[tilespmem:v42+s20+$0x0] =	vst.idx.msk $0xffff, v51  }
0x375: {  	v59 =	vor.u32 $0xDC0, v36;
	v54 =	vsub.f32 v49, v50;
	v58 =	vmul.f32 v2, v2;
	[tilespmem:v45+s20+$0x0] =	vst.idx.msk $0xffff, v52  }
0x376: {  	v61 =	vor.u32 $0xDC1, v36;
	v60 =	vsub.f32 v10, v57;
	[tilespmem:v48+s20+$0x0] =	vst.idx.msk $0xffff, v6  }
0x377: {  	v0 =	vsub.f32 v0, v58;
	v62 =	vor.u32 $0xDC2, v36;
	[tilespmem:v53+s20+$0x0] =	vst.idx.msk $0xffff, v54  }
0x378: {  	v63 =	vor.u32 $0xDC3, v36;
	[tilespmem:v55+s20+$0x0] =	vst.idx.msk $0xffff, v60  }
0x379: {  	[tilespmem:v4+s20+$0x0] =	vst.idx.msk $0xffff, v0  }
.Ltmp12:
0x37a: {  	s31 =	sadd.s32 s3, s29;
	[tilespmem:v59+s20+$0x0] =	vst.idx.msk $0xffff, v3;
	(pc) =	sbr.rel .LBB2_18-.Ltmp12, $4  }
0x37b: {  	s0 =	smul.u32 $0xE0, s31;
	[tilespmem:v61+s20+$0x0] =	vst.idx.msk $0xffff, v27  }
0x37c: {  	[tilespmem:v62+s20+$0x0] =	vst.idx.msk $0xffff, v7  }
0x37d: {  	s0 =	sadd.s32 s7, s0;
	[tilespmem:v63+s20+$0x0] =	vst.idx.msk $0xffff, v2  }
0x37e: {  	[hbm4b:s0+s4] =	stream.linear.scatter [tilespmem:s22], [sflag:$0x4], $0x700, $0x38;
	[tilespmem:$0xF480] =	vst v63  }
.LBB2_20:
0x37f: {  	_ =	sfence.sel $0x180000  }
0x380: {  	[bflag:$0x0] =	sbarrier.arrive $0xFFFF  }
0x381: {  	_ =	strace $0x90000047  }
0x382: {  	s0 =	stileid.u32;
	[bflag:$0x2] =	sbarrier.arrive $0xFFFF  }
0x383: {  	p0 =	sne.s32 s0, $0x0;
	s0 =	rddreg [dreg:$0x3]  }
0x384: {  	s0 =	sadd.s32 @!p0 $0x100000, s0  }
0x385: {  	[sflag:s0] =	ssyncadd.tile.s32 @!p0 $0x1;
	_ =	shalt  }
.Lfunc_end2:
_tile_overlayer_lowered:
.L_overlay_start_2:
0x386: {  	(tag) =	ssettag $0x2  }
0x387: {  	s0 =	rddreg [dreg:$0x0];
	s2 =	stileid.u32  }
0x388: {  	s1 =	rddreg [dreg:$0x1];
	p0 =	sne.s32 s2, $0x0  }
0x389: {  	s3 =	rddreg [dreg:$0x2];
	[bflag:$0x3] =	sbarrier.arrive $0xFFFF;
	s2 =	simm.s32 @!p0 $0x1C05  }
0x38a: {  	[timem:s3], [sflag:s2] =	dma.local @!p0 [hbm:s0], s1  }
0x38b: {  	s0 =	simm.s32 @!p0 $0x5  }
0x38c: {  	_ =	swait.ge @!p0 [sflag:s0], s1  }
0x38d: {  	s1 =	ssub.s32 @!p0 $0x0, s1;
	[sflag:s0] =	ssyncset.done @!p0 $0x0  }
0x38e: {  	[sflag:s0] =	ssyncadd.s32 @!p0 s1  }
0x38f: {  	[bflag:$0x3] =	sbarrier.arrive $0xFFFF  }
0x390: {  	_ =	shalt  }

</sc_bundles>
